<compile_context>
chip_gen: v7x
topology: tpu7x:2x2x1
jax: 0.10.2.dev20260603
libtpu: 0.0.44.dev20260713+nightly
codegen_flags: <defaults>
</compile_context>

<pallas_src>
import functools
import jax
import jax.numpy as jnp
from jax import lax
from jax.experimental import pallas as pl
from jax.experimental.pallas import tpu as pltpu

NN = 50000
EE = 800000
EMB = 16
HID = 16
NCLS = 8
RR = 8
HEADS = 3

BN = 1000
W1C = HEADS * HID
W2C = HEADS * NCLS
CW1 = W1C + HEADS
CW2 = W2C + HEADS


def _proj_body(x_ref, w_ref, wq_ref, wk_ref, proj_ref, qn_ref, kn_ref):
    x = x_ref[...]
    for r in range(RR):
        proj_ref[r] = jnp.dot(x, w_ref[r], preferred_element_type=jnp.float32)
        qn_ref[r] = jnp.dot(x, wq_ref[r], preferred_element_type=jnp.float32)
        kn_ref[r] = jnp.dot(x, wk_ref[r], preferred_element_type=jnp.float32)


def _proj_call(x, w, wq, wk, oc):
    nblk = NN // BN
    return pl.pallas_call(
        _proj_body,
        grid=(nblk,),
        in_specs=[
            pl.BlockSpec((BN, EMB), lambda i: (i, 0)),
            pl.BlockSpec((RR, EMB, oc), lambda i: (0, 0, 0)),
            pl.BlockSpec((RR, EMB, 8), lambda i: (0, 0, 0)),
            pl.BlockSpec((RR, EMB, 8), lambda i: (0, 0, 0)),
        ],
        out_specs=[
            pl.BlockSpec((RR, BN, oc), lambda i: (0, i, 0)),
            pl.BlockSpec((RR, BN, 8), lambda i: (0, i, 0)),
            pl.BlockSpec((RR, BN, 8), lambda i: (0, i, 0)),
        ],
        out_shape=[
            jax.ShapeDtypeStruct((RR, NN, oc), jnp.float32),
            jax.ShapeDtypeStruct((RR, NN, 8), jnp.float32),
            jax.ShapeDtypeStruct((RR, NN, 8), jnp.float32),
        ],
    )(x, w, wq, wk)


def _mid_body(ag_ref, b_ref, w_ref, wq_ref, wk_ref, proj_ref, qn_ref, kn_ref):
    ag = ag_ref[...]
    acc = jnp.zeros((BN, HID), jnp.float32)
    for h in range(HEADS):
        acc = acc + ag[:, h * HID:(h + 1) * HID] / (ag[:, W1C + h][:, None] + 1e-16)
    x = jnp.maximum(acc * (1.0 / HEADS) + b_ref[...], 0.0)
    for r in range(RR):
        proj_ref[r] = jnp.dot(x, w_ref[r], preferred_element_type=jnp.float32)
        qn_ref[r] = jnp.dot(x, wq_ref[r], preferred_element_type=jnp.float32)
        kn_ref[r] = jnp.dot(x, wk_ref[r], preferred_element_type=jnp.float32)


def _mid_call(ag, b1, w, wq, wk):
    nblk = NN // BN
    return pl.pallas_call(
        _mid_body,
        grid=(nblk,),
        in_specs=[
            pl.BlockSpec((BN, CW1), lambda i: (i, 0)),
            pl.BlockSpec((1, HID), lambda i: (0, 0)),
            pl.BlockSpec((RR, HID, W2C), lambda i: (0, 0, 0)),
            pl.BlockSpec((RR, HID, 8), lambda i: (0, 0, 0)),
            pl.BlockSpec((RR, HID, 8), lambda i: (0, 0, 0)),
        ],
        out_specs=[
            pl.BlockSpec((RR, BN, W2C), lambda i: (0, i, 0)),
            pl.BlockSpec((RR, BN, 8), lambda i: (0, i, 0)),
            pl.BlockSpec((RR, BN, 8), lambda i: (0, i, 0)),
        ],
        out_shape=[
            jax.ShapeDtypeStruct((RR, NN, W2C), jnp.float32),
            jax.ShapeDtypeStruct((RR, NN, 8), jnp.float32),
            jax.ShapeDtypeStruct((RR, NN, 8), jnp.float32),
        ],
    )(ag, b1, w, wq, wk)


def _fin_body(ag_ref, b_ref, o_ref):
    ag = ag_ref[...]
    acc = jnp.zeros((BN, NCLS), jnp.float32)
    for h in range(HEADS):
        acc = acc + ag[:, h * NCLS:(h + 1) * NCLS] / (ag[:, W2C + h][:, None] + 1e-16)
    o_ref[...] = jax.nn.sigmoid(acc * (1.0 / HEADS) + b_ref[...])


def _fin_call(ag, b2):
    nblk = NN // BN
    return pl.pallas_call(
        _fin_body,
        grid=(nblk,),
        in_specs=[
            pl.BlockSpec((BN, CW2), lambda i: (i, 0)),
            pl.BlockSpec((1, NCLS), lambda i: (0, 0)),
        ],
        out_specs=pl.BlockSpec((BN, NCLS), lambda i: (i, 0)),
        out_shape=jax.ShapeDtypeStruct((NN, NCLS), jnp.float32),
    )(ag, b2)


def _edge_phase(proj, qn, kn, src, dst, rt, oc):
    idxq = rt * NN + dst
    idxk = rt * NN + src
    p2 = proj.reshape(RR * NN, HEADS * oc)
    q2 = qn.reshape(RR * NN, 8)
    k2 = kn.reshape(RR * NN, 8)
    qi = q2[idxq][:, :HEADS]
    kj = k2[idxk][:, :HEADS]
    a = qi + kj
    a = jnp.where(a >= 0, a, 0.2 * a)
    wgt = jnp.exp(a)
    outj = p2[idxk]
    msg = wgt[:, :, None] * outj.reshape(-1, HEADS, oc)
    cat = jnp.concatenate([msg.reshape(-1, HEADS * oc), wgt], axis=1)
    return jax.ops.segment_sum(cat, dst, num_segments=NN)


def _prep_w(w, q, k):
    wq = jnp.einsum('rio,oh->rih', w, q)
    wk = jnp.einsum('rio,oh->rih', w, k)
    pad = ((0, 0), (0, 0), (0, 8 - HEADS))
    return jnp.pad(wq, pad), jnp.pad(wk, pad)


def kernel(edge_index, edge_type, embedding, w1, q1, k1, b1, w2, q2, k2, b2):
    src = edge_index[0]
    dst = edge_index[1]
    rt = edge_type
    wq1, wk1 = _prep_w(w1, q1, k1)
    wq2, wk2 = _prep_w(w2, q2, k2)

    proj1, qn1, kn1 = _proj_call(embedding, w1, wq1, wk1, W1C)
    ag1 = _edge_phase(proj1, qn1, kn1, src, dst, rt, HID)
    proj2, qn2, kn2 = _mid_call(ag1, b1.reshape(1, HID), w2, wq2, wk2)
    ag2 = _edge_phase(proj2, qn2, kn2, src, dst, rt, NCLS)
    return _fin_call(ag2, b2.reshape(1, NCLS))

# --- scband reference (transcript-rebuilt; emitter-appended) ---
"""Pipeline reference for scband-rgatmodel-15393162788998 (READ-ONLY COPY).

The authoritative reference and input builder live on the scoring server;
editing this copy changes nothing except your own understanding.
"""

import jax, jax.numpy as jnp
import numpy as np

N = 50000
E = 800000
EMB = 16
HID = 16
NCLS = 8
R = 8
HEADS = 3


def setup_inputs(seed: int = 0) -> dict:
    key = jax.random.key(seed)
    ks = jax.random.split(key, 12)
    edge_index = jax.random.randint(ks[0], (2, E), 0, N, dtype=jnp.int32)
    edge_type = jax.random.randint(ks[1], (E,), 0, R, dtype=jnp.int32)
    embedding = jax.random.normal(ks[2], (N, EMB), dtype=jnp.float32)
    w1 = jax.random.normal(ks[3], (R, EMB, HEADS * HID), dtype=jnp.float32) * 0.1
    q1 = jax.random.normal(ks[4], (HEADS * HID, HEADS), dtype=jnp.float32) * 0.1
    k1 = jax.random.normal(ks[5], (HEADS * HID, HEADS), dtype=jnp.float32) * 0.1
    b1 = jnp.zeros((HID,), dtype=jnp.float32)
    w2 = jax.random.normal(ks[6], (R, HID, HEADS * NCLS), dtype=jnp.float32) * 0.1
    q2 = jax.random.normal(ks[7], (HEADS * NCLS, HEADS), dtype=jnp.float32) * 0.1
    k2 = jax.random.normal(ks[8], (HEADS * NCLS, HEADS), dtype=jnp.float32) * 0.1
    b2 = jnp.zeros((NCLS,), dtype=jnp.float32)
    return {"edge_index": edge_index, "edge_type": edge_type, "embedding": embedding,
            "w1": w1, "q1": q1, "k1": k1, "b1": b1,
            "w2": w2, "q2": q2, "k2": k2, "b2": b2}


def _rgat_conv(x, edge_index, edge_type, w, q, k, bias, heads, out_ch):
    # PyG RGATConv: num_bases=None, concat=False, additive-self-attention,
    # across-relation softmax, dim=1, aggr='add', flow source_to_target.
    src = edge_index[0]
    dst = edge_index[1]
    # out_i[e] = x[dst[e]] @ w[edge_type[e]]; computed via per-relation projection
    proj = jnp.einsum('ni,rio->rno', x, w)  # (R, N, heads*out_ch)
    out_i = proj[edge_type, dst]  # (E, heads*out_ch)
    out_j = proj[edge_type, src]  # (E, heads*out_ch)
    qi = out_i @ q  # (E, heads)  since dim=1
    kj = out_j @ k  # (E, heads)
    alpha = jax.nn.leaky_relu(qi + kj, negative_slope=0.2)
    # softmax over incoming edges of each dst node (across relations), per head
    amax = jax.ops.segment_max(alpha, dst, num_segments=N)
    alpha = jnp.exp(alpha - amax[dst])
    denom = jax.ops.segment_sum(alpha, dst, num_segments=N)
    alpha = alpha / (denom[dst] + 1e-16)
    msg = alpha[:, :, None] * out_j.reshape(-1, heads, out_ch)  # (E, heads, out_ch)
    aggr = jax.ops.segment_sum(msg, dst, num_segments=N)  # (N, heads, out_ch)
    # concat=False -> mean over heads, then bias (dim*out_ch = out_ch)
    return jnp.mean(aggr, axis=1) + bias


def reference(edge_index, edge_type, embedding, w1, q1, k1, b1, w2, q2, k2, b2):
    x1 = _rgat_conv(embedding, edge_index, edge_type, w1, q1, k1, b1, HEADS, HID)
    x2 = jax.nn.relu(x1)
    x3 = _rgat_conv(x2, edge_index, edge_type, w2, q2, k2, b2, HEADS, NCLS)
    return jax.nn.sigmoid(x3)

if __name__ == "__main__":
    import jax
    _d = setup_inputs()
    print(jax.jit(kernel)(*tuple(_d.values())))

</pallas_src>

<mosaic_0001>
module attributes {stable_mosaic.version = 14 : i64} {
  func.func @_proj_body(%arg0: i32, %arg1: memref<1000x16xf32, #tpu.memory_space<vmem>>, %arg2: memref<8x16x48xf32, #tpu.memory_space<vmem>>, %arg3: memref<8x16x8xf32, #tpu.memory_space<vmem>>, %arg4: memref<8x16x8xf32, #tpu.memory_space<vmem>>, %arg5: memref<8x1000x48xf32, #tpu.memory_space<vmem>>, %arg6: memref<8x1000x8xf32, #tpu.memory_space<vmem>>, %arg7: memref<8x1000x8xf32, #tpu.memory_space<vmem>>) attributes {dimension_semantics = [#tpu.dimension_semantics<arbitrary>], iteration_bounds = array<i64: 50>, scalar_prefetch = 0 : i64, scratch_operands = 0 : i64, tpu.core_type = #tpu.core_type<tc>, window_params = [{transform_indices = @transform_0, window_bounds = array<i64: 1000, 16>}, {pipeline_mode = #tpu.pipeline_mode<synchronous>, transform_indices = @transform_1, window_bounds = array<i64: 8, 16, 48>}, {pipeline_mode = #tpu.pipeline_mode<synchronous>, transform_indices = @transform_2, window_bounds = array<i64: 8, 16, 8>}, {pipeline_mode = #tpu.pipeline_mode<synchronous>, transform_indices = @transform_3, window_bounds = array<i64: 8, 16, 8>}, {transform_indices = @transform_4, window_bounds = array<i64: 8, 1000, 48>}, {transform_indices = @transform_5, window_bounds = array<i64: 8, 1000, 8>}, {transform_indices = @transform_6, window_bounds = array<i64: 8, 1000, 8>}]} {
    %get3A = arith.constant 0 : index
    %get3A_0 = arith.constant 0 : index
    %get3A_1 = vector.load %arg1[%get3A, %get3A_0] : memref<1000x16xf32, #tpu.memory_space<vmem>>, vector<1000x16xf32>
    %get3A_2 = arith.constant 0 : index
    %get3A_3 = arith.constant 0 : index
    %get3A_4 = arith.constant 0 : index
    %get3A_5 = vector.load %arg2[%get3A_2, %get3A_3, %get3A_4] : memref<8x16x48xf32, #tpu.memory_space<vmem>>, vector<1x16x48xf32>
    %get3A_6 = vector.shape_cast %get3A_5 : vector<1x16x48xf32> to vector<16x48xf32>
    %dot_general3A = arith.constant dense<0.000000e+00> : vector<1000x48xf32>
    %dot_general3A_7 = tpu.matmul %get3A_1, %get3A_6, %dot_general3A {dimension_numbers = #tpu.dot_dimension_numbers<[1], [0], [0], [1], [0, 0, 1, 1], [], []>, transpose_lhs_hint = false} : vector<1000x16xf32>, vector<16x48xf32>, vector<1000x48xf32> -> vector<1000x48xf32>
    %swap3A = arith.constant 0 : index
    %swap3A_8 = arith.constant 0 : index
    %swap3A_9 = arith.constant 0 : index
    %swap3A_10 = vector.load %arg5[%swap3A, %swap3A_8, %swap3A_9] : memref<8x1000x48xf32, #tpu.memory_space<vmem>>, vector<1x1000x48xf32>
    %swap3A_11 = vector.shape_cast %swap3A_10 : vector<1x1000x48xf32> to vector<1000x48xf32>
    %swap3A_12 = vector.shape_cast %dot_general3A_7 : vector<1000x48xf32> to vector<1x1000x48xf32>
    tpu.vector_store %arg5[%swap3A, %swap3A_8, %swap3A_9], %swap3A_12 {strides = array<i32>} : memref<8x1000x48xf32, #tpu.memory_space<vmem>>, vector<1x1000x48xf32>,
    %get3A_13 = arith.constant 0 : index
    %get3A_14 = arith.constant 0 : index
    %get3A_15 = arith.constant 0 : index
    %get3A_16 = vector.load %arg3[%get3A_13, %get3A_14, %get3A_15] : memref<8x16x8xf32, #tpu.memory_space<vmem>>, vector<1x16x8xf32>
    %get3A_17 = vector.shape_cast %get3A_16 : vector<1x16x8xf32> to vector<16x8xf32>
    %dot_general3A_18 = arith.constant dense<0.000000e+00> : vector<1000x8xf32>
    %dot_general3A_19 = tpu.matmul %get3A_1, %get3A_17, %dot_general3A_18 {dimension_numbers = #tpu.dot_dimension_numbers<[1], [0], [0], [1], [0, 0, 1, 1], [], []>, transpose_lhs_hint = false} : vector<1000x16xf32>, vector<16x8xf32>, vector<1000x8xf32> -> vector<1000x8xf32>
    %swap3A_20 = arith.constant 0 : index
    %swap3A_21 = arith.constant 0 : index
    %swap3A_22 = arith.constant 0 : index
    %swap3A_23 = vector.load %arg6[%swap3A_20, %swap3A_21, %swap3A_22] : memref<8x1000x8xf32, #tpu.memory_space<vmem>>, vector<1x1000x8xf32>
    %swap3A_24 = vector.shape_cast %swap3A_23 : vector<1x1000x8xf32> to vector<1000x8xf32>
    %swap3A_25 = vector.shape_cast %dot_general3A_19 : vector<1000x8xf32> to vector<1x1000x8xf32>
    tpu.vector_store %arg6[%swap3A_20, %swap3A_21, %swap3A_22], %swap3A_25 {strides = array<i32>} : memref<8x1000x8xf32, #tpu.memory_space<vmem>>, vector<1x1000x8xf32>,
    %get3A_26 = arith.constant 0 : index
    %get3A_27 = arith.constant 0 : index
    %get3A_28 = arith.constant 0 : index
    %get3A_29 = vector.load %arg4[%get3A_26, %get3A_27, %get3A_28] : memref<8x16x8xf32, #tpu.memory_space<vmem>>, vector<1x16x8xf32>
    %get3A_30 = vector.shape_cast %get3A_29 : vector<1x16x8xf32> to vector<16x8xf32>
    %dot_general3A_31 = arith.constant dense<0.000000e+00> : vector<1000x8xf32>
    %dot_general3A_32 = tpu.matmul %get3A_1, %get3A_30, %dot_general3A_31 {dimension_numbers = #tpu.dot_dimension_numbers<[1], [0], [0], [1], [0, 0, 1, 1], [], []>, transpose_lhs_hint = false} : vector<1000x16xf32>, vector<16x8xf32>, vector<1000x8xf32> -> vector<1000x8xf32>
    %swap3A_33 = arith.constant 0 : index
    %swap3A_34 = arith.constant 0 : index
    %swap3A_35 = arith.constant 0 : index
    %swap3A_36 = vector.load %arg7[%swap3A_33, %swap3A_34, %swap3A_35] : memref<8x1000x8xf32, #tpu.memory_space<vmem>>, vector<1x1000x8xf32>
    %swap3A_37 = vector.shape_cast %swap3A_36 : vector<1x1000x8xf32> to vector<1000x8xf32>
    %swap3A_38 = vector.shape_cast %dot_general3A_32 : vector<1000x8xf32> to vector<1x1000x8xf32>
    tpu.vector_store %arg7[%swap3A_33, %swap3A_34, %swap3A_35], %swap3A_38 {strides = array<i32>} : memref<8x1000x8xf32, #tpu.memory_space<vmem>>, vector<1x1000x8xf32>,
    %get3A_39 = arith.constant 1 : index
    %get3A_40 = arith.constant 0 : index
    %get3A_41 = arith.constant 0 : index
    %get3A_42 = vector.load %arg2[%get3A_39, %get3A_40, %get3A_41] : memref<8x16x48xf32, #tpu.memory_space<vmem>>, vector<1x16x48xf32>
    %get3A_43 = vector.shape_cast %get3A_42 : vector<1x16x48xf32> to vector<16x48xf32>
    %dot_general3A_44 = arith.constant dense<0.000000e+00> : vector<1000x48xf32>
    %dot_general3A_45 = tpu.matmul %get3A_1, %get3A_43, %dot_general3A_44 {dimension_numbers = #tpu.dot_dimension_numbers<[1], [0], [0], [1], [0, 0, 1, 1], [], []>, transpose_lhs_hint = false} : vector<1000x16xf32>, vector<16x48xf32>, vector<1000x48xf32> -> vector<1000x48xf32>
    %swap3A_46 = arith.constant 1 : index
    %swap3A_47 = arith.constant 0 : index
    %swap3A_48 = arith.constant 0 : index
    %swap3A_49 = vector.load %arg5[%swap3A_46, %swap3A_47, %swap3A_48] : memref<8x1000x48xf32, #tpu.memory_space<vmem>>, vector<1x1000x48xf32>
    %swap3A_50 = vector.shape_cast %swap3A_49 : vector<1x1000x48xf32> to vector<1000x48xf32>
    %swap3A_51 = vector.shape_cast %dot_general3A_45 : vector<1000x48xf32> to vector<1x1000x48xf32>
    tpu.vector_store %arg5[%swap3A_46, %swap3A_47, %swap3A_48], %swap3A_51 {strides = array<i32>} : memref<8x1000x48xf32, #tpu.memory_space<vmem>>, vector<1x1000x48xf32>,
    %get3A_52 = arith.constant 1 : index
    %get3A_53 = arith.constant 0 : index
    %get3A_54 = arith.constant 0 : index
    %get3A_55 = vector.load %arg3[%get3A_52, %get3A_53, %get3A_54] : memref<8x16x8xf32, #tpu.memory_space<vmem>>, vector<1x16x8xf32>
    %get3A_56 = vector.shape_cast %get3A_55 : vector<1x16x8xf32> to vector<16x8xf32>
    %dot_general3A_57 = arith.constant dense<0.000000e+00> : vector<1000x8xf32>
    %dot_general3A_58 = tpu.matmul %get3A_1, %get3A_56, %dot_general3A_57 {dimension_numbers = #tpu.dot_dimension_numbers<[1], [0], [0], [1], [0, 0, 1, 1], [], []>, transpose_lhs_hint = false} : vector<1000x16xf32>, vector<16x8xf32>, vector<1000x8xf32> -> vector<1000x8xf32>
    %swap3A_59 = arith.constant 1 : index
    %swap3A_60 = arith.constant 0 : index
    %swap3A_61 = arith.constant 0 : index
    %swap3A_62 = vector.load %arg6[%swap3A_59, %swap3A_60, %swap3A_61] : memref<8x1000x8xf32, #tpu.memory_space<vmem>>, vector<1x1000x8xf32>
    %swap3A_63 = vector.shape_cast %swap3A_62 : vector<1x1000x8xf32> to vector<1000x8xf32>
    %swap3A_64 = vector.shape_cast %dot_general3A_58 : vector<1000x8xf32> to vector<1x1000x8xf32>
    tpu.vector_store %arg6[%swap3A_59, %swap3A_60, %swap3A_61], %swap3A_64 {strides = array<i32>} : memref<8x1000x8xf32, #tpu.memory_space<vmem>>, vector<1x1000x8xf32>,
    %get3A_65 = arith.constant 1 : index
    %get3A_66 = arith.constant 0 : index
    %get3A_67 = arith.constant 0 : index
    %get3A_68 = vector.load %arg4[%get3A_65, %get3A_66, %get3A_67] : memref<8x16x8xf32, #tpu.memory_space<vmem>>, vector<1x16x8xf32>
    %get3A_69 = vector.shape_cast %get3A_68 : vector<1x16x8xf32> to vector<16x8xf32>
    %dot_general3A_70 = arith.constant dense<0.000000e+00> : vector<1000x8xf32>
    %dot_general3A_71 = tpu.matmul %get3A_1, %get3A_69, %dot_general3A_70 {dimension_numbers = #tpu.dot_dimension_numbers<[1], [0], [0], [1], [0, 0, 1, 1], [], []>, transpose_lhs_hint = false} : vector<1000x16xf32>, vector<16x8xf32>, vector<1000x8xf32> -> vector<1000x8xf32>
    %swap3A_72 = arith.constant 1 : index
    %swap3A_73 = arith.constant 0 : index
    %swap3A_74 = arith.constant 0 : index
    %swap3A_75 = vector.load %arg7[%swap3A_72, %swap3A_73, %swap3A_74] : memref<8x1000x8xf32, #tpu.memory_space<vmem>>, vector<1x1000x8xf32>
    %swap3A_76 = vector.shape_cast %swap3A_75 : vector<1x1000x8xf32> to vector<1000x8xf32>
    %swap3A_77 = vector.shape_cast %dot_general3A_71 : vector<1000x8xf32> to vector<1x1000x8xf32>
    tpu.vector_store %arg7[%swap3A_72, %swap3A_73, %swap3A_74], %swap3A_77 {strides = array<i32>} : memref<8x1000x8xf32, #tpu.memory_space<vmem>>, vector<1x1000x8xf32>,
    %get3A_78 = arith.constant 2 : index
    %get3A_79 = arith.constant 0 : index
    %get3A_80 = arith.constant 0 : index
    %get3A_81 = vector.load %arg2[%get3A_78, %get3A_79, %get3A_80] : memref<8x16x48xf32, #tpu.memory_space<vmem>>, vector<1x16x48xf32>
    %get3A_82 = vector.shape_cast %get3A_81 : vector<1x16x48xf32> to vector<16x48xf32>
    %dot_general3A_83 = arith.constant dense<0.000000e+00> : vector<1000x48xf32>
    %dot_general3A_84 = tpu.matmul %get3A_1, %get3A_82, %dot_general3A_83 {dimension_numbers = #tpu.dot_dimension_numbers<[1], [0], [0], [1], [0, 0, 1, 1], [], []>, transpose_lhs_hint = false} : vector<1000x16xf32>, vector<16x48xf32>, vector<1000x48xf32> -> vector<1000x48xf32>
    %swap3A_85 = arith.constant 2 : index
    %swap3A_86 = arith.constant 0 : index
    %swap3A_87 = arith.constant 0 : index
    %swap3A_88 = vector.load %arg5[%swap3A_85, %swap3A_86, %swap3A_87] : memref<8x1000x48xf32, #tpu.memory_space<vmem>>, vector<1x1000x48xf32>
    %swap3A_89 = vector.shape_cast %swap3A_88 : vector<1x1000x48xf32> to vector<1000x48xf32>
    %swap3A_90 = vector.shape_cast %dot_general3A_84 : vector<1000x48xf32> to vector<1x1000x48xf32>
    tpu.vector_store %arg5[%swap3A_85, %swap3A_86, %swap3A_87], %swap3A_90 {strides = array<i32>} : memref<8x1000x48xf32, #tpu.memory_space<vmem>>, vector<1x1000x48xf32>,
    %get3A_91 = arith.constant 2 : index
    %get3A_92 = arith.constant 0 : index
    %get3A_93 = arith.constant 0 : index
    %get3A_94 = vector.load %arg3[%get3A_91, %get3A_92, %get3A_93] : memref<8x16x8xf32, #tpu.memory_space<vmem>>, vector<1x16x8xf32>
    %get3A_95 = vector.shape_cast %get3A_94 : vector<1x16x8xf32> to vector<16x8xf32>
    %dot_general3A_96 = arith.constant dense<0.000000e+00> : vector<1000x8xf32>
    %dot_general3A_97 = tpu.matmul %get3A_1, %get3A_95, %dot_general3A_96 {dimension_numbers = #tpu.dot_dimension_numbers<[1], [0], [0], [1], [0, 0, 1, 1], [], []>, transpose_lhs_hint = false} : vector<1000x16xf32>, vector<16x8xf32>, vector<1000x8xf32> -> vector<1000x8xf32>
    %swap3A_98 = arith.constant 2 : index
    %swap3A_99 = arith.constant 0 : index
    %swap3A_100 = arith.constant 0 : index
    %swap3A_101 = vector.load %arg6[%swap3A_98, %swap3A_99, %swap3A_100] : memref<8x1000x8xf32, #tpu.memory_space<vmem>>, vector<1x1000x8xf32>
    %swap3A_102 = vector.shape_cast %swap3A_101 : vector<1x1000x8xf32> to vector<1000x8xf32>
    %swap3A_103 = vector.shape_cast %dot_general3A_97 : vector<1000x8xf32> to vector<1x1000x8xf32>
    tpu.vector_store %arg6[%swap3A_98, %swap3A_99, %swap3A_100], %swap3A_103 {strides = array<i32>} : memref<8x1000x8xf32, #tpu.memory_space<vmem>>, vector<1x1000x8xf32>,
    %get3A_104 = arith.constant 2 : index
    %get3A_105 = arith.constant 0 : index
    %get3A_106 = arith.constant 0 : index
    %get3A_107 = vector.load %arg4[%get3A_104, %get3A_105, %get3A_106] : memref<8x16x8xf32, #tpu.memory_space<vmem>>, vector<1x16x8xf32>
    %get3A_108 = vector.shape_cast %get3A_107 : vector<1x16x8xf32> to vector<16x8xf32>
    %dot_general3A_109 = arith.constant dense<0.000000e+00> : vector<1000x8xf32>
    %dot_general3A_110 = tpu.matmul %get3A_1, %get3A_108, %dot_general3A_109 {dimension_numbers = #tpu.dot_dimension_numbers<[1], [0], [0], [1], [0, 0, 1, 1], [], []>, transpose_lhs_hint = false} : vector<1000x16xf32>, vector<16x8xf32>, vector<1000x8xf32> -> vector<1000x8xf32>
    %swap3A_111 = arith.constant 2 : index
    %swap3A_112 = arith.constant 0 : index
    %swap3A_113 = arith.constant 0 : index
    %swap3A_114 = vector.load %arg7[%swap3A_111, %swap3A_112, %swap3A_113] : memref<8x1000x8xf32, #tpu.memory_space<vmem>>, vector<1x1000x8xf32>
    %swap3A_115 = vector.shape_cast %swap3A_114 : vector<1x1000x8xf32> to vector<1000x8xf32>
    %swap3A_116 = vector.shape_cast %dot_general3A_110 : vector<1000x8xf32> to vector<1x1000x8xf32>
    tpu.vector_store %arg7[%swap3A_111, %swap3A_112, %swap3A_113], %swap3A_116 {strides = array<i32>} : memref<8x1000x8xf32, #tpu.memory_space<vmem>>, vector<1x1000x8xf32>,
    %get3A_117 = arith.constant 3 : index
    %get3A_118 = arith.constant 0 : index
    %get3A_119 = arith.constant 0 : index
    %get3A_120 = vector.load %arg2[%get3A_117, %get3A_118, %get3A_119] : memref<8x16x48xf32, #tpu.memory_space<vmem>>, vector<1x16x48xf32>
    %get3A_121 = vector.shape_cast %get3A_120 : vector<1x16x48xf32> to vector<16x48xf32>
    %dot_general3A_122 = arith.constant dense<0.000000e+00> : vector<1000x48xf32>
    %dot_general3A_123 = tpu.matmul %get3A_1, %get3A_121, %dot_general3A_122 {dimension_numbers = #tpu.dot_dimension_numbers<[1], [0], [0], [1], [0, 0, 1, 1], [], []>, transpose_lhs_hint = false} : vector<1000x16xf32>, vector<16x48xf32>, vector<1000x48xf32> -> vector<1000x48xf32>
    %swap3A_124 = arith.constant 3 : index
    %swap3A_125 = arith.constant 0 : index
    %swap3A_126 = arith.constant 0 : index
    %swap3A_127 = vector.load %arg5[%swap3A_124, %swap3A_125, %swap3A_126] : memref<8x1000x48xf32, #tpu.memory_space<vmem>>, vector<1x1000x48xf32>
    %swap3A_128 = vector.shape_cast %swap3A_127 : vector<1x1000x48xf32> to vector<1000x48xf32>
    %swap3A_129 = vector.shape_cast %dot_general3A_123 : vector<1000x48xf32> to vector<1x1000x48xf32>
    tpu.vector_store %arg5[%swap3A_124, %swap3A_125, %swap3A_126], %swap3A_129 {strides = array<i32>} : memref<8x1000x48xf32, #tpu.memory_space<vmem>>, vector<1x1000x48xf32>,
    %get3A_130 = arith.constant 3 : index
    %get3A_131 = arith.constant 0 : index
    %get3A_132 = arith.constant 0 : index
    %get3A_133 = vector.load %arg3[%get3A_130, %get3A_131, %get3A_132] : memref<8x16x8xf32, #tpu.memory_space<vmem>>, vector<1x16x8xf32>
    %get3A_134 = vector.shape_cast %get3A_133 : vector<1x16x8xf32> to vector<16x8xf32>
    %dot_general3A_135 = arith.constant dense<0.000000e+00> : vector<1000x8xf32>
    %dot_general3A_136 = tpu.matmul %get3A_1, %get3A_134, %dot_general3A_135 {dimension_numbers = #tpu.dot_dimension_numbers<[1], [0], [0], [1], [0, 0, 1, 1], [], []>, transpose_lhs_hint = false} : vector<1000x16xf32>, vector<16x8xf32>, vector<1000x8xf32> -> vector<1000x8xf32>
    %swap3A_137 = arith.constant 3 : index
    %swap3A_138 = arith.constant 0 : index
    %swap3A_139 = arith.constant 0 : index
    %swap3A_140 = vector.load %arg6[%swap3A_137, %swap3A_138, %swap3A_139] : memref<8x1000x8xf32, #tpu.memory_space<vmem>>, vector<1x1000x8xf32>
    %swap3A_141 = vector.shape_cast %swap3A_140 : vector<1x1000x8xf32> to vector<1000x8xf32>
    %swap3A_142 = vector.shape_cast %dot_general3A_136 : vector<1000x8xf32> to vector<1x1000x8xf32>
    tpu.vector_store %arg6[%swap3A_137, %swap3A_138, %swap3A_139], %swap3A_142 {strides = array<i32>} : memref<8x1000x8xf32, #tpu.memory_space<vmem>>, vector<1x1000x8xf32>,
    %get3A_143 = arith.constant 3 : index
    %get3A_144 = arith.constant 0 : index
    %get3A_145 = arith.constant 0 : index
    %get3A_146 = vector.load %arg4[%get3A_143, %get3A_144, %get3A_145] : memref<8x16x8xf32, #tpu.memory_space<vmem>>, vector<1x16x8xf32>
    %get3A_147 = vector.shape_cast %get3A_146 : vector<1x16x8xf32> to vector<16x8xf32>
    %dot_general3A_148 = arith.constant dense<0.000000e+00> : vector<1000x8xf32>
    %dot_general3A_149 = tpu.matmul %get3A_1, %get3A_147, %dot_general3A_148 {dimension_numbers = #tpu.dot_dimension_numbers<[1], [0], [0], [1], [0, 0, 1, 1], [], []>, transpose_lhs_hint = false} : vector<1000x16xf32>, vector<16x8xf32>, vector<1000x8xf32> -> vector<1000x8xf32>
    %swap3A_150 = arith.constant 3 : index
    %swap3A_151 = arith.constant 0 : index
    %swap3A_152 = arith.constant 0 : index
    %swap3A_153 = vector.load %arg7[%swap3A_150, %swap3A_151, %swap3A_152] : memref<8x1000x8xf32, #tpu.memory_space<vmem>>, vector<1x1000x8xf32>
    %swap3A_154 = vector.shape_cast %swap3A_153 : vector<1x1000x8xf32> to vector<1000x8xf32>
    %swap3A_155 = vector.shape_cast %dot_general3A_149 : vector<1000x8xf32> to vector<1x1000x8xf32>
    tpu.vector_store %arg7[%swap3A_150, %swap3A_151, %swap3A_152], %swap3A_155 {strides = array<i32>} : memref<8x1000x8xf32, #tpu.memory_space<vmem>>, vector<1x1000x8xf32>,
    %get3A_156 = arith.constant 4 : index
    %get3A_157 = arith.constant 0 : index
    %get3A_158 = arith.constant 0 : index
    %get3A_159 = vector.load %arg2[%get3A_156, %get3A_157, %get3A_158] : memref<8x16x48xf32, #tpu.memory_space<vmem>>, vector<1x16x48xf32>
    %get3A_160 = vector.shape_cast %get3A_159 : vector<1x16x48xf32> to vector<16x48xf32>
    %dot_general3A_161 = arith.constant dense<0.000000e+00> : vector<1000x48xf32>
    %dot_general3A_162 = tpu.matmul %get3A_1, %get3A_160, %dot_general3A_161 {dimension_numbers = #tpu.dot_dimension_numbers<[1], [0], [0], [1], [0, 0, 1, 1], [], []>, transpose_lhs_hint = false} : vector<1000x16xf32>, vector<16x48xf32>, vector<1000x48xf32> -> vector<1000x48xf32>
    %swap3A_163 = arith.constant 4 : index
    %swap3A_164 = arith.constant 0 : index
    %swap3A_165 = arith.constant 0 : index
    %swap3A_166 = vector.load %arg5[%swap3A_163, %swap3A_164, %swap3A_165] : memref<8x1000x48xf32, #tpu.memory_space<vmem>>, vector<1x1000x48xf32>
    %swap3A_167 = vector.shape_cast %swap3A_166 : vector<1x1000x48xf32> to vector<1000x48xf32>
    %swap3A_168 = vector.shape_cast %dot_general3A_162 : vector<1000x48xf32> to vector<1x1000x48xf32>
    tpu.vector_store %arg5[%swap3A_163, %swap3A_164, %swap3A_165], %swap3A_168 {strides = array<i32>} : memref<8x1000x48xf32, #tpu.memory_space<vmem>>, vector<1x1000x48xf32>,
    %get3A_169 = arith.constant 4 : index
    %get3A_170 = arith.constant 0 : index
    %get3A_171 = arith.constant 0 : index
    %get3A_172 = vector.load %arg3[%get3A_169, %get3A_170, %get3A_171] : memref<8x16x8xf32, #tpu.memory_space<vmem>>, vector<1x16x8xf32>
    %get3A_173 = vector.shape_cast %get3A_172 : vector<1x16x8xf32> to vector<16x8xf32>
    %dot_general3A_174 = arith.constant dense<0.000000e+00> : vector<1000x8xf32>
    %dot_general3A_175 = tpu.matmul %get3A_1, %get3A_173, %dot_general3A_174 {dimension_numbers = #tpu.dot_dimension_numbers<[1], [0], [0], [1], [0, 0, 1, 1], [], []>, transpose_lhs_hint = false} : vector<1000x16xf32>, vector<16x8xf32>, vector<1000x8xf32> -> vector<1000x8xf32>
    %swap3A_176 = arith.constant 4 : index
    %swap3A_177 = arith.constant 0 : index
    %swap3A_178 = arith.constant 0 : index
    %swap3A_179 = vector.load %arg6[%swap3A_176, %swap3A_177, %swap3A_178] : memref<8x1000x8xf32, #tpu.memory_space<vmem>>, vector<1x1000x8xf32>
    %swap3A_180 = vector.shape_cast %swap3A_179 : vector<1x1000x8xf32> to vector<1000x8xf32>
    %swap3A_181 = vector.shape_cast %dot_general3A_175 : vector<1000x8xf32> to vector<1x1000x8xf32>
    tpu.vector_store %arg6[%swap3A_176, %swap3A_177, %swap3A_178], %swap3A_181 {strides = array<i32>} : memref<8x1000x8xf32, #tpu.memory_space<vmem>>, vector<1x1000x8xf32>,
    %get3A_182 = arith.constant 4 : index
    %get3A_183 = arith.constant 0 : index
    %get3A_184 = arith.constant 0 : index
    %get3A_185 = vector.load %arg4[%get3A_182, %get3A_183, %get3A_184] : memref<8x16x8xf32, #tpu.memory_space<vmem>>, vector<1x16x8xf32>
    %get3A_186 = vector.shape_cast %get3A_185 : vector<1x16x8xf32> to vector<16x8xf32>
    %dot_general3A_187 = arith.constant dense<0.000000e+00> : vector<1000x8xf32>
    %dot_general3A_188 = tpu.matmul %get3A_1, %get3A_186, %dot_general3A_187 {dimension_numbers = #tpu.dot_dimension_numbers<[1], [0], [0], [1], [0, 0, 1, 1], [], []>, transpose_lhs_hint = false} : vector<1000x16xf32>, vector<16x8xf32>, vector<1000x8xf32> -> vector<1000x8xf32>
    %swap3A_189 = arith.constant 4 : index
    %swap3A_190 = arith.constant 0 : index
    %swap3A_191 = arith.constant 0 : index
    %swap3A_192 = vector.load %arg7[%swap3A_189, %swap3A_190, %swap3A_191] : memref<8x1000x8xf32, #tpu.memory_space<vmem>>, vector<1x1000x8xf32>
    %swap3A_193 = vector.shape_cast %swap3A_192 : vector<1x1000x8xf32> to vector<1000x8xf32>
    %swap3A_194 = vector.shape_cast %dot_general3A_188 : vector<1000x8xf32> to vector<1x1000x8xf32>
    tpu.vector_store %arg7[%swap3A_189, %swap3A_190, %swap3A_191], %swap3A_194 {strides = array<i32>} : memref<8x1000x8xf32, #tpu.memory_space<vmem>>, vector<1x1000x8xf32>,
    %get3A_195 = arith.constant 5 : index
    %get3A_196 = arith.constant 0 : index
    %get3A_197 = arith.constant 0 : index
    %get3A_198 = vector.load %arg2[%get3A_195, %get3A_196, %get3A_197] : memref<8x16x48xf32, #tpu.memory_space<vmem>>, vector<1x16x48xf32>
    %get3A_199 = vector.shape_cast %get3A_198 : vector<1x16x48xf32> to vector<16x48xf32>
    %dot_general3A_200 = arith.constant dense<0.000000e+00> : vector<1000x48xf32>
    %dot_general3A_201 = tpu.matmul %get3A_1, %get3A_199, %dot_general3A_200 {dimension_numbers = #tpu.dot_dimension_numbers<[1], [0], [0], [1], [0, 0, 1, 1], [], []>, transpose_lhs_hint = false} : vector<1000x16xf32>, vector<16x48xf32>, vector<1000x48xf32> -> vector<1000x48xf32>
    %swap3A_202 = arith.constant 5 : index
    %swap3A_203 = arith.constant 0 : index
    %swap3A_204 = arith.constant 0 : index
    %swap3A_205 = vector.load %arg5[%swap3A_202, %swap3A_203, %swap3A_204] : memref<8x1000x48xf32, #tpu.memory_space<vmem>>, vector<1x1000x48xf32>
    %swap3A_206 = vector.shape_cast %swap3A_205 : vector<1x1000x48xf32> to vector<1000x48xf32>
    %swap3A_207 = vector.shape_cast %dot_general3A_201 : vector<1000x48xf32> to vector<1x1000x48xf32>
    tpu.vector_store %arg5[%swap3A_202, %swap3A_203, %swap3A_204], %swap3A_207 {strides = array<i32>} : memref<8x1000x48xf32, #tpu.memory_space<vmem>>, vector<1x1000x48xf32>,
    %get3A_208 = arith.constant 5 : index
    %get3A_209 = arith.constant 0 : index
    %get3A_210 = arith.constant 0 : index
    %get3A_211 = vector.load %arg3[%get3A_208, %get3A_209, %get3A_210] : memref<8x16x8xf32, #tpu.memory_space<vmem>>, vector<1x16x8xf32>
    %get3A_212 = vector.shape_cast %get3A_211 : vector<1x16x8xf32> to vector<16x8xf32>
    %dot_general3A_213 = arith.constant dense<0.000000e+00> : vector<1000x8xf32>
    %dot_general3A_214 = tpu.matmul %get3A_1, %get3A_212, %dot_general3A_213 {dimension_numbers = #tpu.dot_dimension_numbers<[1], [0], [0], [1], [0, 0, 1, 1], [], []>, transpose_lhs_hint = false} : vector<1000x16xf32>, vector<16x8xf32>, vector<1000x8xf32> -> vector<1000x8xf32>
    %swap3A_215 = arith.constant 5 : index
    %swap3A_216 = arith.constant 0 : index
    %swap3A_217 = arith.constant 0 : index
    %swap3A_218 = vector.load %arg6[%swap3A_215, %swap3A_216, %swap3A_217] : memref<8x1000x8xf32, #tpu.memory_space<vmem>>, vector<1x1000x8xf32>
    %swap3A_219 = vector.shape_cast %swap3A_218 : vector<1x1000x8xf32> to vector<1000x8xf32>
    %swap3A_220 = vector.shape_cast %dot_general3A_214 : vector<1000x8xf32> to vector<1x1000x8xf32>
    tpu.vector_store %arg6[%swap3A_215, %swap3A_216, %swap3A_217], %swap3A_220 {strides = array<i32>} : memref<8x1000x8xf32, #tpu.memory_space<vmem>>, vector<1x1000x8xf32>,
    %get3A_221 = arith.constant 5 : index
    %get3A_222 = arith.constant 0 : index
    %get3A_223 = arith.constant 0 : index
    %get3A_224 = vector.load %arg4[%get3A_221, %get3A_222, %get3A_223] : memref<8x16x8xf32, #tpu.memory_space<vmem>>, vector<1x16x8xf32>
    %get3A_225 = vector.shape_cast %get3A_224 : vector<1x16x8xf32> to vector<16x8xf32>
    %dot_general3A_226 = arith.constant dense<0.000000e+00> : vector<1000x8xf32>
    %dot_general3A_227 = tpu.matmul %get3A_1, %get3A_225, %dot_general3A_226 {dimension_numbers = #tpu.dot_dimension_numbers<[1], [0], [0], [1], [0, 0, 1, 1], [], []>, transpose_lhs_hint = false} : vector<1000x16xf32>, vector<16x8xf32>, vector<1000x8xf32> -> vector<1000x8xf32>
    %swap3A_228 = arith.constant 5 : index
    %swap3A_229 = arith.constant 0 : index
    %swap3A_230 = arith.constant 0 : index
    %swap3A_231 = vector.load %arg7[%swap3A_228, %swap3A_229, %swap3A_230] : memref<8x1000x8xf32, #tpu.memory_space<vmem>>, vector<1x1000x8xf32>
    %swap3A_232 = vector.shape_cast %swap3A_231 : vector<1x1000x8xf32> to vector<1000x8xf32>
    %swap3A_233 = vector.shape_cast %dot_general3A_227 : vector<1000x8xf32> to vector<1x1000x8xf32>
    tpu.vector_store %arg7[%swap3A_228, %swap3A_229, %swap3A_230], %swap3A_233 {strides = array<i32>} : memref<8x1000x8xf32, #tpu.memory_space<vmem>>, vector<1x1000x8xf32>,
    %get3A_234 = arith.constant 6 : index
    %get3A_235 = arith.constant 0 : index
    %get3A_236 = arith.constant 0 : index
    %get3A_237 = vector.load %arg2[%get3A_234, %get3A_235, %get3A_236] : memref<8x16x48xf32, #tpu.memory_space<vmem>>, vector<1x16x48xf32>
    %get3A_238 = vector.shape_cast %get3A_237 : vector<1x16x48xf32> to vector<16x48xf32>
    %dot_general3A_239 = arith.constant dense<0.000000e+00> : vector<1000x48xf32>
    %dot_general3A_240 = tpu.matmul %get3A_1, %get3A_238, %dot_general3A_239 {dimension_numbers = #tpu.dot_dimension_numbers<[1], [0], [0], [1], [0, 0, 1, 1], [], []>, transpose_lhs_hint = false} : vector<1000x16xf32>, vector<16x48xf32>, vector<1000x48xf32> -> vector<1000x48xf32>
    %swap3A_241 = arith.constant 6 : index
    %swap3A_242 = arith.constant 0 : index
    %swap3A_243 = arith.constant 0 : index
    %swap3A_244 = vector.load %arg5[%swap3A_241, %swap3A_242, %swap3A_243] : memref<8x1000x48xf32, #tpu.memory_space<vmem>>, vector<1x1000x48xf32>
    %swap3A_245 = vector.shape_cast %swap3A_244 : vector<1x1000x48xf32> to vector<1000x48xf32>
    %swap3A_246 = vector.shape_cast %dot_general3A_240 : vector<1000x48xf32> to vector<1x1000x48xf32>
    tpu.vector_store %arg5[%swap3A_241, %swap3A_242, %swap3A_243], %swap3A_246 {strides = array<i32>} : memref<8x1000x48xf32, #tpu.memory_space<vmem>>, vector<1x1000x48xf32>,
    %get3A_247 = arith.constant 6 : index
    %get3A_248 = arith.constant 0 : index
    %get3A_249 = arith.constant 0 : index
    %get3A_250 = vector.load %arg3[%get3A_247, %get3A_248, %get3A_249] : memref<8x16x8xf32, #tpu.memory_space<vmem>>, vector<1x16x8xf32>
    %get3A_251 = vector.shape_cast %get3A_250 : vector<1x16x8xf32> to vector<16x8xf32>
    %dot_general3A_252 = arith.constant dense<0.000000e+00> : vector<1000x8xf32>
    %dot_general3A_253 = tpu.matmul %get3A_1, %get3A_251, %dot_general3A_252 {dimension_numbers = #tpu.dot_dimension_numbers<[1], [0], [0], [1], [0, 0, 1, 1], [], []>, transpose_lhs_hint = false} : vector<1000x16xf32>, vector<16x8xf32>, vector<1000x8xf32> -> vector<1000x8xf32>
    %swap3A_254 = arith.constant 6 : index
    %swap3A_255 = arith.constant 0 : index
    %swap3A_256 = arith.constant 0 : index
    %swap3A_257 = vector.load %arg6[%swap3A_254, %swap3A_255, %swap3A_256] : memref<8x1000x8xf32, #tpu.memory_space<vmem>>, vector<1x1000x8xf32>
    %swap3A_258 = vector.shape_cast %swap3A_257 : vector<1x1000x8xf32> to vector<1000x8xf32>
    %swap3A_259 = vector.shape_cast %dot_general3A_253 : vector<1000x8xf32> to vector<1x1000x8xf32>
    tpu.vector_store %arg6[%swap3A_254, %swap3A_255, %swap3A_256], %swap3A_259 {strides = array<i32>} : memref<8x1000x8xf32, #tpu.memory_space<vmem>>, vector<1x1000x8xf32>,
    %get3A_260 = arith.constant 6 : index
    %get3A_261 = arith.constant 0 : index
    %get3A_262 = arith.constant 0 : index
    %get3A_263 = vector.load %arg4[%get3A_260, %get3A_261, %get3A_262] : memref<8x16x8xf32, #tpu.memory_space<vmem>>, vector<1x16x8xf32>
    %get3A_264 = vector.shape_cast %get3A_263 : vector<1x16x8xf32> to vector<16x8xf32>
    %dot_general3A_265 = arith.constant dense<0.000000e+00> : vector<1000x8xf32>
    %dot_general3A_266 = tpu.matmul %get3A_1, %get3A_264, %dot_general3A_265 {dimension_numbers = #tpu.dot_dimension_numbers<[1], [0], [0], [1], [0, 0, 1, 1], [], []>, transpose_lhs_hint = false} : vector<1000x16xf32>, vector<16x8xf32>, vector<1000x8xf32> -> vector<1000x8xf32>
    %swap3A_267 = arith.constant 6 : index
    %swap3A_268 = arith.constant 0 : index
    %swap3A_269 = arith.constant 0 : index
    %swap3A_270 = vector.load %arg7[%swap3A_267, %swap3A_268, %swap3A_269] : memref<8x1000x8xf32, #tpu.memory_space<vmem>>, vector<1x1000x8xf32>
    %swap3A_271 = vector.shape_cast %swap3A_270 : vector<1x1000x8xf32> to vector<1000x8xf32>
    %swap3A_272 = vector.shape_cast %dot_general3A_266 : vector<1000x8xf32> to vector<1x1000x8xf32>
    tpu.vector_store %arg7[%swap3A_267, %swap3A_268, %swap3A_269], %swap3A_272 {strides = array<i32>} : memref<8x1000x8xf32, #tpu.memory_space<vmem>>, vector<1x1000x8xf32>,
    %get3A_273 = arith.constant 7 : index
    %get3A_274 = arith.constant 0 : index
    %get3A_275 = arith.constant 0 : index
    %get3A_276 = vector.load %arg2[%get3A_273, %get3A_274, %get3A_275] : memref<8x16x48xf32, #tpu.memory_space<vmem>>, vector<1x16x48xf32>
    %get3A_277 = vector.shape_cast %get3A_276 : vector<1x16x48xf32> to vector<16x48xf32>
    %dot_general3A_278 = arith.constant dense<0.000000e+00> : vector<1000x48xf32>
    %dot_general3A_279 = tpu.matmul %get3A_1, %get3A_277, %dot_general3A_278 {dimension_numbers = #tpu.dot_dimension_numbers<[1], [0], [0], [1], [0, 0, 1, 1], [], []>, transpose_lhs_hint = false} : vector<1000x16xf32>, vector<16x48xf32>, vector<1000x48xf32> -> vector<1000x48xf32>
    %swap3A_280 = arith.constant 7 : index
    %swap3A_281 = arith.constant 0 : index
    %swap3A_282 = arith.constant 0 : index
    %swap3A_283 = vector.load %arg5[%swap3A_280, %swap3A_281, %swap3A_282] : memref<8x1000x48xf32, #tpu.memory_space<vmem>>, vector<1x1000x48xf32>
    %swap3A_284 = vector.shape_cast %swap3A_283 : vector<1x1000x48xf32> to vector<1000x48xf32>
    %swap3A_285 = vector.shape_cast %dot_general3A_279 : vector<1000x48xf32> to vector<1x1000x48xf32>
    tpu.vector_store %arg5[%swap3A_280, %swap3A_281, %swap3A_282], %swap3A_285 {strides = array<i32>} : memref<8x1000x48xf32, #tpu.memory_space<vmem>>, vector<1x1000x48xf32>,
    %get3A_286 = arith.constant 7 : index
    %get3A_287 = arith.constant 0 : index
    %get3A_288 = arith.constant 0 : index
    %get3A_289 = vector.load %arg3[%get3A_286, %get3A_287, %get3A_288] : memref<8x16x8xf32, #tpu.memory_space<vmem>>, vector<1x16x8xf32>
    %get3A_290 = vector.shape_cast %get3A_289 : vector<1x16x8xf32> to vector<16x8xf32>
    %dot_general3A_291 = arith.constant dense<0.000000e+00> : vector<1000x8xf32>
    %dot_general3A_292 = tpu.matmul %get3A_1, %get3A_290, %dot_general3A_291 {dimension_numbers = #tpu.dot_dimension_numbers<[1], [0], [0], [1], [0, 0, 1, 1], [], []>, transpose_lhs_hint = false} : vector<1000x16xf32>, vector<16x8xf32>, vector<1000x8xf32> -> vector<1000x8xf32>
    %swap3A_293 = arith.constant 7 : index
    %swap3A_294 = arith.constant 0 : index
    %swap3A_295 = arith.constant 0 : index
    %swap3A_296 = vector.load %arg6[%swap3A_293, %swap3A_294, %swap3A_295] : memref<8x1000x8xf32, #tpu.memory_space<vmem>>, vector<1x1000x8xf32>
    %swap3A_297 = vector.shape_cast %swap3A_296 : vector<1x1000x8xf32> to vector<1000x8xf32>
    %swap3A_298 = vector.shape_cast %dot_general3A_292 : vector<1000x8xf32> to vector<1x1000x8xf32>
    tpu.vector_store %arg6[%swap3A_293, %swap3A_294, %swap3A_295], %swap3A_298 {strides = array<i32>} : memref<8x1000x8xf32, #tpu.memory_space<vmem>>, vector<1x1000x8xf32>,
    %get3A_299 = arith.constant 7 : index
    %get3A_300 = arith.constant 0 : index
    %get3A_301 = arith.constant 0 : index
    %get3A_302 = vector.load %arg4[%get3A_299, %get3A_300, %get3A_301] : memref<8x16x8xf32, #tpu.memory_space<vmem>>, vector<1x16x8xf32>
    %get3A_303 = vector.shape_cast %get3A_302 : vector<1x16x8xf32> to vector<16x8xf32>
    %dot_general3A_304 = arith.constant dense<0.000000e+00> : vector<1000x8xf32>
    %dot_general3A_305 = tpu.matmul %get3A_1, %get3A_303, %dot_general3A_304 {dimension_numbers = #tpu.dot_dimension_numbers<[1], [0], [0], [1], [0, 0, 1, 1], [], []>, transpose_lhs_hint = false} : vector<1000x16xf32>, vector<16x8xf32>, vector<1000x8xf32> -> vector<1000x8xf32>
    %swap3A_306 = arith.constant 7 : index
    %swap3A_307 = arith.constant 0 : index
    %swap3A_308 = arith.constant 0 : index
    %swap3A_309 = vector.load %arg7[%swap3A_306, %swap3A_307, %swap3A_308] : memref<8x1000x8xf32, #tpu.memory_space<vmem>>, vector<1x1000x8xf32>
    %swap3A_310 = vector.shape_cast %swap3A_309 : vector<1x1000x8xf32> to vector<1000x8xf32>
    %swap3A_311 = vector.shape_cast %dot_general3A_305 : vector<1000x8xf32> to vector<1x1000x8xf32>
    tpu.vector_store %arg7[%swap3A_306, %swap3A_307, %swap3A_308], %swap3A_311 {strides = array<i32>} : memref<8x1000x8xf32, #tpu.memory_space<vmem>>, vector<1x1000x8xf32>,
    return
  }
  func.func @transform_0(%arg0: i32) -> (i32, i32) {
    %c0_i32 = arith.constant 0 : i32
    %c0_i32_0 = arith.constant 0 : i32
    return %arg0, %c0_i32 : i32, i32
  }
  func.func @transform_1(%arg0: i32) -> (i32, i32, i32) {
    %c0_i32 = arith.constant 0 : i32
    %c0_i32_0 = arith.constant 0 : i32
    %c0_i32_1 = arith.constant 0 : i32
    %c0_i32_2 = arith.constant 0 : i32
    return %c0_i32, %c0_i32_0, %c0_i32_1 : i32, i32, i32
  }
  func.func @transform_2(%arg0: i32) -> (i32, i32, i32) {
    %c0_i32 = arith.constant 0 : i32
    %c0_i32_0 = arith.constant 0 : i32
    %c0_i32_1 = arith.constant 0 : i32
    %c0_i32_2 = arith.constant 0 : i32
    return %c0_i32, %c0_i32_0, %c0_i32_1 : i32, i32, i32
  }
  func.func @transform_3(%arg0: i32) -> (i32, i32, i32) {
    %c0_i32 = arith.constant 0 : i32
    %c0_i32_0 = arith.constant 0 : i32
    %c0_i32_1 = arith.constant 0 : i32
    %c0_i32_2 = arith.constant 0 : i32
    return %c0_i32, %c0_i32_0, %c0_i32_1 : i32, i32, i32
  }
  func.func @transform_4(%arg0: i32) -> (i32, i32, i32) {
    %c0_i32 = arith.constant 0 : i32
    %c0_i32_0 = arith.constant 0 : i32
    %c0_i32_1 = arith.constant 0 : i32
    return %c0_i32, %arg0, %c0_i32_0 : i32, i32, i32
  }
  func.func @transform_5(%arg0: i32) -> (i32, i32, i32) {
    %c0_i32 = arith.constant 0 : i32
    %c0_i32_0 = arith.constant 0 : i32
    %c0_i32_1 = arith.constant 0 : i32
    return %c0_i32, %arg0, %c0_i32_0 : i32, i32, i32
  }
  func.func @transform_6(%arg0: i32) -> (i32, i32, i32) {
    %c0_i32 = arith.constant 0 : i32
    %c0_i32_0 = arith.constant 0 : i32
    %c0_i32_1 = arith.constant 0 : i32
    return %c0_i32, %arg0, %c0_i32_0 : i32, i32, i32
  }
}

module attributes {stable_mosaic.version = 14 : i64} {
  func.func @_mid_body(%arg0: i32, %arg1: memref<1000x51xf32, #tpu.memory_space<vmem>>, %arg2: memref<1x16xf32, #tpu.memory_space<vmem>>, %arg3: memref<8x16x24xf32, #tpu.memory_space<vmem>>, %arg4: memref<8x16x8xf32, #tpu.memory_space<vmem>>, %arg5: memref<8x16x8xf32, #tpu.memory_space<vmem>>, %arg6: memref<8x1000x24xf32, #tpu.memory_space<vmem>>, %arg7: memref<8x1000x8xf32, #tpu.memory_space<vmem>>, %arg8: memref<8x1000x8xf32, #tpu.memory_space<vmem>>) attributes {dimension_semantics = [#tpu.dimension_semantics<arbitrary>], iteration_bounds = array<i64: 50>, scalar_prefetch = 0 : i64, scratch_operands = 0 : i64, tpu.core_type = #tpu.core_type<tc>, window_params = [{transform_indices = @transform_0, window_bounds = array<i64: 1000, 51>}, {pipeline_mode = #tpu.pipeline_mode<synchronous>, transform_indices = @transform_1, window_bounds = array<i64: 1, 16>}, {pipeline_mode = #tpu.pipeline_mode<synchronous>, transform_indices = @transform_2, window_bounds = array<i64: 8, 16, 24>}, {pipeline_mode = #tpu.pipeline_mode<synchronous>, transform_indices = @transform_3, window_bounds = array<i64: 8, 16, 8>}, {pipeline_mode = #tpu.pipeline_mode<synchronous>, transform_indices = @transform_4, window_bounds = array<i64: 8, 16, 8>}, {transform_indices = @transform_5, window_bounds = array<i64: 8, 1000, 24>}, {transform_indices = @transform_6, window_bounds = array<i64: 8, 1000, 8>}, {transform_indices = @transform_7, window_bounds = array<i64: 8, 1000, 8>}]} {
    %get3A = arith.constant 0 : index
    %get3A_0 = arith.constant 0 : index
    %get3A_1 = vector.load %arg1[%get3A, %get3A_0] : memref<1000x51xf32, #tpu.memory_space<vmem>>, vector<1000x51xf32>
    %broadcast_in_dim3A = arith.constant 0.000000e+00 : f32
    %broadcast_in_dim3A_2 = vector.broadcast %broadcast_in_dim3A : f32 to vector<1000x16xf32>
    %slice3A = vector.extract_strided_slice %get3A_1 {offsets = [0, 0], sizes = [1000, 16], strides = [1, 1]} : vector<1000x51xf32> to vector<1000x16xf32>
    %slice3A_3 = vector.extract_strided_slice %get3A_1 {offsets = [0, 48], sizes = [1000, 1], strides = [1, 1]} : vector<1000x51xf32> to vector<1000x1xf32>
    %squeeze3A = vector.shape_cast %slice3A_3 : vector<1000x1xf32> to vector<1000xf32>
    %broadcast_in_dim3A_4 = vector.shape_cast %squeeze3A : vector<1000xf32> to vector<1000x1xf32>
    %add3A = arith.constant 1.000000e-16 : f32
    %add3A_5 = vector.broadcast %add3A : f32 to vector<1000x1xf32>
    %add3A_6 = arith.addf %broadcast_in_dim3A_4, %add3A_5 : vector<1000x1xf32>
    %div3A = vector.broadcast %add3A_6 : vector<1000x1xf32> to vector<1000x16xf32>
    %div3A_7 = arith.divf %slice3A, %div3A : vector<1000x16xf32>
    %add3A_8 = arith.addf %broadcast_in_dim3A_2, %div3A_7 : vector<1000x16xf32>
    %slice3A_9 = vector.extract_strided_slice %get3A_1 {offsets = [0, 16], sizes = [1000, 16], strides = [1, 1]} : vector<1000x51xf32> to vector<1000x16xf32>
    %slice3A_10 = vector.extract_strided_slice %get3A_1 {offsets = [0, 49], sizes = [1000, 1], strides = [1, 1]} : vector<1000x51xf32> to vector<1000x1xf32>
    %squeeze3A_11 = vector.shape_cast %slice3A_10 : vector<1000x1xf32> to vector<1000xf32>
    %broadcast_in_dim3A_12 = vector.shape_cast %squeeze3A_11 : vector<1000xf32> to vector<1000x1xf32>
    %add3A_13 = arith.constant 1.000000e-16 : f32
    %add3A_14 = vector.broadcast %add3A_13 : f32 to vector<1000x1xf32>
    %add3A_15 = arith.addf %broadcast_in_dim3A_12, %add3A_14 : vector<1000x1xf32>
    %div3A_16 = vector.broadcast %add3A_15 : vector<1000x1xf32> to vector<1000x16xf32>
    %div3A_17 = arith.divf %slice3A_9, %div3A_16 : vector<1000x16xf32>
    %add3A_18 = arith.addf %add3A_8, %div3A_17 : vector<1000x16xf32>
    %slice3A_19 = vector.extract_strided_slice %get3A_1 {offsets = [0, 32], sizes = [1000, 16], strides = [1, 1]} : vector<1000x51xf32> to vector<1000x16xf32>
    %slice3A_20 = vector.extract_strided_slice %get3A_1 {offsets = [0, 50], sizes = [1000, 1], strides = [1, 1]} : vector<1000x51xf32> to vector<1000x1xf32>
    %squeeze3A_21 = vector.shape_cast %slice3A_20 : vector<1000x1xf32> to vector<1000xf32>
    %broadcast_in_dim3A_22 = vector.shape_cast %squeeze3A_21 : vector<1000xf32> to vector<1000x1xf32>
    %add3A_23 = arith.constant 1.000000e-16 : f32
    %add3A_24 = vector.broadcast %add3A_23 : f32 to vector<1000x1xf32>
    %add3A_25 = arith.addf %broadcast_in_dim3A_22, %add3A_24 : vector<1000x1xf32>
    %div3A_26 = vector.broadcast %add3A_25 : vector<1000x1xf32> to vector<1000x16xf32>
    %div3A_27 = arith.divf %slice3A_19, %div3A_26 : vector<1000x16xf32>
    %add3A_28 = arith.addf %add3A_18, %div3A_27 : vector<1000x16xf32>
    %mul3A = arith.constant 0.333333343 : f32
    %mul3A_29 = vector.broadcast %mul3A : f32 to vector<1000x16xf32>
    %mul3A_30 = arith.mulf %add3A_28, %mul3A_29 : vector<1000x16xf32>
    %get3A_31 = arith.constant 0 : index
    %get3A_32 = arith.constant 0 : index
    %get3A_33 = vector.load %arg2[%get3A_31, %get3A_32] : memref<1x16xf32, #tpu.memory_space<vmem>>, vector<1x16xf32>
    %add3A_34 = vector.broadcast %get3A_33 : vector<1x16xf32> to vector<1000x16xf32>
    %add3A_35 = arith.addf %mul3A_30, %add3A_34 : vector<1000x16xf32>
    %max3A = arith.constant 0.000000e+00 : f32
    %max3A_36 = vector.broadcast %max3A : f32 to vector<1000x16xf32>
    %max3A_37 = arith.maximumf %add3A_35, %max3A_36 : vector<1000x16xf32>
    %get3A_38 = arith.constant 0 : index
    %get3A_39 = arith.constant 0 : index
    %get3A_40 = arith.constant 0 : index
    %get3A_41 = vector.load %arg3[%get3A_38, %get3A_39, %get3A_40] : memref<8x16x24xf32, #tpu.memory_space<vmem>>, vector<1x16x24xf32>
    %get3A_42 = vector.shape_cast %get3A_41 : vector<1x16x24xf32> to vector<16x24xf32>
    %dot_general3A = arith.constant dense<0.000000e+00> : vector<1000x24xf32>
    %dot_general3A_43 = tpu.matmul %max3A_37, %get3A_42, %dot_general3A {dimension_numbers = #tpu.dot_dimension_numbers<[1], [0], [0], [1], [0, 0, 1, 1], [], []>, transpose_lhs_hint = false} : vector<1000x16xf32>, vector<16x24xf32>, vector<1000x24xf32> -> vector<1000x24xf32>
    %swap3A = arith.constant 0 : index
    %swap3A_44 = arith.constant 0 : index
    %swap3A_45 = arith.constant 0 : index
    %swap3A_46 = vector.load %arg6[%swap3A, %swap3A_44, %swap3A_45] : memref<8x1000x24xf32, #tpu.memory_space<vmem>>, vector<1x1000x24xf32>
    %swap3A_47 = vector.shape_cast %swap3A_46 : vector<1x1000x24xf32> to vector<1000x24xf32>
    %swap3A_48 = vector.shape_cast %dot_general3A_43 : vector<1000x24xf32> to vector<1x1000x24xf32>
    tpu.vector_store %arg6[%swap3A, %swap3A_44, %swap3A_45], %swap3A_48 {strides = array<i32>} : memref<8x1000x24xf32, #tpu.memory_space<vmem>>, vector<1x1000x24xf32>,
    %get3A_49 = arith.constant 0 : index
    %get3A_50 = arith.constant 0 : index
    %get3A_51 = arith.constant 0 : index
    %get3A_52 = vector.load %arg4[%get3A_49, %get3A_50, %get3A_51] : memref<8x16x8xf32, #tpu.memory_space<vmem>>, vector<1x16x8xf32>
    %get3A_53 = vector.shape_cast %get3A_52 : vector<1x16x8xf32> to vector<16x8xf32>
    %dot_general3A_54 = arith.constant dense<0.000000e+00> : vector<1000x8xf32>
    %dot_general3A_55 = tpu.matmul %max3A_37, %get3A_53, %dot_general3A_54 {dimension_numbers = #tpu.dot_dimension_numbers<[1], [0], [0], [1], [0, 0, 1, 1], [], []>, transpose_lhs_hint = false} : vector<1000x16xf32>, vector<16x8xf32>, vector<1000x8xf32> -> vector<1000x8xf32>
    %swap3A_56 = arith.constant 0 : index
    %swap3A_57 = arith.constant 0 : index
    %swap3A_58 = arith.constant 0 : index
    %swap3A_59 = vector.load %arg7[%swap3A_56, %swap3A_57, %swap3A_58] : memref<8x1000x8xf32, #tpu.memory_space<vmem>>, vector<1x1000x8xf32>
    %swap3A_60 = vector.shape_cast %swap3A_59 : vector<1x1000x8xf32> to vector<1000x8xf32>
    %swap3A_61 = vector.shape_cast %dot_general3A_55 : vector<1000x8xf32> to vector<1x1000x8xf32>
    tpu.vector_store %arg7[%swap3A_56, %swap3A_57, %swap3A_58], %swap3A_61 {strides = array<i32>} : memref<8x1000x8xf32, #tpu.memory_space<vmem>>, vector<1x1000x8xf32>,
    %get3A_62 = arith.constant 0 : index
    %get3A_63 = arith.constant 0 : index
    %get3A_64 = arith.constant 0 : index
    %get3A_65 = vector.load %arg5[%get3A_62, %get3A_63, %get3A_64] : memref<8x16x8xf32, #tpu.memory_space<vmem>>, vector<1x16x8xf32>
    %get3A_66 = vector.shape_cast %get3A_65 : vector<1x16x8xf32> to vector<16x8xf32>
    %dot_general3A_67 = arith.constant dense<0.000000e+00> : vector<1000x8xf32>
    %dot_general3A_68 = tpu.matmul %max3A_37, %get3A_66, %dot_general3A_67 {dimension_numbers = #tpu.dot_dimension_numbers<[1], [0], [0], [1], [0, 0, 1, 1], [], []>, transpose_lhs_hint = false} : vector<1000x16xf32>, vector<16x8xf32>, vector<1000x8xf32> -> vector<1000x8xf32>
    %swap3A_69 = arith.constant 0 : index
    %swap3A_70 = arith.constant 0 : index
    %swap3A_71 = arith.constant 0 : index
    %swap3A_72 = vector.load %arg8[%swap3A_69, %swap3A_70, %swap3A_71] : memref<8x1000x8xf32, #tpu.memory_space<vmem>>, vector<1x1000x8xf32>
    %swap3A_73 = vector.shape_cast %swap3A_72 : vector<1x1000x8xf32> to vector<1000x8xf32>
    %swap3A_74 = vector.shape_cast %dot_general3A_68 : vector<1000x8xf32> to vector<1x1000x8xf32>
    tpu.vector_store %arg8[%swap3A_69, %swap3A_70, %swap3A_71], %swap3A_74 {strides = array<i32>} : memref<8x1000x8xf32, #tpu.memory_space<vmem>>, vector<1x1000x8xf32>,
    %get3A_75 = arith.constant 1 : index
    %get3A_76 = arith.constant 0 : index
    %get3A_77 = arith.constant 0 : index
    %get3A_78 = vector.load %arg3[%get3A_75, %get3A_76, %get3A_77] : memref<8x16x24xf32, #tpu.memory_space<vmem>>, vector<1x16x24xf32>
    %get3A_79 = vector.shape_cast %get3A_78 : vector<1x16x24xf32> to vector<16x24xf32>
    %dot_general3A_80 = arith.constant dense<0.000000e+00> : vector<1000x24xf32>
    %dot_general3A_81 = tpu.matmul %max3A_37, %get3A_79, %dot_general3A_80 {dimension_numbers = #tpu.dot_dimension_numbers<[1], [0], [0], [1], [0, 0, 1, 1], [], []>, transpose_lhs_hint = false} : vector<1000x16xf32>, vector<16x24xf32>, vector<1000x24xf32> -> vector<1000x24xf32>
    %swap3A_82 = arith.constant 1 : index
    %swap3A_83 = arith.constant 0 : index
    %swap3A_84 = arith.constant 0 : index
    %swap3A_85 = vector.load %arg6[%swap3A_82, %swap3A_83, %swap3A_84] : memref<8x1000x24xf32, #tpu.memory_space<vmem>>, vector<1x1000x24xf32>
    %swap3A_86 = vector.shape_cast %swap3A_85 : vector<1x1000x24xf32> to vector<1000x24xf32>
    %swap3A_87 = vector.shape_cast %dot_general3A_81 : vector<1000x24xf32> to vector<1x1000x24xf32>
    tpu.vector_store %arg6[%swap3A_82, %swap3A_83, %swap3A_84], %swap3A_87 {strides = array<i32>} : memref<8x1000x24xf32, #tpu.memory_space<vmem>>, vector<1x1000x24xf32>,
    %get3A_88 = arith.constant 1 : index
    %get3A_89 = arith.constant 0 : index
    %get3A_90 = arith.constant 0 : index
    %get3A_91 = vector.load %arg4[%get3A_88, %get3A_89, %get3A_90] : memref<8x16x8xf32, #tpu.memory_space<vmem>>, vector<1x16x8xf32>
    %get3A_92 = vector.shape_cast %get3A_91 : vector<1x16x8xf32> to vector<16x8xf32>
    %dot_general3A_93 = arith.constant dense<0.000000e+00> : vector<1000x8xf32>
    %dot_general3A_94 = tpu.matmul %max3A_37, %get3A_92, %dot_general3A_93 {dimension_numbers = #tpu.dot_dimension_numbers<[1], [0], [0], [1], [0, 0, 1, 1], [], []>, transpose_lhs_hint = false} : vector<1000x16xf32>, vector<16x8xf32>, vector<1000x8xf32> -> vector<1000x8xf32>
    %swap3A_95 = arith.constant 1 : index
    %swap3A_96 = arith.constant 0 : index
    %swap3A_97 = arith.constant 0 : index
    %swap3A_98 = vector.load %arg7[%swap3A_95, %swap3A_96, %swap3A_97] : memref<8x1000x8xf32, #tpu.memory_space<vmem>>, vector<1x1000x8xf32>
    %swap3A_99 = vector.shape_cast %swap3A_98 : vector<1x1000x8xf32> to vector<1000x8xf32>
    %swap3A_100 = vector.shape_cast %dot_general3A_94 : vector<1000x8xf32> to vector<1x1000x8xf32>
    tpu.vector_store %arg7[%swap3A_95, %swap3A_96, %swap3A_97], %swap3A_100 {strides = array<i32>} : memref<8x1000x8xf32, #tpu.memory_space<vmem>>, vector<1x1000x8xf32>,
    %get3A_101 = arith.constant 1 : index
    %get3A_102 = arith.constant 0 : index
    %get3A_103 = arith.constant 0 : index
    %get3A_104 = vector.load %arg5[%get3A_101, %get3A_102, %get3A_103] : memref<8x16x8xf32, #tpu.memory_space<vmem>>, vector<1x16x8xf32>
    %get3A_105 = vector.shape_cast %get3A_104 : vector<1x16x8xf32> to vector<16x8xf32>
    %dot_general3A_106 = arith.constant dense<0.000000e+00> : vector<1000x8xf32>
    %dot_general3A_107 = tpu.matmul %max3A_37, %get3A_105, %dot_general3A_106 {dimension_numbers = #tpu.dot_dimension_numbers<[1], [0], [0], [1], [0, 0, 1, 1], [], []>, transpose_lhs_hint = false} : vector<1000x16xf32>, vector<16x8xf32>, vector<1000x8xf32> -> vector<1000x8xf32>
    %swap3A_108 = arith.constant 1 : index
    %swap3A_109 = arith.constant 0 : index
    %swap3A_110 = arith.constant 0 : index
    %swap3A_111 = vector.load %arg8[%swap3A_108, %swap3A_109, %swap3A_110] : memref<8x1000x8xf32, #tpu.memory_space<vmem>>, vector<1x1000x8xf32>
    %swap3A_112 = vector.shape_cast %swap3A_111 : vector<1x1000x8xf32> to vector<1000x8xf32>
    %swap3A_113 = vector.shape_cast %dot_general3A_107 : vector<1000x8xf32> to vector<1x1000x8xf32>
    tpu.vector_store %arg8[%swap3A_108, %swap3A_109, %swap3A_110], %swap3A_113 {strides = array<i32>} : memref<8x1000x8xf32, #tpu.memory_space<vmem>>, vector<1x1000x8xf32>,
    %get3A_114 = arith.constant 2 : index
    %get3A_115 = arith.constant 0 : index
    %get3A_116 = arith.constant 0 : index
    %get3A_117 = vector.load %arg3[%get3A_114, %get3A_115, %get3A_116] : memref<8x16x24xf32, #tpu.memory_space<vmem>>, vector<1x16x24xf32>
    %get3A_118 = vector.shape_cast %get3A_117 : vector<1x16x24xf32> to vector<16x24xf32>
    %dot_general3A_119 = arith.constant dense<0.000000e+00> : vector<1000x24xf32>
    %dot_general3A_120 = tpu.matmul %max3A_37, %get3A_118, %dot_general3A_119 {dimension_numbers = #tpu.dot_dimension_numbers<[1], [0], [0], [1], [0, 0, 1, 1], [], []>, transpose_lhs_hint = false} : vector<1000x16xf32>, vector<16x24xf32>, vector<1000x24xf32> -> vector<1000x24xf32>
    %swap3A_121 = arith.constant 2 : index
    %swap3A_122 = arith.constant 0 : index
    %swap3A_123 = arith.constant 0 : index
    %swap3A_124 = vector.load %arg6[%swap3A_121, %swap3A_122, %swap3A_123] : memref<8x1000x24xf32, #tpu.memory_space<vmem>>, vector<1x1000x24xf32>
    %swap3A_125 = vector.shape_cast %swap3A_124 : vector<1x1000x24xf32> to vector<1000x24xf32>
    %swap3A_126 = vector.shape_cast %dot_general3A_120 : vector<1000x24xf32> to vector<1x1000x24xf32>
    tpu.vector_store %arg6[%swap3A_121, %swap3A_122, %swap3A_123], %swap3A_126 {strides = array<i32>} : memref<8x1000x24xf32, #tpu.memory_space<vmem>>, vector<1x1000x24xf32>,
    %get3A_127 = arith.constant 2 : index
    %get3A_128 = arith.constant 0 : index
    %get3A_129 = arith.constant 0 : index
    %get3A_130 = vector.load %arg4[%get3A_127, %get3A_128, %get3A_129] : memref<8x16x8xf32, #tpu.memory_space<vmem>>, vector<1x16x8xf32>
    %get3A_131 = vector.shape_cast %get3A_130 : vector<1x16x8xf32> to vector<16x8xf32>
    %dot_general3A_132 = arith.constant dense<0.000000e+00> : vector<1000x8xf32>
    %dot_general3A_133 = tpu.matmul %max3A_37, %get3A_131, %dot_general3A_132 {dimension_numbers = #tpu.dot_dimension_numbers<[1], [0], [0], [1], [0, 0, 1, 1], [], []>, transpose_lhs_hint = false} : vector<1000x16xf32>, vector<16x8xf32>, vector<1000x8xf32> -> vector<1000x8xf32>
    %swap3A_134 = arith.constant 2 : index
    %swap3A_135 = arith.constant 0 : index
    %swap3A_136 = arith.constant 0 : index
    %swap3A_137 = vector.load %arg7[%swap3A_134, %swap3A_135, %swap3A_136] : memref<8x1000x8xf32, #tpu.memory_space<vmem>>, vector<1x1000x8xf32>
    %swap3A_138 = vector.shape_cast %swap3A_137 : vector<1x1000x8xf32> to vector<1000x8xf32>
    %swap3A_139 = vector.shape_cast %dot_general3A_133 : vector<1000x8xf32> to vector<1x1000x8xf32>
    tpu.vector_store %arg7[%swap3A_134, %swap3A_135, %swap3A_136], %swap3A_139 {strides = array<i32>} : memref<8x1000x8xf32, #tpu.memory_space<vmem>>, vector<1x1000x8xf32>,
    %get3A_140 = arith.constant 2 : index
    %get3A_141 = arith.constant 0 : index
    %get3A_142 = arith.constant 0 : index
    %get3A_143 = vector.load %arg5[%get3A_140, %get3A_141, %get3A_142] : memref<8x16x8xf32, #tpu.memory_space<vmem>>, vector<1x16x8xf32>
    %get3A_144 = vector.shape_cast %get3A_143 : vector<1x16x8xf32> to vector<16x8xf32>
    %dot_general3A_145 = arith.constant dense<0.000000e+00> : vector<1000x8xf32>
    %dot_general3A_146 = tpu.matmul %max3A_37, %get3A_144, %dot_general3A_145 {dimension_numbers = #tpu.dot_dimension_numbers<[1], [0], [0], [1], [0, 0, 1, 1], [], []>, transpose_lhs_hint = false} : vector<1000x16xf32>, vector<16x8xf32>, vector<1000x8xf32> -> vector<1000x8xf32>
    %swap3A_147 = arith.constant 2 : index
    %swap3A_148 = arith.constant 0 : index
    %swap3A_149 = arith.constant 0 : index
    %swap3A_150 = vector.load %arg8[%swap3A_147, %swap3A_148, %swap3A_149] : memref<8x1000x8xf32, #tpu.memory_space<vmem>>, vector<1x1000x8xf32>
    %swap3A_151 = vector.shape_cast %swap3A_150 : vector<1x1000x8xf32> to vector<1000x8xf32>
    %swap3A_152 = vector.shape_cast %dot_general3A_146 : vector<1000x8xf32> to vector<1x1000x8xf32>
    tpu.vector_store %arg8[%swap3A_147, %swap3A_148, %swap3A_149], %swap3A_152 {strides = array<i32>} : memref<8x1000x8xf32, #tpu.memory_space<vmem>>, vector<1x1000x8xf32>,
    %get3A_153 = arith.constant 3 : index
    %get3A_154 = arith.constant 0 : index
    %get3A_155 = arith.constant 0 : index
    %get3A_156 = vector.load %arg3[%get3A_153, %get3A_154, %get3A_155] : memref<8x16x24xf32, #tpu.memory_space<vmem>>, vector<1x16x24xf32>
    %get3A_157 = vector.shape_cast %get3A_156 : vector<1x16x24xf32> to vector<16x24xf32>
    %dot_general3A_158 = arith.constant dense<0.000000e+00> : vector<1000x24xf32>
    %dot_general3A_159 = tpu.matmul %max3A_37, %get3A_157, %dot_general3A_158 {dimension_numbers = #tpu.dot_dimension_numbers<[1], [0], [0], [1], [0, 0, 1, 1], [], []>, transpose_lhs_hint = false} : vector<1000x16xf32>, vector<16x24xf32>, vector<1000x24xf32> -> vector<1000x24xf32>
    %swap3A_160 = arith.constant 3 : index
    %swap3A_161 = arith.constant 0 : index
    %swap3A_162 = arith.constant 0 : index
    %swap3A_163 = vector.load %arg6[%swap3A_160, %swap3A_161, %swap3A_162] : memref<8x1000x24xf32, #tpu.memory_space<vmem>>, vector<1x1000x24xf32>
    %swap3A_164 = vector.shape_cast %swap3A_163 : vector<1x1000x24xf32> to vector<1000x24xf32>
    %swap3A_165 = vector.shape_cast %dot_general3A_159 : vector<1000x24xf32> to vector<1x1000x24xf32>
    tpu.vector_store %arg6[%swap3A_160, %swap3A_161, %swap3A_162], %swap3A_165 {strides = array<i32>} : memref<8x1000x24xf32, #tpu.memory_space<vmem>>, vector<1x1000x24xf32>,
    %get3A_166 = arith.constant 3 : index
    %get3A_167 = arith.constant 0 : index
    %get3A_168 = arith.constant 0 : index
    %get3A_169 = vector.load %arg4[%get3A_166, %get3A_167, %get3A_168] : memref<8x16x8xf32, #tpu.memory_space<vmem>>, vector<1x16x8xf32>
    %get3A_170 = vector.shape_cast %get3A_169 : vector<1x16x8xf32> to vector<16x8xf32>
    %dot_general3A_171 = arith.constant dense<0.000000e+00> : vector<1000x8xf32>
    %dot_general3A_172 = tpu.matmul %max3A_37, %get3A_170, %dot_general3A_171 {dimension_numbers = #tpu.dot_dimension_numbers<[1], [0], [0], [1], [0, 0, 1, 1], [], []>, transpose_lhs_hint = false} : vector<1000x16xf32>, vector<16x8xf32>, vector<1000x8xf32> -> vector<1000x8xf32>
    %swap3A_173 = arith.constant 3 : index
    %swap3A_174 = arith.constant 0 : index
    %swap3A_175 = arith.constant 0 : index
    %swap3A_176 = vector.load %arg7[%swap3A_173, %swap3A_174, %swap3A_175] : memref<8x1000x8xf32, #tpu.memory_space<vmem>>, vector<1x1000x8xf32>
    %swap3A_177 = vector.shape_cast %swap3A_176 : vector<1x1000x8xf32> to vector<1000x8xf32>
    %swap3A_178 = vector.shape_cast %dot_general3A_172 : vector<1000x8xf32> to vector<1x1000x8xf32>
    tpu.vector_store %arg7[%swap3A_173, %swap3A_174, %swap3A_175], %swap3A_178 {strides = array<i32>} : memref<8x1000x8xf32, #tpu.memory_space<vmem>>, vector<1x1000x8xf32>,
    %get3A_179 = arith.constant 3 : index
    %get3A_180 = arith.constant 0 : index
    %get3A_181 = arith.constant 0 : index
    %get3A_182 = vector.load %arg5[%get3A_179, %get3A_180, %get3A_181] : memref<8x16x8xf32, #tpu.memory_space<vmem>>, vector<1x16x8xf32>
    %get3A_183 = vector.shape_cast %get3A_182 : vector<1x16x8xf32> to vector<16x8xf32>
    %dot_general3A_184 = arith.constant dense<0.000000e+00> : vector<1000x8xf32>
    %dot_general3A_185 = tpu.matmul %max3A_37, %get3A_183, %dot_general3A_184 {dimension_numbers = #tpu.dot_dimension_numbers<[1], [0], [0], [1], [0, 0, 1, 1], [], []>, transpose_lhs_hint = false} : vector<1000x16xf32>, vector<16x8xf32>, vector<1000x8xf32> -> vector<1000x8xf32>
    %swap3A_186 = arith.constant 3 : index
    %swap3A_187 = arith.constant 0 : index
    %swap3A_188 = arith.constant 0 : index
    %swap3A_189 = vector.load %arg8[%swap3A_186, %swap3A_187, %swap3A_188] : memref<8x1000x8xf32, #tpu.memory_space<vmem>>, vector<1x1000x8xf32>
    %swap3A_190 = vector.shape_cast %swap3A_189 : vector<1x1000x8xf32> to vector<1000x8xf32>
    %swap3A_191 = vector.shape_cast %dot_general3A_185 : vector<1000x8xf32> to vector<1x1000x8xf32>
    tpu.vector_store %arg8[%swap3A_186, %swap3A_187, %swap3A_188], %swap3A_191 {strides = array<i32>} : memref<8x1000x8xf32, #tpu.memory_space<vmem>>, vector<1x1000x8xf32>,
    %get3A_192 = arith.constant 4 : index
    %get3A_193 = arith.constant 0 : index
    %get3A_194 = arith.constant 0 : index
    %get3A_195 = vector.load %arg3[%get3A_192, %get3A_193, %get3A_194] : memref<8x16x24xf32, #tpu.memory_space<vmem>>, vector<1x16x24xf32>
    %get3A_196 = vector.shape_cast %get3A_195 : vector<1x16x24xf32> to vector<16x24xf32>
    %dot_general3A_197 = arith.constant dense<0.000000e+00> : vector<1000x24xf32>
    %dot_general3A_198 = tpu.matmul %max3A_37, %get3A_196, %dot_general3A_197 {dimension_numbers = #tpu.dot_dimension_numbers<[1], [0], [0], [1], [0, 0, 1, 1], [], []>, transpose_lhs_hint = false} : vector<1000x16xf32>, vector<16x24xf32>, vector<1000x24xf32> -> vector<1000x24xf32>
    %swap3A_199 = arith.constant 4 : index
    %swap3A_200 = arith.constant 0 : index
    %swap3A_201 = arith.constant 0 : index
    %swap3A_202 = vector.load %arg6[%swap3A_199, %swap3A_200, %swap3A_201] : memref<8x1000x24xf32, #tpu.memory_space<vmem>>, vector<1x1000x24xf32>
    %swap3A_203 = vector.shape_cast %swap3A_202 : vector<1x1000x24xf32> to vector<1000x24xf32>
    %swap3A_204 = vector.shape_cast %dot_general3A_198 : vector<1000x24xf32> to vector<1x1000x24xf32>
    tpu.vector_store %arg6[%swap3A_199, %swap3A_200, %swap3A_201], %swap3A_204 {strides = array<i32>} : memref<8x1000x24xf32, #tpu.memory_space<vmem>>, vector<1x1000x24xf32>,
    %get3A_205 = arith.constant 4 : index
    %get3A_206 = arith.constant 0 : index
    %get3A_207 = arith.constant 0 : index
    %get3A_208 = vector.load %arg4[%get3A_205, %get3A_206, %get3A_207] : memref<8x16x8xf32, #tpu.memory_space<vmem>>, vector<1x16x8xf32>
    %get3A_209 = vector.shape_cast %get3A_208 : vector<1x16x8xf32> to vector<16x8xf32>
    %dot_general3A_210 = arith.constant dense<0.000000e+00> : vector<1000x8xf32>
    %dot_general3A_211 = tpu.matmul %max3A_37, %get3A_209, %dot_general3A_210 {dimension_numbers = #tpu.dot_dimension_numbers<[1], [0], [0], [1], [0, 0, 1, 1], [], []>, transpose_lhs_hint = false} : vector<1000x16xf32>, vector<16x8xf32>, vector<1000x8xf32> -> vector<1000x8xf32>
    %swap3A_212 = arith.constant 4 : index
    %swap3A_213 = arith.constant 0 : index
    %swap3A_214 = arith.constant 0 : index
    %swap3A_215 = vector.load %arg7[%swap3A_212, %swap3A_213, %swap3A_214] : memref<8x1000x8xf32, #tpu.memory_space<vmem>>, vector<1x1000x8xf32>
    %swap3A_216 = vector.shape_cast %swap3A_215 : vector<1x1000x8xf32> to vector<1000x8xf32>
    %swap3A_217 = vector.shape_cast %dot_general3A_211 : vector<1000x8xf32> to vector<1x1000x8xf32>
    tpu.vector_store %arg7[%swap3A_212, %swap3A_213, %swap3A_214], %swap3A_217 {strides = array<i32>} : memref<8x1000x8xf32, #tpu.memory_space<vmem>>, vector<1x1000x8xf32>,
    %get3A_218 = arith.constant 4 : index
    %get3A_219 = arith.constant 0 : index
    %get3A_220 = arith.constant 0 : index
    %get3A_221 = vector.load %arg5[%get3A_218, %get3A_219, %get3A_220] : memref<8x16x8xf32, #tpu.memory_space<vmem>>, vector<1x16x8xf32>
    %get3A_222 = vector.shape_cast %get3A_221 : vector<1x16x8xf32> to vector<16x8xf32>
    %dot_general3A_223 = arith.constant dense<0.000000e+00> : vector<1000x8xf32>
    %dot_general3A_224 = tpu.matmul %max3A_37, %get3A_222, %dot_general3A_223 {dimension_numbers = #tpu.dot_dimension_numbers<[1], [0], [0], [1], [0, 0, 1, 1], [], []>, transpose_lhs_hint = false} : vector<1000x16xf32>, vector<16x8xf32>, vector<1000x8xf32> -> vector<1000x8xf32>
    %swap3A_225 = arith.constant 4 : index
    %swap3A_226 = arith.constant 0 : index
    %swap3A_227 = arith.constant 0 : index
    %swap3A_228 = vector.load %arg8[%swap3A_225, %swap3A_226, %swap3A_227] : memref<8x1000x8xf32, #tpu.memory_space<vmem>>, vector<1x1000x8xf32>
    %swap3A_229 = vector.shape_cast %swap3A_228 : vector<1x1000x8xf32> to vector<1000x8xf32>
    %swap3A_230 = vector.shape_cast %dot_general3A_224 : vector<1000x8xf32> to vector<1x1000x8xf32>
    tpu.vector_store %arg8[%swap3A_225, %swap3A_226, %swap3A_227], %swap3A_230 {strides = array<i32>} : memref<8x1000x8xf32, #tpu.memory_space<vmem>>, vector<1x1000x8xf32>,
    %get3A_231 = arith.constant 5 : index
    %get3A_232 = arith.constant 0 : index
    %get3A_233 = arith.constant 0 : index
    %get3A_234 = vector.load %arg3[%get3A_231, %get3A_232, %get3A_233] : memref<8x16x24xf32, #tpu.memory_space<vmem>>, vector<1x16x24xf32>
    %get3A_235 = vector.shape_cast %get3A_234 : vector<1x16x24xf32> to vector<16x24xf32>
    %dot_general3A_236 = arith.constant dense<0.000000e+00> : vector<1000x24xf32>
    %dot_general3A_237 = tpu.matmul %max3A_37, %get3A_235, %dot_general3A_236 {dimension_numbers = #tpu.dot_dimension_numbers<[1], [0], [0], [1], [0, 0, 1, 1], [], []>, transpose_lhs_hint = false} : vector<1000x16xf32>, vector<16x24xf32>, vector<1000x24xf32> -> vector<1000x24xf32>
    %swap3A_238 = arith.constant 5 : index
    %swap3A_239 = arith.constant 0 : index
    %swap3A_240 = arith.constant 0 : index
    %swap3A_241 = vector.load %arg6[%swap3A_238, %swap3A_239, %swap3A_240] : memref<8x1000x24xf32, #tpu.memory_space<vmem>>, vector<1x1000x24xf32>
    %swap3A_242 = vector.shape_cast %swap3A_241 : vector<1x1000x24xf32> to vector<1000x24xf32>
    %swap3A_243 = vector.shape_cast %dot_general3A_237 : vector<1000x24xf32> to vector<1x1000x24xf32>
    tpu.vector_store %arg6[%swap3A_238, %swap3A_239, %swap3A_240], %swap3A_243 {strides = array<i32>} : memref<8x1000x24xf32, #tpu.memory_space<vmem>>, vector<1x1000x24xf32>,
    %get3A_244 = arith.constant 5 : index
    %get3A_245 = arith.constant 0 : index
    %get3A_246 = arith.constant 0 : index
    %get3A_247 = vector.load %arg4[%get3A_244, %get3A_245, %get3A_246] : memref<8x16x8xf32, #tpu.memory_space<vmem>>, vector<1x16x8xf32>
    %get3A_248 = vector.shape_cast %get3A_247 : vector<1x16x8xf32> to vector<16x8xf32>
    %dot_general3A_249 = arith.constant dense<0.000000e+00> : vector<1000x8xf32>
    %dot_general3A_250 = tpu.matmul %max3A_37, %get3A_248, %dot_general3A_249 {dimension_numbers = #tpu.dot_dimension_numbers<[1], [0], [0], [1], [0, 0, 1, 1], [], []>, transpose_lhs_hint = false} : vector<1000x16xf32>, vector<16x8xf32>, vector<1000x8xf32> -> vector<1000x8xf32>
    %swap3A_251 = arith.constant 5 : index
    %swap3A_252 = arith.constant 0 : index
    %swap3A_253 = arith.constant 0 : index
    %swap3A_254 = vector.load %arg7[%swap3A_251, %swap3A_252, %swap3A_253] : memref<8x1000x8xf32, #tpu.memory_space<vmem>>, vector<1x1000x8xf32>
    %swap3A_255 = vector.shape_cast %swap3A_254 : vector<1x1000x8xf32> to vector<1000x8xf32>
    %swap3A_256 = vector.shape_cast %dot_general3A_250 : vector<1000x8xf32> to vector<1x1000x8xf32>
    tpu.vector_store %arg7[%swap3A_251, %swap3A_252, %swap3A_253], %swap3A_256 {strides = array<i32>} : memref<8x1000x8xf32, #tpu.memory_space<vmem>>, vector<1x1000x8xf32>,
    %get3A_257 = arith.constant 5 : index
    %get3A_258 = arith.constant 0 : index
    %get3A_259 = arith.constant 0 : index
    %get3A_260 = vector.load %arg5[%get3A_257, %get3A_258, %get3A_259] : memref<8x16x8xf32, #tpu.memory_space<vmem>>, vector<1x16x8xf32>
    %get3A_261 = vector.shape_cast %get3A_260 : vector<1x16x8xf32> to vector<16x8xf32>
    %dot_general3A_262 = arith.constant dense<0.000000e+00> : vector<1000x8xf32>
    %dot_general3A_263 = tpu.matmul %max3A_37, %get3A_261, %dot_general3A_262 {dimension_numbers = #tpu.dot_dimension_numbers<[1], [0], [0], [1], [0, 0, 1, 1], [], []>, transpose_lhs_hint = false} : vector<1000x16xf32>, vector<16x8xf32>, vector<1000x8xf32> -> vector<1000x8xf32>
    %swap3A_264 = arith.constant 5 : index
    %swap3A_265 = arith.constant 0 : index
    %swap3A_266 = arith.constant 0 : index
    %swap3A_267 = vector.load %arg8[%swap3A_264, %swap3A_265, %swap3A_266] : memref<8x1000x8xf32, #tpu.memory_space<vmem>>, vector<1x1000x8xf32>
    %swap3A_268 = vector.shape_cast %swap3A_267 : vector<1x1000x8xf32> to vector<1000x8xf32>
    %swap3A_269 = vector.shape_cast %dot_general3A_263 : vector<1000x8xf32> to vector<1x1000x8xf32>
    tpu.vector_store %arg8[%swap3A_264, %swap3A_265, %swap3A_266], %swap3A_269 {strides = array<i32>} : memref<8x1000x8xf32, #tpu.memory_space<vmem>>, vector<1x1000x8xf32>,
    %get3A_270 = arith.constant 6 : index
    %get3A_271 = arith.constant 0 : index
    %get3A_272 = arith.constant 0 : index
    %get3A_273 = vector.load %arg3[%get3A_270, %get3A_271, %get3A_272] : memref<8x16x24xf32, #tpu.memory_space<vmem>>, vector<1x16x24xf32>
    %get3A_274 = vector.shape_cast %get3A_273 : vector<1x16x24xf32> to vector<16x24xf32>
    %dot_general3A_275 = arith.constant dense<0.000000e+00> : vector<1000x24xf32>
    %dot_general3A_276 = tpu.matmul %max3A_37, %get3A_274, %dot_general3A_275 {dimension_numbers = #tpu.dot_dimension_numbers<[1], [0], [0], [1], [0, 0, 1, 1], [], []>, transpose_lhs_hint = false} : vector<1000x16xf32>, vector<16x24xf32>, vector<1000x24xf32> -> vector<1000x24xf32>
    %swap3A_277 = arith.constant 6 : index
    %swap3A_278 = arith.constant 0 : index
    %swap3A_279 = arith.constant 0 : index
    %swap3A_280 = vector.load %arg6[%swap3A_277, %swap3A_278, %swap3A_279] : memref<8x1000x24xf32, #tpu.memory_space<vmem>>, vector<1x1000x24xf32>
    %swap3A_281 = vector.shape_cast %swap3A_280 : vector<1x1000x24xf32> to vector<1000x24xf32>
    %swap3A_282 = vector.shape_cast %dot_general3A_276 : vector<1000x24xf32> to vector<1x1000x24xf32>
    tpu.vector_store %arg6[%swap3A_277, %swap3A_278, %swap3A_279], %swap3A_282 {strides = array<i32>} : memref<8x1000x24xf32, #tpu.memory_space<vmem>>, vector<1x1000x24xf32>,
    %get3A_283 = arith.constant 6 : index
    %get3A_284 = arith.constant 0 : index
    %get3A_285 = arith.constant 0 : index
    %get3A_286 = vector.load %arg4[%get3A_283, %get3A_284, %get3A_285] : memref<8x16x8xf32, #tpu.memory_space<vmem>>, vector<1x16x8xf32>
    %get3A_287 = vector.shape_cast %get3A_286 : vector<1x16x8xf32> to vector<16x8xf32>
    %dot_general3A_288 = arith.constant dense<0.000000e+00> : vector<1000x8xf32>
    %dot_general3A_289 = tpu.matmul %max3A_37, %get3A_287, %dot_general3A_288 {dimension_numbers = #tpu.dot_dimension_numbers<[1], [0], [0], [1], [0, 0, 1, 1], [], []>, transpose_lhs_hint = false} : vector<1000x16xf32>, vector<16x8xf32>, vector<1000x8xf32> -> vector<1000x8xf32>
    %swap3A_290 = arith.constant 6 : index
    %swap3A_291 = arith.constant 0 : index
    %swap3A_292 = arith.constant 0 : index
    %swap3A_293 = vector.load %arg7[%swap3A_290, %swap3A_291, %swap3A_292] : memref<8x1000x8xf32, #tpu.memory_space<vmem>>, vector<1x1000x8xf32>
    %swap3A_294 = vector.shape_cast %swap3A_293 : vector<1x1000x8xf32> to vector<1000x8xf32>
    %swap3A_295 = vector.shape_cast %dot_general3A_289 : vector<1000x8xf32> to vector<1x1000x8xf32>
    tpu.vector_store %arg7[%swap3A_290, %swap3A_291, %swap3A_292], %swap3A_295 {strides = array<i32>} : memref<8x1000x8xf32, #tpu.memory_space<vmem>>, vector<1x1000x8xf32>,
    %get3A_296 = arith.constant 6 : index
    %get3A_297 = arith.constant 0 : index
    %get3A_298 = arith.constant 0 : index
    %get3A_299 = vector.load %arg5[%get3A_296, %get3A_297, %get3A_298] : memref<8x16x8xf32, #tpu.memory_space<vmem>>, vector<1x16x8xf32>
    %get3A_300 = vector.shape_cast %get3A_299 : vector<1x16x8xf32> to vector<16x8xf32>
    %dot_general3A_301 = arith.constant dense<0.000000e+00> : vector<1000x8xf32>
    %dot_general3A_302 = tpu.matmul %max3A_37, %get3A_300, %dot_general3A_301 {dimension_numbers = #tpu.dot_dimension_numbers<[1], [0], [0], [1], [0, 0, 1, 1], [], []>, transpose_lhs_hint = false} : vector<1000x16xf32>, vector<16x8xf32>, vector<1000x8xf32> -> vector<1000x8xf32>
    %swap3A_303 = arith.constant 6 : index
    %swap3A_304 = arith.constant 0 : index
    %swap3A_305 = arith.constant 0 : index
    %swap3A_306 = vector.load %arg8[%swap3A_303, %swap3A_304, %swap3A_305] : memref<8x1000x8xf32, #tpu.memory_space<vmem>>, vector<1x1000x8xf32>
    %swap3A_307 = vector.shape_cast %swap3A_306 : vector<1x1000x8xf32> to vector<1000x8xf32>
    %swap3A_308 = vector.shape_cast %dot_general3A_302 : vector<1000x8xf32> to vector<1x1000x8xf32>
    tpu.vector_store %arg8[%swap3A_303, %swap3A_304, %swap3A_305], %swap3A_308 {strides = array<i32>} : memref<8x1000x8xf32, #tpu.memory_space<vmem>>, vector<1x1000x8xf32>,
    %get3A_309 = arith.constant 7 : index
    %get3A_310 = arith.constant 0 : index
    %get3A_311 = arith.constant 0 : index
    %get3A_312 = vector.load %arg3[%get3A_309, %get3A_310, %get3A_311] : memref<8x16x24xf32, #tpu.memory_space<vmem>>, vector<1x16x24xf32>
    %get3A_313 = vector.shape_cast %get3A_312 : vector<1x16x24xf32> to vector<16x24xf32>
    %dot_general3A_314 = arith.constant dense<0.000000e+00> : vector<1000x24xf32>
    %dot_general3A_315 = tpu.matmul %max3A_37, %get3A_313, %dot_general3A_314 {dimension_numbers = #tpu.dot_dimension_numbers<[1], [0], [0], [1], [0, 0, 1, 1], [], []>, transpose_lhs_hint = false} : vector<1000x16xf32>, vector<16x24xf32>, vector<1000x24xf32> -> vector<1000x24xf32>
    %swap3A_316 = arith.constant 7 : index
    %swap3A_317 = arith.constant 0 : index
    %swap3A_318 = arith.constant 0 : index
    %swap3A_319 = vector.load %arg6[%swap3A_316, %swap3A_317, %swap3A_318] : memref<8x1000x24xf32, #tpu.memory_space<vmem>>, vector<1x1000x24xf32>
    %swap3A_320 = vector.shape_cast %swap3A_319 : vector<1x1000x24xf32> to vector<1000x24xf32>
    %swap3A_321 = vector.shape_cast %dot_general3A_315 : vector<1000x24xf32> to vector<1x1000x24xf32>
    tpu.vector_store %arg6[%swap3A_316, %swap3A_317, %swap3A_318], %swap3A_321 {strides = array<i32>} : memref<8x1000x24xf32, #tpu.memory_space<vmem>>, vector<1x1000x24xf32>,
    %get3A_322 = arith.constant 7 : index
    %get3A_323 = arith.constant 0 : index
    %get3A_324 = arith.constant 0 : index
    %get3A_325 = vector.load %arg4[%get3A_322, %get3A_323, %get3A_324] : memref<8x16x8xf32, #tpu.memory_space<vmem>>, vector<1x16x8xf32>
    %get3A_326 = vector.shape_cast %get3A_325 : vector<1x16x8xf32> to vector<16x8xf32>
    %dot_general3A_327 = arith.constant dense<0.000000e+00> : vector<1000x8xf32>
    %dot_general3A_328 = tpu.matmul %max3A_37, %get3A_326, %dot_general3A_327 {dimension_numbers = #tpu.dot_dimension_numbers<[1], [0], [0], [1], [0, 0, 1, 1], [], []>, transpose_lhs_hint = false} : vector<1000x16xf32>, vector<16x8xf32>, vector<1000x8xf32> -> vector<1000x8xf32>
    %swap3A_329 = arith.constant 7 : index
    %swap3A_330 = arith.constant 0 : index
    %swap3A_331 = arith.constant 0 : index
    %swap3A_332 = vector.load %arg7[%swap3A_329, %swap3A_330, %swap3A_331] : memref<8x1000x8xf32, #tpu.memory_space<vmem>>, vector<1x1000x8xf32>
    %swap3A_333 = vector.shape_cast %swap3A_332 : vector<1x1000x8xf32> to vector<1000x8xf32>
    %swap3A_334 = vector.shape_cast %dot_general3A_328 : vector<1000x8xf32> to vector<1x1000x8xf32>
    tpu.vector_store %arg7[%swap3A_329, %swap3A_330, %swap3A_331], %swap3A_334 {strides = array<i32>} : memref<8x1000x8xf32, #tpu.memory_space<vmem>>, vector<1x1000x8xf32>,
    %get3A_335 = arith.constant 7 : index
    %get3A_336 = arith.constant 0 : index
    %get3A_337 = arith.constant 0 : index
    %get3A_338 = vector.load %arg5[%get3A_335, %get3A_336, %get3A_337] : memref<8x16x8xf32, #tpu.memory_space<vmem>>, vector<1x16x8xf32>
    %get3A_339 = vector.shape_cast %get3A_338 : vector<1x16x8xf32> to vector<16x8xf32>
    %dot_general3A_340 = arith.constant dense<0.000000e+00> : vector<1000x8xf32>
    %dot_general3A_341 = tpu.matmul %max3A_37, %get3A_339, %dot_general3A_340 {dimension_numbers = #tpu.dot_dimension_numbers<[1], [0], [0], [1], [0, 0, 1, 1], [], []>, transpose_lhs_hint = false} : vector<1000x16xf32>, vector<16x8xf32>, vector<1000x8xf32> -> vector<1000x8xf32>
    %swap3A_342 = arith.constant 7 : index
    %swap3A_343 = arith.constant 0 : index
    %swap3A_344 = arith.constant 0 : index
    %swap3A_345 = vector.load %arg8[%swap3A_342, %swap3A_343, %swap3A_344] : memref<8x1000x8xf32, #tpu.memory_space<vmem>>, vector<1x1000x8xf32>
    %swap3A_346 = vector.shape_cast %swap3A_345 : vector<1x1000x8xf32> to vector<1000x8xf32>
    %swap3A_347 = vector.shape_cast %dot_general3A_341 : vector<1000x8xf32> to vector<1x1000x8xf32>
    tpu.vector_store %arg8[%swap3A_342, %swap3A_343, %swap3A_344], %swap3A_347 {strides = array<i32>} : memref<8x1000x8xf32, #tpu.memory_space<vmem>>, vector<1x1000x8xf32>,
    return
  }
  func.func @transform_0(%arg0: i32) -> (i32, i32) {
    %c0_i32 = arith.constant 0 : i32
    %c0_i32_0 = arith.constant 0 : i32
    return %arg0, %c0_i32 : i32, i32
  }
  func.func @transform_1(%arg0: i32) -> (i32, i32) {
    %c0_i32 = arith.constant 0 : i32
    %c0_i32_0 = arith.constant 0 : i32
    %c0_i32_1 = arith.constant 0 : i32
    return %c0_i32, %c0_i32_0 : i32, i32
  }
  func.func @transform_2(%arg0: i32) -> (i32, i32, i32) {
    %c0_i32 = arith.constant 0 : i32
    %c0_i32_0 = arith.constant 0 : i32
    %c0_i32_1 = arith.constant 0 : i32
    %c0_i32_2 = arith.constant 0 : i32
    return %c0_i32, %c0_i32_0, %c0_i32_1 : i32, i32, i32
  }
  func.func @transform_3(%arg0: i32) -> (i32, i32, i32) {
    %c0_i32 = arith.constant 0 : i32
    %c0_i32_0 = arith.constant 0 : i32
    %c0_i32_1 = arith.constant 0 : i32
    %c0_i32_2 = arith.constant 0 : i32
    return %c0_i32, %c0_i32_0, %c0_i32_1 : i32, i32, i32
  }
  func.func @transform_4(%arg0: i32) -> (i32, i32, i32) {
    %c0_i32 = arith.constant 0 : i32
    %c0_i32_0 = arith.constant 0 : i32
    %c0_i32_1 = arith.constant 0 : i32
    %c0_i32_2 = arith.constant 0 : i32
    return %c0_i32, %c0_i32_0, %c0_i32_1 : i32, i32, i32
  }
  func.func @transform_5(%arg0: i32) -> (i32, i32, i32) {
    %c0_i32 = arith.constant 0 : i32
    %c0_i32_0 = arith.constant 0 : i32
    %c0_i32_1 = arith.constant 0 : i32
    return %c0_i32, %arg0, %c0_i32_0 : i32, i32, i32
  }
  func.func @transform_6(%arg0: i32) -> (i32, i32, i32) {
    %c0_i32 = arith.constant 0 : i32
    %c0_i32_0 = arith.constant 0 : i32
    %c0_i32_1 = arith.constant 0 : i32
    return %c0_i32, %arg0, %c0_i32_0 : i32, i32, i32
  }
  func.func @transform_7(%arg0: i32) -> (i32, i32, i32) {
    %c0_i32 = arith.constant 0 : i32
    %c0_i32_0 = arith.constant 0 : i32
    %c0_i32_1 = arith.constant 0 : i32
    return %c0_i32, %arg0, %c0_i32_0 : i32, i32, i32
  }
}

module attributes {stable_mosaic.version = 14 : i64} {
  func.func @_fin_body(%arg0: i32, %arg1: memref<1000x27xf32, #tpu.memory_space<vmem>>, %arg2: memref<1x8xf32, #tpu.memory_space<vmem>>, %arg3: memref<1000x8xf32, #tpu.memory_space<vmem>>) attributes {dimension_semantics = [#tpu.dimension_semantics<arbitrary>], iteration_bounds = array<i64: 50>, scalar_prefetch = 0 : i64, scratch_operands = 0 : i64, tpu.core_type = #tpu.core_type<tc>, window_params = [{transform_indices = @transform_0, window_bounds = array<i64: 1000, 27>}, {pipeline_mode = #tpu.pipeline_mode<synchronous>, transform_indices = @transform_1, window_bounds = array<i64: 1, 8>}, {transform_indices = @transform_2, window_bounds = array<i64: 1000, 8>}]} {
    %get3A = arith.constant 0 : index
    %get3A_0 = arith.constant 0 : index
    %get3A_1 = vector.load %arg1[%get3A, %get3A_0] : memref<1000x27xf32, #tpu.memory_space<vmem>>, vector<1000x27xf32>
    %broadcast_in_dim3A = arith.constant 0.000000e+00 : f32
    %broadcast_in_dim3A_2 = vector.broadcast %broadcast_in_dim3A : f32 to vector<1000x8xf32>
    %slice3A = vector.extract_strided_slice %get3A_1 {offsets = [0, 0], sizes = [1000, 8], strides = [1, 1]} : vector<1000x27xf32> to vector<1000x8xf32>
    %slice3A_3 = vector.extract_strided_slice %get3A_1 {offsets = [0, 24], sizes = [1000, 1], strides = [1, 1]} : vector<1000x27xf32> to vector<1000x1xf32>
    %squeeze3A = vector.shape_cast %slice3A_3 : vector<1000x1xf32> to vector<1000xf32>
    %broadcast_in_dim3A_4 = vector.shape_cast %squeeze3A : vector<1000xf32> to vector<1000x1xf32>
    %add3A = arith.constant 1.000000e-16 : f32
    %add3A_5 = vector.broadcast %add3A : f32 to vector<1000x1xf32>
    %add3A_6 = arith.addf %broadcast_in_dim3A_4, %add3A_5 : vector<1000x1xf32>
    %div3A = vector.broadcast %add3A_6 : vector<1000x1xf32> to vector<1000x8xf32>
    %div3A_7 = arith.divf %slice3A, %div3A : vector<1000x8xf32>
    %add3A_8 = arith.addf %broadcast_in_dim3A_2, %div3A_7 : vector<1000x8xf32>
    %slice3A_9 = vector.extract_strided_slice %get3A_1 {offsets = [0, 8], sizes = [1000, 8], strides = [1, 1]} : vector<1000x27xf32> to vector<1000x8xf32>
    %slice3A_10 = vector.extract_strided_slice %get3A_1 {offsets = [0, 25], sizes = [1000, 1], strides = [1, 1]} : vector<1000x27xf32> to vector<1000x1xf32>
    %squeeze3A_11 = vector.shape_cast %slice3A_10 : vector<1000x1xf32> to vector<1000xf32>
    %broadcast_in_dim3A_12 = vector.shape_cast %squeeze3A_11 : vector<1000xf32> to vector<1000x1xf32>
    %add3A_13 = arith.constant 1.000000e-16 : f32
    %add3A_14 = vector.broadcast %add3A_13 : f32 to vector<1000x1xf32>
    %add3A_15 = arith.addf %broadcast_in_dim3A_12, %add3A_14 : vector<1000x1xf32>
    %div3A_16 = vector.broadcast %add3A_15 : vector<1000x1xf32> to vector<1000x8xf32>
    %div3A_17 = arith.divf %slice3A_9, %div3A_16 : vector<1000x8xf32>
    %add3A_18 = arith.addf %add3A_8, %div3A_17 : vector<1000x8xf32>
    %slice3A_19 = vector.extract_strided_slice %get3A_1 {offsets = [0, 16], sizes = [1000, 8], strides = [1, 1]} : vector<1000x27xf32> to vector<1000x8xf32>
    %slice3A_20 = vector.extract_strided_slice %get3A_1 {offsets = [0, 26], sizes = [1000, 1], strides = [1, 1]} : vector<1000x27xf32> to vector<1000x1xf32>
    %squeeze3A_21 = vector.shape_cast %slice3A_20 : vector<1000x1xf32> to vector<1000xf32>
    %broadcast_in_dim3A_22 = vector.shape_cast %squeeze3A_21 : vector<1000xf32> to vector<1000x1xf32>
    %add3A_23 = arith.constant 1.000000e-16 : f32
    %add3A_24 = vector.broadcast %add3A_23 : f32 to vector<1000x1xf32>
    %add3A_25 = arith.addf %broadcast_in_dim3A_22, %add3A_24 : vector<1000x1xf32>
    %div3A_26 = vector.broadcast %add3A_25 : vector<1000x1xf32> to vector<1000x8xf32>
    %div3A_27 = arith.divf %slice3A_19, %div3A_26 : vector<1000x8xf32>
    %add3A_28 = arith.addf %add3A_18, %div3A_27 : vector<1000x8xf32>
    %mul3A = arith.constant 0.333333343 : f32
    %mul3A_29 = vector.broadcast %mul3A : f32 to vector<1000x8xf32>
    %mul3A_30 = arith.mulf %add3A_28, %mul3A_29 : vector<1000x8xf32>
    %get3A_31 = arith.constant 0 : index
    %get3A_32 = arith.constant 0 : index
    %get3A_33 = vector.load %arg2[%get3A_31, %get3A_32] : memref<1x8xf32, #tpu.memory_space<vmem>>, vector<1x8xf32>
    %add3A_34 = vector.broadcast %get3A_33 : vector<1x8xf32> to vector<1000x8xf32>
    %add3A_35 = arith.addf %mul3A_30, %add3A_34 : vector<1000x8xf32>
    %logistic3A = arith.negf %add3A_35 : vector<1000x8xf32>
    %logistic3A_36 = math.exp %logistic3A : vector<1000x8xf32>
    %logistic3A_37 = arith.constant 1.000000e+00 : f32
    %logistic3A_38 = vector.broadcast %logistic3A_37 : f32 to vector<1000x8xf32>
    %logistic3A_39 = arith.addf %logistic3A_38, %logistic3A_36 : vector<1000x8xf32>
    %logistic3A_40 = arith.divf %logistic3A_38, %logistic3A_39 : vector<1000x8xf32>
    %swap3A = arith.constant 0 : index
    %swap3A_41 = arith.constant 0 : index
    %swap3A_42 = vector.load %arg3[%swap3A, %swap3A_41] : memref<1000x8xf32, #tpu.memory_space<vmem>>, vector<1000x8xf32>
    tpu.vector_store %arg3[%swap3A, %swap3A_41], %logistic3A_40 {strides = array<i32>} : memref<1000x8xf32, #tpu.memory_space<vmem>>, vector<1000x8xf32>,
    return
  }
  func.func @transform_0(%arg0: i32) -> (i32, i32) {
    %c0_i32 = arith.constant 0 : i32
    %c0_i32_0 = arith.constant 0 : i32
    return %arg0, %c0_i32 : i32, i32
  }
  func.func @transform_1(%arg0: i32) -> (i32, i32) {
    %c0_i32 = arith.constant 0 : i32
    %c0_i32_0 = arith.constant 0 : i32
    %c0_i32_1 = arith.constant 0 : i32
    return %c0_i32, %c0_i32_0 : i32, i32
  }
  func.func @transform_2(%arg0: i32) -> (i32, i32) {
    %c0_i32 = arith.constant 0 : i32
    %c0_i32_0 = arith.constant 0 : i32
    return %arg0, %c0_i32 : i32, i32
  }
}

</mosaic_0001>

<sc_bundles>
// kernel: gather_offload_async_start.1
scs
__scs_entry_jumppad:
0x0: {  	(pc) =	sbr.rel $0x88, $3  }
0x1: {  	(tag) =	ssettag $0x0;
	lr =	simm.s32 $0x1  }
0x2: {  	[smem:$0x3F96] =	sst lr;
	_ =	strace $0xD0000000  }
0x3: {  	_ = 	snop  }
0x4: {  	_ = 	snop  }
0x5: {  	_ = 	snop  }
0x6: {  	_ = 	snop  }
0x7: {  	_ = 	snop  }
__scs_overlays_trampoline_lowered:
0x8: {  	[smem:$0x3FA5] =	sst s0  }
0x9: {  	[smem:$0x3FA6] =	sst s1  }
0xa: {  	[smem:$0x3FA7] =	sst s2  }
0xb: {  	[smem:$0x3FA8] =	sst s3  }
0xc: {  	[smem:$0x3FA9] =	sst s4  }
0xd: {  	[smem:$0x3FAA] =	sst s5  }
0xe: {  	[smem:$0x3FAB] =	sst s6  }
0xf: {  	[smem:$0x3FAC] =	sst s7  }
0x10: {  	[smem:$0x3FAD] =	sst s8  }
0x11: {  	[smem:$0x3FAE] =	sst s9;
	s0 =	simm.s32 @!p0 $0x0  }
0x12: {  	s1 =	sld [smem:$0x3F94];
	s0 =	simm.s32 @p0 $0x1  }
0x13: {  	[smem:$0x3FAF] =	sst s0;
	s0 =	simm.s32 @!p1 $0x0  }
0x14: {  	s2 =	sld [smem:$0x3F93];
	s0 =	simm.s32 @p1 $0x1  }
0x15: {  	[smem:$0x3FB0] =	sst s0;
	s0 =	simm.s32 @!p2 $0x0  }
0x16: {  	s3 =	sld [smem:$0x3FDB];
	s0 =	simm.s32 @p2 $0x1  }
0x17: {  	s4 =	simm.s32 $0x1BF5;
	[smem:$0x3FB2] =	sst s0  }
0x18: {  	s0 =	sld [smem:$0x3F95];
	_ =	swait.ge [sflag:s4], $0x0  }
0x19: {  	s7 =	sld [smem:$0x3F96]  }
0x1a: {  	s8 =	sadd.s32 $0xFFFFE003, lr  }
0x1b: {  	s9 =	sadd.s32 $0xFFFFFEF7, lr;
	s5 =	simm.s32 $0xFFFFFFFF;
	p2 =	slt.u32 s8, $0xFFFFF086  }
0x1c: {  	p1 =	slt.u32 s9, $0xF7A;
	s5 =	simm.s32 @!p2 $0x0  }
0x1d: {  	s5 =	simm.s32 @p1 $0x1;
	p0 =	seq.s32 s7, s2  }
0x1e: {  	s7 =	smul.u32 @!p0 $0xF7A, s2;
	p2 =	seq.s32 @!p0 s5, $0x0  }
0x1f: {  	s9 =	smul.u32 $0xF7A, s1;
	s8 =	simm.s32 @!p0 $0x1BF5;
	p2 =	por !p2, p0  }
0x20: {  	[sflag:s8] =	ssyncset.s32 @!p0 $0xFFFFF086;
	s6 =	sadd.s32 @!p0 s3, s7;
	s7 =	simm.s32 @!p0 $0x108  }
0x21: {  	s3 =	sadd.s32 s3, s9;
	s6 =	sadd.s32 @!p0 $0x88, s6;
	s7 =	simm.s32 @p2 $0x1082  }
0x22: {  	[simem:s7], [sflag:s8] =	dma.local @!p0 [hbm:s6], $0xF7A  }
0x23: {  	s9 =	sor.u32 $0xD0000000, s2;
	s6 =	simm.s32 $0x108;
	_ =	swait.ge @!p0 [sflag:s8], $0x0  }
0x24: {  	s3 =	sadd.s32 $0x88, s3;
	s6 =	simm.s32 @!p1 $0x1082;
	[sflag:s4] =	ssyncset.s32 $0xFFFFF086  }
0x25: {  	[simem:s6], [sflag:s4] =	dma.local [hbm:s3], $0xF7A  }
0x26: {  	[smem:$0x3F96] =	sst s1;
	(tag) =	ssettag s2;
	_ =	strace s9  }
0x27: {  	s1 =	sld [smem:$0x3FA6]  }
0x28: {  	s2 =	sld [smem:$0x3FA7]  }
0x29: {  	s4 =	sld [smem:$0x3FA9]  }
0x2a: {  	p0 =	seq.s32 s5, $0x0;
	s5 =	sld [smem:$0x3FAA]  }
0x2b: {  	s6 =	sld [smem:$0x3FAB]  }
0x2c: {  	s7 =	sld [smem:$0x3FAC]  }
0x2d: {  	s3 =	simm.s32 $0x108;
	s8 =	sld [smem:$0x3FAD]  }
0x2e: {  	s3 =	simm.s32 @!p0 $0x1082;
	s9 =	sld [smem:$0x3FAE]  }
0x2f: {  	lr =	sadd.s32 s0, s3;
	s0 =	sld [smem:$0x3FA5]  }
0x30: {  	s3 =	sld [smem:$0x3FA8]  }
0x31: {  	[smem:$0x3FB1] =	sst s10  }
0x32: {  	s10 =	sld [smem:$0x3FAF];
	_ =	sdelay $0x3  }
0x33: {  	p0 =	seq.s32 s10, $0x1;
	s10 =	sld [smem:$0x3FB1];
	_ =	sdelay $0x3  }
0x34: {  	[smem:$0x3FB1] =	sst s10  }
0x35: {  	s10 =	sld [smem:$0x3FB0];
	_ =	sdelay $0x3  }
0x36: {  	p1 =	seq.s32 s10, $0x1;
	s10 =	sld [smem:$0x3FB1];
	_ =	sdelay $0x3  }
0x37: {  	[smem:$0x3FB1] =	sst s10  }
0x38: {  	s10 =	sld [smem:$0x3FB2]  }
0x39: {  	_ = 	snop;
	(pc) =	sbr.ind lr, $3  }
0x3a: {  	_ = 	snop  }
0x3b: {  	_ = 	snop  }
0x3c: {  	p2 =	seq.s32 s10, $0x1;
	s10 =	sld [smem:$0x3FB1]  }
0x3d: {  	_ =	shalt  }
0x3e: {  	_ =	shalt  }
0x3f: {  	_ =	shalt  }
0x40: {  	_ =	shalt  }
0x41: {  	_ =	shalt  }
0x42: {  	_ =	shalt  }
0x43: {  	_ =	shalt  }
0x44: {  	_ =	shalt  }
0x45: {  	_ =	shalt  }
0x46: {  	_ =	shalt  }
0x47: {  	_ =	shalt  }
0x48: {  	_ =	shalt  }
0x49: {  	_ =	shalt  }
0x4a: {  	_ =	shalt  }
0x4b: {  	_ =	shalt  }
0x4c: {  	_ =	shalt  }
0x4d: {  	_ =	shalt  }
0x4e: {  	_ =	shalt  }
0x4f: {  	_ =	shalt  }
0x50: {  	_ =	shalt  }
0x51: {  	_ =	shalt  }
0x52: {  	_ =	shalt  }
0x53: {  	_ =	shalt  }
0x54: {  	_ =	shalt  }
0x55: {  	_ =	shalt  }
0x56: {  	_ =	shalt  }
0x57: {  	_ =	shalt  }
0x58: {  	_ =	shalt  }
0x59: {  	_ =	shalt  }
0x5a: {  	_ =	shalt  }
0x5b: {  	_ =	shalt  }
0x5c: {  	_ =	shalt  }
0x5d: {  	_ =	shalt  }
0x5e: {  	_ =	shalt  }
0x5f: {  	_ =	shalt  }
0x60: {  	_ =	shalt  }
0x61: {  	_ =	shalt  }
0x62: {  	_ =	shalt  }
0x63: {  	_ =	shalt  }
0x64: {  	_ =	shalt  }
0x65: {  	_ =	shalt  }
0x66: {  	_ =	shalt  }
0x67: {  	_ =	shalt  }
0x68: {  	_ =	shalt  }
0x69: {  	_ =	shalt  }
0x6a: {  	_ =	shalt  }
0x6b: {  	_ =	shalt  }
0x6c: {  	_ =	shalt  }
0x6d: {  	_ =	shalt  }
0x6e: {  	_ =	shalt  }
0x6f: {  	_ =	shalt  }
0x70: {  	_ =	shalt  }
0x71: {  	_ =	shalt  }
0x72: {  	_ =	shalt  }
0x73: {  	_ =	shalt  }
0x74: {  	_ =	shalt  }
0x75: {  	_ =	shalt  }
0x76: {  	_ =	shalt  }
0x77: {  	_ =	shalt  }
0x78: {  	_ =	shalt  }
0x79: {  	_ =	shalt  }
0x7a: {  	_ =	shalt  }
0x7b: {  	_ =	shalt  }
0x7c: {  	_ =	shalt  }
0x7d: {  	_ =	shalt  }
0x7e: {  	_ =	shalt  }
0x7f: {  	_ =	shalt  }
0x80: {  	_ =	shalt  }
0x81: {  	_ =	shalt  }
0x82: {  	_ =	shalt  }
0x83: {  	_ =	shalt  }
0x84: {  	_ =	shalt  }
0x85: {  	_ =	shalt  }
0x86: {  	_ =	shalt  }
0x87: {  	_ =	shalt  }
.Lfunc_end0:
.L_simem_size_0:
called_computation.6_lowered:
.L_overlay_start_0:
0x88: {  	s2 =	sld [smem:$0x3FD9]  }
0x89: {  	s3 =	sld [smem:$0x3FFE];
	_ =	sdelay $0x1  }
0x8a: {  	s1 =	srdreg.scid  }
0x8b: {  	s0 =	sand.u32 $0x1, s1  }
0x8c: {  	s16 =	sshll.u32 s0, $0xA;
	s2 =	sadd.s32 s3, s2  }
0x8d: {  	s2 =	sadd.s32 s2, s16  }
0x8e: {  	[smem:$0x3FBD] =	sst s2  }
0x8f: {  	_ = 	snop  }
0x90: {  	(tm) =	ssettm $0x1  }
0x91: {  	s17 =	sld [smem:$0x3FFB];
	_ =	sdelay $0x3  }
0x92: {  	_ =	strace s17  }
0x93: {  	s2 =	sld [smem:$0x3FFC];
	_ =	sdelay $0x3  }
0x94: {  	_ =	strace s2  }
0x95: {  	s2 =	sld [smem:$0x3FFD];
	_ =	sdelay $0x3  }
0x96: {  	_ =	strace s2  }
0x97: {  	_ =	strace $0x8FFFFFFF  }
0x98: {  	s18 =	sld [smem:$0x3FDB];
	_ =	sdelay $0x1  }
0x99: {  	s19 =	simm.s32 $_scs_section_size  }
0x9a: {  	s4 =	simm.s32 $_size__tile_overlayer_lowered;
	s5 =	simm.s32 $_tile_overlayer_lowered  }
0x9b: {  	s22 =	simm.s32 $0x1BFF;
	s21 =	sshll.u32 s5, $0x1;
	s2 =	sadd.s32 s19, s18  }
0x9c: {  	s6 =	simm.s32 $0x0;
	s20 =	sshll.u32 s4, $0x1;
	s4 =	sadd.s32 s21, s2  }
0x9d: {  	[timem:s6], [sflag:s22] =	dma.local [hbm:s4], s20  }
0x9e: {  	_ =	swait.ge [sflag:s22], s20  }
0x9f: {  	s3 =	ssub.s32 $0x0, s20;
	[sflag:s22] =	ssyncset.done $0x0  }
0xa0: {  	[sflag:s22] =	ssyncadd.s32 s3;
	_ =	sdelay $0x1  }
0xa1: {  	s23 =	simm.s32 $0x1B8B  }
0xa2: {  	_ =	swait.ge [sflag:s23], $0x1  }
0xa3: {  	[sflag:s23] =	ssyncset.done $0x0  }
0xa4: {  	s25 =	simm.s32 $0x1B8E;
	s24 =	sld [smem:$0x3FFE];
	[sflag:s23] =	ssyncadd.s32 $0xFFFFFFFF  }
0xa5: {  	s26 =	simm.s32 $execute0_lowered;
	[smem:$0x3FD2] =	sst s25  }
0xa6: {  	s4 =	sshll.u32 s26, $0x1;
	_ =	strace $0x80000052;
	[dreg:$0x1] =	wrdreg $0xFFFFFFFF  }
0xa7: {  	s28 =	simm.s32 $_size_execute0_lowered;
	s2 =	sadd.s32 s2, s4;
	[dreg:$0x0] =	wrdreg $0x0  }
0xa8: {  	s4 =	sshll.u32 s28, $0x1;
	[dreg:$0x2] =	wrdreg s2  }
0xa9: {  	[dreg:$0x3] =	wrdreg s4  }
0xaa: {  	[dreg:$0x4] =	wrdreg $0xC0  }
0xab: {  	_ =	task [dreg:s6], $0x5FFFF  }
0xac: {  	[dreg:$0x1] =	wrdreg $0xFFFFFFFF  }
0xad: {  	[dreg:$0x0] =	wrdreg $0x60  }
0xae: {  	[dreg:$0x2] =	wrdreg s24  }
0xaf: {  	[dreg:$0x3] =	wrdreg $0x9  }
0xb0: {  	_ =	task.clear_ibuf [dreg:s6], $0x4FFFF;
	_ =	strace $0x90000052  }
0xb1: {  	s29 =	simm.s32 $0x9;
	_ =	strace $0x80000054  }
0xb2: {  	_ =	swait.ge [sflag:s29], $0x1  }
0xb3: {  	[sflag:s29] =	ssyncadd.s32 $0xFFFFFFFF  }
0xb4: {  	_ =	strace $0x90000054  }
0xb5: {  	_ =	sfence  }
0xb6: {  	s30 =	sld [smem:$0x0];
	_ =	sdelay $0x2  }
0xb7: {  	s31 =	sshll.u32 s1, $0xD;
	s1 =	sshrl.u32 s1, $0x2  }
0xb8: {  	s3 =	sand.u32 $0x4000, s31;
	s1 =	sadd.s32 s1, s30  }
0xb9: {  	s0 =	sor.u32 s3, s0;
	s1 =	sshll.u32 s1, $0x11  }
0xba: {  	s0 =	sor.u32 s1, s0  }
0xbb: {  	s0 =	sadd.s32 $0x8F2B, s0  }
0xbc: {  	[sflag:s0] =	ssyncadd.remote.s32 $0x1  }
0xbd: {  	_ =	sfence.sel $0xFFFF  }
0xbe: {  	[dreg:$0x0] =	wrdreg $0xFFFFFFFF;
	(pc) =	sbr.abs _section_cstart, $3  }
0xbf: {  	[dreg:$0x1] =	wrdreg $0xFFFFFFFF  }
0xc0: {  	_ =	task.clear_ibuf [dreg:s6], $0x2FFFF;
	_ =	strace $0x9FFFFFFF  }
0xc1: {  	(tm) =	ssettm $0x7FFFFFFF  }
tec
execute0_lowered:
.L_overlay_start_1:
0x0: {  	(tag) =	ssettag $0x1  }
0x1: {  	s0 =	stileid.u32;
	s1 =	srdreg.scid  }
0x2: {  	s1 =	sand.u32 $0x1, s1;
	s2 =	sshll.u32 s0, $0x1  }
0x3: {  	s1 =	sor.u32 s2, s1  }
0x4: {  	s2 =	smul.u32 $0x280, s1;
	_ =	sdelay $0x1  }
0x5: {  	s10 =	rddreg [dreg:$0x0];
	s8 =	ssub.s32 $0xC3500, s2  }
0x6: {  	s4 =	simm.s32 $0x1;
	s7 =	simm.s32 $0x2;
	s3 =	smulhi.u32 $0xCCCCD, s8  }
0x7: {  	s31 =	simm.s32 $0x3;
	s12 =	simm.s32 $0x0;
	s15 =	simm.s32 $0x0  }
0x8: {  	s14 =	simm.s32 $0x0;
	s5 =	sadd.s32 $0x95800, s10;
	s9 =	sshrl.u32 s3, $0x2  }
0x9: {  	s1 =	rddreg [dreg:$0x1];
	_ =	strace $0x80000053;
	s11 =	smul.u32 $0x5000, s9  }
.Ltmp0:
0xa: {  	s6 =	sadd.s32 $0x234C00, s10;
	[sflag:s4] =	ssyncpa.u1 $0x0;
	(pc) =	sbr.rel .LBB2_1-.Ltmp0, $4  }
0xb: {  	[sflag:s7] =	ssyncpa.u1 $0x0;
	p0 =	sne.s32 s8, s11;
	s8 =	simm.s32 $0x1  }
0xc: {  	s13 =	smov.u32 s2;
	[sflag:s31] =	ssyncpa.u1 $0x0;
	s8 =	simm.s32 @!p0 $0x0  }
0xd: {  	s3 =	sadd.s32 $0x13C0E00, s10;
	p0 =	por $0x0, $0x0;
	s8 =	sadd.s32 s8, s9  }
0xe: {  	vm0 =	vmmov $0xffff;
	v0 =	vlaneseq.u32;
	s9 =	sadd.s32 $0x2F8100, s10;
	s10 =	sadd.s32 $0x3BB600, s10;
	s11 =	sadd.s32 $0x1, s8  }
.LBB2_4:
0xf: {  	_ =	sdelay $0x3  }
0x10: {  	[tilespmem:s22], [sflag:$0x1] =	stream.indirect_vreg.gather [hbm4b:s3+s12], $0x1, v1, vm0, $0x4038;
	[tilespmem:$0x7D00] =	vst v63  }
0x11: {  	s18 =	sshll.u32 s15, $0x3  }
0x12: {  	s26 =	sand.u32 $0x78, s15;
	s18 =	sand.u32 $0xFFFFFC00, s18  }
0x13: {  	_ =	swait.ge [sflag:s4], $0x3C00;
	s15 =	sor.u32 s26, s18  }
0x14: {  	[sflag:s4] =	ssyncset.done $0x0;
	s15 =	sshrl.u32 s15, $0x3  }
0x15: {  	[sflag:s4] =	ssyncadd.s32 $0xFFFFC400;
	s28 =	sadd.s32 s6, s15  }
0x16: {  	[hbm:s28] =	stream.linear.scatter [tilespmem:s17], [sflag:$0x3], $0x1400, $0x38;
	[tilespmem:$0x7D00] =	vst v63  }
0x17: {  	s29 =	sadd.s32 $0x1900, s16;
	s30 =	sadd.s32 s15, s9  }
0x18: {  	[hbm:s30] =	stream.linear.scatter [tilespmem:s29], [sflag:$0x3], $0x1400, $0x38;
	[tilespmem:$0x7D00] =	vst v63  }
0x19: {  	s31 =	sadd.s32 $0x2D00, s16;
	s15 =	sadd.s32 s15, s10  }
0x1a: {  	[hbm:s15] =	stream.linear.scatter [tilespmem:s31], [sflag:$0x3], $0x1400, $0x38;
	[tilespmem:$0x7D00] =	vst v63  }
.LBB2_5:
0x1b: {  	s17 =	sadd.s32 $0x5000, s13  }
0x1c: {  	p2 =	sgt.s32 s17, $0xC34FF  }
0x1d: {  	s17 =	smov.u32 @p2 s2;
	p2 =	sne.s32 s14, s11  }
.Ltmp1:
0x1e: {  	p1 =	slt.u32 s14, $0x2;
	(pc) =	sbr.rel @!p2 .LBB2_6-.Ltmp1, $4  }
0x1f: {  	s16 =	simm.s32 @!p1 $0x3  }
0x20: {  	s18 =	sadd.s32 $0x1, s14;
	_ =	swait.ge @!p1 [sflag:s16], $0x3C00  }
0x21: {  	s15 =	smov.u32 s13;
	p0 =	por !p0, !p0;
	[sflag:s16] =	ssyncset.done @!p1 $0x0  }
0x22: {  	s14 =	smov.u32 s18;
	s13 =	smov.u32 s17;
	[sflag:s16] =	ssyncadd.s32 @!p1 $0xFFFFC400  }
.LBB2_1:
0x23: {  	p1 =	sge.u32 s14, s8  }
0x24: {  	s16 =	sxor.u32 @!p1 $0xFFFFFFFF, s14  }
0x25: {  	s16 =	sand.u32 @!p1 $0x1, s16  }
0x26: {  	s16 =	smul.u32 @!p1 $0xA00, s16  }
0x27: {  	s31 =	sadd.s32 $0xFFFFFFFF, s14;
	s17 =	sshrl.u32 @!p1 s13, $0x3  }
0x28: {  	s18 =	sand.u32 @!p1 $0x7, s13;
	s17 =	sadd.s32 @!p1 s5, s17;
	s16 =	sshrl.u32 @!p1 s16, $0x2  }
0x29: {  	[tilespmem:s16], [sflag:$0x2] =	stream.linear.gather @!p1 [hbm4b:s17+s18], $0x280, $0x38;
	[tilespmem:$0x7D00] =	vst v63  }
0x2a: {  	p1 =	sge.u32 s31, s8  }
.Ltmp2:
0x2b: {  	_ = 	snop;
	(pc) =	sbr.rel @p1 .LBB2_5-.Ltmp2, $1  }
0x2c: {  	_ =	sdelay $0x3  }
0x2d: {  	s16 =	simm.s32 $0x1  }
0x2e: {  	s16 =	simm.s32 @!p0 $0x0  }
0x2f: {  	_ =	swait.ge [sflag:s7], $0x280;
	s16 =	smul.u32 $0xA00, s16  }
0x30: {  	[sflag:s7] =	ssyncset.done $0x0  }
0x31: {  	[sflag:s7] =	ssyncadd.s32 $0xFFFFFD80;
	s19 =	sshrl.u32 s16, $0x2  }
0x32: {  	v1 =	vld.msk [tilespmem:s19+$0x0 ss:$0x1], $0xffff;
	_ =	sdelay $0x2  }
0x33: {  	s20 =	ssub.s32 $0xC3500, s15  }
0x34: {  	p1 =	slt.s32 s20, $0x280  }
0x35: {  	s20 =	simm.s32 @!p1 $0x280;
	vm1 =	vgt.s32 v1, $0x0  }
0x36: {  	p1 =	sgt.s32 s20, $0x0;
	s16 =	smov.u32 s20;
	v1 =	vnsel vm1, $0x0, v1  }
0x37: {  	s16 =	simm.s32 @!p1 $0x0;
	v1 =	vmin.u32 v1, $0x61A7F  }
0x38: {  	s16 =	smin.u32 s16, $0x10;
	v2 =	vshll.u32 v1, $0x3  }
0x39: {  	s17 =	sand.u32 $0x1, s14;
	v3 =	vmov s16;
	v1 =	vand.u32 $0x7F, v1;
	v2 =	vand.u32 $0x3FFC00, v2  }
0x3a: {  	s28 =	smul.u32 $0xF000, s17;
	vm1 =	vgt.u32 v3, v0;
	v1 =	vor.u32 v1, v2  }
0x3b: {  	v2 =	vnsel vm1, $0x7FFFFFFF, v1  }
0x3c: {  	s18 =	simm.s32 $0x0;
	s16 =	sshrl.u32 s28, $0x2  }
0x3d: {  	s21 =	sand.u32 $0x1C00, s18;
	s17 =	sadd.s32 $0x500, s16;
	v3 =	vor.u32 $0x80, v1  }
0x3e: {  	s22 =	sand.u32 $0x70, s18;
	(ifvalue) =	ssetifvalue $0x7FFFFFFF;
	s21 =	sadd.s32 s21, s17;
	v3 =	vnsel vm1, $0x7FFFFFFF, v3  }
0x3f: {  	(ifvalue) =	ssetifvalue $0x7FFFFFFF;
	s21 =	sadd.s32 s22, s21  }
0x40: {  	v4 =	vor.u32 $0x100, v1;
	[tilespmem:s21], [sflag:$0x1] =	stream.indirect_vreg.gather [hbm4b:s3+s12], $0x1, v2, vm0, $0x4038;
	[tilespmem:$0x7D00] =	vst v63  }
0x41: {  	(ifvalue) =	ssetifvalue $0x7FFFFFFF;
	v2 =	vnsel vm1, $0x7FFFFFFF, v4  }
0x42: {  	s22 =	sadd.s32 $0x80, s21;
	(ifvalue) =	ssetifvalue $0x7FFFFFFF  }
0x43: {  	v44 =	vor.u32 $0x180, v1;
	[tilespmem:s22], [sflag:$0x1] =	stream.indirect_vreg.gather [hbm4b:s3+s12], $0x1, v3, vm0, $0x4038;
	[tilespmem:$0x7D00] =	vst v63  }
0x44: {  	v3 =	vnsel vm1, $0x7FFFFFFF, v44;
	(ifvalue) =	ssetifvalue $0x7FFFFFFF  }
0x45: {  	s29 =	sadd.s32 $0x100, s21;
	(ifvalue) =	ssetifvalue $0x7FFFFFFF  }
0x46: {  	v45 =	vor.u32 $0x200, v1;
	[tilespmem:s29], [sflag:$0x1] =	stream.indirect_vreg.gather [hbm4b:s3+s12], $0x1, v2, vm0, $0x4038;
	[tilespmem:$0x7D00] =	vst v63  }
0x47: {  	v2 =	vnsel vm1, $0x7FFFFFFF, v45;
	(ifvalue) =	ssetifvalue $0x7FFFFFFF  }
0x48: {  	s30 =	sadd.s32 $0x180, s21;
	(ifvalue) =	ssetifvalue $0x7FFFFFFF  }
0x49: {  	v46 =	vor.u32 $0x280, v1;
	[tilespmem:s30], [sflag:$0x1] =	stream.indirect_vreg.gather [hbm4b:s3+s12], $0x1, v3, vm0, $0x4038;
	[tilespmem:$0x7D00] =	vst v63  }
0x4a: {  	v3 =	vnsel vm1, $0x7FFFFFFF, v46;
	(ifvalue) =	ssetifvalue $0x7FFFFFFF  }
0x4b: {  	s31 =	sadd.s32 $0x200, s21;
	(ifvalue) =	ssetifvalue $0x7FFFFFFF  }
0x4c: {  	v47 =	vor.u32 $0x300, v1;
	[tilespmem:s31], [sflag:$0x1] =	stream.indirect_vreg.gather [hbm4b:s3+s12], $0x1, v2, vm0, $0x4038;
	[tilespmem:$0x7D00] =	vst v63  }
0x4d: {  	v2 =	vnsel vm1, $0x7FFFFFFF, v47;
	(ifvalue) =	ssetifvalue $0x7FFFFFFF  }
0x4e: {  	s23 =	sadd.s32 $0x280, s21;
	(ifvalue) =	ssetifvalue $0x7FFFFFFF  }
0x4f: {  	v48 =	vor.u32 $0x380, v1;
	[tilespmem:s23], [sflag:$0x1] =	stream.indirect_vreg.gather [hbm4b:s3+s12], $0x1, v3, vm0, $0x4038;
	[tilespmem:$0x7D00] =	vst v63  }
0x50: {  	v3 =	vnsel vm1, $0x7FFFFFFF, v48;
	(ifvalue) =	ssetifvalue $0x7FFFFFFF  }
0x51: {  	s18 =	sor.u32 s18, s18;
	s24 =	sadd.s32 $0x300, s21;
	(ifvalue) =	ssetifvalue $0x7FFFFFFF  }
0x52: {  	v49 =	vadd.s32 $0x30D400, v1;
	[tilespmem:s24], [sflag:$0x1] =	stream.indirect_vreg.gather [hbm4b:s3+s12], $0x1, v2, vm0, $0x4038;
	[tilespmem:$0x7D00] =	vst v63  }
0x53: {  	s18 =	sor.u32 $0x380, s18;
	v2 =	vnsel vm1, $0x7FFFFFFF, v49;
	(ifvalue) =	ssetifvalue $0x7FFFFFFF  }
0x54: {  	s18 =	sadd.s32 s18, s17;
	(ifvalue) =	ssetifvalue $0x7FFFFFFF  }
0x55: {  	v50 =	vadd.s32 $0x30D480, v1;
	[tilespmem:s18], [sflag:$0x1] =	stream.indirect_vreg.gather [hbm4b:s3+s12], $0x1, v3, vm0, $0x4038;
	[tilespmem:$0x7D00] =	vst v63  }
0x56: {  	v3 =	vnsel vm1, $0x7FFFFFFF, v50;
	(ifvalue) =	ssetifvalue $0x7FFFFFFF  }
0x57: {  	s25 =	sadd.s32 $0x1400, s21;
	(ifvalue) =	ssetifvalue $0x7FFFFFFF  }
0x58: {  	v51 =	vadd.s32 $0x30D500, v1;
	[tilespmem:s25], [sflag:$0x1] =	stream.indirect_vreg.gather [hbm4b:s3+s12], $0x1, v2, vm0, $0x4038;
	[tilespmem:$0x7D00] =	vst v63  }
0x59: {  	v2 =	vnsel vm1, $0x7FFFFFFF, v51;
	(ifvalue) =	ssetifvalue $0x7FFFFFFF  }
0x5a: {  	s26 =	sadd.s32 $0x1480, s21;
	(ifvalue) =	ssetifvalue $0x7FFFFFFF  }
0x5b: {  	v52 =	vadd.s32 $0x30D580, v1;
	[tilespmem:s26], [sflag:$0x1] =	stream.indirect_vreg.gather [hbm4b:s3+s12], $0x1, v3, vm0, $0x4038;
	[tilespmem:$0x7D00] =	vst v63  }
0x5c: {  	v3 =	vnsel vm1, $0x7FFFFFFF, v52;
	(ifvalue) =	ssetifvalue $0x7FFFFFFF  }
0x5d: {  	s28 =	sadd.s32 $0x1500, s21;
	(ifvalue) =	ssetifvalue $0x7FFFFFFF  }
0x5e: {  	v53 =	vadd.s32 $0x30D600, v1;
	[tilespmem:s28], [sflag:$0x1] =	stream.indirect_vreg.gather [hbm4b:s3+s12], $0x1, v2, vm0, $0x4038;
	[tilespmem:$0x7D00] =	vst v63  }
0x5f: {  	v2 =	vnsel vm1, $0x7FFFFFFF, v53;
	(ifvalue) =	ssetifvalue $0x7FFFFFFF  }
0x60: {  	s29 =	sadd.s32 $0x1580, s21;
	(ifvalue) =	ssetifvalue $0x7FFFFFFF  }
0x61: {  	v54 =	vadd.s32 $0x30D680, v1;
	[tilespmem:s29], [sflag:$0x1] =	stream.indirect_vreg.gather [hbm4b:s3+s12], $0x1, v3, vm0, $0x4038;
	[tilespmem:$0x7D00] =	vst v63  }
0x62: {  	v3 =	vnsel vm1, $0x7FFFFFFF, v54;
	(ifvalue) =	ssetifvalue $0x7FFFFFFF  }
0x63: {  	s30 =	sadd.s32 $0x1600, s21;
	(ifvalue) =	ssetifvalue $0x7FFFFFFF  }
0x64: {  	v55 =	vadd.s32 $0x30D700, v1;
	[tilespmem:s30], [sflag:$0x1] =	stream.indirect_vreg.gather [hbm4b:s3+s12], $0x1, v2, vm0, $0x4038;
	[tilespmem:$0x7D00] =	vst v63  }
0x65: {  	v2 =	vnsel vm1, $0x7FFFFFFF, v55;
	(ifvalue) =	ssetifvalue $0x7FFFFFFF  }
0x66: {  	s31 =	sadd.s32 $0x1680, s21;
	(ifvalue) =	ssetifvalue $0x7FFFFFFF  }
0x67: {  	v56 =	vadd.s32 $0x30D780, v1;
	[tilespmem:s31], [sflag:$0x1] =	stream.indirect_vreg.gather [hbm4b:s3+s12], $0x1, v3, vm0, $0x4038;
	[tilespmem:$0x7D00] =	vst v63  }
0x68: {  	v3 =	vnsel vm1, $0x7FFFFFFF, v56;
	(ifvalue) =	ssetifvalue $0x7FFFFFFF  }
0x69: {  	s22 =	sadd.s32 $0x1700, s21;
	(ifvalue) =	ssetifvalue $0x7FFFFFFF  }
0x6a: {  	v57 =	vadd.s32 $0x61A800, v1;
	[tilespmem:s22], [sflag:$0x1] =	stream.indirect_vreg.gather [hbm4b:s3+s12], $0x1, v2, vm0, $0x4038;
	[tilespmem:$0x7D00] =	vst v63  }
0x6b: {  	v2 =	vnsel vm1, $0x7FFFFFFF, v57;
	(ifvalue) =	ssetifvalue $0x7FFFFFFF  }
0x6c: {  	s23 =	sadd.s32 $0x1780, s21;
	(ifvalue) =	ssetifvalue $0x7FFFFFFF  }
0x6d: {  	v58 =	vadd.s32 $0x61A880, v1;
	[tilespmem:s23], [sflag:$0x1] =	stream.indirect_vreg.gather [hbm4b:s3+s12], $0x1, v3, vm0, $0x4038;
	[tilespmem:$0x7D00] =	vst v63  }
0x6e: {  	v3 =	vnsel vm1, $0x7FFFFFFF, v58;
	(ifvalue) =	ssetifvalue $0x7FFFFFFF  }
0x6f: {  	s24 =	sadd.s32 $0x2800, s21;
	(ifvalue) =	ssetifvalue $0x7FFFFFFF  }
0x70: {  	v59 =	vadd.s32 $0x61A900, v1;
	[tilespmem:s24], [sflag:$0x1] =	stream.indirect_vreg.gather [hbm4b:s3+s12], $0x1, v2, vm0, $0x4038;
	[tilespmem:$0x7D00] =	vst v63  }
0x71: {  	v2 =	vnsel vm1, $0x7FFFFFFF, v59;
	(ifvalue) =	ssetifvalue $0x7FFFFFFF  }
0x72: {  	s25 =	sadd.s32 $0x2880, s21;
	(ifvalue) =	ssetifvalue $0x7FFFFFFF  }
0x73: {  	v60 =	vadd.s32 $0x61A980, v1;
	[tilespmem:s25], [sflag:$0x1] =	stream.indirect_vreg.gather [hbm4b:s3+s12], $0x1, v3, vm0, $0x4038;
	[tilespmem:$0x7D00] =	vst v63  }
0x74: {  	v3 =	vnsel vm1, $0x7FFFFFFF, v60;
	(ifvalue) =	ssetifvalue $0x7FFFFFFF  }
0x75: {  	s26 =	sadd.s32 $0x2900, s21;
	(ifvalue) =	ssetifvalue $0x7FFFFFFF  }
0x76: {  	v61 =	vadd.s32 $0x61AA00, v1;
	[tilespmem:s26], [sflag:$0x1] =	stream.indirect_vreg.gather [hbm4b:s3+s12], $0x1, v2, vm0, $0x4038;
	[tilespmem:$0x7D00] =	vst v63  }
0x77: {  	v2 =	vnsel vm1, $0x7FFFFFFF, v61;
	(ifvalue) =	ssetifvalue $0x7FFFFFFF  }
0x78: {  	s28 =	sadd.s32 $0x2980, s21;
	(ifvalue) =	ssetifvalue $0x7FFFFFFF  }
0x79: {  	v62 =	vadd.s32 $0x61AA80, v1;
	[tilespmem:s28], [sflag:$0x1] =	stream.indirect_vreg.gather [hbm4b:s3+s12], $0x1, v3, vm0, $0x4038;
	[tilespmem:$0x7D00] =	vst v63  }
0x7a: {  	v3 =	vnsel vm1, $0x7FFFFFFF, v62;
	(ifvalue) =	ssetifvalue $0x7FFFFFFF  }
0x7b: {  	s29 =	sadd.s32 $0x2A00, s21;
	(ifvalue) =	ssetifvalue $0x7FFFFFFF  }
0x7c: {  	v63 =	vadd.s32 $0x61AB00, v1;
	[tilespmem:s29], [sflag:$0x1] =	stream.indirect_vreg.gather [hbm4b:s3+s12], $0x1, v2, vm0, $0x4038;
	[tilespmem:$0x7D00] =	vst v63  }
0x7d: {  	v2 =	vnsel vm1, $0x7FFFFFFF, v63;
	(ifvalue) =	ssetifvalue $0x7FFFFFFF  }
0x7e: {  	s30 =	sadd.s32 $0x2A80, s21;
	(ifvalue) =	ssetifvalue $0x7FFFFFFF  }
0x7f: {  	v1 =	vadd.s32 $0x61AB80, v1;
	[tilespmem:s30], [sflag:$0x1] =	stream.indirect_vreg.gather [hbm4b:s3+s12], $0x1, v3, vm0, $0x4038;
	[tilespmem:$0x7D00] =	vst v63  }
0x80: {  	v1 =	vnsel vm1, $0x7FFFFFFF, v1;
	(ifvalue) =	ssetifvalue $0x7FFFFFFF  }
0x81: {  	s20 =	sadd.s32 $0xFFFFFFF0, s20;
	s31 =	sadd.s32 $0x2B00, s21;
	(ifvalue) =	ssetifvalue $0x7FFFFFFF  }
0x82: {  	[tilespmem:s31], [sflag:$0x1] =	stream.indirect_vreg.gather [hbm4b:s3+s12], $0x1, v2, vm0, $0x4038;
	[tilespmem:$0x7D00] =	vst v63  }
0x83: {  	s19 =	sadd.s32 $0x10, s19;
	s18 =	simm.s32 $0x80;
	(ifvalue) =	ssetifvalue $0x7FFFFFFF  }
0x84: {  	s22 =	sadd.s32 $0x2B80, s21;
	s21 =	simm.s32 $0x10;
	(ifvalue) =	ssetifvalue $0x7FFFFFFF  }
.LBB2_3:
0x85: {  	[tilespmem:s22], [sflag:$0x1] =	stream.indirect_vreg.gather [hbm4b:s3+s12], $0x1, v1, vm0, $0x4038;
	[tilespmem:$0x7D00] =	vst v63  }
0x86: {  	p1 =	sne.s32 s18, $0x1380;
	s23 =	smov.u32 s18;
	s18 =	sadd.s32 $0x80, s18;
	v1 =	vld.msk [tilespmem:s19+$0x0 ss:$0x1], $0xffff  }
0x87: {  	(ifvalue) =	ssetifvalue $0x7FFFFFFF;
	_ =	sdelay $0x3  }
0x88: {  	vm1 =	vgt.s32 v1, $0x0  }
0x89: {  	p2 =	sgt.s32 s20, $0x0;
	s22 =	smov.u32 s20;
	v1 =	vnsel vm1, $0x0, v1  }
0x8a: {  	s22 =	simm.s32 @!p2 $0x0;
	v1 =	vmin.u32 v1, $0x61A7F  }
0x8b: {  	s22 =	smin.u32 s22, $0x10;
	v2 =	vshll.u32 v1, $0x3  }
0x8c: {  	v3 =	vmov s22;
	v1 =	vand.u32 $0x7F, v1;
	v2 =	vand.u32 $0x3FFC00, v2  }
0x8d: {  	vm1 =	vgt.u32 v3, v0;
	v1 =	vor.u32 v1, v2  }
0x8e: {  	v2 =	vnsel vm1, $0x7FFFFFFF, v1  }
0x8f: {  	v3 =	vor.u32 $0x80, v1;
	v4 =	vor.u32 $0x100, v1;
	v5 =	vor.u32 $0x180, v1  }
0x90: {  	v6 =	vor.u32 $0x200, v1;
	v7 =	vor.u32 $0x280, v1;
	v8 =	vor.u32 $0x300, v1  }
0x91: {  	s22 =	sand.u32 $0x1C00, s23;
	v5 =	vnsel vm1, $0x7FFFFFFF, v5;
	v6 =	vnsel vm1, $0x7FFFFFFF, v6;
	v7 =	vnsel vm1, $0x7FFFFFFF, v7  }
0x92: {  	s24 =	sand.u32 $0x70, s21;
	s22 =	sadd.s32 s22, s17;
	v9 =	vor.u32 $0x380, v1;
	v10 =	vadd.s32 $0x30D400, v1;
	v3 =	vnsel vm1, $0x7FFFFFFF, v3  }
0x93: {  	s22 =	sadd.s32 s24, s22;
	v11 =	vadd.s32 $0x30D500, v1;
	v8 =	vnsel vm1, $0x7FFFFFFF, v8;
	v9 =	vnsel vm1, $0x7FFFFFFF, v9;
	(ifvalue) =	ssetifvalue $0x7FFFFFFF  }
0x94: {  	v10 =	vnsel vm1, $0x7FFFFFFF, v10;
	[tilespmem:s22], [sflag:$0x1] =	stream.indirect_vreg.gather [hbm4b:s3+s12], $0x1, v2, vm0, $0x4038;
	v2 =	vadd.s32 $0x30D480, v1;
	[tilespmem:$0x7D00] =	vst v63  }
0x95: {  	v4 =	vnsel vm1, $0x7FFFFFFF, v4;
	v11 =	vnsel vm1, $0x7FFFFFFF, v11;
	(ifvalue) =	ssetifvalue $0x7FFFFFFF;
	v12 =	vnsel vm1, $0x7FFFFFFF, v2  }
0x96: {  	s24 =	sadd.s32 $0x80, s22;
	v13 =	vadd.s32 $0x30D600, v1;
	v2 =	vadd.s32 $0x30D580, v1;
	(ifvalue) =	ssetifvalue $0x7FFFFFFF  }
0x97: {  	v13 =	vnsel vm1, $0x7FFFFFFF, v13;
	v14 =	vnsel vm1, $0x7FFFFFFF, v2;
	v2 =	vadd.s32 $0x30D680, v1;
	[tilespmem:s24], [sflag:$0x1] =	stream.indirect_vreg.gather [hbm4b:s3+s12], $0x1, v3, vm0, $0x4038;
	[tilespmem:$0x7D00] =	vst v63  }
0x98: {  	v15 =	vnsel vm1, $0x7FFFFFFF, v2;
	v2 =	vadd.s32 $0x30D700, v1;
	(ifvalue) =	ssetifvalue $0x7FFFFFFF  }
0x99: {  	s24 =	sadd.s32 $0x100, s22;
	v3 =	vadd.s32 $0x61A880, v1;
	v16 =	vnsel vm1, $0x7FFFFFFF, v2;
	v2 =	vadd.s32 $0x30D780, v1;
	(ifvalue) =	ssetifvalue $0x7FFFFFFF  }
0x9a: {  	v18 =	vnsel vm1, $0x7FFFFFFF, v3;
	[tilespmem:s24], [sflag:$0x1] =	stream.indirect_vreg.gather [hbm4b:s3+s12], $0x1, v4, vm0, $0x4038;
	v4 =	vnsel vm1, $0x7FFFFFFF, v2;
	v2 =	vadd.s32 $0x61A800, v1;
	[tilespmem:$0x7D00] =	vst v63  }
0x9b: {  	v3 =	vadd.s32 $0x61AA00, v1;
	(ifvalue) =	ssetifvalue $0x7FFFFFFF;
	v17 =	vnsel vm1, $0x7FFFFFFF, v2;
	v2 =	vadd.s32 $0x61A900, v1  }
0x9c: {  	s24 =	sadd.s32 $0x180, s22;
	(ifvalue) =	ssetifvalue $0x7FFFFFFF;
	v19 =	vnsel vm1, $0x7FFFFFFF, v2  }
0x9d: {  	v2 =	vadd.s32 $0x61A980, v1;
	[tilespmem:s24], [sflag:$0x1] =	stream.indirect_vreg.gather [hbm4b:s3+s12], $0x1, v5, vm0, $0x4038;
	v5 =	vadd.s32 $0x61AA80, v1;
	[tilespmem:$0x7D00] =	vst v63  }
0x9e: {  	v21 =	vnsel vm1, $0x7FFFFFFF, v3;
	v20 =	vnsel vm1, $0x7FFFFFFF, v2;
	(ifvalue) =	ssetifvalue $0x7FFFFFFF;
	v2 =	vnsel vm1, $0x7FFFFFFF, v5  }
0x9f: {  	v3 =	vadd.s32 $0x61AB00, v1;
	s24 =	sadd.s32 $0x200, s22;
	(ifvalue) =	ssetifvalue $0x7FFFFFFF  }
0xa0: {  	v3 =	vnsel vm1, $0x7FFFFFFF, v3;
	v1 =	vadd.s32 $0x61AB80, v1;
	[tilespmem:s24], [sflag:$0x1] =	stream.indirect_vreg.gather [hbm4b:s3+s12], $0x1, v6, vm0, $0x4038;
	[tilespmem:$0x7D00] =	vst v63  }
0xa1: {  	v1 =	vnsel vm1, $0x7FFFFFFF, v1;
	(ifvalue) =	ssetifvalue $0x7FFFFFFF  }
0xa2: {  	s24 =	sadd.s32 $0x280, s22;
	(ifvalue) =	ssetifvalue $0x7FFFFFFF  }
0xa3: {  	[tilespmem:s24], [sflag:$0x1] =	stream.indirect_vreg.gather [hbm4b:s3+s12], $0x1, v7, vm0, $0x4038;
	[tilespmem:$0x7D00] =	vst v63  }
0xa4: {  	(ifvalue) =	ssetifvalue $0x7FFFFFFF  }
0xa5: {  	s23 =	sor.u32 s23, s21;
	s24 =	sadd.s32 $0x300, s22;
	(ifvalue) =	ssetifvalue $0x7FFFFFFF  }
0xa6: {  	[tilespmem:s24], [sflag:$0x1] =	stream.indirect_vreg.gather [hbm4b:s3+s12], $0x1, v8, vm0, $0x4038;
	[tilespmem:$0x7D00] =	vst v63  }
0xa7: {  	s23 =	sor.u32 $0x380, s23;
	(ifvalue) =	ssetifvalue $0x7FFFFFFF  }
0xa8: {  	s23 =	sadd.s32 s23, s17;
	(ifvalue) =	ssetifvalue $0x7FFFFFFF  }
0xa9: {  	[tilespmem:s23], [sflag:$0x1] =	stream.indirect_vreg.gather [hbm4b:s3+s12], $0x1, v9, vm0, $0x4038;
	[tilespmem:$0x7D00] =	vst v63  }
0xaa: {  	(ifvalue) =	ssetifvalue $0x7FFFFFFF  }
0xab: {  	s23 =	sadd.s32 $0x1400, s22;
	(ifvalue) =	ssetifvalue $0x7FFFFFFF  }
0xac: {  	[tilespmem:s23], [sflag:$0x1] =	stream.indirect_vreg.gather [hbm4b:s3+s12], $0x1, v10, vm0, $0x4038;
	[tilespmem:$0x7D00] =	vst v63  }
0xad: {  	(ifvalue) =	ssetifvalue $0x7FFFFFFF  }
0xae: {  	s23 =	sadd.s32 $0x1480, s22;
	(ifvalue) =	ssetifvalue $0x7FFFFFFF  }
0xaf: {  	[tilespmem:s23], [sflag:$0x1] =	stream.indirect_vreg.gather [hbm4b:s3+s12], $0x1, v12, vm0, $0x4038;
	[tilespmem:$0x7D00] =	vst v63  }
0xb0: {  	(ifvalue) =	ssetifvalue $0x7FFFFFFF  }
0xb1: {  	s23 =	sadd.s32 $0x1500, s22;
	(ifvalue) =	ssetifvalue $0x7FFFFFFF  }
0xb2: {  	[tilespmem:s23], [sflag:$0x1] =	stream.indirect_vreg.gather [hbm4b:s3+s12], $0x1, v11, vm0, $0x4038;
	[tilespmem:$0x7D00] =	vst v63  }
0xb3: {  	(ifvalue) =	ssetifvalue $0x7FFFFFFF  }
0xb4: {  	s23 =	sadd.s32 $0x1580, s22;
	(ifvalue) =	ssetifvalue $0x7FFFFFFF  }
0xb5: {  	[tilespmem:s23], [sflag:$0x1] =	stream.indirect_vreg.gather [hbm4b:s3+s12], $0x1, v14, vm0, $0x4038;
	[tilespmem:$0x7D00] =	vst v63  }
0xb6: {  	(ifvalue) =	ssetifvalue $0x7FFFFFFF  }
0xb7: {  	s23 =	sadd.s32 $0x1600, s22;
	(ifvalue) =	ssetifvalue $0x7FFFFFFF  }
0xb8: {  	[tilespmem:s23], [sflag:$0x1] =	stream.indirect_vreg.gather [hbm4b:s3+s12], $0x1, v13, vm0, $0x4038;
	[tilespmem:$0x7D00] =	vst v63  }
0xb9: {  	(ifvalue) =	ssetifvalue $0x7FFFFFFF  }
0xba: {  	s23 =	sadd.s32 $0x1680, s22;
	(ifvalue) =	ssetifvalue $0x7FFFFFFF  }
0xbb: {  	[tilespmem:s23], [sflag:$0x1] =	stream.indirect_vreg.gather [hbm4b:s3+s12], $0x1, v15, vm0, $0x4038;
	[tilespmem:$0x7D00] =	vst v63  }
0xbc: {  	(ifvalue) =	ssetifvalue $0x7FFFFFFF  }
0xbd: {  	s23 =	sadd.s32 $0x1700, s22;
	(ifvalue) =	ssetifvalue $0x7FFFFFFF  }
0xbe: {  	[tilespmem:s23], [sflag:$0x1] =	stream.indirect_vreg.gather [hbm4b:s3+s12], $0x1, v16, vm0, $0x4038;
	[tilespmem:$0x7D00] =	vst v63  }
0xbf: {  	(ifvalue) =	ssetifvalue $0x7FFFFFFF  }
0xc0: {  	s23 =	sadd.s32 $0x1780, s22;
	(ifvalue) =	ssetifvalue $0x7FFFFFFF  }
0xc1: {  	[tilespmem:s23], [sflag:$0x1] =	stream.indirect_vreg.gather [hbm4b:s3+s12], $0x1, v4, vm0, $0x4038;
	[tilespmem:$0x7D00] =	vst v63  }
0xc2: {  	(ifvalue) =	ssetifvalue $0x7FFFFFFF  }
0xc3: {  	s23 =	sadd.s32 $0x2800, s22;
	(ifvalue) =	ssetifvalue $0x7FFFFFFF  }
0xc4: {  	[tilespmem:s23], [sflag:$0x1] =	stream.indirect_vreg.gather [hbm4b:s3+s12], $0x1, v17, vm0, $0x4038;
	[tilespmem:$0x7D00] =	vst v63  }
0xc5: {  	(ifvalue) =	ssetifvalue $0x7FFFFFFF  }
0xc6: {  	s23 =	sadd.s32 $0x2880, s22;
	(ifvalue) =	ssetifvalue $0x7FFFFFFF  }
0xc7: {  	[tilespmem:s23], [sflag:$0x1] =	stream.indirect_vreg.gather [hbm4b:s3+s12], $0x1, v18, vm0, $0x4038;
	[tilespmem:$0x7D00] =	vst v63  }
0xc8: {  	(ifvalue) =	ssetifvalue $0x7FFFFFFF  }
0xc9: {  	s23 =	sadd.s32 $0x2900, s22;
	(ifvalue) =	ssetifvalue $0x7FFFFFFF  }
0xca: {  	[tilespmem:s23], [sflag:$0x1] =	stream.indirect_vreg.gather [hbm4b:s3+s12], $0x1, v19, vm0, $0x4038;
	[tilespmem:$0x7D00] =	vst v63  }
0xcb: {  	(ifvalue) =	ssetifvalue $0x7FFFFFFF  }
0xcc: {  	s23 =	sadd.s32 $0x2980, s22;
	(ifvalue) =	ssetifvalue $0x7FFFFFFF  }
0xcd: {  	[tilespmem:s23], [sflag:$0x1] =	stream.indirect_vreg.gather [hbm4b:s3+s12], $0x1, v20, vm0, $0x4038;
	[tilespmem:$0x7D00] =	vst v63  }
0xce: {  	(ifvalue) =	ssetifvalue $0x7FFFFFFF  }
0xcf: {  	s23 =	sadd.s32 $0x2A00, s22;
	(ifvalue) =	ssetifvalue $0x7FFFFFFF  }
0xd0: {  	[tilespmem:s23], [sflag:$0x1] =	stream.indirect_vreg.gather [hbm4b:s3+s12], $0x1, v21, vm0, $0x4038;
	[tilespmem:$0x7D00] =	vst v63  }
0xd1: {  	(ifvalue) =	ssetifvalue $0x7FFFFFFF  }
0xd2: {  	s23 =	sadd.s32 $0x2A80, s22;
	(ifvalue) =	ssetifvalue $0x7FFFFFFF  }
0xd3: {  	[tilespmem:s23], [sflag:$0x1] =	stream.indirect_vreg.gather [hbm4b:s3+s12], $0x1, v2, vm0, $0x4038;
	[tilespmem:$0x7D00] =	vst v63  }
.Ltmp3:
0xd4: {  	(ifvalue) =	ssetifvalue $0x7FFFFFFF;
	(pc) =	sbr.rel @p1 .LBB2_3-.Ltmp3, $4  }
0xd5: {  	s23 =	sadd.s32 $0x2B00, s22;
	(ifvalue) =	ssetifvalue $0x7FFFFFFF  }
0xd6: {  	[tilespmem:s23], [sflag:$0x1] =	stream.indirect_vreg.gather [hbm4b:s3+s12], $0x1, v3, vm0, $0x4038;
	[tilespmem:$0x7D00] =	vst v63  }
0xd7: {  	s20 =	sadd.s32 $0xFFFFFFF0, s20;
	s19 =	sadd.s32 $0x10, s19;
	(ifvalue) =	ssetifvalue $0x7FFFFFFF  }
0xd8: {  	s21 =	sadd.s32 $0x10, s21;
	s22 =	sadd.s32 $0x2B80, s22;
	(ifvalue) =	ssetifvalue $0x7FFFFFFF  }
.Ltmp4:
0xd9: {  	_ = 	snop;
	(pc) =	sbr.rel .LBB2_4-.Ltmp4, $1  }
0xda: {  	_ =	sdelay $0x3  }
.LBB2_6:
0xdb: {  	_ =	sfence.sel $0x180000  }
0xdc: {  	s2 =	simm.s32 $0x2;
	[bflag:$0x0] =	sbarrier.arrive $0xFFFF  }
0xdd: {  	s30 =	simm.s32 $0x3;
	[sflag:s2] =	ssyncpa.u1 $0x1  }
0xde: {  	s31 =	simm.s32 $0x1;
	[sflag:s30] =	ssyncpa.u1 $0x1  }
0xdf: {  	[sflag:s31] =	ssyncpa.u1 $0x1  }
0xe0: {  	p0 =	sne.s32 s0, $0x0;
	_ =	strace $0x90000053  }
0xe1: {  	s0 =	sadd.s32 @!p0 $0x100000, s1;
	[bflag:$0x2] =	sbarrier.arrive $0xFFFF  }
0xe2: {  	[sflag:s0] =	ssyncadd.tile.s32 @!p0 $0x1;
	_ =	shalt  }
.Lfunc_end2:
_tile_overlayer_lowered:
.L_overlay_start_2:
0xe3: {  	(tag) =	ssettag $0x2  }
0xe4: {  	s0 =	rddreg [dreg:$0x0];
	s2 =	stileid.u32  }
0xe5: {  	s1 =	rddreg [dreg:$0x1];
	p0 =	sne.s32 s2, $0x0  }
0xe6: {  	s3 =	rddreg [dreg:$0x2];
	[bflag:$0x3] =	sbarrier.arrive $0xFFFF;
	s2 =	simm.s32 @!p0 $0x1C01  }
0xe7: {  	[timem:s3], [sflag:s2] =	dma.local @!p0 [hbm:s0], s1  }
0xe8: {  	s0 =	simm.s32 @!p0 $0x1  }
0xe9: {  	_ =	swait.ge @!p0 [sflag:s0], s1  }
0xea: {  	s1 =	ssub.s32 @!p0 $0x0, s1;
	[sflag:s0] =	ssyncset.done @!p0 $0x0  }
0xeb: {  	[sflag:s0] =	ssyncadd.s32 @!p0 s1  }
0xec: {  	[bflag:$0x3] =	sbarrier.arrive $0xFFFF  }
0xed: {  	_ =	shalt  }

// kernel: gather_offload_async_start
scs
__scs_entry_jumppad:
0x0: {  	(pc) =	sbr.rel $0x88, $3  }
0x1: {  	(tag) =	ssettag $0x0;
	lr =	simm.s32 $0x1  }
0x2: {  	[smem:$0x3F96] =	sst lr;
	_ =	strace $0xD0000000  }
0x3: {  	_ = 	snop  }
0x4: {  	_ = 	snop  }
0x5: {  	_ = 	snop  }
0x6: {  	_ = 	snop  }
0x7: {  	_ = 	snop  }
__scs_overlays_trampoline_lowered:
0x8: {  	[smem:$0x3FA5] =	sst s0  }
0x9: {  	[smem:$0x3FA6] =	sst s1  }
0xa: {  	[smem:$0x3FA7] =	sst s2  }
0xb: {  	[smem:$0x3FA8] =	sst s3  }
0xc: {  	[smem:$0x3FA9] =	sst s4  }
0xd: {  	[smem:$0x3FAA] =	sst s5  }
0xe: {  	[smem:$0x3FAB] =	sst s6  }
0xf: {  	[smem:$0x3FAC] =	sst s7  }
0x10: {  	[smem:$0x3FAD] =	sst s8  }
0x11: {  	[smem:$0x3FAE] =	sst s9;
	s0 =	simm.s32 @!p0 $0x0  }
0x12: {  	s1 =	sld [smem:$0x3F94];
	s0 =	simm.s32 @p0 $0x1  }
0x13: {  	[smem:$0x3FAF] =	sst s0;
	s0 =	simm.s32 @!p1 $0x0  }
0x14: {  	s2 =	sld [smem:$0x3F93];
	s0 =	simm.s32 @p1 $0x1  }
0x15: {  	[smem:$0x3FB0] =	sst s0;
	s0 =	simm.s32 @!p2 $0x0  }
0x16: {  	s3 =	sld [smem:$0x3FDB];
	s0 =	simm.s32 @p2 $0x1  }
0x17: {  	s4 =	simm.s32 $0x1BF5;
	[smem:$0x3FB2] =	sst s0  }
0x18: {  	s0 =	sld [smem:$0x3F95];
	_ =	swait.ge [sflag:s4], $0x0  }
0x19: {  	s7 =	sld [smem:$0x3F96]  }
0x1a: {  	s8 =	sadd.s32 $0xFFFFE003, lr  }
0x1b: {  	s9 =	sadd.s32 $0xFFFFFEF7, lr;
	s5 =	simm.s32 $0xFFFFFFFF;
	p2 =	slt.u32 s8, $0xFFFFF086  }
0x1c: {  	p1 =	slt.u32 s9, $0xF7A;
	s5 =	simm.s32 @!p2 $0x0  }
0x1d: {  	s5 =	simm.s32 @p1 $0x1;
	p0 =	seq.s32 s7, s2  }
0x1e: {  	s7 =	smul.u32 @!p0 $0xF7A, s2;
	p2 =	seq.s32 @!p0 s5, $0x0  }
0x1f: {  	s9 =	smul.u32 $0xF7A, s1;
	s8 =	simm.s32 @!p0 $0x1BF5;
	p2 =	por !p2, p0  }
0x20: {  	[sflag:s8] =	ssyncset.s32 @!p0 $0xFFFFF086;
	s6 =	sadd.s32 @!p0 s3, s7;
	s7 =	simm.s32 @!p0 $0x108  }
0x21: {  	s3 =	sadd.s32 s3, s9;
	s6 =	sadd.s32 @!p0 $0x88, s6;
	s7 =	simm.s32 @p2 $0x1082  }
0x22: {  	[simem:s7], [sflag:s8] =	dma.local @!p0 [hbm:s6], $0xF7A  }
0x23: {  	s9 =	sor.u32 $0xD0000000, s2;
	s6 =	simm.s32 $0x108;
	_ =	swait.ge @!p0 [sflag:s8], $0x0  }
0x24: {  	s3 =	sadd.s32 $0x88, s3;
	s6 =	simm.s32 @!p1 $0x1082;
	[sflag:s4] =	ssyncset.s32 $0xFFFFF086  }
0x25: {  	[simem:s6], [sflag:s4] =	dma.local [hbm:s3], $0xF7A  }
0x26: {  	[smem:$0x3F96] =	sst s1;
	(tag) =	ssettag s2;
	_ =	strace s9  }
0x27: {  	s1 =	sld [smem:$0x3FA6]  }
0x28: {  	s2 =	sld [smem:$0x3FA7]  }
0x29: {  	s4 =	sld [smem:$0x3FA9]  }
0x2a: {  	p0 =	seq.s32 s5, $0x0;
	s5 =	sld [smem:$0x3FAA]  }
0x2b: {  	s6 =	sld [smem:$0x3FAB]  }
0x2c: {  	s7 =	sld [smem:$0x3FAC]  }
0x2d: {  	s3 =	simm.s32 $0x108;
	s8 =	sld [smem:$0x3FAD]  }
0x2e: {  	s3 =	simm.s32 @!p0 $0x1082;
	s9 =	sld [smem:$0x3FAE]  }
0x2f: {  	lr =	sadd.s32 s0, s3;
	s0 =	sld [smem:$0x3FA5]  }
0x30: {  	s3 =	sld [smem:$0x3FA8]  }
0x31: {  	[smem:$0x3FB1] =	sst s10  }
0x32: {  	s10 =	sld [smem:$0x3FAF];
	_ =	sdelay $0x3  }
0x33: {  	p0 =	seq.s32 s10, $0x1;
	s10 =	sld [smem:$0x3FB1];
	_ =	sdelay $0x3  }
0x34: {  	[smem:$0x3FB1] =	sst s10  }
0x35: {  	s10 =	sld [smem:$0x3FB0];
	_ =	sdelay $0x3  }
0x36: {  	p1 =	seq.s32 s10, $0x1;
	s10 =	sld [smem:$0x3FB1];
	_ =	sdelay $0x3  }
0x37: {  	[smem:$0x3FB1] =	sst s10  }
0x38: {  	s10 =	sld [smem:$0x3FB2]  }
0x39: {  	_ = 	snop;
	(pc) =	sbr.ind lr, $3  }
0x3a: {  	_ = 	snop  }
0x3b: {  	_ = 	snop  }
0x3c: {  	p2 =	seq.s32 s10, $0x1;
	s10 =	sld [smem:$0x3FB1]  }
0x3d: {  	_ =	shalt  }
0x3e: {  	_ =	shalt  }
0x3f: {  	_ =	shalt  }
0x40: {  	_ =	shalt  }
0x41: {  	_ =	shalt  }
0x42: {  	_ =	shalt  }
0x43: {  	_ =	shalt  }
0x44: {  	_ =	shalt  }
0x45: {  	_ =	shalt  }
0x46: {  	_ =	shalt  }
0x47: {  	_ =	shalt  }
0x48: {  	_ =	shalt  }
0x49: {  	_ =	shalt  }
0x4a: {  	_ =	shalt  }
0x4b: {  	_ =	shalt  }
0x4c: {  	_ =	shalt  }
0x4d: {  	_ =	shalt  }
0x4e: {  	_ =	shalt  }
0x4f: {  	_ =	shalt  }
0x50: {  	_ =	shalt  }
0x51: {  	_ =	shalt  }
0x52: {  	_ =	shalt  }
0x53: {  	_ =	shalt  }
0x54: {  	_ =	shalt  }
0x55: {  	_ =	shalt  }
0x56: {  	_ =	shalt  }
0x57: {  	_ =	shalt  }
0x58: {  	_ =	shalt  }
0x59: {  	_ =	shalt  }
0x5a: {  	_ =	shalt  }
0x5b: {  	_ =	shalt  }
0x5c: {  	_ =	shalt  }
0x5d: {  	_ =	shalt  }
0x5e: {  	_ =	shalt  }
0x5f: {  	_ =	shalt  }
0x60: {  	_ =	shalt  }
0x61: {  	_ =	shalt  }
0x62: {  	_ =	shalt  }
0x63: {  	_ =	shalt  }
0x64: {  	_ =	shalt  }
0x65: {  	_ =	shalt  }
0x66: {  	_ =	shalt  }
0x67: {  	_ =	shalt  }
0x68: {  	_ =	shalt  }
0x69: {  	_ =	shalt  }
0x6a: {  	_ =	shalt  }
0x6b: {  	_ =	shalt  }
0x6c: {  	_ =	shalt  }
0x6d: {  	_ =	shalt  }
0x6e: {  	_ =	shalt  }
0x6f: {  	_ =	shalt  }
0x70: {  	_ =	shalt  }
0x71: {  	_ =	shalt  }
0x72: {  	_ =	shalt  }
0x73: {  	_ =	shalt  }
0x74: {  	_ =	shalt  }
0x75: {  	_ =	shalt  }
0x76: {  	_ =	shalt  }
0x77: {  	_ =	shalt  }
0x78: {  	_ =	shalt  }
0x79: {  	_ =	shalt  }
0x7a: {  	_ =	shalt  }
0x7b: {  	_ =	shalt  }
0x7c: {  	_ =	shalt  }
0x7d: {  	_ =	shalt  }
0x7e: {  	_ =	shalt  }
0x7f: {  	_ =	shalt  }
0x80: {  	_ =	shalt  }
0x81: {  	_ =	shalt  }
0x82: {  	_ =	shalt  }
0x83: {  	_ =	shalt  }
0x84: {  	_ =	shalt  }
0x85: {  	_ =	shalt  }
0x86: {  	_ =	shalt  }
0x87: {  	_ =	shalt  }
.Lfunc_end0:
.L_simem_size_0:
called_computation.5_lowered:
.L_overlay_start_0:
0x88: {  	s2 =	sld [smem:$0x3FD9]  }
0x89: {  	s3 =	sld [smem:$0x3FFE];
	_ =	sdelay $0x1  }
0x8a: {  	s1 =	srdreg.scid  }
0x8b: {  	s0 =	sand.u32 $0x1, s1  }
0x8c: {  	s17 =	sshll.u32 s0, $0xA;
	s2 =	sadd.s32 s3, s2  }
0x8d: {  	s2 =	sadd.s32 s2, s17  }
0x8e: {  	[smem:$0x3FBD] =	sst s2  }
0x8f: {  	_ = 	snop  }
0x90: {  	(tm) =	ssettm $0x1  }
0x91: {  	s18 =	sld [smem:$0x3FFB];
	_ =	sdelay $0x3  }
0x92: {  	_ =	strace s18  }
0x93: {  	s2 =	sld [smem:$0x3FFC];
	_ =	sdelay $0x3  }
0x94: {  	_ =	strace s2  }
0x95: {  	s2 =	sld [smem:$0x3FFD];
	_ =	sdelay $0x3  }
0x96: {  	_ =	strace s2  }
0x97: {  	_ =	strace $0x8FFFFFFF  }
0x98: {  	s19 =	sld [smem:$0x3FDB];
	_ =	sdelay $0x1  }
0x99: {  	s20 =	simm.s32 $_scs_section_size  }
0x9a: {  	s4 =	simm.s32 $_size__tile_overlayer_lowered;
	s5 =	simm.s32 $_tile_overlayer_lowered  }
0x9b: {  	s6 =	simm.s32 $0x1BFF;
	s21 =	sshll.u32 s5, $0x1;
	s3 =	sadd.s32 s20, s19  }
0x9c: {  	s22 =	simm.s32 $0x0;
	s4 =	sshll.u32 s4, $0x1;
	s5 =	sadd.s32 s21, s3  }
0x9d: {  	[timem:s22], [sflag:s6] =	dma.local [hbm:s5], s4  }
0x9e: {  	_ =	swait.ge [sflag:s6], s4  }
0x9f: {  	s4 =	ssub.s32 $0x0, s4;
	[sflag:s6] =	ssyncset.done $0x0  }
0xa0: {  	[sflag:s6] =	ssyncadd.s32 s4;
	_ =	sdelay $0x1  }
0xa1: {  	s23 =	simm.s32 $0x1B8B  }
0xa2: {  	_ =	swait.ge [sflag:s23], $0x1  }
0xa3: {  	[sflag:s23] =	ssyncset.done $0x0  }
0xa4: {  	[sflag:s23] =	ssyncadd.s32 $0xFFFFFFFF  }
0xa5: {  	s4 =	sld [smem:$0x0]  }
0xa6: {  	s5 =	sand.u32 $0xFFFFFFFE, s1  }
0xa7: {  	p0 =	sne.s32 s1, s5  }
0xa8: {  	s5 =	sshll.u32 @p0 s5, $0xE  }
0xa9: {  	s5 =	sadd.s32 @p0 $0x11B8D, s5;
	s6 =	sshll.u32 @p0 s4, $0x11  }
0xaa: {  	s5 =	sor.u32 @p0 s6, s5  }
0xab: {  	[sflag:s5] =	ssyncadd.remote.s32 @p0 $0x1;
	_ =	sdelay $0x1  }
0xac: {  	s5 =	simm.s32 @p0 $0x1B8D  }
0xad: {  	_ =	swait.eq @p0 [sflag:s5], $0x1  }
0xae: {  	[sflag:s5] =	ssyncadd.s32 @p0 $0xFFFFFFFF  }
0xaf: {  	s6 =	sshll.u32 @!p0 s1, $0xE  }
0xb0: {  	s6 =	sor.u32 @!p0 $0x4000, s6;
	s5 =	simm.s32 @!p0 $0x1B8D  }
0xb1: {  	s4 =	sshll.u32 @!p0 s4, $0x11;
	s6 =	sadd.s32 @!p0 $0x11B8D, s6;
	_ =	swait.eq @!p0 [sflag:s5], $0x1  }
0xb2: {  	s4 =	sor.u32 @!p0 s4, s6;
	[sflag:s5] =	ssyncadd.s32 @!p0 $0xFFFFFFFF  }
0xb3: {  	s25 =	simm.s32 $0x1B8E;
	s24 =	sld [smem:$0x3FFE];
	[sflag:s4] =	ssyncadd.remote.s32 @!p0 $0x1  }
0xb4: {  	s26 =	simm.s32 $execute0_lowered;
	[smem:$0x3FD2] =	sst s25  }
0xb5: {  	s5 =	sshll.u32 s26, $0x1;
	_ =	strace $0x80000049;
	[dreg:$0x1] =	wrdreg $0xFFFFFFFF  }
0xb6: {  	s28 =	simm.s32 $_size_execute0_lowered;
	s3 =	sadd.s32 s3, s5;
	[dreg:$0x0] =	wrdreg $0x0  }
0xb7: {  	s5 =	sshll.u32 s28, $0x1;
	[dreg:$0x2] =	wrdreg s3  }
0xb8: {  	[dreg:$0x3] =	wrdreg s5  }
0xb9: {  	[dreg:$0x4] =	wrdreg $0xC0  }
0xba: {  	_ =	task [dreg:s22], $0x5FFFF  }
0xbb: {  	[dreg:$0x1] =	wrdreg $0xFFFFFFFF  }
0xbc: {  	[dreg:$0x0] =	wrdreg $0x60  }
0xbd: {  	[dreg:$0x2] =	wrdreg s24  }
0xbe: {  	[dreg:$0x3] =	wrdreg $0xA  }
0xbf: {  	_ =	task.clear_ibuf [dreg:s22], $0x4FFFF;
	_ =	strace $0x90000049  }
0xc0: {  	s29 =	simm.s32 $0xA;
	_ =	strace $0x8000004B  }
0xc1: {  	_ =	swait.ge [sflag:s29], $0x1  }
0xc2: {  	[sflag:s29] =	ssyncadd.s32 $0xFFFFFFFF  }
0xc3: {  	_ =	strace $0x9000004B  }
0xc4: {  	_ =	sfence  }
0xc5: {  	s30 =	sld [smem:$0x0];
	_ =	sdelay $0x2  }
0xc6: {  	s31 =	sshll.u32 s1, $0xD;
	s1 =	sshrl.u32 s1, $0x2  }
0xc7: {  	s4 =	sand.u32 $0x4000, s31;
	s1 =	sadd.s32 s1, s30  }
0xc8: {  	s0 =	sor.u32 s4, s0;
	s1 =	sshll.u32 s1, $0x11  }
0xc9: {  	s0 =	sor.u32 s1, s0  }
0xca: {  	s0 =	sadd.s32 $0x8F2B, s0  }
0xcb: {  	[sflag:s0] =	ssyncadd.remote.s32 $0x1  }
0xcc: {  	_ =	sfence.sel $0xFFFF  }
0xcd: {  	[dreg:$0x0] =	wrdreg $0xFFFFFFFF;
	(pc) =	sbr.abs _section_cstart, $3  }
0xce: {  	[dreg:$0x1] =	wrdreg $0xFFFFFFFF  }
0xcf: {  	_ =	task.clear_ibuf [dreg:s22], $0x2FFFF;
	_ =	strace $0x9FFFFFFF  }
0xd0: {  	(tm) =	ssettm $0x7FFFFFFF  }
0xd1: {  	_ =	shalt  }
tec
execute0_lowered:
.L_overlay_start_1:
0x0: {  	(tag) =	ssettag $0x1  }
0x1: {  	s0 =	srdreg.scid  }
0x2: {  	s1 =	sshll.u32 s0, $0x4  }
0x3: {  	s0 =	stileid.u32;
	s1 =	sand.u32 $0x10, s1  }
0x4: {  	s1 =	sor.u32 s0, s1  }
0x5: {  	s2 =	smul.u32 $0x4E, s1  }
0x6: {  	s3 =	smin.u32 s1, $0x4  }
0x7: {  	s2 =	sadd.s32 s3, s2  }
0x8: {  	p0 =	slt.u32 s1, $0x4;
	s1 =	simm.s32 $0x62C0;
	s2 =	smul.u32 $0x140, s2  }
0x9: {  	s1 =	simm.s32 @!p0 $0x6180  }
0xa: {  	s1 =	sadd.s32 s1, s2  }
0xb: {  	s3 =	smin.u32 s1, $0xC3500  }
0xc: {  	s7 =	ssub.s32 s3, s2  }
0xd: {  	p0 =	sgt.s32 s7, $0x0  }
0xe: {  	s7 =	simm.s32 @!p0 $0x0  }
0xf: {  	s4 =	smulhi.u32 $0x66666667, s7  }
0x10: {  	s9 =	rddreg [dreg:$0x0];
	s6 =	simm.s32 $0x1;
	s11 =	simm.s32 $0x3  }
0x11: {  	s13 =	simm.s32 $0x0;
	s12 =	simm.s32 $0x0;
	s8 =	sshrl.u32 s4, $0x7  }
0x12: {  	s1 =	rddreg [dreg:$0x1];
	_ =	strace $0x8000004A;
	s10 =	smul.u32 $0x140, s8  }
.Ltmp0:
0x13: {  	s5 =	sadd.s32 $0x95800, s9;
	[sflag:s6] =	ssyncpa.u1 $0x0;
	(pc) =	sbr.rel .LBB2_1-.Ltmp0, $4  }
0x14: {  	s4 =	sadd.s32 $0xD13A00, s9;
	p0 =	sne.s32 s7, s10;
	s10 =	simm.s32 $0x1  }
0x15: {  	s9 =	sadd.s32 $0x1F63200, s9;
	s7 =	simm.s32 $0x2;
	s10 =	simm.s32 @!p0 $0x0  }
0x16: {  	[sflag:s7] =	ssyncpa.u1 $0x0;
	p0 =	por $0x0, $0x0;
	s8 =	sadd.s32 s10, s8  }
0x17: {  	vm0 =	vmmov $0xff;
	vm1 =	vcmask $0x3F20;
	[sflag:s11] =	ssyncpa.u1 $0x0;
	s11 =	smov.u32 s2;
	s10 =	sadd.s32 $0x1, s8  }
.LBB2_6:
0x18: {  	[hbm:s17] =	stream.linear.scatter [tilespmem:s14], [sflag:$0x3], $0x400, $0x38;
	[tilespmem:$0x14280] =	vst v63  }
.LBB2_7:
0x19: {  	s13 =	sadd.s32 $0x140, s11  }
0x1a: {  	s15 =	smov.u32 s2;
	p2 =	slt.s32 s13, s3  }
0x1b: {  	s15 =	smov.u32 @p2 s13;
	p2 =	sne.s32 s12, s10  }
.Ltmp1:
0x1c: {  	p1 =	slt.u32 s12, $0x2;
	(pc) =	sbr.rel @!p2 .LBB2_8-.Ltmp1, $4  }
0x1d: {  	s14 =	simm.s32 @!p1 $0x3  }
0x1e: {  	s16 =	sadd.s32 $0x1, s12;
	_ =	swait.ge @!p1 [sflag:s14], $0xA000  }
0x1f: {  	p0 =	por !p0, !p0;
	s13 =	smov.u32 s11;
	[sflag:s14] =	ssyncset.done @!p1 $0x0  }
0x20: {  	s12 =	smov.u32 s16;
	s11 =	smov.u32 s15;
	[sflag:s14] =	ssyncadd.s32 @!p1 $0xFFFF6000  }
.LBB2_1:
0x21: {  	p1 =	sge.u32 s12, s8  }
0x22: {  	s14 =	sxor.u32 @!p1 $0xFFFFFFFF, s12  }
0x23: {  	s14 =	sand.u32 @!p1 $0x1, s14  }
0x24: {  	s14 =	smul.u32 @!p1 $0x500, s14  }
0x25: {  	s31 =	sadd.s32 $0xFFFFFFFF, s12;
	s15 =	sshrl.u32 @!p1 s11, $0x3  }
0x26: {  	s16 =	sand.u32 @!p1 $0x7, s11;
	s15 =	sadd.s32 @!p1 s5, s15;
	s14 =	sshrl.u32 @!p1 s14, $0x2  }
0x27: {  	[tilespmem:s14], [sflag:$0x2] =	stream.linear.gather @!p1 [hbm4b:s15+s16], $0x140, $0x38;
	[tilespmem:$0x14280] =	vst v63  }
0x28: {  	p1 =	sge.u32 s31, s8  }
.Ltmp2:
0x29: {  	_ = 	snop;
	(pc) =	sbr.rel @p1 .LBB2_7-.Ltmp2, $1  }
0x2a: {  	_ =	sdelay $0x3  }
0x2b: {  	s14 =	simm.s32 $0x1  }
0x2c: {  	s14 =	simm.s32 @!p0 $0x0  }
0x2d: {  	s15 =	smul.u32 $0x500, s14  }
0x2e: {  	_ =	swait.ge [sflag:s7], $0x140  }
0x2f: {  	[sflag:s7] =	ssyncset.done $0x0;
	s16 =	sshrl.u32 s15, $0x2  }
0x30: {  	[sflag:s7] =	ssyncadd.s32 $0xFFFFFEC0;
	s15 =	sadd.s32 $0x0, s16  }
0x31: {  	v0 =	vld.msk [tilespmem:s15+$0x0 ss:$0x1], $0xffff;
	_ =	sdelay $0x4  }
0x32: {  	vm2 =	vgt.s32 v0, $0x0  }
0x33: {  	v0 =	vnsel vm2, $0x0, v0  }
0x34: {  	v0 =	vmin.u32 v0, $0x61A7F  }
0x35: {  	v0 =	vshll.u32 v0, $0x4  }
0x36: {  	s14 =	smul.u32 $0x28000, s14;
	_ =	sdelay $0x1  }
0x37: {  	s14 =	sshrl.u32 s14, $0x2  }
0x38: {  	s14 =	sor.u32 $0x280, s14  }
0x39: {  	[tilespmem:s14], [sflag:$0x1] =	stream.indirect_vreg.gather [hbm:s4], $0x80, v0, vm0, $0x38;
	[tilespmem:$0x14280] =	vst v63  }
0x3a: {  	s17 =	sadd.s32 $0x10, s16;
	s15 =	sadd.s32 $0x400, s14  }
0x3b: {  	[tilespmem:s15], [sflag:$0x1] =	stream.indirect_vreg.gather [hbm:s4], $0x80, v0, vm1, $0x38;
	[tilespmem:$0x14280] =	vst v63  }
0x3c: {  	s18 =	simm.s32 $0x80;
	v0 =	vld.msk [tilespmem:s17+$0x0 ss:$0x1], $0xffff;
	s17 =	smov.u32 s14  }
.LBB2_3:
0x3d: {  	p1 =	sne.s32 s18, $0x4C0;
	_ =	sdelay $0x4  }
0x3e: {  	vm2 =	vgt.s32 v0, $0x0  }
0x3f: {  	v0 =	vnsel vm2, $0x0, v0  }
0x40: {  	v0 =	vmin.u32 v0, $0x61A7F  }
0x41: {  	v0 =	vshll.u32 v0, $0x4;
	_ =	sdelay $0x3  }
.Ltmp3:
0x42: {  	s19 =	sshra.s32 s18, $0x2;
	s17 =	sadd.s32 $0x800, s17;
	(pc) =	sbr.rel @p1 .LBB2_3-.Ltmp3, $4  }
0x43: {  	[tilespmem:s17], [sflag:$0x1] =	stream.indirect_vreg.gather [hbm:s4], $0x80, v0, vm0, $0x38;
	[tilespmem:$0x14280] =	vst v63  }
0x44: {  	s19 =	sadd.s32 s19, s16;
	s20 =	sadd.s32 $0x400, s17  }
0x45: {  	[tilespmem:s20], [sflag:$0x1] =	stream.indirect_vreg.gather [hbm:s4], $0x80, v0, vm1, $0x38;
	[tilespmem:$0x14280] =	vst v63  }
0x46: {  	s18 =	sadd.s32 $0x40, s18;
	v0 =	vld.msk [tilespmem:s19+$0x0 ss:$0x1], $0xffff  }
0x47: {  	_ =	sdelay $0x3  }
0x48: {  	vm2 =	vgt.s32 v0, $0x0  }
0x49: {  	v0 =	vnsel vm2, $0x0, v0  }
0x4a: {  	v0 =	vmin.u32 v0, $0x61A7F  }
0x4b: {  	v0 =	vshll.u32 v0, $0x4;
	_ =	sdelay $0x3  }
0x4c: {  	s16 =	sadd.s32 $0x800, s17  }
0x4d: {  	[tilespmem:s16], [sflag:$0x1] =	stream.indirect_vreg.gather [hbm:s4], $0x80, v0, vm0, $0x38;
	[tilespmem:$0x14280] =	vst v63  }
0x4e: {  	s16 =	sadd.s32 $0x400, s16  }
0x4f: {  	[tilespmem:s16], [sflag:$0x1] =	stream.indirect_vreg.gather [hbm:s4], $0x80, v0, vm1, $0x38;
	[tilespmem:$0x14280] =	vst v63  }
0x50: {  	s13 =	sshll.u32 s13, $0x4;
	_ =	swait.ge [sflag:s6], $0xA000  }
0x51: {  	s13 =	sadd.s32 s13, s9;
	[sflag:s6] =	ssyncset.done $0x0  }
0x52: {  	s17 =	sadd.s32 $0x0, s13;
	s16 =	simm.s32 $0x80;
	[sflag:s6] =	ssyncadd.s32 $0xFFFF6000  }
.LBB2_5:
0x53: {  	[hbm:s17] =	stream.linear.scatter [tilespmem:s14], [sflag:$0x3], $0x400, $0x38;
	[tilespmem:$0x14280] =	vst v63  }
0x54: {  	s17 =	smov.u32 s16;
	s14 =	smov.u32 s15;
	p1 =	sne.s32 s16, $0x1380  }
.Ltmp4:
0x55: {  	s16 =	sadd.s32 $0x80, s16;
	(pc) =	sbr.rel @p1 .LBB2_5-.Ltmp4, $2  }
0x56: {  	_ =	sdelay $0x2  }
0x57: {  	s15 =	sadd.s32 $0x400, s15;
	s17 =	sadd.s32 s17, s13  }
.Ltmp5:
0x58: {  	_ = 	snop;
	(pc) =	sbr.rel .LBB2_6-.Ltmp5, $1  }
0x59: {  	_ =	sdelay $0x3  }
.LBB2_8:
0x5a: {  	_ =	sfence.sel $0x180000  }
0x5b: {  	s2 =	simm.s32 $0x2;
	[bflag:$0x0] =	sbarrier.arrive $0xFFFF  }
0x5c: {  	s30 =	simm.s32 $0x3;
	[sflag:s2] =	ssyncpa.u1 $0x1  }
0x5d: {  	s31 =	simm.s32 $0x1;
	[sflag:s30] =	ssyncpa.u1 $0x1  }
0x5e: {  	[sflag:s31] =	ssyncpa.u1 $0x1  }
0x5f: {  	p0 =	sne.s32 s0, $0x0;
	_ =	strace $0x9000004A  }
0x60: {  	s0 =	sadd.s32 @!p0 $0x100000, s1;
	[bflag:$0x2] =	sbarrier.arrive $0xFFFF  }
0x61: {  	[sflag:s0] =	ssyncadd.tile.s32 @!p0 $0x1;
	_ =	shalt  }
.Lfunc_end2:
_tile_overlayer_lowered:
.L_overlay_start_2:
0x62: {  	(tag) =	ssettag $0x2  }
0x63: {  	s0 =	rddreg [dreg:$0x0];
	s2 =	stileid.u32  }
0x64: {  	s1 =	rddreg [dreg:$0x1];
	p0 =	sne.s32 s2, $0x0  }
0x65: {  	s3 =	rddreg [dreg:$0x2];
	[bflag:$0x3] =	sbarrier.arrive $0xFFFF;
	s2 =	simm.s32 @!p0 $0x1C01  }
0x66: {  	[timem:s3], [sflag:s2] =	dma.local @!p0 [hbm:s0], s1  }
0x67: {  	s0 =	simm.s32 @!p0 $0x1  }
0x68: {  	_ =	swait.ge @!p0 [sflag:s0], s1  }
0x69: {  	s1 =	ssub.s32 @!p0 $0x0, s1;
	[sflag:s0] =	ssyncset.done @!p0 $0x0  }
0x6a: {  	[sflag:s0] =	ssyncadd.s32 @!p0 s1  }
0x6b: {  	[bflag:$0x3] =	sbarrier.arrive $0xFFFF  }
0x6c: {  	_ =	shalt  }

// kernel: scatter_offload_async_start.1
scs
__scs_entry_jumppad:
0x0: {  	(pc) =	sbr.rel $0x88, $3  }
0x1: {  	(tag) =	ssettag $0x0;
	lr =	simm.s32 $0x1  }
0x2: {  	[smem:$0x3F96] =	sst lr;
	_ =	strace $0xD0000000  }
0x3: {  	_ = 	snop  }
0x4: {  	_ = 	snop  }
0x5: {  	_ = 	snop  }
0x6: {  	_ = 	snop  }
0x7: {  	_ = 	snop  }
__scs_overlays_trampoline_lowered:
0x8: {  	[smem:$0x3FA5] =	sst s0  }
0x9: {  	[smem:$0x3FA6] =	sst s1  }
0xa: {  	[smem:$0x3FA7] =	sst s2  }
0xb: {  	[smem:$0x3FA8] =	sst s3  }
0xc: {  	[smem:$0x3FA9] =	sst s4  }
0xd: {  	[smem:$0x3FAA] =	sst s5  }
0xe: {  	[smem:$0x3FAB] =	sst s6  }
0xf: {  	[smem:$0x3FAC] =	sst s7  }
0x10: {  	[smem:$0x3FAD] =	sst s8  }
0x11: {  	[smem:$0x3FAE] =	sst s9;
	s0 =	simm.s32 @!p0 $0x0  }
0x12: {  	s1 =	sld [smem:$0x3F94];
	s0 =	simm.s32 @p0 $0x1  }
0x13: {  	[smem:$0x3FAF] =	sst s0;
	s0 =	simm.s32 @!p1 $0x0  }
0x14: {  	s2 =	sld [smem:$0x3F93];
	s0 =	simm.s32 @p1 $0x1  }
0x15: {  	[smem:$0x3FB0] =	sst s0;
	s0 =	simm.s32 @!p2 $0x0  }
0x16: {  	s3 =	sld [smem:$0x3FDB];
	s0 =	simm.s32 @p2 $0x1  }
0x17: {  	s4 =	simm.s32 $0x1BF5;
	[smem:$0x3FB2] =	sst s0  }
0x18: {  	s0 =	sld [smem:$0x3F95];
	_ =	swait.ge [sflag:s4], $0x0  }
0x19: {  	s7 =	sld [smem:$0x3F96]  }
0x1a: {  	s8 =	sadd.s32 $0xFFFFE003, lr  }
0x1b: {  	s9 =	sadd.s32 $0xFFFFFEF7, lr;
	s5 =	simm.s32 $0xFFFFFFFF;
	p2 =	slt.u32 s8, $0xFFFFF086  }
0x1c: {  	p1 =	slt.u32 s9, $0xF7A;
	s5 =	simm.s32 @!p2 $0x0  }
0x1d: {  	s5 =	simm.s32 @p1 $0x1;
	p0 =	seq.s32 s7, s2  }
0x1e: {  	s7 =	smul.u32 @!p0 $0xF7A, s2;
	p2 =	seq.s32 @!p0 s5, $0x0  }
0x1f: {  	s9 =	smul.u32 $0xF7A, s1;
	s8 =	simm.s32 @!p0 $0x1BF5;
	p2 =	por !p2, p0  }
0x20: {  	[sflag:s8] =	ssyncset.s32 @!p0 $0xFFFFF086;
	s6 =	sadd.s32 @!p0 s3, s7;
	s7 =	simm.s32 @!p0 $0x108  }
0x21: {  	s3 =	sadd.s32 s3, s9;
	s6 =	sadd.s32 @!p0 $0x88, s6;
	s7 =	simm.s32 @p2 $0x1082  }
0x22: {  	[simem:s7], [sflag:s8] =	dma.local @!p0 [hbm:s6], $0xF7A  }
0x23: {  	s9 =	sor.u32 $0xD0000000, s2;
	s6 =	simm.s32 $0x108;
	_ =	swait.ge @!p0 [sflag:s8], $0x0  }
0x24: {  	s3 =	sadd.s32 $0x88, s3;
	s6 =	simm.s32 @!p1 $0x1082;
	[sflag:s4] =	ssyncset.s32 $0xFFFFF086  }
0x25: {  	[simem:s6], [sflag:s4] =	dma.local [hbm:s3], $0xF7A  }
0x26: {  	[smem:$0x3F96] =	sst s1;
	(tag) =	ssettag s2;
	_ =	strace s9  }
0x27: {  	s1 =	sld [smem:$0x3FA6]  }
0x28: {  	s2 =	sld [smem:$0x3FA7]  }
0x29: {  	s4 =	sld [smem:$0x3FA9]  }
0x2a: {  	p0 =	seq.s32 s5, $0x0;
	s5 =	sld [smem:$0x3FAA]  }
0x2b: {  	s6 =	sld [smem:$0x3FAB]  }
0x2c: {  	s7 =	sld [smem:$0x3FAC]  }
0x2d: {  	s3 =	simm.s32 $0x108;
	s8 =	sld [smem:$0x3FAD]  }
0x2e: {  	s3 =	simm.s32 @!p0 $0x1082;
	s9 =	sld [smem:$0x3FAE]  }
0x2f: {  	lr =	sadd.s32 s0, s3;
	s0 =	sld [smem:$0x3FA5]  }
0x30: {  	s3 =	sld [smem:$0x3FA8]  }
0x31: {  	[smem:$0x3FB1] =	sst s10  }
0x32: {  	s10 =	sld [smem:$0x3FAF];
	_ =	sdelay $0x3  }
0x33: {  	p0 =	seq.s32 s10, $0x1;
	s10 =	sld [smem:$0x3FB1];
	_ =	sdelay $0x3  }
0x34: {  	[smem:$0x3FB1] =	sst s10  }
0x35: {  	s10 =	sld [smem:$0x3FB0];
	_ =	sdelay $0x3  }
0x36: {  	p1 =	seq.s32 s10, $0x1;
	s10 =	sld [smem:$0x3FB1];
	_ =	sdelay $0x3  }
0x37: {  	[smem:$0x3FB1] =	sst s10  }
0x38: {  	s10 =	sld [smem:$0x3FB2]  }
0x39: {  	_ = 	snop;
	(pc) =	sbr.ind lr, $3  }
0x3a: {  	_ = 	snop  }
0x3b: {  	_ = 	snop  }
0x3c: {  	p2 =	seq.s32 s10, $0x1;
	s10 =	sld [smem:$0x3FB1]  }
0x3d: {  	_ =	shalt  }
0x3e: {  	_ =	shalt  }
0x3f: {  	_ =	shalt  }
0x40: {  	_ =	shalt  }
0x41: {  	_ =	shalt  }
0x42: {  	_ =	shalt  }
0x43: {  	_ =	shalt  }
0x44: {  	_ =	shalt  }
0x45: {  	_ =	shalt  }
0x46: {  	_ =	shalt  }
0x47: {  	_ =	shalt  }
0x48: {  	_ =	shalt  }
0x49: {  	_ =	shalt  }
0x4a: {  	_ =	shalt  }
0x4b: {  	_ =	shalt  }
0x4c: {  	_ =	shalt  }
0x4d: {  	_ =	shalt  }
0x4e: {  	_ =	shalt  }
0x4f: {  	_ =	shalt  }
0x50: {  	_ =	shalt  }
0x51: {  	_ =	shalt  }
0x52: {  	_ =	shalt  }
0x53: {  	_ =	shalt  }
0x54: {  	_ =	shalt  }
0x55: {  	_ =	shalt  }
0x56: {  	_ =	shalt  }
0x57: {  	_ =	shalt  }
0x58: {  	_ =	shalt  }
0x59: {  	_ =	shalt  }
0x5a: {  	_ =	shalt  }
0x5b: {  	_ =	shalt  }
0x5c: {  	_ =	shalt  }
0x5d: {  	_ =	shalt  }
0x5e: {  	_ =	shalt  }
0x5f: {  	_ =	shalt  }
0x60: {  	_ =	shalt  }
0x61: {  	_ =	shalt  }
0x62: {  	_ =	shalt  }
0x63: {  	_ =	shalt  }
0x64: {  	_ =	shalt  }
0x65: {  	_ =	shalt  }
0x66: {  	_ =	shalt  }
0x67: {  	_ =	shalt  }
0x68: {  	_ =	shalt  }
0x69: {  	_ =	shalt  }
0x6a: {  	_ =	shalt  }
0x6b: {  	_ =	shalt  }
0x6c: {  	_ =	shalt  }
0x6d: {  	_ =	shalt  }
0x6e: {  	_ =	shalt  }
0x6f: {  	_ =	shalt  }
0x70: {  	_ =	shalt  }
0x71: {  	_ =	shalt  }
0x72: {  	_ =	shalt  }
0x73: {  	_ =	shalt  }
0x74: {  	_ =	shalt  }
0x75: {  	_ =	shalt  }
0x76: {  	_ =	shalt  }
0x77: {  	_ =	shalt  }
0x78: {  	_ =	shalt  }
0x79: {  	_ =	shalt  }
0x7a: {  	_ =	shalt  }
0x7b: {  	_ =	shalt  }
0x7c: {  	_ =	shalt  }
0x7d: {  	_ =	shalt  }
0x7e: {  	_ =	shalt  }
0x7f: {  	_ =	shalt  }
0x80: {  	_ =	shalt  }
0x81: {  	_ =	shalt  }
0x82: {  	_ =	shalt  }
0x83: {  	_ =	shalt  }
0x84: {  	_ =	shalt  }
0x85: {  	_ =	shalt  }
0x86: {  	_ =	shalt  }
0x87: {  	_ =	shalt  }
.Lfunc_end0:
.L_simem_size_0:
called_computation.1_lowered:
.L_overlay_start_0:
0x88: {  	s2 =	sld [smem:$0x3FD9]  }
0x89: {  	s3 =	sld [smem:$0x3FFE];
	_ =	sdelay $0x1  }
0x8a: {  	s1 =	srdreg.scid  }
0x8b: {  	s0 =	sand.u32 $0x1, s1  }
0x8c: {  	s15 =	sshll.u32 s0, $0xA;
	s2 =	sadd.s32 s3, s2  }
0x8d: {  	s2 =	sadd.s32 s2, s15  }
0x8e: {  	[smem:$0x3FBD] =	sst s2  }
0x8f: {  	_ = 	snop  }
0x90: {  	(tm) =	ssettm $0x1  }
0x91: {  	s16 =	sld [smem:$0x3FFB];
	_ =	sdelay $0x3  }
0x92: {  	_ =	strace s16  }
0x93: {  	s2 =	sld [smem:$0x3FFC];
	_ =	sdelay $0x3  }
0x94: {  	_ =	strace s2  }
0x95: {  	s2 =	sld [smem:$0x3FFD];
	_ =	sdelay $0x3  }
0x96: {  	_ =	strace s2  }
0x97: {  	_ =	strace $0x8FFFFFFF  }
0x98: {  	s17 =	sld [smem:$0x3FDB];
	_ =	sdelay $0x1  }
0x99: {  	s18 =	simm.s32 $_scs_section_size  }
0x9a: {  	s4 =	simm.s32 $_size__tile_overlayer_lowered;
	s5 =	simm.s32 $_tile_overlayer_lowered  }
0x9b: {  	s21 =	simm.s32 $0x1BFF;
	s20 =	sshll.u32 s5, $0x1;
	s2 =	sadd.s32 s18, s17  }
0x9c: {  	s6 =	simm.s32 $0x0;
	s19 =	sshll.u32 s4, $0x1;
	s4 =	sadd.s32 s20, s2  }
0x9d: {  	[timem:s6], [sflag:s21] =	dma.local [hbm:s4], s19  }
0x9e: {  	_ =	swait.ge [sflag:s21], s19  }
0x9f: {  	s3 =	ssub.s32 $0x0, s19;
	[sflag:s21] =	ssyncset.done $0x0  }
0xa0: {  	[sflag:s21] =	ssyncadd.s32 s3;
	_ =	sdelay $0x1  }
0xa1: {  	s22 =	simm.s32 $0x1B8B  }
0xa2: {  	_ =	swait.ge [sflag:s22], $0x1  }
0xa3: {  	[sflag:s22] =	ssyncset.done $0x0  }
0xa4: {  	s23 =	sld [smem:$0x3FFE];
	[sflag:s22] =	ssyncadd.s32 $0xFFFFFFFF  }
0xa5: {  	s25 =	simm.s32 $0x1B8E;
	s24 =	sld [smem:$0x0]  }
0xa6: {  	s26 =	simm.s32 $execute0_lowered;
	[smem:$0x3FD2] =	sst s25  }
0xa7: {  	s5 =	sshll.u32 s26, $0x1;
	_ =	strace $0x80000058;
	[dreg:$0x1] =	wrdreg $0xFFFFFFFF  }
0xa8: {  	s28 =	simm.s32 $_size_execute0_lowered;
	s2 =	sadd.s32 s2, s5;
	[dreg:$0x0] =	wrdreg $0x0  }
0xa9: {  	s5 =	sshll.u32 s28, $0x1;
	[dreg:$0x2] =	wrdreg s2  }
0xaa: {  	[dreg:$0x3] =	wrdreg s5  }
0xab: {  	[dreg:$0x4] =	wrdreg $0xC0  }
0xac: {  	_ =	task [dreg:s6], $0x5FFFF  }
0xad: {  	[dreg:$0x1] =	wrdreg $0xFFFFFFFF  }
0xae: {  	[dreg:$0x0] =	wrdreg $0x60  }
0xaf: {  	[dreg:$0x2] =	wrdreg s23  }
0xb0: {  	[dreg:$0x3] =	wrdreg s1  }
0xb1: {  	[dreg:$0x4] =	wrdreg s24  }
0xb2: {  	[dreg:$0x5] =	wrdreg $0x9  }
0xb3: {  	_ =	task.clear_ibuf [dreg:s6], $0x6FFFF;
	_ =	strace $0x90000058  }
0xb4: {  	s29 =	simm.s32 $0x9;
	_ =	strace $0x8000005A  }
0xb5: {  	_ =	swait.ge [sflag:s29], $0x1  }
0xb6: {  	[sflag:s29] =	ssyncadd.s32 $0xFFFFFFFF  }
0xb7: {  	_ =	strace $0x9000005A  }
0xb8: {  	_ =	sfence  }
0xb9: {  	s30 =	sld [smem:$0x0];
	_ =	sdelay $0x2  }
0xba: {  	s31 =	sshll.u32 s1, $0xD;
	s1 =	sshrl.u32 s1, $0x2  }
0xbb: {  	s3 =	sand.u32 $0x4000, s31;
	s1 =	sadd.s32 s1, s30  }
0xbc: {  	s0 =	sor.u32 s3, s0;
	s1 =	sshll.u32 s1, $0x11  }
0xbd: {  	s0 =	sor.u32 s1, s0  }
0xbe: {  	s0 =	sadd.s32 $0x8F2B, s0  }
0xbf: {  	[sflag:s0] =	ssyncadd.remote.s32 $0x1  }
0xc0: {  	_ =	sfence.sel $0xFFFF  }
0xc1: {  	[dreg:$0x0] =	wrdreg $0xFFFFFFFF;
	(pc) =	sbr.abs _section_cstart, $3  }
0xc2: {  	[dreg:$0x1] =	wrdreg $0xFFFFFFFF  }
0xc3: {  	_ =	task.clear_ibuf [dreg:s6], $0x2FFFF;
	_ =	strace $0x9FFFFFFF  }
0xc4: {  	(tm) =	ssettm $0x7FFFFFFF  }
0xc5: {  	_ =	shalt  }
tec
execute0_lowered:
.L_overlay_start_1:
0x0: {  	(tag) =	ssettag $0x1  }
0x1: {  	s6 =	rddreg [dreg:$0x0]  }
0x2: {  	s2 =	rddreg [dreg:$0x1];
	_ =	strace $0x80000059;
	s7 =	simm.s32 $0x1  }
0x3: {  	v0 =	vimm.s32 $0x0;
	[sflag:s7] =	ssyncpa.u1 $0x0  }
0x4: {  	[tilespmem:$0x48] =	vst v0  }
0x5: {  	[tilespmem:$0x58] =	vst v0  }
0x6: {  	[tilespmem:$0x68] =	vst v0  }
0x7: {  	[tilespmem:$0x78] =	vst v0  }
0x8: {  	[tilespmem:$0x88] =	vst v0  }
0x9: {  	[tilespmem:$0x98] =	vst v0  }
0xa: {  	[tilespmem:$0xA8] =	vst v0  }
0xb: {  	[tilespmem:$0xB8] =	vst v0  }
0xc: {  	[tilespmem:$0xC8] =	vst v0  }
0xd: {  	[tilespmem:$0xD8] =	vst v0  }
0xe: {  	[tilespmem:$0xE8] =	vst v0  }
0xf: {  	[tilespmem:$0xF8] =	vst v0  }
0x10: {  	[tilespmem:$0x108] =	vst v0  }
0x11: {  	[tilespmem:$0x118] =	vst v0  }
0x12: {  	[tilespmem:$0x128] =	vst v0  }
0x13: {  	[tilespmem:$0x138] =	vst v0  }
0x14: {  	[tilespmem:$0x148] =	vst v0  }
0x15: {  	[tilespmem:$0x158] =	vst v0  }
0x16: {  	[tilespmem:$0x168] =	vst v0  }
0x17: {  	[tilespmem:$0x178] =	vst v0  }
0x18: {  	[tilespmem:$0x188] =	vst v0  }
0x19: {  	[tilespmem:$0x198] =	vst v0  }
0x1a: {  	[tilespmem:$0x1A8] =	vst v0  }
0x1b: {  	[tilespmem:$0x1B8] =	vst v0  }
0x1c: {  	[tilespmem:$0x1C8] =	vst v0  }
0x1d: {  	[tilespmem:$0x1D8] =	vst v0  }
0x1e: {  	[tilespmem:$0x1E8] =	vst v0  }
0x1f: {  	[tilespmem:$0x1F8] =	vst v0  }
0x20: {  	[tilespmem:$0x208] =	vst v0  }
0x21: {  	[tilespmem:$0x218] =	vst v0  }
0x22: {  	[tilespmem:$0x228] =	vst v0  }
0x23: {  	[tilespmem:$0x238] =	vst v0  }
0x24: {  	[tilespmem:$0x248] =	vst v0  }
0x25: {  	[tilespmem:$0x258] =	vst v0  }
0x26: {  	[tilespmem:$0x268] =	vst v0  }
0x27: {  	[tilespmem:$0x278] =	vst v0  }
0x28: {  	[tilespmem:$0x288] =	vst v0  }
0x29: {  	[tilespmem:$0x298] =	vst v0  }
0x2a: {  	[tilespmem:$0x2A8] =	vst v0  }
0x2b: {  	[tilespmem:$0x2B8] =	vst v0  }
0x2c: {  	[tilespmem:$0x2C8] =	vst v0  }
0x2d: {  	[tilespmem:$0x2D8] =	vst v0  }
0x2e: {  	[tilespmem:$0x2E8] =	vst v0  }
0x2f: {  	[tilespmem:$0x2F8] =	vst v0  }
0x30: {  	[tilespmem:$0x308] =	vst v0  }
0x31: {  	[tilespmem:$0x318] =	vst v0  }
0x32: {  	[tilespmem:$0x328] =	vst v0  }
0x33: {  	[tilespmem:$0x338] =	vst v0  }
0x34: {  	[tilespmem:$0x348] =	vst v0  }
0x35: {  	[tilespmem:$0x358] =	vst v0  }
0x36: {  	[tilespmem:$0x368] =	vst v0  }
0x37: {  	[tilespmem:$0x378] =	vst v0  }
0x38: {  	[tilespmem:$0x388] =	vst v0  }
0x39: {  	[tilespmem:$0x398] =	vst v0  }
0x3a: {  	[tilespmem:$0x3A8] =	vst v0  }
0x3b: {  	[tilespmem:$0x3B8] =	vst v0  }
0x3c: {  	[tilespmem:$0x3C8] =	vst v0  }
0x3d: {  	[tilespmem:$0x3D8] =	vst v0  }
0x3e: {  	[tilespmem:$0x3E8] =	vst v0  }
0x3f: {  	[tilespmem:$0x3F8] =	vst v0  }
0x40: {  	[tilespmem:$0x408] =	vst v0  }
0x41: {  	[tilespmem:$0x418] =	vst v0  }
0x42: {  	[tilespmem:$0x428] =	vst v0  }
0x43: {  	[tilespmem:$0x438] =	vst v0  }
0x44: {  	[tilespmem:$0x448] =	vst v0  }
0x45: {  	[tilespmem:$0x458] =	vst v0  }
0x46: {  	[tilespmem:$0x468] =	vst v0  }
0x47: {  	[tilespmem:$0x478] =	vst v0  }
0x48: {  	[tilespmem:$0x488] =	vst v0  }
0x49: {  	[tilespmem:$0x498] =	vst v0  }
0x4a: {  	[tilespmem:$0x4A8] =	vst v0  }
0x4b: {  	[tilespmem:$0x4B8] =	vst v0  }
0x4c: {  	[tilespmem:$0x4C8] =	vst v0  }
0x4d: {  	[tilespmem:$0x4D8] =	vst v0  }
0x4e: {  	[tilespmem:$0x4E8] =	vst v0  }
0x4f: {  	[tilespmem:$0x4F8] =	vst v0  }
0x50: {  	[tilespmem:$0x508] =	vst v0  }
0x51: {  	[tilespmem:$0x518] =	vst v0  }
0x52: {  	[tilespmem:$0x528] =	vst v0  }
0x53: {  	[tilespmem:$0x538] =	vst v0  }
0x54: {  	[tilespmem:$0x548] =	vst v0  }
0x55: {  	[tilespmem:$0x558] =	vst v0  }
0x56: {  	[tilespmem:$0x568] =	vst v0  }
0x57: {  	[tilespmem:$0x578] =	vst v0  }
0x58: {  	[tilespmem:$0x588] =	vst v0  }
0x59: {  	[tilespmem:$0x598] =	vst v0  }
0x5a: {  	[tilespmem:$0x5A8] =	vst v0  }
0x5b: {  	[tilespmem:$0x5B8] =	vst v0  }
0x5c: {  	[tilespmem:$0x5C8] =	vst v0  }
0x5d: {  	[tilespmem:$0x5D8] =	vst v0  }
0x5e: {  	[tilespmem:$0x5E8] =	vst v0  }
0x5f: {  	[tilespmem:$0x5F8] =	vst v0  }
0x60: {  	[tilespmem:$0x608] =	vst v0  }
0x61: {  	[tilespmem:$0x618] =	vst v0  }
0x62: {  	[tilespmem:$0x628] =	vst v0  }
0x63: {  	[tilespmem:$0x638] =	vst v0  }
0x64: {  	[tilespmem:$0x648] =	vst v0  }
0x65: {  	[tilespmem:$0x658] =	vst v0  }
0x66: {  	[tilespmem:$0x668] =	vst v0  }
0x67: {  	[tilespmem:$0x678] =	vst v0  }
0x68: {  	[tilespmem:$0x688] =	vst v0  }
0x69: {  	[tilespmem:$0x698] =	vst v0  }
0x6a: {  	[tilespmem:$0x6A8] =	vst v0  }
0x6b: {  	[tilespmem:$0x6B8] =	vst v0  }
0x6c: {  	[tilespmem:$0x6C8] =	vst v0  }
0x6d: {  	[tilespmem:$0x6D8] =	vst v0  }
0x6e: {  	[tilespmem:$0x6E8] =	vst v0  }
0x6f: {  	[tilespmem:$0x6F8] =	vst v0  }
0x70: {  	[tilespmem:$0x708] =	vst v0  }
0x71: {  	[tilespmem:$0x718] =	vst v0  }
0x72: {  	[tilespmem:$0x728] =	vst v0  }
0x73: {  	[tilespmem:$0x738] =	vst v0  }
0x74: {  	[tilespmem:$0x748] =	vst v0  }
0x75: {  	[tilespmem:$0x758] =	vst v0  }
0x76: {  	[tilespmem:$0x768] =	vst v0  }
0x77: {  	[tilespmem:$0x778] =	vst v0  }
0x78: {  	[tilespmem:$0x788] =	vst v0  }
0x79: {  	[tilespmem:$0x798] =	vst v0  }
0x7a: {  	[tilespmem:$0x7A8] =	vst v0  }
0x7b: {  	[tilespmem:$0x7B8] =	vst v0  }
0x7c: {  	[tilespmem:$0x7C8] =	vst v0  }
0x7d: {  	[tilespmem:$0x7D8] =	vst v0  }
0x7e: {  	[tilespmem:$0x7E8] =	vst v0  }
0x7f: {  	[tilespmem:$0x7F8] =	vst v0  }
0x80: {  	[tilespmem:$0x808] =	vst v0  }
0x81: {  	[tilespmem:$0x818] =	vst v0  }
0x82: {  	[tilespmem:$0x828] =	vst v0  }
0x83: {  	[tilespmem:$0x838] =	vst v0  }
0x84: {  	[tilespmem:$0x848] =	vst v0  }
0x85: {  	[tilespmem:$0x858] =	vst v0  }
0x86: {  	[tilespmem:$0x868] =	vst v0  }
0x87: {  	[tilespmem:$0x878] =	vst v0  }
0x88: {  	[tilespmem:$0x888] =	vst v0  }
0x89: {  	[tilespmem:$0x898] =	vst v0  }
0x8a: {  	[tilespmem:$0x8A8] =	vst v0  }
0x8b: {  	[tilespmem:$0x8B8] =	vst v0  }
0x8c: {  	[tilespmem:$0x8C8] =	vst v0  }
0x8d: {  	[tilespmem:$0x8D8] =	vst v0  }
0x8e: {  	[tilespmem:$0x8E8] =	vst v0  }
0x8f: {  	[tilespmem:$0x8F8] =	vst v0  }
0x90: {  	[tilespmem:$0x908] =	vst v0  }
0x91: {  	[tilespmem:$0x918] =	vst v0  }
0x92: {  	[tilespmem:$0x928] =	vst v0  }
0x93: {  	[tilespmem:$0x938] =	vst v0  }
0x94: {  	[tilespmem:$0x948] =	vst v0  }
0x95: {  	[tilespmem:$0x958] =	vst v0  }
0x96: {  	[tilespmem:$0x968] =	vst v0  }
0x97: {  	[tilespmem:$0x978] =	vst v0  }
0x98: {  	[tilespmem:$0x988] =	vst v0  }
0x99: {  	[tilespmem:$0x998] =	vst v0  }
0x9a: {  	[tilespmem:$0x9A8] =	vst v0  }
0x9b: {  	[tilespmem:$0x9B8] =	vst v0  }
0x9c: {  	[tilespmem:$0x9C8] =	vst v0  }
0x9d: {  	[tilespmem:$0x9D8] =	vst v0  }
0x9e: {  	[tilespmem:$0x9E8] =	vst v0  }
0x9f: {  	[tilespmem:$0x9F8] =	vst v0  }
0xa0: {  	[tilespmem:$0xA08] =	vst v0  }
0xa1: {  	[tilespmem:$0xA18] =	vst v0  }
0xa2: {  	[tilespmem:$0xA28] =	vst v0  }
0xa3: {  	[tilespmem:$0xA38] =	vst v0  }
0xa4: {  	[tilespmem:$0xA48] =	vst v0  }
0xa5: {  	[tilespmem:$0xA58] =	vst v0  }
0xa6: {  	[tilespmem:$0xA68] =	vst v0  }
0xa7: {  	[tilespmem:$0xA78] =	vst v0  }
0xa8: {  	[tilespmem:$0xA88] =	vst v0  }
0xa9: {  	[tilespmem:$0xA98] =	vst v0  }
0xaa: {  	[tilespmem:$0xAA8] =	vst v0  }
0xab: {  	[tilespmem:$0xAB8] =	vst v0  }
0xac: {  	[tilespmem:$0xAC8] =	vst v0  }
0xad: {  	[tilespmem:$0xAD8] =	vst v0  }
0xae: {  	[tilespmem:$0xAE8] =	vst v0  }
0xaf: {  	[tilespmem:$0xAF8] =	vst v0  }
0xb0: {  	[tilespmem:$0xB08] =	vst v0  }
0xb1: {  	[tilespmem:$0xB18] =	vst v0  }
0xb2: {  	[tilespmem:$0xB28] =	vst v0  }
0xb3: {  	[tilespmem:$0xB38] =	vst v0  }
0xb4: {  	[tilespmem:$0xB48] =	vst v0  }
0xb5: {  	[tilespmem:$0xB58] =	vst v0  }
0xb6: {  	[tilespmem:$0xB68] =	vst v0  }
0xb7: {  	[tilespmem:$0xB78] =	vst v0  }
0xb8: {  	[tilespmem:$0xB88] =	vst v0  }
0xb9: {  	[tilespmem:$0xB98] =	vst v0  }
0xba: {  	[tilespmem:$0xBA8] =	vst v0  }
0xbb: {  	[tilespmem:$0xBB8] =	vst v0  }
0xbc: {  	[tilespmem:$0xBC8] =	vst v0  }
0xbd: {  	[tilespmem:$0xBD8] =	vst v0  }
0xbe: {  	[tilespmem:$0xBE8] =	vst v0  }
0xbf: {  	[tilespmem:$0xBF8] =	vst v0  }
0xc0: {  	[tilespmem:$0xC08] =	vst v0  }
0xc1: {  	[tilespmem:$0xC18] =	vst v0  }
0xc2: {  	[tilespmem:$0xC28] =	vst v0  }
0xc3: {  	[tilespmem:$0xC38] =	vst v0  }
0xc4: {  	[tilespmem:$0xC48] =	vst v0  }
0xc5: {  	[tilespmem:$0xC58] =	vst v0  }
0xc6: {  	[tilespmem:$0xC68] =	vst v0  }
0xc7: {  	[tilespmem:$0xC78] =	vst v0  }
0xc8: {  	[tilespmem:$0xC88] =	vst v0  }
0xc9: {  	[tilespmem:$0xC98] =	vst v0  }
0xca: {  	[tilespmem:$0xCA8] =	vst v0  }
0xcb: {  	[tilespmem:$0xCB8] =	vst v0  }
0xcc: {  	[tilespmem:$0xCC8] =	vst v0  }
0xcd: {  	[tilespmem:$0xCD8] =	vst v0  }
0xce: {  	[tilespmem:$0xCE8] =	vst v0  }
0xcf: {  	[tilespmem:$0xCF8] =	vst v0  }
0xd0: {  	[tilespmem:$0xD08] =	vst v0  }
0xd1: {  	[tilespmem:$0xD18] =	vst v0  }
0xd2: {  	[tilespmem:$0xD28] =	vst v0  }
0xd3: {  	[tilespmem:$0xD38] =	vst v0  }
0xd4: {  	[tilespmem:$0xD48] =	vst v0  }
0xd5: {  	[tilespmem:$0xD58] =	vst v0  }
0xd6: {  	[tilespmem:$0xD68] =	vst v0  }
0xd7: {  	[tilespmem:$0xD78] =	vst v0  }
0xd8: {  	[tilespmem:$0xD88] =	vst v0  }
0xd9: {  	[tilespmem:$0xD98] =	vst v0  }
0xda: {  	[tilespmem:$0xDA8] =	vst v0  }
0xdb: {  	[tilespmem:$0xDB8] =	vst v0  }
0xdc: {  	[tilespmem:$0xDC8] =	vst v0  }
0xdd: {  	[tilespmem:$0xDD8] =	vst v0  }
0xde: {  	[tilespmem:$0xDE8] =	vst v0  }
0xdf: {  	[tilespmem:$0xDF8] =	vst v0  }
0xe0: {  	[tilespmem:$0xE08] =	vst v0  }
0xe1: {  	[tilespmem:$0xE18] =	vst v0  }
0xe2: {  	[tilespmem:$0xE28] =	vst v0  }
0xe3: {  	[tilespmem:$0xE38] =	vst v0  }
0xe4: {  	[tilespmem:$0xE48] =	vst v0  }
0xe5: {  	[tilespmem:$0xE58] =	vst v0  }
0xe6: {  	[tilespmem:$0xE68] =	vst v0  }
0xe7: {  	[tilespmem:$0xE78] =	vst v0  }
0xe8: {  	[tilespmem:$0xE88] =	vst v0  }
0xe9: {  	[tilespmem:$0xE98] =	vst v0  }
0xea: {  	[tilespmem:$0xEA8] =	vst v0  }
0xeb: {  	[tilespmem:$0xEB8] =	vst v0  }
0xec: {  	[tilespmem:$0xEC8] =	vst v0  }
0xed: {  	[tilespmem:$0xED8] =	vst v0  }
0xee: {  	[tilespmem:$0xEE8] =	vst v0  }
0xef: {  	[tilespmem:$0xEF8] =	vst v0  }
0xf0: {  	[tilespmem:$0xF08] =	vst v0  }
0xf1: {  	[tilespmem:$0xF18] =	vst v0  }
0xf2: {  	[tilespmem:$0xF28] =	vst v0  }
0xf3: {  	[tilespmem:$0xF38] =	vst v0  }
0xf4: {  	[tilespmem:$0xF48] =	vst v0  }
0xf5: {  	[tilespmem:$0xF58] =	vst v0  }
0xf6: {  	[tilespmem:$0xF68] =	vst v0  }
0xf7: {  	[tilespmem:$0xF78] =	vst v0  }
0xf8: {  	[tilespmem:$0xF88] =	vst v0  }
0xf9: {  	[tilespmem:$0xF98] =	vst v0  }
0xfa: {  	[tilespmem:$0xFA8] =	vst v0  }
0xfb: {  	[tilespmem:$0xFB8] =	vst v0  }
0xfc: {  	[tilespmem:$0xFC8] =	vst v0  }
0xfd: {  	[tilespmem:$0xFD8] =	vst v0  }
0xfe: {  	[tilespmem:$0xFE8] =	vst v0  }
0xff: {  	[tilespmem:$0xFF8] =	vst v0  }
0x100: {  	[tilespmem:$0x1008] =	vst v0  }
0x101: {  	[tilespmem:$0x1018] =	vst v0  }
0x102: {  	[tilespmem:$0x1028] =	vst v0  }
0x103: {  	[tilespmem:$0x1178] =	vst v0  }
0x104: {  	[tilespmem:$0x1038] =	vst v0  }
0x105: {  	[tilespmem:$0x1048] =	vst v0  }
0x106: {  	[tilespmem:$0x1058] =	vst v0  }
0x107: {  	[tilespmem:$0x1068] =	vst v0  }
0x108: {  	[tilespmem:$0x1078] =	vst v0  }
0x109: {  	[tilespmem:$0x1088] =	vst v0  }
0x10a: {  	[tilespmem:$0x1098] =	vst v0  }
0x10b: {  	[tilespmem:$0x10A8] =	vst v0  }
0x10c: {  	[tilespmem:$0x10B8] =	vst v0  }
0x10d: {  	[tilespmem:$0x10C8] =	vst v0  }
0x10e: {  	[tilespmem:$0x10D8] =	vst v0  }
0x10f: {  	[tilespmem:$0x10E8] =	vst v0  }
0x110: {  	[tilespmem:$0x10F8] =	vst v0  }
0x111: {  	[tilespmem:$0x1108] =	vst v0  }
0x112: {  	[tilespmem:$0x1118] =	vst v0  }
0x113: {  	[tilespmem:$0x1128] =	vst v0  }
0x114: {  	[tilespmem:$0x1138] =	vst v0  }
0x115: {  	[tilespmem:$0x1148] =	vst v0  }
0x116: {  	[tilespmem:$0x1158] =	vst v0  }
0x117: {  	[tilespmem:$0x1168] =	vst v0  }
0x118: {  	[tilespmem:$0x1188] =	vst v0  }
0x119: {  	[tilespmem:$0x1198] =	vst v0  }
0x11a: {  	[tilespmem:$0x11A8] =	vst v0  }
0x11b: {  	[tilespmem:$0x11B8] =	vst v0  }
0x11c: {  	[tilespmem:$0x11C8] =	vst v0  }
0x11d: {  	[tilespmem:$0x11D8] =	vst v0  }
0x11e: {  	[tilespmem:$0x11E8] =	vst v0  }
0x11f: {  	[tilespmem:$0x11F8] =	vst v0  }
0x120: {  	[tilespmem:$0x1208] =	vst v0  }
0x121: {  	[tilespmem:$0x1218] =	vst v0  }
0x122: {  	[tilespmem:$0x1228] =	vst v0  }
0x123: {  	[tilespmem:$0x1238] =	vst v0  }
0x124: {  	[tilespmem:$0x1248] =	vst v0  }
0x125: {  	[tilespmem:$0x1258] =	vst v0  }
0x126: {  	[tilespmem:$0x1268] =	vst v0  }
0x127: {  	[tilespmem:$0x1278] =	vst v0  }
0x128: {  	[tilespmem:$0x1288] =	vst v0  }
0x129: {  	[tilespmem:$0x1298] =	vst v0  }
0x12a: {  	[tilespmem:$0x12A8] =	vst v0  }
0x12b: {  	[tilespmem:$0x12B8] =	vst v0  }
0x12c: {  	[tilespmem:$0x12C8] =	vst v0  }
0x12d: {  	[tilespmem:$0x12D8] =	vst v0  }
0x12e: {  	[tilespmem:$0x12E8] =	vst v0  }
0x12f: {  	[tilespmem:$0x12F8] =	vst v0  }
0x130: {  	[tilespmem:$0x1308] =	vst v0  }
0x131: {  	[tilespmem:$0x1318] =	vst v0  }
0x132: {  	[tilespmem:$0x1328] =	vst v0  }
0x133: {  	[tilespmem:$0x1338] =	vst v0  }
0x134: {  	[tilespmem:$0x1348] =	vst v0  }
0x135: {  	[tilespmem:$0x1358] =	vst v0  }
0x136: {  	[tilespmem:$0x1368] =	vst v0  }
0x137: {  	[tilespmem:$0x1378] =	vst v0  }
0x138: {  	[tilespmem:$0x1388] =	vst v0  }
0x139: {  	[tilespmem:$0x1398] =	vst v0  }
0x13a: {  	[tilespmem:$0x13A8] =	vst v0  }
0x13b: {  	[tilespmem:$0x13B8] =	vst v0  }
0x13c: {  	[tilespmem:$0x13C8] =	vst v0  }
0x13d: {  	[tilespmem:$0x13D8] =	vst v0  }
0x13e: {  	[tilespmem:$0x13E8] =	vst v0  }
0x13f: {  	[tilespmem:$0x13F8] =	vst v0  }
0x140: {  	[tilespmem:$0x1408] =	vst v0  }
0x141: {  	[tilespmem:$0x1418] =	vst v0  }
0x142: {  	[tilespmem:$0x1428] =	vst v0  }
0x143: {  	[tilespmem:$0x1438] =	vst v0  }
0x144: {  	[tilespmem:$0x1448] =	vst v0  }
0x145: {  	[tilespmem:$0x1458] =	vst v0  }
0x146: {  	[tilespmem:$0x1468] =	vst v0  }
0x147: {  	[tilespmem:$0x1478] =	vst v0  }
0x148: {  	[tilespmem:$0x1488] =	vst v0  }
0x149: {  	[tilespmem:$0x1498] =	vst v0  }
0x14a: {  	[tilespmem:$0x14A8] =	vst v0  }
0x14b: {  	[tilespmem:$0x14B8] =	vst v0  }
0x14c: {  	[tilespmem:$0x14C8] =	vst v0  }
0x14d: {  	[tilespmem:$0x14D8] =	vst v0  }
0x14e: {  	[tilespmem:$0x14E8] =	vst v0  }
0x14f: {  	[tilespmem:$0x14F8] =	vst v0  }
0x150: {  	[tilespmem:$0x1508] =	vst v0  }
0x151: {  	[tilespmem:$0x1518] =	vst v0  }
0x152: {  	[tilespmem:$0x1528] =	vst v0  }
0x153: {  	[tilespmem:$0x1538] =	vst v0  }
0x154: {  	[tilespmem:$0x1548] =	vst v0  }
0x155: {  	[tilespmem:$0x1558] =	vst v0  }
0x156: {  	[tilespmem:$0x1568] =	vst v0  }
0x157: {  	[tilespmem:$0x1578] =	vst v0  }
0x158: {  	[tilespmem:$0x1588] =	vst v0  }
0x159: {  	[tilespmem:$0x1598] =	vst v0  }
0x15a: {  	[tilespmem:$0x15A8] =	vst v0  }
0x15b: {  	[tilespmem:$0x15B8] =	vst v0  }
0x15c: {  	[tilespmem:$0x15C8] =	vst v0  }
0x15d: {  	[tilespmem:$0x15D8] =	vst v0  }
0x15e: {  	[tilespmem:$0x15E8] =	vst v0  }
0x15f: {  	[tilespmem:$0x15F8] =	vst v0  }
0x160: {  	[tilespmem:$0x1608] =	vst v0  }
0x161: {  	[tilespmem:$0x1618] =	vst v0  }
0x162: {  	[tilespmem:$0x1628] =	vst v0  }
0x163: {  	[tilespmem:$0x1638] =	vst v0  }
0x164: {  	[tilespmem:$0x1648] =	vst v0  }
0x165: {  	[tilespmem:$0x1658] =	vst v0  }
0x166: {  	[tilespmem:$0x1668] =	vst v0  }
0x167: {  	[tilespmem:$0x1678] =	vst v0  }
0x168: {  	[tilespmem:$0x1688] =	vst v0  }
0x169: {  	[tilespmem:$0x1698] =	vst v0  }
0x16a: {  	[tilespmem:$0x16A8] =	vst v0  }
0x16b: {  	[tilespmem:$0x16B8] =	vst v0  }
0x16c: {  	[tilespmem:$0x16C8] =	vst v0  }
0x16d: {  	[tilespmem:$0x16D8] =	vst v0  }
0x16e: {  	[tilespmem:$0x16E8] =	vst v0  }
0x16f: {  	[tilespmem:$0x16F8] =	vst v0  }
0x170: {  	[tilespmem:$0x1708] =	vst v0  }
0x171: {  	[tilespmem:$0x1718] =	vst v0  }
0x172: {  	[tilespmem:$0x1728] =	vst v0  }
0x173: {  	[tilespmem:$0x1738] =	vst v0  }
0x174: {  	[tilespmem:$0x1748] =	vst v0  }
0x175: {  	[tilespmem:$0x1758] =	vst v0  }
0x176: {  	[tilespmem:$0x1768] =	vst v0  }
0x177: {  	[tilespmem:$0x1778] =	vst v0  }
0x178: {  	[tilespmem:$0x1788] =	vst v0  }
0x179: {  	[tilespmem:$0x1798] =	vst v0  }
0x17a: {  	[tilespmem:$0x17A8] =	vst v0  }
0x17b: {  	[tilespmem:$0x17B8] =	vst v0  }
0x17c: {  	[tilespmem:$0x17C8] =	vst v0  }
0x17d: {  	[tilespmem:$0x17D8] =	vst v0  }
0x17e: {  	[tilespmem:$0x17E8] =	vst v0  }
0x17f: {  	[tilespmem:$0x17F8] =	vst v0  }
0x180: {  	[tilespmem:$0x1808] =	vst v0  }
0x181: {  	[tilespmem:$0x1818] =	vst v0  }
0x182: {  	[tilespmem:$0x1828] =	vst v0  }
0x183: {  	[tilespmem:$0x1838] =	vst v0  }
0x184: {  	[tilespmem:$0x1848] =	vst v0  }
0x185: {  	[tilespmem:$0x1858] =	vst v0  }
0x186: {  	[tilespmem:$0x1868] =	vst v0  }
0x187: {  	[tilespmem:$0x1878] =	vst v0  }
0x188: {  	[tilespmem:$0x1888] =	vst v0  }
0x189: {  	[tilespmem:$0x1898] =	vst v0  }
0x18a: {  	[tilespmem:$0x18A8] =	vst v0  }
0x18b: {  	[tilespmem:$0x18B8] =	vst v0  }
0x18c: {  	[tilespmem:$0x18C8] =	vst v0  }
0x18d: {  	[tilespmem:$0x18D8] =	vst v0  }
0x18e: {  	[tilespmem:$0x18E8] =	vst v0  }
0x18f: {  	[tilespmem:$0x18F8] =	vst v0  }
0x190: {  	[tilespmem:$0x1908] =	vst v0  }
0x191: {  	[tilespmem:$0x1918] =	vst v0  }
0x192: {  	[tilespmem:$0x1928] =	vst v0  }
0x193: {  	[tilespmem:$0x1938] =	vst v0  }
0x194: {  	[tilespmem:$0x1948] =	vst v0  }
0x195: {  	[tilespmem:$0x1958] =	vst v0  }
0x196: {  	[tilespmem:$0x1968] =	vst v0  }
0x197: {  	[tilespmem:$0x1978] =	vst v0  }
0x198: {  	[tilespmem:$0x1988] =	vst v0  }
0x199: {  	[tilespmem:$0x1998] =	vst v0  }
0x19a: {  	[tilespmem:$0x19A8] =	vst v0  }
0x19b: {  	[tilespmem:$0x19B8] =	vst v0  }
0x19c: {  	[tilespmem:$0x19C8] =	vst v0  }
0x19d: {  	[tilespmem:$0x19D8] =	vst v0  }
0x19e: {  	[tilespmem:$0x19E8] =	vst v0  }
0x19f: {  	[tilespmem:$0x19F8] =	vst v0  }
0x1a0: {  	[tilespmem:$0x1A08] =	vst v0  }
0x1a1: {  	[tilespmem:$0x1A18] =	vst v0  }
0x1a2: {  	[tilespmem:$0x1A28] =	vst v0  }
0x1a3: {  	[tilespmem:$0x1A38] =	vst v0  }
0x1a4: {  	[tilespmem:$0x1A48] =	vst v0  }
0x1a5: {  	[tilespmem:$0x1A58] =	vst v0  }
0x1a6: {  	[tilespmem:$0x1A68] =	vst v0  }
0x1a7: {  	[tilespmem:$0x1A78] =	vst v0  }
0x1a8: {  	[tilespmem:$0x1A88] =	vst v0  }
0x1a9: {  	[tilespmem:$0x1A98] =	vst v0  }
0x1aa: {  	[tilespmem:$0x1AA8] =	vst v0  }
0x1ab: {  	[tilespmem:$0x1AB8] =	vst v0  }
0x1ac: {  	[tilespmem:$0x1AC8] =	vst v0  }
0x1ad: {  	[tilespmem:$0x1AD8] =	vst v0  }
0x1ae: {  	[tilespmem:$0x1AE8] =	vst v0  }
0x1af: {  	[tilespmem:$0x1AF8] =	vst v0  }
0x1b0: {  	[tilespmem:$0x1B08] =	vst v0  }
0x1b1: {  	[tilespmem:$0x1B18] =	vst v0  }
0x1b2: {  	[tilespmem:$0x1B28] =	vst v0  }
0x1b3: {  	[tilespmem:$0x1B38] =	vst v0  }
0x1b4: {  	[tilespmem:$0x1B48] =	vst v0  }
0x1b5: {  	[tilespmem:$0x1B58] =	vst v0  }
0x1b6: {  	[tilespmem:$0x1B68] =	vst v0  }
0x1b7: {  	[tilespmem:$0x1B78] =	vst v0  }
0x1b8: {  	[tilespmem:$0x1B88] =	vst v0  }
0x1b9: {  	[tilespmem:$0x1B98] =	vst v0  }
0x1ba: {  	[tilespmem:$0x1BA8] =	vst v0  }
0x1bb: {  	[tilespmem:$0x1BB8] =	vst v0  }
0x1bc: {  	[tilespmem:$0x1BC8] =	vst v0  }
0x1bd: {  	[tilespmem:$0x1BD8] =	vst v0  }
0x1be: {  	[tilespmem:$0x1BE8] =	vst v0  }
0x1bf: {  	[tilespmem:$0x1BF8] =	vst v0  }
0x1c0: {  	[tilespmem:$0x1C08] =	vst v0  }
0x1c1: {  	[tilespmem:$0x1C18] =	vst v0  }
0x1c2: {  	[tilespmem:$0x1C28] =	vst v0  }
0x1c3: {  	[tilespmem:$0x1C38] =	vst v0  }
0x1c4: {  	[tilespmem:$0x1C48] =	vst v0  }
0x1c5: {  	[tilespmem:$0x1C58] =	vst v0  }
0x1c6: {  	[tilespmem:$0x1C68] =	vst v0  }
0x1c7: {  	[tilespmem:$0x1C78] =	vst v0  }
0x1c8: {  	[tilespmem:$0x1C88] =	vst v0  }
0x1c9: {  	[tilespmem:$0x1C98] =	vst v0  }
0x1ca: {  	[tilespmem:$0x1CA8] =	vst v0  }
0x1cb: {  	[tilespmem:$0x1CB8] =	vst v0  }
0x1cc: {  	[tilespmem:$0x1CC8] =	vst v0  }
0x1cd: {  	[tilespmem:$0x1CD8] =	vst v0  }
0x1ce: {  	[tilespmem:$0x1CE8] =	vst v0  }
0x1cf: {  	[tilespmem:$0x1CF8] =	vst v0  }
0x1d0: {  	[tilespmem:$0x1D08] =	vst v0  }
0x1d1: {  	[tilespmem:$0x1D18] =	vst v0  }
0x1d2: {  	[tilespmem:$0x1D28] =	vst v0  }
0x1d3: {  	[tilespmem:$0x1D38] =	vst v0  }
0x1d4: {  	[tilespmem:$0x1D48] =	vst v0  }
0x1d5: {  	[tilespmem:$0x1D58] =	vst v0  }
0x1d6: {  	[tilespmem:$0x1D68] =	vst v0  }
0x1d7: {  	[tilespmem:$0x1D78] =	vst v0  }
0x1d8: {  	[tilespmem:$0x1D88] =	vst v0  }
0x1d9: {  	[tilespmem:$0x1D98] =	vst v0  }
0x1da: {  	[tilespmem:$0x1DA8] =	vst v0  }
0x1db: {  	[tilespmem:$0x1DB8] =	vst v0  }
0x1dc: {  	[tilespmem:$0x1DC8] =	vst v0  }
0x1dd: {  	[tilespmem:$0x1DD8] =	vst v0  }
0x1de: {  	[tilespmem:$0x1DE8] =	vst v0  }
0x1df: {  	[tilespmem:$0x1DF8] =	vst v0  }
0x1e0: {  	[tilespmem:$0x1E08] =	vst v0  }
0x1e1: {  	[tilespmem:$0x1E18] =	vst v0  }
0x1e2: {  	[tilespmem:$0x1E28] =	vst v0  }
0x1e3: {  	[tilespmem:$0x1E38] =	vst v0  }
0x1e4: {  	[tilespmem:$0x1E48] =	vst v0  }
0x1e5: {  	[tilespmem:$0x1E58] =	vst v0  }
0x1e6: {  	[tilespmem:$0x1E68] =	vst v0  }
0x1e7: {  	[tilespmem:$0x1E78] =	vst v0  }
0x1e8: {  	[tilespmem:$0x1E88] =	vst v0  }
0x1e9: {  	[tilespmem:$0x1E98] =	vst v0  }
0x1ea: {  	[tilespmem:$0x1EA8] =	vst v0  }
0x1eb: {  	[tilespmem:$0x1EB8] =	vst v0  }
0x1ec: {  	[tilespmem:$0x1EC8] =	vst v0  }
0x1ed: {  	[tilespmem:$0x1ED8] =	vst v0  }
0x1ee: {  	[tilespmem:$0x1EE8] =	vst v0  }
0x1ef: {  	[tilespmem:$0x1EF8] =	vst v0  }
0x1f0: {  	[tilespmem:$0x1F08] =	vst v0  }
0x1f1: {  	[tilespmem:$0x1F18] =	vst v0  }
0x1f2: {  	[tilespmem:$0x1F28] =	vst v0  }
0x1f3: {  	[tilespmem:$0x1F38] =	vst v0  }
0x1f4: {  	[tilespmem:$0x1F48] =	vst v0  }
0x1f5: {  	[tilespmem:$0x1F58] =	vst v0  }
0x1f6: {  	[tilespmem:$0x1F68] =	vst v0  }
0x1f7: {  	[tilespmem:$0x1F78] =	vst v0  }
0x1f8: {  	[tilespmem:$0x1F88] =	vst v0  }
0x1f9: {  	[tilespmem:$0x1F98] =	vst v0  }
0x1fa: {  	[tilespmem:$0x1FA8] =	vst v0  }
0x1fb: {  	[tilespmem:$0x1FB8] =	vst v0  }
0x1fc: {  	[tilespmem:$0x1FC8] =	vst v0  }
0x1fd: {  	[tilespmem:$0x1FD8] =	vst v0  }
0x1fe: {  	[tilespmem:$0x1FE8] =	vst v0  }
0x1ff: {  	[tilespmem:$0x1FF8] =	vst v0  }
0x200: {  	[tilespmem:$0x2008] =	vst v0  }
0x201: {  	[tilespmem:$0x2018] =	vst v0  }
0x202: {  	[tilespmem:$0x2028] =	vst v0  }
0x203: {  	[tilespmem:$0x2038] =	vst v0  }
0x204: {  	[tilespmem:$0x2048] =	vst v0  }
0x205: {  	[tilespmem:$0x2058] =	vst v0  }
0x206: {  	[tilespmem:$0x2068] =	vst v0  }
0x207: {  	[tilespmem:$0x2078] =	vst v0  }
0x208: {  	[tilespmem:$0x2088] =	vst v0  }
0x209: {  	[tilespmem:$0x2098] =	vst v0  }
0x20a: {  	[tilespmem:$0x20A8] =	vst v0  }
0x20b: {  	[tilespmem:$0x20B8] =	vst v0  }
0x20c: {  	[tilespmem:$0x20C8] =	vst v0  }
0x20d: {  	[tilespmem:$0x20D8] =	vst v0  }
0x20e: {  	[tilespmem:$0x20E8] =	vst v0  }
0x20f: {  	[tilespmem:$0x20F8] =	vst v0  }
0x210: {  	[tilespmem:$0x2108] =	vst v0  }
0x211: {  	[tilespmem:$0x2118] =	vst v0  }
0x212: {  	[tilespmem:$0x2128] =	vst v0  }
0x213: {  	[tilespmem:$0x2138] =	vst v0  }
0x214: {  	[tilespmem:$0x2148] =	vst v0  }
0x215: {  	[tilespmem:$0x2158] =	vst v0  }
0x216: {  	[tilespmem:$0x2168] =	vst v0  }
0x217: {  	[tilespmem:$0x2198] =	vst v0  }
0x218: {  	[tilespmem:$0x2258] =	vst v0  }
0x219: {  	[tilespmem:$0x21D8] =	vst v0  }
0x21a: {  	[tilespmem:$0x3058] =	vst v0  }
0x21b: {  	[tilespmem:$0x3048] =	vst v0  }
0x21c: {  	[tilespmem:$0x3038] =	vst v0  }
0x21d: {  	[tilespmem:$0x3028] =	vst v0  }
0x21e: {  	[tilespmem:$0x3018] =	vst v0  }
0x21f: {  	[tilespmem:$0x3008] =	vst v0  }
0x220: {  	[tilespmem:$0x2FF8] =	vst v0  }
0x221: {  	[tilespmem:$0x2FE8] =	vst v0  }
0x222: {  	[tilespmem:$0x2FD8] =	vst v0  }
0x223: {  	[tilespmem:$0x2FC8] =	vst v0  }
0x224: {  	[tilespmem:$0x2FB8] =	vst v0  }
0x225: {  	[tilespmem:$0x2FA8] =	vst v0  }
0x226: {  	[tilespmem:$0x2F98] =	vst v0  }
0x227: {  	[tilespmem:$0x2F88] =	vst v0  }
0x228: {  	[tilespmem:$0x2F78] =	vst v0  }
0x229: {  	[tilespmem:$0x2F68] =	vst v0  }
0x22a: {  	[tilespmem:$0x2F58] =	vst v0  }
0x22b: {  	[tilespmem:$0x2F48] =	vst v0  }
0x22c: {  	[tilespmem:$0x2F38] =	vst v0  }
0x22d: {  	[tilespmem:$0x2F28] =	vst v0  }
0x22e: {  	[tilespmem:$0x2F18] =	vst v0  }
0x22f: {  	[tilespmem:$0x2F08] =	vst v0  }
0x230: {  	[tilespmem:$0x2EF8] =	vst v0  }
0x231: {  	[tilespmem:$0x2EE8] =	vst v0  }
0x232: {  	[tilespmem:$0x2ED8] =	vst v0  }
0x233: {  	[tilespmem:$0x2EC8] =	vst v0  }
0x234: {  	[tilespmem:$0x2EB8] =	vst v0  }
0x235: {  	[tilespmem:$0x2EA8] =	vst v0  }
0x236: {  	[tilespmem:$0x2E98] =	vst v0  }
0x237: {  	[tilespmem:$0x2E88] =	vst v0  }
0x238: {  	[tilespmem:$0x2E78] =	vst v0  }
0x239: {  	[tilespmem:$0x2E68] =	vst v0  }
0x23a: {  	[tilespmem:$0x2E58] =	vst v0  }
0x23b: {  	[tilespmem:$0x2E48] =	vst v0  }
0x23c: {  	[tilespmem:$0x2E38] =	vst v0  }
0x23d: {  	[tilespmem:$0x2E28] =	vst v0  }
0x23e: {  	[tilespmem:$0x2E18] =	vst v0  }
0x23f: {  	[tilespmem:$0x2E08] =	vst v0  }
0x240: {  	[tilespmem:$0x2DF8] =	vst v0  }
0x241: {  	[tilespmem:$0x2DE8] =	vst v0  }
0x242: {  	[tilespmem:$0x2DD8] =	vst v0  }
0x243: {  	[tilespmem:$0x2DC8] =	vst v0  }
0x244: {  	[tilespmem:$0x2DB8] =	vst v0  }
0x245: {  	[tilespmem:$0x2DA8] =	vst v0  }
0x246: {  	[tilespmem:$0x2D98] =	vst v0  }
0x247: {  	[tilespmem:$0x2D88] =	vst v0  }
0x248: {  	[tilespmem:$0x2D78] =	vst v0  }
0x249: {  	[tilespmem:$0x2D68] =	vst v0  }
0x24a: {  	[tilespmem:$0x2D58] =	vst v0  }
0x24b: {  	[tilespmem:$0x2D48] =	vst v0  }
0x24c: {  	[tilespmem:$0x2D38] =	vst v0  }
0x24d: {  	[tilespmem:$0x2D28] =	vst v0  }
0x24e: {  	[tilespmem:$0x2D18] =	vst v0  }
0x24f: {  	[tilespmem:$0x2D08] =	vst v0  }
0x250: {  	[tilespmem:$0x2CF8] =	vst v0  }
0x251: {  	[tilespmem:$0x2CE8] =	vst v0  }
0x252: {  	[tilespmem:$0x2CD8] =	vst v0  }
0x253: {  	[tilespmem:$0x2CC8] =	vst v0  }
0x254: {  	[tilespmem:$0x2CB8] =	vst v0  }
0x255: {  	[tilespmem:$0x2CA8] =	vst v0  }
0x256: {  	[tilespmem:$0x2C98] =	vst v0  }
0x257: {  	[tilespmem:$0x2C88] =	vst v0  }
0x258: {  	[tilespmem:$0x2C78] =	vst v0  }
0x259: {  	[tilespmem:$0x2C68] =	vst v0  }
0x25a: {  	[tilespmem:$0x2C58] =	vst v0  }
0x25b: {  	[tilespmem:$0x2C48] =	vst v0  }
0x25c: {  	[tilespmem:$0x2C38] =	vst v0  }
0x25d: {  	[tilespmem:$0x2C28] =	vst v0  }
0x25e: {  	[tilespmem:$0x2C18] =	vst v0  }
0x25f: {  	[tilespmem:$0x2C08] =	vst v0  }
0x260: {  	[tilespmem:$0x2BF8] =	vst v0  }
0x261: {  	[tilespmem:$0x2BE8] =	vst v0  }
0x262: {  	[tilespmem:$0x2BD8] =	vst v0  }
0x263: {  	[tilespmem:$0x2BC8] =	vst v0  }
0x264: {  	[tilespmem:$0x2BB8] =	vst v0  }
0x265: {  	[tilespmem:$0x2BA8] =	vst v0  }
0x266: {  	[tilespmem:$0x2B98] =	vst v0  }
0x267: {  	[tilespmem:$0x2B88] =	vst v0  }
0x268: {  	[tilespmem:$0x2B78] =	vst v0  }
0x269: {  	[tilespmem:$0x2B68] =	vst v0  }
0x26a: {  	[tilespmem:$0x2B58] =	vst v0  }
0x26b: {  	[tilespmem:$0x2B48] =	vst v0  }
0x26c: {  	[tilespmem:$0x2B38] =	vst v0  }
0x26d: {  	[tilespmem:$0x2B28] =	vst v0  }
0x26e: {  	[tilespmem:$0x2B18] =	vst v0  }
0x26f: {  	[tilespmem:$0x2B08] =	vst v0  }
0x270: {  	[tilespmem:$0x2AF8] =	vst v0  }
0x271: {  	[tilespmem:$0x2AE8] =	vst v0  }
0x272: {  	[tilespmem:$0x2AD8] =	vst v0  }
0x273: {  	[tilespmem:$0x2AC8] =	vst v0  }
0x274: {  	[tilespmem:$0x2AB8] =	vst v0  }
0x275: {  	[tilespmem:$0x2AA8] =	vst v0  }
0x276: {  	[tilespmem:$0x2A98] =	vst v0  }
0x277: {  	[tilespmem:$0x2A88] =	vst v0  }
0x278: {  	[tilespmem:$0x2A78] =	vst v0  }
0x279: {  	[tilespmem:$0x2A68] =	vst v0  }
0x27a: {  	[tilespmem:$0x2A58] =	vst v0  }
0x27b: {  	[tilespmem:$0x2A48] =	vst v0  }
0x27c: {  	[tilespmem:$0x2A38] =	vst v0  }
0x27d: {  	[tilespmem:$0x2A28] =	vst v0  }
0x27e: {  	[tilespmem:$0x2A18] =	vst v0  }
0x27f: {  	[tilespmem:$0x2A08] =	vst v0  }
0x280: {  	[tilespmem:$0x29F8] =	vst v0  }
0x281: {  	[tilespmem:$0x29E8] =	vst v0  }
0x282: {  	[tilespmem:$0x29D8] =	vst v0  }
0x283: {  	[tilespmem:$0x29C8] =	vst v0  }
0x284: {  	[tilespmem:$0x29B8] =	vst v0  }
0x285: {  	[tilespmem:$0x29A8] =	vst v0  }
0x286: {  	[tilespmem:$0x2998] =	vst v0  }
0x287: {  	[tilespmem:$0x2988] =	vst v0  }
0x288: {  	[tilespmem:$0x2978] =	vst v0  }
0x289: {  	[tilespmem:$0x2968] =	vst v0  }
0x28a: {  	[tilespmem:$0x2958] =	vst v0  }
0x28b: {  	[tilespmem:$0x2948] =	vst v0  }
0x28c: {  	[tilespmem:$0x2938] =	vst v0  }
0x28d: {  	[tilespmem:$0x2928] =	vst v0  }
0x28e: {  	[tilespmem:$0x2918] =	vst v0  }
0x28f: {  	[tilespmem:$0x2908] =	vst v0  }
0x290: {  	[tilespmem:$0x28F8] =	vst v0  }
0x291: {  	[tilespmem:$0x28E8] =	vst v0  }
0x292: {  	[tilespmem:$0x28D8] =	vst v0  }
0x293: {  	[tilespmem:$0x28C8] =	vst v0  }
0x294: {  	[tilespmem:$0x28B8] =	vst v0  }
0x295: {  	[tilespmem:$0x28A8] =	vst v0  }
0x296: {  	[tilespmem:$0x2898] =	vst v0  }
0x297: {  	[tilespmem:$0x2888] =	vst v0  }
0x298: {  	[tilespmem:$0x2878] =	vst v0  }
0x299: {  	[tilespmem:$0x2868] =	vst v0  }
0x29a: {  	[tilespmem:$0x2858] =	vst v0  }
0x29b: {  	[tilespmem:$0x2848] =	vst v0  }
0x29c: {  	[tilespmem:$0x2838] =	vst v0  }
0x29d: {  	[tilespmem:$0x2828] =	vst v0  }
0x29e: {  	[tilespmem:$0x2818] =	vst v0  }
0x29f: {  	[tilespmem:$0x2808] =	vst v0  }
0x2a0: {  	[tilespmem:$0x27F8] =	vst v0  }
0x2a1: {  	[tilespmem:$0x27E8] =	vst v0  }
0x2a2: {  	[tilespmem:$0x27D8] =	vst v0  }
0x2a3: {  	[tilespmem:$0x27C8] =	vst v0  }
0x2a4: {  	[tilespmem:$0x27B8] =	vst v0  }
0x2a5: {  	[tilespmem:$0x27A8] =	vst v0  }
0x2a6: {  	[tilespmem:$0x2798] =	vst v0  }
0x2a7: {  	[tilespmem:$0x2788] =	vst v0  }
0x2a8: {  	[tilespmem:$0x2778] =	vst v0  }
0x2a9: {  	[tilespmem:$0x2768] =	vst v0  }
0x2aa: {  	[tilespmem:$0x2758] =	vst v0  }
0x2ab: {  	[tilespmem:$0x2748] =	vst v0  }
0x2ac: {  	[tilespmem:$0x2738] =	vst v0  }
0x2ad: {  	[tilespmem:$0x2728] =	vst v0  }
0x2ae: {  	[tilespmem:$0x2718] =	vst v0  }
0x2af: {  	[tilespmem:$0x2708] =	vst v0  }
0x2b0: {  	[tilespmem:$0x26F8] =	vst v0  }
0x2b1: {  	[tilespmem:$0x26E8] =	vst v0  }
0x2b2: {  	[tilespmem:$0x26D8] =	vst v0  }
0x2b3: {  	[tilespmem:$0x26C8] =	vst v0  }
0x2b4: {  	[tilespmem:$0x26B8] =	vst v0  }
0x2b5: {  	[tilespmem:$0x26A8] =	vst v0  }
0x2b6: {  	[tilespmem:$0x2698] =	vst v0  }
0x2b7: {  	[tilespmem:$0x2688] =	vst v0  }
0x2b8: {  	[tilespmem:$0x2678] =	vst v0  }
0x2b9: {  	[tilespmem:$0x2668] =	vst v0  }
0x2ba: {  	[tilespmem:$0x2658] =	vst v0  }
0x2bb: {  	[tilespmem:$0x2648] =	vst v0  }
0x2bc: {  	[tilespmem:$0x2638] =	vst v0  }
0x2bd: {  	[tilespmem:$0x2628] =	vst v0  }
0x2be: {  	[tilespmem:$0x2618] =	vst v0  }
0x2bf: {  	[tilespmem:$0x2608] =	vst v0  }
0x2c0: {  	[tilespmem:$0x25F8] =	vst v0  }
0x2c1: {  	[tilespmem:$0x25E8] =	vst v0  }
0x2c2: {  	[tilespmem:$0x25D8] =	vst v0  }
0x2c3: {  	[tilespmem:$0x25C8] =	vst v0  }
0x2c4: {  	[tilespmem:$0x25B8] =	vst v0  }
0x2c5: {  	[tilespmem:$0x25A8] =	vst v0  }
0x2c6: {  	[tilespmem:$0x2598] =	vst v0  }
0x2c7: {  	[tilespmem:$0x2588] =	vst v0  }
0x2c8: {  	[tilespmem:$0x2578] =	vst v0  }
0x2c9: {  	[tilespmem:$0x2568] =	vst v0  }
0x2ca: {  	[tilespmem:$0x2558] =	vst v0  }
0x2cb: {  	[tilespmem:$0x2548] =	vst v0  }
0x2cc: {  	[tilespmem:$0x2538] =	vst v0  }
0x2cd: {  	[tilespmem:$0x2528] =	vst v0  }
0x2ce: {  	[tilespmem:$0x2518] =	vst v0  }
0x2cf: {  	[tilespmem:$0x2508] =	vst v0  }
0x2d0: {  	[tilespmem:$0x24F8] =	vst v0  }
0x2d1: {  	[tilespmem:$0x24E8] =	vst v0  }
0x2d2: {  	[tilespmem:$0x24D8] =	vst v0  }
0x2d3: {  	[tilespmem:$0x24C8] =	vst v0  }
0x2d4: {  	[tilespmem:$0x24B8] =	vst v0  }
0x2d5: {  	[tilespmem:$0x24A8] =	vst v0  }
0x2d6: {  	[tilespmem:$0x2498] =	vst v0  }
0x2d7: {  	[tilespmem:$0x2488] =	vst v0  }
0x2d8: {  	[tilespmem:$0x2478] =	vst v0  }
0x2d9: {  	[tilespmem:$0x2468] =	vst v0  }
0x2da: {  	[tilespmem:$0x2458] =	vst v0  }
0x2db: {  	[tilespmem:$0x2448] =	vst v0  }
0x2dc: {  	[tilespmem:$0x2438] =	vst v0  }
0x2dd: {  	[tilespmem:$0x2428] =	vst v0  }
0x2de: {  	[tilespmem:$0x2418] =	vst v0  }
0x2df: {  	[tilespmem:$0x2408] =	vst v0  }
0x2e0: {  	[tilespmem:$0x23F8] =	vst v0  }
0x2e1: {  	[tilespmem:$0x23E8] =	vst v0  }
0x2e2: {  	[tilespmem:$0x23D8] =	vst v0  }
0x2e3: {  	[tilespmem:$0x23C8] =	vst v0  }
0x2e4: {  	[tilespmem:$0x23B8] =	vst v0  }
0x2e5: {  	[tilespmem:$0x23A8] =	vst v0  }
0x2e6: {  	[tilespmem:$0x2398] =	vst v0  }
0x2e7: {  	[tilespmem:$0x2388] =	vst v0  }
0x2e8: {  	[tilespmem:$0x2378] =	vst v0  }
0x2e9: {  	[tilespmem:$0x2368] =	vst v0  }
0x2ea: {  	[tilespmem:$0x2358] =	vst v0  }
0x2eb: {  	[tilespmem:$0x2348] =	vst v0  }
0x2ec: {  	[tilespmem:$0x2338] =	vst v0  }
0x2ed: {  	[tilespmem:$0x2328] =	vst v0  }
0x2ee: {  	[tilespmem:$0x2318] =	vst v0  }
0x2ef: {  	[tilespmem:$0x2308] =	vst v0  }
0x2f0: {  	[tilespmem:$0x22F8] =	vst v0  }
0x2f1: {  	[tilespmem:$0x22E8] =	vst v0  }
0x2f2: {  	[tilespmem:$0x22D8] =	vst v0  }
0x2f3: {  	[tilespmem:$0x22C8] =	vst v0  }
0x2f4: {  	[tilespmem:$0x22B8] =	vst v0  }
0x2f5: {  	[tilespmem:$0x22A8] =	vst v0  }
0x2f6: {  	[tilespmem:$0x2298] =	vst v0  }
0x2f7: {  	[tilespmem:$0x2288] =	vst v0  }
0x2f8: {  	s4 =	stileid.u32;
	[tilespmem:$0x2278] =	vst v0  }
0x2f9: {  	s0 =	smul.u32 $0x41, s4;
	[tilespmem:$0x2268] =	vst v0  }
0x2fa: {  	s1 =	smin.u32 s4, $0x2;
	[tilespmem:$0x2238] =	vst v0  }
0x2fb: {  	[tilespmem:$0x2248] =	vst v0;
	s0 =	sadd.s32 s1, s0  }
0x2fc: {  	p0 =	slt.u32 s4, $0x2;
	[tilespmem:$0x2228] =	vst v0;
	s1 =	simm.s32 $0x6300;
	s8 =	smul.u32 $0x180, s0  }
0x2fd: {  	s1 =	simm.s32 @!p0 $0x6180;
	[tilespmem:$0x21A8] =	vst v0  }
0x2fe: {  	[tilespmem:$0x2218] =	vst v0;
	s0 =	sadd.s32 s1, s8  }
0x2ff: {  	s3 =	simm.s32 $0x2;
	[tilespmem:$0x2208] =	vst v0;
	s9 =	smin.u32 s0, $0x61A80  }
0x300: {  	s11 =	simm.s32 $0x9;
	s12 =	simm.s32 $0xA;
	[tilespmem:$0x21F8] =	vst v0;
	s0 =	ssub.s32 s9, s8  }
0x301: {  	s16 =	simm.s32 $0x0;
	p4 =	por $0x0, $0x0;
	[tilespmem:$0x21E8] =	vst v0;
	p0 =	sgt.s32 s0, $0x0  }
0x302: {  	s17 =	simm.s32 $0xC;
	s21 =	simm.s32 $0x0;
	[tilespmem:$0x21C8] =	vst v0;
	s0 =	simm.s32 @!p0 $0x0  }
0x303: {  	s18 =	simm.s32 $0x0;
	s2 =	sand.u32 $0x1, s2;
	[tilespmem:$0x21B8] =	vst v0;
	s30 =	smulhi.u32 $0x2AAAAAAB, s0  }
0x304: {  	s20 =	simm.s32 $0x0;
	s31 =	sshll.u32 s4, $0x6;
	[tilespmem:$0x2188] =	vst v0;
	[dreg:$0x5] =	wrdreg s2  }
0x305: {  	s2 =	smul.u32 $0xC350, s2;
	[tilespmem:$0x2178] =	vst v0;
	[sflag:s3] =	ssyncpa.u1 $0x0;
	s1 =	sshrl.u32 s30, $0x6  }
0x306: {  	v0 =	vimm.s32 $0xFFFFFFFF;
	s3 =	sadd.s32 $0x33C00, s6;
	[dreg:$0x4] =	wrdreg s31;
	s5 =	smul.u32 $0x180, s1  }
.Ltmp0:
0x307: {  	[tilespmem:$0x6088] =	vst v0;
	[sflag:s11] =	ssyncpa.u1 $0x0;
	s2 =	sadd.s32 s2, s6;
	(pc) =	sbr.rel .LBB2_1-.Ltmp0, $4  }
0x308: {  	[sflag:s12] =	ssyncpa.u1 $0x0;
	s12 =	simm.s32 $0xB;
	p0 =	sne.s32 s0, s5  }
0x309: {  	s6 =	sadd.s32 $0x341000, s6;
	[sflag:s12] =	ssyncpa.u1 $0x0;
	s7 =	simm.s32 @!p0 $0x0  }
0x30a: {  	s13 =	sadd.s32 $0x1B400, s2;
	s14 =	sadd.s32 $0x2C00, s2;
	s7 =	sadd.s32 s7, s1  }
0x30b: {  	v0 =	vlaneseq.u32;
	s19 =	smov.u32 s8;
	p0 =	por $0x1, $0x1;
	s15 =	sadd.s32 $0x1, s7  }
.LBB2_18:
0x30c: {  	s0 =	simm.s32 $0x2  }
0x30d: {  	_ =	swait.ge [sflag:s0], $0x0  }
0x30e: {  	[sflag:s0] =	ssyncset.done $0x0;
	s0 =	simm.s32 $0x0  }
.LBB2_19:
0x30f: {  	_ =	swait.ge [sflag:s17], s0  }
0x310: {  	s31 =	ssub.s32 $0x0, s0;
	v1 =	vmov s23;
	vm0 =	veq.s32 v0, $0x0;
	[sflag:s17] =	ssyncset.done $0x0  }
0x311: {  	vm15 =	veq.s32 v0, $0x2;
	v1 =	vsel vm0, s28, v1;
	[sflag:s17] =	ssyncadd.s32 s31  }
0x312: {  	v1 =	vsel vm15, s21, v1;
	[sflag:s17] =	ssyncpa.u1 $0x1  }
0x313: {  	[tilespmem:$0x6088] =	vst v1  }
.LBB2_20:
0x314: {  	s0 =	sadd.s32 $0x180, s19  }
0x315: {  	s1 =	smov.u32 s8;
	p1 =	slt.s32 s0, s9  }
0x316: {  	s1 =	smov.u32 @p1 s0;
	p1 =	sne.s32 s20, s15  }
.Ltmp1:
0x317: {  	_ = 	snop;
	(pc) =	sbr.rel @!p1 .LBB2_21-.Ltmp1, $4  }
0x318: {  	_ = 	snop  }
0x319: {  	s21 =	smov.u32 s18  }
0x31a: {  	s31 =	sadd.s32 $0x1, s20;
	s18 =	smov.u32 s19;
	p0 =	por !p0, !p0  }
0x31b: {  	p4 =	por !p4, !p4;
	s20 =	smov.u32 s31;
	s19 =	smov.u32 s1  }
.LBB2_1:
0x31c: {  	p2 =	sge.u32 s20, s7  }
0x31d: {  	s0 =	smulhi.u32 @!p2 $0xAAAAAAAB, s20  }
0x31e: {  	s1 =	smov.u32 s19;
	p3 =	sgt.s32 @!p2 s19, $0x61900  }
0x31f: {  	s2 =	sshra.s32 @!p2 s19, $0x1F;
	p3 =	por !p3, p2;
	s0 =	sshrl.u32 @!p2 s0, $0x1  }
0x320: {  	s2 =	sand.u32 @!p2 s2, s19;
	s1 =	simm.s32 @p3 $0x61900;
	s0 =	smul.u32 @!p2 $0x3, s0  }
0x321: {  	s1 =	ssub.s32 @!p2 s1, s2  }
0x322: {  	s22 =	sadd.s32 $0xFFFFFFFF, s20;
	s1 =	sadd.s32 @!p2 $0xFFF9E700, s1;
	s0 =	ssub.s32 @!p2 s20, s0  }
0x323: {  	s2 =	sshll.u32 @!p2 s1, $0x2;
	p3 =	sgt.s32 @!p2 s1, $0x17F;
	s0 =	smul.u32 @!p2 $0x600, s0  }
0x324: {  	s5 =	sand.u32 @!p2 $0x7, s19;
	s1 =	ssub.s32 @!p2 $0x600, s2;
	p3 =	por !p3, p2  }
0x325: {  	s2 =	sshrl.u32 @!p2 s19, $0x3;
	s1 =	sshrl.u32 @!p2 s1, $0x2;
	s0 =	sshrl.u32 @!p2 s0, $0x2  }
0x326: {  	s2 =	sadd.s32 @!p2 s2, s13;
	s1 =	simm.s32 @!p3 $0x0;
	s0 =	sadd.s32 @!p2 $0x64C8, s0  }
0x327: {  	[tilespmem:s0], [sflag:$0xA] =	stream.linear.gather @!p2 [hbm4b:s2+s5], s1, $0x38;
	[tilespmem:$0x1EC48] =	vst v63  }
0x328: {  	p2 =	sge.u32 s22, s7  }
0x329: {  	p3 =	sgt.s32 @!p2 s18, $0x61900  }
0x32a: {  	s0 =	smov.u32 s18;
	s1 =	sshra.s32 @!p2 s18, $0x1F;
	p3 =	por !p3, p2  }
0x32b: {  	s1 =	sand.u32 @!p2 s1, s18;
	s0 =	simm.s32 @p3 $0x61900  }
0x32c: {  	s0 =	ssub.s32 @!p2 s0, s1  }
0x32d: {  	s0 =	sadd.s32 @!p2 $0xFFF9E700, s0  }
0x32e: {  	s1 =	sshll.u32 @!p2 s0, $0x2  }
0x32f: {  	p3 =	sgt.s32 @!p2 s0, $0x17F;
	s0 =	ssub.s32 @!p2 $0x600, s1  }
0x330: {  	p3 =	por !p3, p2;
	s0 =	sshrl.u32 @!p2 s0, $0x2  }
0x331: {  	s2 =	simm.s32 @!p2 $0xA;
	s1 =	sand.u32 @!p2 $0x1, s22;
	s0 =	simm.s32 @!p3 $0x0  }
0x332: {  	s1 =	smul.u32 @!p2 $0x600, s1;
	_ =	swait.ge @!p2 [sflag:s2], s0  }
0x333: {  	s5 =	ssub.s32 @!p2 $0x0, s0;
	[sflag:s2] =	ssyncset.done @!p2 $0x0  }
0x334: {  	s1 =	sshrl.u32 @!p2 s1, $0x2;
	[sflag:s2] =	ssyncadd.s32 @!p2 s5;
	s2 =	sshrl.u32 @!p2 s18, $0x3  }
0x335: {  	s1 =	sadd.s32 @!p2 $0x6948, s1;
	s5 =	sand.u32 @!p2 $0x7, s18;
	s2 =	sadd.s32 @!p2 s2, s14  }
0x336: {  	[tilespmem:s1], [sflag:$0xB] =	stream.linear.gather @!p2 [hbm4b:s2+s5], s0, $0x38;
	[tilespmem:$0x1EC48] =	vst v63  }
0x337: {  	s0 =	ssub.s32 @!p2 $0x61A80, s18  }
0x338: {  	p3 =	slt.s32 @!p2 s0, $0x1  }
0x339: {  	p3 =	por p2, p3  }
.Ltmp2:
0x33a: {  	_ = 	snop;
	(pc) =	sbr.rel @p3 .LBB2_7-.Ltmp2, $1  }
0x33b: {  	_ =	sdelay $0x3  }
0x33c: {  	s1 =	smulhi.u32 $0xAAAAAAAB, s22;
	_ =	sdelay $0x1  }
0x33d: {  	s1 =	sshrl.u32 s1, $0x1  }
0x33e: {  	s1 =	smul.u32 $0x3, s1;
	_ =	sdelay $0x1  }
0x33f: {  	s1 =	ssub.s32 s22, s1  }
0x340: {  	s2 =	simm.s32 $0x1;
	s1 =	smul.u32 $0x600, s1  }
.Ltmp3:
0x341: {  	s2 =	simm.s32 @!p0 $0x0;
	(pc) =	sbr.rel .LBB2_4-.Ltmp3, $4  }
0x342: {  	s2 =	smul.u32 $0x30000, s2  }
0x343: {  	p3 =	slt.s32 @!p2 s0, $0x180;
	s1 =	sshrl.u32 s1, $0x2  }
0x344: {  	p2 =	por !p3, p2;
	s2 =	sshrl.u32 s2, $0x2;
	s1 =	sadd.s32 $0x64C8, s1  }
0x345: {  	s23 =	simm.s32 $0x0;
	s0 =	simm.s32 @p2 $0x180;
	s22 =	sadd.s32 $0x6C48, s2;
	v1 =	vmov s1  }
.LBB2_3:
0x346: {  	p2 =	sge.s32 s23, s0  }
.Ltmp4:
0x347: {  	_ = 	snop;
	(pc) =	sbr.rel @p2 .LBB2_7-.Ltmp4, $2  }
0x348: {  	_ =	sdelay $0x2  }
0x349: {  	s22 =	sadd.s32 $0x800, s22  }
.LBB2_4:
0x34a: {  	p2 =	sle.s32 s0, s23  }
.Ltmp5:
0x34b: {  	_ = 	snop;
	(pc) =	sbr.rel @p2 .LBB2_3-.Ltmp5, $2  }
0x34c: {  	_ =	sdelay $0x2  }
0x34d: {  	s24 =	smov.u32 s23;
	s23 =	sadd.s32 $0x10, s23  }
0x34e: {  	s1 =	ssub.s32 s0, s24  }
0x34f: {  	p2 =	slt.s32 s1, $0x10  }
0x350: {  	s1 =	simm.s32 @!p2 $0x10  }
0x351: {  	v2 =	vmov s1  }
0x352: {  	vm0 =	vgt.s32 v2, v0;
	_ =	sdelay $0x5  }
0x353: {  	v2 =	vld.idx.msk [tilespmem:v1+s24+$0x0 ss:$0x1], vm0;
	_ =	sdelay $0x2  }
0x354: {  	p2 =	slt.s32 s23, s0;
	s1 =	smov.u32 s0  }
0x355: {  	s2 =	smov.u32 s22;
	s25 =	simm.s32 $0x0;
	s1 =	smov.u32 @p2 s23  }
.LBB2_6:
0x356: {  	(v2sf) =	vpush v2, s25;
	_ =	sdelay $0xc  }
0x357: {  	s25 =	sadd.s32 $0x1, s25  }
0x358: {  	s31 =	sadd.s32 s25, s24  }
0x359: {  	p2 =	slt.s32 s31, s1;
	s5 =	spop (v2sf)  }
.Ltmp6:
0x35a: {  	s5 =	sshll.u32 s5, $0x4;
	(pc) =	sbr.rel @p2 .LBB2_6-.Ltmp6, $4  }
0x35b: {  	s5 =	sand.u32 $0x1FFFFFF0, s5  }
0x35c: {  	s5 =	sadd.s32 s6, s5  }
0x35d: {  	[tilespmem:s2], [sflag:$0x9] =	stream.linear.gather [hbm4b:s5+s16], $0x1B, $0x38;
	[tilespmem:$0x1EC48] =	vst v63  }
0x35e: {  	s2 =	sadd.s32 $0x80, s2  }
.Ltmp7:
0x35f: {  	_ = 	snop;
	(pc) =	sbr.rel .LBB2_3-.Ltmp7, $1  }
0x360: {  	_ =	sdelay $0x3  }
.LBB2_7:
0x361: {  	p2 =	slt.u32 s20, $0x2  }
.Ltmp8:
0x362: {  	_ = 	snop;
	(pc) =	sbr.rel @p2 .LBB2_20-.Ltmp8, $1  }
0x363: {  	_ =	sdelay $0x3  }
0x364: {  	s0 =	ssub.s32 $0x61A80, s21;
	p2 =	sgt.s32 s21, $0x61900  }
0x365: {  	s1 =	smov.u32 s21;
	s2 =	sshra.s32 s21, $0x1F;
	p3 =	slt.s32 s0, $0x180  }
0x366: {  	s1 =	simm.s32 @!p2 $0x61900;
	s2 =	sand.u32 s2, s21;
	s0 =	simm.s32 @!p3 $0x180  }
0x367: {  	s1 =	ssub.s32 s1, s2;
	s0 =	smul.u32 $0x6C, s0  }
0x368: {  	s1 =	sadd.s32 $0xFFF9E700, s1  }
0x369: {  	s26 =	sshll.u32 s1, $0x2;
	s0 =	sshrl.u32 s0, $0x2  }
0x36a: {  	p2 =	sgt.s32 s1, $0x17F;
	s28 =	ssub.s32 $0x600, s26;
	_ =	swait.ge [sflag:s11], s0  }
0x36b: {  	s0 =	ssub.s32 $0x0, s0;
	s1 =	sshrl.u32 s28, $0x2;
	[sflag:s11] =	ssyncset.done $0x0  }
0x36c: {  	s1 =	simm.s32 @p2 $0x0;
	[sflag:s11] =	ssyncadd.s32 s0  }
0x36d: {  	_ =	swait.ge [sflag:s12], s1  }
0x36e: {  	s29 =	ssub.s32 $0x0, s1;
	[sflag:s12] =	ssyncset.done $0x0  }
0x36f: {  	[sflag:s12] =	ssyncadd.s32 s29  }
0x370: {  	v1 =	vld [tilespmem:$0x6088];
	_ =	sdelay $0x4  }
0x371: {  	(v2sf) =	vpush v1, $0x0  }
0x372: {  	(v2sf) =	vpush v1, $0x1  }
0x373: {  	(v2sf) =	vpush v1, $0x2;
	_ =	sdelay $0x3  }
0x374: {  	s0 =	sadd.s32 $0x180, s21  }
0x375: {  	p2 =	slt.s32 s9, s0;
	s1 =	ssub.s32 $0xC3500, s21  }
0x376: {  	s0 =	smov.u32 @p2 s9;
	p2 =	sgt.s32 s1, $0x0  }
0x377: {  	s0 =	ssub.s32 s0, s21;
	s1 =	simm.s32 @!p2 $0x0  }
0x378: {  	p2 =	slt.s32 s1, s0  }
0x379: {  	s0 =	smov.u32 @p2 s1  }
0x37a: {  	s24 =	simm.s32 $0x1;
	p2 =	slt.s32 s0, $0x1  }
.Ltmp9:
0x37b: {  	s24 =	simm.s32 @!p4 $0x0;
	(pc) =	sbr.rel @p2 .LBB2_12-.Ltmp9, $4  }
0x37c: {  	s30 =	smul.u32 $0x600, s24  }
0x37d: {  	s25 =	spop (v2sf)  }
0x37e: {  	s31 =	sshrl.u32 s30, $0x2;
	s26 =	spop (v2sf)  }
0x37f: {  	s22 =	sadd.s32 $0x6948, s31;
	s21 =	spop (v2sf)  }
0x380: {  	s1 =	smin.u32 s0, $0x10  }
0x381: {  	v1 =	vmov s1  }
0x382: {  	p3 =	sgt.s32 s0, $0x10;
	vm1 =	vgt.u32 v1, v0  }
.Ltmp10:
0x383: {  	_ = 	snop;
	(pc) =	sbr.rel @!p3 .LBB2_11-.Ltmp10, $2  }
0x384: {  	_ =	sdelay $0x2  }
0x385: {  	s28 =	simm.s32 $0x10;
	s29 =	sadd.s32 $0xFFFFFFF0, s0;
	s23 =	smov.u32 s22;
	vm0 =	vmmov vm1  }
.LBB2_10:
0x386: {  	s1 =	smin.u32 s29, $0x10;
	s28 =	sadd.s32 $0x10, s28;
	v1 =	vld.msk [tilespmem:s23+$0x0 ss:$0x1], vm1  }
0x387: {  	v2 =	vmov s1;
	p3 =	slt.s32 s28, s0  }
0x388: {  	vm1 =	vgt.u32 v2, v0  }
.Ltmp11:
0x389: {  	(pc) =	sbr.rel @p3 .LBB2_10-.Ltmp11, $3  }
0x38a: {  	_ =	sdelay $0x1  }
0x38b: {  	v1 =	vshll.u32 v1, $0x4  }
0x38c: {  	s29 =	sadd.s32 $0xFFFFFFF0, s29;
	[tilespmem:s23+$0x0] =	vst.msk vm0, v1;
	s23 =	sadd.s32 $0x10, s23;
	vm0 =	vmmov vm1  }
.LBB2_11:
0x38d: {  	_ =	sdelay $0x4  }
0x38e: {  	v1 =	vld.msk [tilespmem:s23+$0x0 ss:$0x1], vm1;
	_ =	sdelay $0x4  }
0x38f: {  	v1 =	vshll.u32 v1, $0x4  }
0x390: {  	[tilespmem:s23+$0x0] =	vst.msk vm0, v1  }
.LBB2_12:
0x391: {  	s1 =	sand.u32 $0x1, s20  }
0x392: {  	s1 =	smul.u32 $0x180, s1  }
0x393: {  	p3 =	sne.s32 s26, $0xFFFFFFFF  }
0x394: {  	v1 =	vld.msk @!p3 [tilespmem:s1+$0x6948], $0x1;
	_ =	sdelay $0x4  }
0x395: {  	(v2sf) =	vpush @!p3 v1, $0x0;
	_ =	sdelay $0xc  }
.Ltmp12:
0x396: {  	_ = 	snop;
	(pc) =	sbr.rel @p2 .LBB2_18-.Ltmp12, $4  }
0x397: {  	_ = 	snop  }
0x398: {  	s28 =	spop @!p3 (v2sf)  }
0x399: {  	s21 =	simm.s32 @!p3 $0x0;
	s23 =	smov.u32 s28  }
0x39a: {  	[sflag:s17] =	ssyncpa.u1 $0x0;
	s28 =	smov.u32 @p3 s25;
	s23 =	smov.u32 @p3 s26  }
0x39b: {  	v1 =	vld.msk [tilespmem:s22+$0x0], $0x1;
	_ =	sdelay $0x4  }
0x39c: {  	(v2sf) =	vpush v1, $0x0;
	_ =	sdelay $0xd  }
0x39d: {  	s1 =	simm.s32 @!p4 $0x0  }
0x39e: {  	s26 =	smul.u32 $0x30000, s24;
	s29 =	ssub.s32 $0x0, s0;
	s30 =	spop (v2sf)  }
0x39f: {  	s1 =	simm.s32 @p4 $0x1;
	s0 =	sadd.s32 $0x1, s29;
	p2 =	seq.s32 s28, s30  }
0x3a0: {  	[smem:$0x7FD] =	sst s1;
	s1 =	sshrl.u32 s26, $0x2;
	p3 =	sgt.s32 @!p2 s28, $0x0  }
0x3a1: {  	s24 =	sadd.s32 $0x6C58, s1;
	s1 =	smov.u32 s28;
	p3 =	por !p3, p2  }
0x3a2: {  	s1 =	simm.s32 @p3 $0x0;
	p3 =	seq.s32 s0, $0x0  }
.Ltmp13:
0x3a3: {  	_ = 	snop;
	(pc) =	sbr.rel @p3 .LBB2_15-.Ltmp13, $4  }
0x3a4: {  	_ = 	snop  }
0x3a5: {  	s25 =	simm.s32 $0x0;
	s31 =	simm.s32 @!p2 $0x1;
	s2 =	smin.u32 @!p2 s1, $0xC34FC  }
0x3a6: {  	s26 =	sadd.s32 $0x1, s22;
	s31 =	smov.u32 @p2 s25;
	s5 =	sand.u32 @!p2 $0xFFFF8, s2  }
0x3a7: {  	s1 =	simm.s32 @!p2 $0x3068;
	s2 =	sand.u32 @!p2 $0x7, s2;
	s5 =	sadd.s32 @!p2 s3, s5  }
.LBB2_14:
0x3a8: {  	s4 =	smov.u32 s31  }
0x3a9: {  	[tilespmem:s1], [sflag:$0x2] =	stream.linear.gather @!p2 [hbm4b:s5+s2], $0x1B, $0x38;
	[tilespmem:$0x1EC48] =	vst v63  }
0x3aa: {  	s0 =	sadd.s32 $0x1, s0;
	s2 =	smov.u32 s30;
	v1 =	vld.msk [tilespmem:s26+$0x0], $0x1  }
0x3ab: {  	p3 =	seq.s32 s0, $0x0;
	_ =	sdelay $0x3  }
0x3ac: {  	(v2sf) =	vpush v1, $0x0;
	_ =	sdelay $0xe  }
0x3ad: {  	s30 =	spop (v2sf)  }
0x3ae: {  	p2 =	seq.s32 s2, s30  }
0x3af: {  	p4 =	sgt.s32 @!p2 s2, $0x0;
	s1 =	sshll.u32 @!p2 s31, $0x7;
	s31 =	sadd.s32 @!p2 $0x1, s31  }
.Ltmp14:
0x3b0: {  	p4 =	por !p4, p2;
	s1 =	sshra.s32 @!p2 s1, $0x2;
	(pc) =	sbr.rel @!p3 .LBB2_14-.Ltmp14, $4  }
0x3b1: {  	s31 =	smov.u32 @p2 s4;
	s2 =	simm.s32 @p4 $0x0;
	s1 =	sadd.s32 @!p2 $0x3068, s1  }
0x3b2: {  	s2 =	smin.u32 @!p2 s2, $0xC34FC  }
0x3b3: {  	s4 =	sand.u32 @!p2 $0xFFFF8, s2;
	s2 =	sand.u32 @!p2 $0x7, s2  }
0x3b4: {  	s26 =	sadd.s32 $0x1, s26;
	s5 =	sadd.s32 @!p2 s3, s4  }
.LBB2_15:
0x3b5: {  	s0 =	smul.u32 $0x6C, s31  }
0x3b6: {  	[tilespmem:s1], [sflag:$0x2] =	stream.linear.gather @!p2 [hbm4b:s5+s2], $0x1B, $0x38;
	[tilespmem:$0x1EC48] =	vst v63  }
0x3b7: {  	s31 =	simm.s32 $0x2;
	s0 =	sshrl.u32 s0, $0x2  }
0x3b8: {  	_ =	swait.ge [sflag:s31], s0  }
0x3b9: {  	s0 =	ssub.s32 $0x0, s0;
	[sflag:s31] =	ssyncset.done $0x0  }
0x3ba: {  	[sflag:s31] =	ssyncadd.s32 s0  }
0x3bb: {  	v1 =	vld.msk [tilespmem:s22+$0x0], $0x1;
	_ =	sdelay $0x4  }
0x3bc: {  	(v2sf) =	vpush v1, $0x0;
	_ =	sdelay $0xe  }
0x3bd: {  	s26 =	spop (v2sf)  }
0x3be: {  	p2 =	sne.s32 s28, s26  }
0x3bf: {  	p4 =	sne.s32 @p2 s28, s23  }
0x3c0: {  	p3 =	por !p4, !p2  }
0x3c1: {  	s0 =	simm.s32 @!p3 $0x0  }
0x3c2: {  	v1 =	vld @!p3 [tilespmem:s0+$0x3068];
	_ =	sdelay $0x2  }
0x3c3: {  	s1 =	sshll.u32 @!p3 s21, $0x7  }
0x3c4: {  	s1 =	sshra.s32 @!p3 s1, $0x2  }
0x3c5: {  	[tilespmem:s1+$0x48] =	vst.add.f32.msk @!p3 $0xffff, v1  }
0x3c6: {  	v1 =	vld.msk @!p3 [tilespmem:s0+$0x3078], $0x7ff  }
0x3c7: {  	p5 =	sgt.u32 @!p3 s28, $0xC34FC  }
0x3c8: {  	p6 =	por @p2 p5, !p4  }
0x3c9: {  	p1 =	por p6, !p2;
	p6 =	por p4, !p2  }
0x3ca: {  	s4 =	sand.u32 @!p1 $0xFFFF8, s28;
	s5 =	sshll.u32 @!p6 s21, $0x7;
	s28 =	sand.u32 @!p1 $0x7, s28  }
0x3cb: {  	s0 =	sadd.s32 @!p3 $0x48, s1;
	[tilespmem:s1+$0x58] =	vst.add.f32.msk @!p3 $0x7ff, v1;
	s1 =	sadd.s32 @!p1 s3, s4;
	s4 =	sshra.s32 @!p6 s5, $0x2  }
0x3cc: {  	[hbm4b:s1+s28] =	stream.linear.scatter @!p1 [tilespmem:s0], [sflag:$0xC], $0x1B, $0x38;
	[tilespmem:$0x1EC48] =	vst v63  }
0x3cd: {  	s2 =	rddreg [dreg:$0x4];
	s0 =	sadd.s32 @!p6 $0x48, s4;
	s1 =	simm.s32 @!p6 $0x1  }
0x3ce: {  	[spmem:s2] =	stream.linear.scatter @!p6 [tilespmem:s0], [sflag:$0x1], $0x1B, $0x38;
	[tilespmem:$0x1EC48] =	vst v63  }
0x3cf: {  	s0 =	sadd.s32 @p2 $0x1, s21;
	_ =	swait.ge @!p6 [sflag:s1], $0x1B  }
0x3d0: {  	s2 =	smulhi.u32 @p2 $0xAAAAAAAB, s0;
	[sflag:s1] =	ssyncset.done @!p6 $0x0  }
0x3d1: {  	[sflag:s1] =	ssyncadd.s32 @!p6 $0xFFFFFFE5  }
0x3d2: {  	s1 =	sshrl.u32 @p2 s2, $0x8;
	v1 =	vld @p2 [tilespmem:s24+$0xFFFFFFF0]  }
0x3d3: {  	s1 =	smul.u32 @p2 $0x180, s1;
	_ =	sdelay $0x1  }
0x3d4: {  	s1 =	ssub.s32 @p2 s0, s1  }
0x3d5: {  	s0 =	sshll.u32 @p2 s1, $0x5  }
0x3d6: {  	[tilespmem:s0+$0x48] =	vst @p2 v1  }
0x3d7: {  	v1 =	vld.msk @p2 [tilespmem:s24+$0x0], $0x7ff;
	_ =	sdelay $0x4  }
0x3d8: {  	p1 =	por @p2 !p5, !p4;
	[tilespmem:s0+$0x58] =	vst.msk @p2 $0x7ff, v1  }
0x3d9: {  	s28 =	sadd.s32 $0x1, s29;
	p1 =	por !p1, !p2;
	s0 =	simm.s32 @!p3 $0x0;
	v1 =	vld @!p2 [tilespmem:s24+$0xFFFFFFF0]  }
0x3da: {  	s0 =	simm.s32 @!p1 $0x6C;
	p1 =	seq.s32 s28, $0x0  }
.Ltmp15:
0x3db: {  	_ = 	snop;
	(pc) =	sbr.rel @p1 .LBB2_17-.Ltmp15, $4  }
0x3dc: {  	s2 =	sshll.u32 @!p2 s21, $0x7  }
0x3dd: {  	s5 =	sadd.s32 @!p3 $0x0, s0;
	s0 =	sshra.s32 @!p2 s2, $0x2  }
0x3de: {  	s4 =	simm.s32 @p2 $0x1;
	s29 =	simm.s32 $0x0;
	s5 =	smov.u32 @p3 s25;
	[tilespmem:s0+$0x48] =	vst.add.f32.msk @!p2 $0xffff, v1  }
0x3df: {  	s29 =	smov.u32 @p2 s4;
	s21 =	smov.u32 @p2 s1;
	s25 =	smov.u32 @p2 s5;
	v1 =	vld.msk @!p2 [tilespmem:s24+$0x0], $0x7ff  }
.LBB2_16:
0x3e0: {  	_ =	sdelay $0x3  }
0x3e1: {  	s22 =	sadd.s32 $0x1, s22;
	[tilespmem:s0+$0x58] =	vst.add.f32.msk @!p2 $0x7ff, v1  }
0x3e2: {  	v1 =	vld.msk [tilespmem:s22+$0x0], $0x1;
	_ =	sdelay $0x4  }
0x3e3: {  	(v2sf) =	vpush v1, $0x0;
	_ =	sdelay $0xe  }
0x3e4: {  	s31 =	smov.u32 s26;
	s26 =	spop (v2sf)  }
0x3e5: {  	p2 =	sne.s32 s31, s26  }
0x3e6: {  	p5 =	sne.s32 @p2 s31, s23  }
0x3e7: {  	p4 =	por !p5, !p2  }
0x3e8: {  	s1 =	sadd.s32 @p2 $0x1, s21;
	s4 =	sadd.s32 @p2 $0x1, s29;
	s5 =	sshll.u32 @!p4 s29, $0x7  }
0x3e9: {  	s2 =	smulhi.u32 @p2 $0xAAAAAAAB, s1;
	s29 =	smov.u32 @p2 s4;
	s4 =	sshra.s32 @!p4 s5, $0x2  }
0x3ea: {  	v1 =	vld @!p4 [tilespmem:s4+$0x3068]  }
0x3eb: {  	s2 =	sshrl.u32 @p2 s2, $0x8  }
0x3ec: {  	s2 =	smul.u32 @p2 $0x180, s2  }
0x3ed: {  	s10 =	sshll.u32 @!p4 s21, $0x7  }
0x3ee: {  	p1 =	sgt.u32 @!p4 s31, $0xC34FC;
	s1 =	ssub.s32 @p2 s1, s2;
	s2 =	sshra.s32 @!p4 s10, $0x2  }
0x3ef: {  	p6 =	por @p2 p1, !p5;
	p1 =	por @p2 !p1, !p5;
	[tilespmem:s2+$0x48] =	vst.add.f32.msk @!p4 $0xffff, v1  }
0x3f0: {  	s5 =	simm.s32 @!p4 $0x0;
	p1 =	por !p1, !p2;
	v1 =	vld.msk @!p4 [tilespmem:s4+$0x3078], $0x7ff  }
0x3f1: {  	s5 =	simm.s32 @!p1 $0x6C  }
0x3f2: {  	s0 =	smov.u32 s21;
	p5 =	por p5, !p2;
	s5 =	sadd.s32 @!p4 s5, s25  }
0x3f3: {  	s0 =	sshll.u32 @!p5 s0, $0x7;
	p1 =	por p6, !p2;
	s5 =	smov.u32 @p4 s25  }
0x3f4: {  	s0 =	sshra.s32 @!p5 s0, $0x2;
	s25 =	smov.u32 @p2 s5;
	s5 =	sand.u32 @!p1 $0xFFFF8, s31  }
0x3f5: {  	s10 =	sadd.s32 @!p4 $0x48, s2;
	s31 =	sand.u32 @!p1 $0x7, s31;
	[tilespmem:s2+$0x58] =	vst.add.f32.msk @!p4 $0x7ff, v1;
	s2 =	sadd.s32 @!p1 s3, s5  }
0x3f6: {  	[hbm4b:s2+s31] =	stream.linear.scatter @!p1 [tilespmem:s10], [sflag:$0xC], $0x1B, $0x38;
	[tilespmem:$0x1EC48] =	vst v63  }
0x3f7: {  	s0 =	sadd.s32 @!p5 $0x48, s0;
	s4 =	rddreg [dreg:$0x4];
	s2 =	simm.s32 @!p5 $0x1  }
0x3f8: {  	[spmem:s4] =	stream.linear.scatter @!p5 [tilespmem:s0], [sflag:$0x1], $0x1B, $0x38;
	[tilespmem:$0x1EC48] =	vst v63  }
0x3f9: {  	_ =	swait.ge @!p5 [sflag:s2], $0x1B  }
0x3fa: {  	[sflag:s2] =	ssyncset.done @!p5 $0x0  }
0x3fb: {  	s24 =	sadd.s32 $0x80, s24;
	[sflag:s2] =	ssyncadd.s32 @!p5 $0xFFFFFFE5  }
0x3fc: {  	v1 =	vld @p2 [tilespmem:s24+$0xFFFFFFF0];
	_ =	sdelay $0x3  }
0x3fd: {  	s0 =	sshll.u32 @p2 s1, $0x5  }
0x3fe: {  	[tilespmem:s0+$0x48] =	vst @p2 v1  }
0x3ff: {  	v1 =	vld.msk @p2 [tilespmem:s24+$0x0], $0x7ff;
	_ =	sdelay $0x4  }
0x400: {  	[tilespmem:s0+$0x58] =	vst.msk @p2 $0x7ff, v1  }
0x401: {  	s28 =	sadd.s32 $0x1, s28;
	v1 =	vld @!p2 [tilespmem:s24+$0xFFFFFFF0]  }
0x402: {  	p3 =	seq.s32 s28, $0x0  }
.Ltmp16:
0x403: {  	_ = 	snop;
	(pc) =	sbr.rel @!p3 .LBB2_16-.Ltmp16, $4  }
0x404: {  	s30 =	sshll.u32 @!p2 s21, $0x7  }
0x405: {  	s0 =	sshra.s32 @!p2 s30, $0x2  }
0x406: {  	[tilespmem:s0+$0x48] =	vst.add.f32.msk @!p2 $0xffff, v1  }
0x407: {  	s21 =	smov.u32 @p2 s1;
	v1 =	vld.msk @!p2 [tilespmem:s24+$0x0], $0x7ff  }
.LBB2_17:
.Ltmp17:
0x408: {  	_ = 	snop;
	(pc) =	sbr.rel .LBB2_19-.Ltmp17, $2  }
0x409: {  	s1 =	sld [smem:$0x7FD];
	_ =	sdelay $0x2  }
0x40a: {  	s28 =	smov.u32 s26;
	p4 =	seq.s32 s1, $0x1;
	[tilespmem:s0+$0x58] =	vst.add.f32.msk @!p2 $0x7ff, v1;
	s0 =	sshrl.u32 s25, $0x2  }
.LBB2_21:
0x40b: {  	_ =	sfence.sel $0x180000  }
0x40c: {  	s0 =	simm.s32 $0x9;
	[bflag:$0x0] =	sbarrier.arrive $0xFFFF  }
0x40d: {  	s24 =	simm.s32 $0xA;
	[sflag:s0] =	ssyncpa.u1 $0x1  }
0x40e: {  	s25 =	simm.s32 $0xB;
	[sflag:s24] =	ssyncpa.u1 $0x1  }
0x40f: {  	s26 =	simm.s32 $0x2;
	[sflag:s25] =	ssyncpa.u1 $0x1  }
0x410: {  	[sflag:s26] =	ssyncpa.u1 $0x1  }
0x411: {  	v0 =	vld [tilespmem:$0x6088];
	_ =	sdelay $0x4  }
0x412: {  	(v2sf) =	vpush v0, $0x0  }
0x413: {  	(v2sf) =	vpush v0, $0x1;
	_ =	sdelay $0x1  }
0x414: {  	(v2sf) =	vpush v0, $0x2;
	_ =	sdelay $0xb  }
0x415: {  	s0 =	spop (v2sf)  }
0x416: {  	s1 =	spop (v2sf)  }
0x417: {  	s2 =	smov.u32 s0;
	p0 =	sne.s32 s0, s1  }
0x418: {  	s4 =	spop (v2sf);
	s2 =	simm.s32 @!p0 $0xFFFFFFFF  }
0x419: {  	v2 =	vimm.s32 $0x1;
	v3 =	vlaneseq.u32;
	p0 =	seq.s32 s4, $0xFFFFFFFF;
	v1 =	vmov s2  }
0x41a: {  	s15 =	stileid.u32;
	v0 =	vperm.xlane v0, v2;
	p1 =	sne.s32 @!p0 s0, s1;
	v1 =	vperm.xlane v1, v3  }
0x41b: {  	vm0 =	vcmask $0x3F04;
	s6 =	simm.s32 $0x6088;
	s0 =	simm.s32 @!p0 $0x1;
	p1 =	por !p1, p0  }
0x41c: {  	s2 =	sshll.u32 s15, $0x1;
	s1 =	sshll.u32 @!p0 s4, $0x7;
	s0 =	simm.s32 @p1 $0x0;
	v0 =	vsel vm0, v1, v0  }
0x41d: {  	s5 =	sor.u32 $0x400, s2;
	s1 =	sshra.s32 @!p0 s1, $0x2;
	s0 =	sor.u32 @!p0 s0, s2;
	[tilespmem:$0x6088] =	vst v0  }
0x41e: {  	[spmem:s5] =	stream.linear.scatter [tilespmem:s6], [sflag:$0x1], $0x2, $0x38;
	[tilespmem:$0x1EC48] =	vst v63  }
0x41f: {  	s1 =	sadd.s32 @!p0 $0x48, s1;
	s0 =	sshll.u32 @!p0 s0, $0x5  }
0x420: {  	[spmem:s0] =	stream.linear.scatter @!p0 [tilespmem:s1], [sflag:$0x1], $0x20, $0x38;
	[tilespmem:$0x1EC48] =	vst v63  }
0x421: {  	s0 =	simm.s32 @!p0 $0x22  }
0x422: {  	s28 =	simm.s32 $0x1;
	s0 =	simm.s32 @p0 $0x2  }
0x423: {  	_ =	swait.ge [sflag:s28], s0  }
0x424: {  	s0 =	ssub.s32 $0x0, s0;
	[sflag:s28] =	ssyncset.done $0x0  }
0x425: {  	p0 =	sne.s32 s15, $0x0;
	[sflag:s28] =	ssyncadd.s32 s0  }
.Ltmp18:
0x426: {  	_ =	sfence.stream.spmem;
	(pc) =	sbr.rel @p0 .LBB2_38-.Ltmp18, $4  }
0x427: {  	s29 =	simm.s32 $0x3;
	[bflag:$0x0] =	sbarrier.arrive $0xFFFF  }
0x428: {  	s30 =	simm.s32 $0x4;
	[sflag:s29] =	ssyncpa.u1 $0x1  }
0x429: {  	s31 =	simm.s32 $0x3C;
	[sflag:s30] =	ssyncpa.u1 $0x1  }
0x42a: {  	s16 =	rddreg [dreg:$0x5];
	[sflag:s31] =	ssyncpa.u1 $0x1  }
0x42b: {  	_ =	sfence.stream.spmem;
	s0 =	simm.s32 $0x5  }
0x42c: {  	s1 =	simm.s32 $0x400;
	s2 =	simm.s32 $0x6098;
	[sflag:s0] =	ssyncpa.u1 $0x0  }
0x42d: {  	[tilespmem:s2], [sflag:$0x5] =	stream.linear.gather [spmem:s1], $0x20, $0x38;
	[tilespmem:$0x1EC48] =	vst v63  }
0x42e: {  	s26 =	simm.s32 $0x0;
	s28 =	simm.s32 $0x60B8  }
0x42f: {  	[tilespmem:s28], [sflag:$0x5] =	stream.linear.gather [spmem:s26], $0x400, $0x38;
	[tilespmem:$0x1EC48] =	vst v63  }
0x430: {  	_ =	swait.ge [sflag:s0], $0x420  }
0x431: {  	[sflag:s0] =	ssyncset.done $0x0  }
0x432: {  	s29 =	simm.s32 $0x0;
	[sflag:s0] =	ssyncadd.s32 $0xFFFFFBE0  }
0x433: {  	v0 =	vld.msk [tilespmem:s29+$0x6098], $0x1;
	_ =	sdelay $0x1  }
0x434: {  	s30 =	simm.s32 $0x1  }
0x435: {  	v1 =	vld.msk [tilespmem:s30+$0x6098], $0x1;
	_ =	sdelay $0x1  }
0x436: {  	(v2sf) =	vpush v0, $0x0;
	_ =	sdelay $0x2  }
0x437: {  	(v2sf) =	vpush v1, $0x0;
	_ =	sdelay $0x2  }
0x438: {  	s31 =	simm.s32 $0x2  }
0x439: {  	v0 =	vld.msk [tilespmem:s31+$0x6098], $0x1;
	_ =	sdelay $0x2  }
0x43a: {  	s6 =	simm.s32 $0xFFFFFFFF;
	s1 =	simm.s32 $0xFFFFFFFF;
	s0 =	simm.s32 $0xC  }
.LBB2_23:
0x43b: {  	s2 =	smov.u32 s6;
	s4 =	smov.u32 s1  }
0x43c: {  	s1 =	sshra.s32 s0, $0x2;
	p1 =	sne.s32 s0, $0x7C;
	s0 =	sadd.s32 $0x4, s0;
	(v2sf) =	vpush v0, $0x0  }
0x43d: {  	v0 =	vld.msk [tilespmem:s1+$0x6098], $0x1  }
.Ltmp19:
0x43e: {  	(pc) =	sbr.rel @p1 .LBB2_23-.Ltmp19, $4  }
0x43f: {  	s6 =	spop (v2sf)  }
0x440: {  	p2 =	sne.s32 s4, $0xFFFFFFFF;
	s1 =	smov.u32 s6  }
0x441: {  	p3 =	seq.s32 s6, $0xFFFFFFFF;
	s1 =	smov.u32 @p2 s4  }
0x442: {  	s6 =	smov.u32 @p3 s2;
	s1 =	smov.u32 @p3 s4  }
0x443: {  	(v2sf) =	vpush v0, $0x0;
	_ =	sdelay $0x8  }
0x444: {  	s0 =	spop (v2sf)  }
0x445: {  	p1 =	sne.s32 s1, $0xFFFFFFFF;
	s2 =	smov.u32 s0  }
0x446: {  	s9 =	simm.s32 $0x6;
	p2 =	seq.s32 s0, $0xFFFFFFFF;
	s2 =	smov.u32 @p1 s1  }
0x447: {  	s10 =	simm.s32 $0x6068;
	s2 =	smov.u32 @p2 s1;
	s1 =	spop (v2sf)  }
0x448: {  	s0 =	smov.u32 @p2 s6;
	p1 =	sne.s32 s2, $0xFFFFFFFF;
	s4 =	smov.u32 s1  }
.Ltmp20:
0x449: {  	p2 =	seq.s32 s1, $0xFFFFFFFF;
	s4 =	smov.u32 @p1 s2;
	(pc) =	sbr.rel .LBB2_25-.Ltmp20, $4  }
0x44a: {  	s11 =	simm.s32 $0x0;
	s4 =	smov.u32 @p2 s2;
	s7 =	spop (v2sf)  }
0x44b: {  	[sflag:s9] =	ssyncpa.u1 $0x0;
	p1 =	sne.s32 s4, $0xFFFFFFFF;
	s8 =	smov.u32 s7  }
0x44c: {  	s1 =	smov.u32 @p2 s0;
	p2 =	seq.s32 s7, $0xFFFFFFFF;
	s8 =	smov.u32 @p1 s4  }
0x44d: {  	s6 =	simm.s32 $0x0;
	s7 =	smov.u32 @p2 s1;
	s8 =	smov.u32 @p2 s4  }
.LBB2_31:
0x44e: {  	p1 =	sgt.u32 s12, $0xC34FC  }
0x44f: {  	p2 =	seq.s32 @!p1 s12, s8  }
0x450: {  	p1 =	por p1, p2  }
0x451: {  	p2 =	sne.s32 @!p1 s12, s7  }
0x452: {  	p1 =	por p1, !p2  }
0x453: {  	s0 =	sshll.u32 @p1 s11, $0x7  }
0x454: {  	s0 =	sand.u32 @!p1 $0xFFFF8, s12  }
0x455: {  	s1 =	sand.u32 @!p1 $0x7, s12;
	s0 =	sadd.s32 @!p1 s3, s0  }
0x456: {  	[tilespmem:s10], [sflag:$0x6] =	stream.linear.gather @!p1 [hbm4b:s0+s1], $0x1B, $0x38;
	[tilespmem:$0x1EC48] =	vst v63  }
0x457: {  	_ =	swait.ge @!p1 [sflag:s9], $0x1B  }
0x458: {  	[sflag:s9] =	ssyncset.done @!p1 $0x0  }
0x459: {  	[sflag:s9] =	ssyncadd.s32 @!p1 $0xFFFFFFE5  }
0x45a: {  	v1 =	vld @!p1 [tilespmem:$0x6068];
	_ =	sdelay $0x2  }
0x45b: {  	s0 =	sshll.u32 @!p1 s11, $0x7  }
0x45c: {  	s1 =	sshrl.u32 @!p1 s0, $0x2  }
0x45d: {  	[tilespmem:s1+$0x60B8] =	vst.add.f32.msk @!p1 $0xffff, v1  }
0x45e: {  	v1 =	vld @!p1 [tilespmem:$0x6078];
	_ =	sdelay $0x4  }
0x45f: {  	[tilespmem:s1+$0x60C8] =	vst.add.f32.msk @!p1 $0xffff, v1  }
0x460: {  	s0 =	sshrl.u32 s0, $0x2;
	[tilespmem:s6+$0x6098] =	vst.msk $0x1, v0  }
0x461: {  	v0 =	vld [tilespmem:s0+$0x60B8];
	_ =	sdelay $0x2  }
0x462: {  	s31 =	sshll.u32 s6, $0x7  }
0x463: {  	s1 =	sshra.s32 s31, $0x2  }
0x464: {  	[tilespmem:s1+$0x60B8] =	vst v0  }
0x465: {  	v0 =	vld [tilespmem:s0+$0x60C8];
	_ =	sdelay $0x4  }
0x466: {  	s6 =	sadd.s32 $0x1, s6;
	[tilespmem:s1+$0x60C8] =	vst v0  }
.LBB2_32:
0x467: {  	s11 =	sadd.s32 $0x1, s11  }
0x468: {  	p1 =	sne.s32 s11, $0x20  }
.Ltmp21:
0x469: {  	_ = 	snop;
	(pc) =	sbr.rel @!p1 .LBB2_33-.Ltmp21, $1  }
0x46a: {  	_ =	sdelay $0x3  }
.LBB2_25:
0x46b: {  	v0 =	vld.msk [tilespmem:s11+$0x6098], $0x1;
	_ =	sdelay $0x4  }
0x46c: {  	(v2sf) =	vpush v0, $0x0;
	_ =	sdelay $0xe  }
0x46d: {  	s12 =	spop (v2sf)  }
0x46e: {  	p1 =	seq.s32 s12, $0xFFFFFFFF  }
.Ltmp22:
0x46f: {  	_ = 	snop;
	(pc) =	sbr.rel @p1 .LBB2_32-.Ltmp22, $1  }
0x470: {  	_ =	sdelay $0x3  }
0x471: {  	p1 =	slt.s32 s6, $0x1  }
.Ltmp23:
0x472: {  	_ = 	snop;
	(pc) =	sbr.rel @p1 .LBB2_31-.Ltmp23, $1  }
0x473: {  	_ =	sdelay $0x3  }
0x474: {  	s0 =	simm.s32 $0x6098;
	p1 =	por $0x0, $0x0  }
0x475: {  	v1 =	vld.msk @!p1 [tilespmem:s0+$0x0], $0x1;
	_ =	sdelay $0x4  }
0x476: {  	(v2sf) =	vpush @!p1 v1, $0x0;
	_ =	sdelay $0xd  }
0x477: {  	p3 =	sne.s32 s6, $0x1  }
.Ltmp24:
0x478: {  	s1 =	spop @!p1 (v2sf);
	(pc) =	sbr.rel @!p3 .LBB2_29-.Ltmp24, $4  }
0x479: {  	p2 =	seq.s32 @!p1 s12, s1  }
0x47a: {  	s13 =	simm.s32 $0x0;
	p2 =	por !p2, p1  }
0x47b: {  	s1 =	simm.s32 $0xFFFFFFFF;
	s13 =	simm.s32 @p2 $0xFFFFFFFF  }
0x47c: {  	s14 =	simm.s32 $0x1;
	s13 =	smov.u32 @p1 s1  }
.LBB2_28:
0x47d: {  	s1 =	smov.u32 s13;
	p1 =	sne.s32 s13, $0xFFFFFFFF  }
0x47e: {  	s0 =	sadd.s32 $0x1, s0;
	s13 =	smov.u32 s14;
	s14 =	sadd.s32 $0x1, s14  }
0x47f: {  	p2 =	sne.s32 s6, s14;
	v1 =	vld.msk @!p1 [tilespmem:s0+$0x0], $0x1;
	_ =	sdelay $0x4  }
0x480: {  	(v2sf) =	vpush @!p1 v1, $0x0;
	_ =	sdelay $0xe  }
.Ltmp25:
0x481: {  	s2 =	spop @!p1 (v2sf);
	(pc) =	sbr.rel @p2 .LBB2_28-.Ltmp25, $4  }
0x482: {  	p3 =	seq.s32 @!p1 s12, s2  }
0x483: {  	p3 =	por !p3, p1  }
0x484: {  	s13 =	simm.s32 @p3 $0xFFFFFFFF  }
0x485: {  	s13 =	smov.u32 @p1 s1  }
.LBB2_29:
0x486: {  	p1 =	seq.s32 s13, $0xFFFFFFFF  }
.Ltmp26:
0x487: {  	_ = 	snop;
	(pc) =	sbr.rel @p1 .LBB2_31-.Ltmp26, $1  }
0x488: {  	_ =	sdelay $0x3  }
0x489: {  	s0 =	sshll.u32 s11, $0x5  }
0x48a: {  	s0 =	sand.u32 $0x3FFFFFE0, s0  }
0x48b: {  	v0 =	vld [tilespmem:s0+$0x60B8];
	_ =	sdelay $0x2  }
0x48c: {  	s1 =	sshll.u32 s13, $0x7  }
0x48d: {  	s1 =	sshra.s32 s1, $0x2  }
0x48e: {  	[tilespmem:s1+$0x60B8] =	vst.add.f32.msk $0xffff, v0  }
0x48f: {  	v0 =	vld [tilespmem:s0+$0x60C8]  }
.Ltmp27:
0x490: {  	_ = 	snop;
	(pc) =	sbr.rel .LBB2_32-.Ltmp27, $2  }
0x491: {  	_ =	sdelay $0x2  }
0x492: {  	[tilespmem:s1+$0x60C8] =	vst.add.f32.msk $0xffff, v0  }
.LBB2_33:
0x493: {  	s0 =	simm.s32 $0x6;
	p1 =	seq.s32 s6, $0x0  }
0x494: {  	[sflag:s0] =	ssyncpa.u1 $0x1;
	v0 =	vimm.s32 @p1 $0xFFFFFFFF  }
0x495: {  	s0 =	sadd.s32 $0xFFFFFFFF, s6;
	[tilespmem:$0x64B8] =	vst @p1 v0  }
0x496: {  	v0 =	vld.msk @!p1 [tilespmem:s0+$0x6098], $0x1;
	_ =	sdelay $0x1  }
0x497: {  	v1 =	vld.msk @!p1 [tilespmem:$0x6098], $0x1;
	_ =	sdelay $0x2  }
0x498: {  	p2 =	seq.s32 @!p1 s0, $0x0;
	v0 =	vbroadcast @!p1 v0, $0x0  }
0x499: {  	vm0 =	vmmov @!p1 $0x1;
	p2 =	por !p2, p1  }
0x49a: {  	v1 =	vnsel @!p1 vm0, $0xFFFFFFFF, v1;
	vm0 =	vcmask @!p1 $0x308;
	v0 =	vpsel !p2, $0xFFFFFFFF, v0  }
0x49b: {  	p2 =	sne.s32 @!p1 s8, s7;
	v0 =	vsel @!p1 vm0, v1, v0  }
0x49c: {  	s1 =	simm.s32 @!p1 $0x60B8;
	s2 =	simm.s32 @!p1 $0x0;
	p3 =	por !p2, p1;
	[tilespmem:$0x64B8] =	vst @!p1 v0  }
0x49d: {  	[spmem:s2] =	stream.linear.scatter @!p1 [tilespmem:s1], [sflag:$0x1], $0x20, $0x38;
	[tilespmem:$0x1EC48] =	vst v63  }
0x49e: {  	s1 =	sshll.u32 @!p3 s0, $0x7  }
0x49f: {  	s1 =	sshra.s32 @!p3 s1, $0x2  }
0x4a0: {  	s2 =	simm.s32 @!p3 $0x20;
	s1 =	sadd.s32 @!p3 $0x60B8, s1  }
0x4a1: {  	[spmem:s2] =	stream.linear.scatter @!p3 [tilespmem:s1], [sflag:$0x1], $0x20, $0x38;
	[tilespmem:$0x1EC48] =	vst v63  }
0x4a2: {  	s1 =	simm.s32 @!p3 $0x1  }
0x4a3: {  	_ =	swait.ge @!p3 [sflag:s1], $0x40  }
0x4a4: {  	p1 =	por p2, p1;
	[sflag:s1] =	ssyncset.done @!p3 $0x0  }
0x4a5: {  	[sflag:s1] =	ssyncadd.s32 @!p3 $0xFFFFFFC0;
	s1 =	simm.s32 @!p1 $0x1  }
0x4a6: {  	_ =	swait.ge @!p1 [sflag:s1], $0x20  }
0x4a7: {  	s29 =	simm.s32 $0x64B8;
	[sflag:s1] =	ssyncset.done @!p1 $0x0  }
0x4a8: {  	s30 =	simm.s32 $0x400;
	s31 =	simm.s32 $0x1;
	[sflag:s1] =	ssyncadd.s32 @!p1 $0xFFFFFFE0  }
0x4a9: {  	[spmem:s30] =	stream.linear.scatter [tilespmem:s29], [sflag:$0x1], $0x10, $0x38;
	[tilespmem:$0x1EC48] =	vst v63  }
0x4aa: {  	_ =	swait.ge [sflag:s31], $0x10  }
0x4ab: {  	[sflag:s31] =	ssyncset.done $0x0  }
0x4ac: {  	p1 =	seq.s32 s16, $0x0;
	s9 =	rddreg [dreg:$0x1];
	[sflag:s31] =	ssyncadd.s32 $0xFFFFFFF0  }
0x4ad: {  	s2 =	sshll.u32 @p1 s9, $0xE;
	s8 =	rddreg [dreg:$0x2]  }
0x4ae: {  	s1 =	sadd.s32 @p1 $0x15C3C, s2;
	s2 =	sshll.u32 @p1 s8, $0x11  }
0x4af: {  	_ =	sfence.stream.spmem;
	s1 =	sor.u32 @p1 s2, s1  }
0x4b0: {  	[sflag:s1] =	ssyncadd.remote.s32 @p1 $0x1;
	s1 =	simm.s32 @p1 $0x4  }
0x4b1: {  	s4 =	simm.s32 @!p1 $0x3C;
	s2 =	sand.u32 $0xFFFFFFFE, s9;
	_ =	swait.ge @p1 [sflag:s1], $0xA  }
0x4b2: {  	s5 =	simm.s32 @!p1 $0x0;
	s2 =	sadd.s32 @!p1 $0x4, s2;
	[sflag:s1] =	ssyncset.done @p1 $0x0  }
0x4b3: {  	s7 =	simm.s32 @!p1 $0x40;
	[sflag:s1] =	ssyncadd.s32 @p1 $0xFFFFFFF6;
	s1 =	sshll.u32 @!p1 s2, $0x1A  }
0x4b4: {  	s2 =	sshll.u32 @!p1 s2, $0xD;
	s1 =	sor.u32 @!p1 s1, s8;
	_ =	swait.eq @!p1 [sflag:s4], $0x1  }
0x4b5: {  	s2 =	sor.u32 @!p1 $0x1C04, s2;
	s4 =	simm.s32 @!p1 $0x1C03;
	s1 =	sor.u32 @!p1 $0x80004000, s1  }
0x4b6: {  	[spmem:s7], [sflag:s2] =	dma.general @!p1 [spmem:s5], [sflag:s4], length:$0x8, [dreg:$0x0], stride_count:$0x0, ici_dest:s1, dma_misc:DstOpCode:WRITE  }
0x4b7: {  	p2 =	slt.s32 s0, $0x2;
	s5 =	simm.s32 @!p1 $0x80;
	s7 =	simm.s32 @!p1 $0x82  }
0x4b8: {  	[spmem:s7], [sflag:s2] =	dma.general @!p1 [spmem:s5], [sflag:s4], length:$0x2, [dreg:$0x0], stride_count:$0x0, ici_dest:s1, dma_misc:DstOpCode:WRITE  }
.Ltmp28:
0x4b9: {  	s1 =	simm.s32 @!p1 $0x3;
	(pc) =	sbr.rel @p2 .LBB2_37-.Ltmp28, $4  }
0x4ba: {  	s2 =	sshll.u32 @!p1 s9, $0xE;
	_ =	swait.ge @!p1 [sflag:s1], $0xA  }
0x4bb: {  	s4 =	sshll.u32 @!p1 s8, $0x11;
	s2 =	sadd.s32 @!p1 $0x11C3C, s2;
	[sflag:s1] =	ssyncset.done @!p1 $0x0  }
0x4bc: {  	[sflag:s1] =	ssyncadd.s32 @!p1 $0xFFFFFFF6;
	s1 =	sor.u32 @!p1 s4, s2  }
0x4bd: {  	s0 =	simm.s32 $0x0;
	[sflag:s1] =	ssyncadd.remote.s32 @!p1 $0xFFFFFFFF  }
0x4be: {  	s0 =	simm.s32 $0x6099  }
0x4bf: {  	v0 =	vld.msk [tilespmem:s0+$0x0], $0x1;
	_ =	sdelay $0x4  }
0x4c0: {  	(v2sf) =	vpush v0, $0x0;
	_ =	sdelay $0xc  }
0x4c1: {  	s1 =	sadd.s32 $0xFFFFFFFE, s6  }
0x4c2: {  	s1 =	sadd.s32 $0xFFFFFFFF, s1  }
0x4c3: {  	p2 =	sne.s32 s1, $0x0;
	s2 =	spop (v2sf)  }
.Ltmp29:
0x4c4: {  	p1 =	sgt.u32 s2, $0xC34FC;
	(pc) =	sbr.rel @!p2 .LBB2_36-.Ltmp29, $4  }
0x4c5: {  	s7 =	simm.s32 $0x0;
	s4 =	sand.u32 @!p1 $0xFFFF8, s2  }
0x4c6: {  	s0 =	simm.s32 $0x60D8;
	s2 =	sand.u32 @!p1 $0x7, s2;
	s4 =	sadd.s32 @!p1 s3, s4  }
0x4c7: {  	[hbm4b:s4+s2] =	stream.linear.scatter @!p1 [tilespmem:s0], [sflag:$0x5], $0x1B, $0x38;
	[tilespmem:$0x1EC48] =	vst v63  }
0x4c8: {  	s6 =	simm.s32 $0x609A;
	s7 =	simm.s32 @!p1 $0x6C;
	s2 =	simm.s32 $0x0  }
.LBB2_35:
0x4c9: {  	v0 =	vld.msk [tilespmem:s6+$0x0], $0x1;
	s1 =	sadd.s32 $0xFFFFFFFF, s1;
	s2 =	sadd.s32 s2, s7  }
0x4ca: {  	p1 =	sne.s32 s1, $0x0;
	_ =	sdelay $0x3  }
0x4cb: {  	(v2sf) =	vpush v0, $0x0;
	_ =	sdelay $0xe  }
.Ltmp30:
0x4cc: {  	s4 =	spop (v2sf);
	(pc) =	sbr.rel @p1 .LBB2_35-.Ltmp30, $4  }
0x4cd: {  	s7 =	simm.s32 $0x0;
	p2 =	sgt.u32 s4, $0xC34FC  }
0x4ce: {  	s0 =	sadd.s32 $0x20, s0;
	s7 =	simm.s32 @!p2 $0x6C;
	s5 =	sand.u32 @!p2 $0xFFFF8, s4  }
0x4cf: {  	s6 =	sadd.s32 $0x1, s6;
	s4 =	sand.u32 @!p2 $0x7, s4;
	s5 =	sadd.s32 @!p2 s3, s5  }
0x4d0: {  	[hbm4b:s5+s4] =	stream.linear.scatter @!p2 [tilespmem:s0], [sflag:$0x5], $0x1B, $0x38;
	[tilespmem:$0x1EC48] =	vst v63  }
.LBB2_36:
0x4d1: {  	s0 =	sadd.s32 s2, s7  }
0x4d2: {  	s0 =	sshrl.u32 s0, $0x2  }
.LBB2_37:
0x4d3: {  	s1 =	simm.s32 $0x5  }
0x4d4: {  	_ =	swait.ge [sflag:s1], s0  }
0x4d5: {  	s31 =	ssub.s32 $0x0, s0;
	[sflag:s1] =	ssyncset.done $0x0  }
0x4d6: {  	[sflag:s1] =	ssyncadd.s32 s31  }
0x4d7: {  	[sflag:s1] =	ssyncpa.u1 $0x1  }
.LBB2_38:
0x4d8: {  	s0 =	sor.u32 s16, s15  }
0x4d9: {  	p1 =	sne.s32 s0, $0x0  }
.Ltmp31:
0x4da: {  	_ = 	snop;
	(pc) =	sbr.rel @p1 .LBB2_53-.Ltmp31, $3  }
0x4db: {  	_ =	sdelay $0x1  }
0x4dc: {  	[bflag:$0x0] =	sbarrier.arrive $0xFFFF  }
0x4dd: {  	_ =	sfence  }
0x4de: {  	s0 =	simm.s32 $0x7  }
0x4df: {  	s1 =	simm.s32 $0x400;
	s2 =	simm.s32 $0x6098;
	[sflag:s0] =	ssyncpa.u1 $0x0  }
0x4e0: {  	[tilespmem:s2], [sflag:$0x7] =	stream.linear.gather [spmem:s1], $0x20, $0x38;
	[tilespmem:$0x1EC48] =	vst v63  }
0x4e1: {  	s30 =	simm.s32 $0x60B8;
	s1 =	simm.s32 $0x0  }
0x4e2: {  	[tilespmem:s30], [sflag:$0x7] =	stream.linear.gather [spmem:s1], $0x400, $0x38;
	[tilespmem:$0x1EC48] =	vst v63  }
.Ltmp32:
0x4e3: {  	_ = 	snop;
	(pc) =	sbr.rel .LBB2_40-.Ltmp32, $4  }
0x4e4: {  	_ =	swait.ge [sflag:s0], $0x420  }
0x4e5: {  	[sflag:s0] =	ssyncset.done $0x0  }
0x4e6: {  	s31 =	simm.s32 $0x8;
	[sflag:s0] =	ssyncadd.s32 $0xFFFFFBE0  }
0x4e7: {  	s2 =	simm.s32 $0x0;
	[sflag:s31] =	ssyncpa.u1 $0x0  }
.LBB2_46:
0x4e8: {  	p1 =	slt.u32 s0, $0xC34FD  }
0x4e9: {  	s4 =	sand.u32 @p1 $0xFFFF8, s0  }
0x4ea: {  	s0 =	sand.u32 @p1 $0x7, s0;
	s5 =	simm.s32 @p1 $0x6068;
	s4 =	sadd.s32 @p1 s3, s4  }
0x4eb: {  	[tilespmem:s5], [sflag:$0x8] =	stream.linear.gather @p1 [hbm4b:s4+s0], $0x1B, $0x38;
	[tilespmem:$0x1EC48] =	vst v63  }
0x4ec: {  	s0 =	simm.s32 @p1 $0x8  }
0x4ed: {  	_ =	swait.ge @p1 [sflag:s0], $0x1B  }
0x4ee: {  	[sflag:s0] =	ssyncset.done @p1 $0x0  }
0x4ef: {  	[sflag:s0] =	ssyncadd.s32 @p1 $0xFFFFFFE5  }
0x4f0: {  	v1 =	vld @p1 [tilespmem:$0x6068];
	_ =	sdelay $0x2  }
0x4f1: {  	s0 =	sshll.u32 @p1 s2, $0x7  }
0x4f2: {  	s4 =	sshrl.u32 @p1 s0, $0x2  }
0x4f3: {  	[tilespmem:s4+$0x60B8] =	vst.add.f32.msk @p1 $0xffff, v1  }
0x4f4: {  	v1 =	vld @p1 [tilespmem:$0x6078];
	_ =	sdelay $0x3  }
0x4f5: {  	s5 =	sshll.u32 @!p1 s2, $0x7  }
0x4f6: {  	s5 =	smov.u32 @p1 s0;
	[tilespmem:s4+$0x60C8] =	vst.add.f32.msk @p1 $0xffff, v1  }
0x4f7: {  	s0 =	sshrl.u32 s5, $0x2;
	[tilespmem:s1+$0x6098] =	vst.msk $0x1, v0  }
0x4f8: {  	v0 =	vld [tilespmem:s0+$0x60B8];
	_ =	sdelay $0x2  }
0x4f9: {  	s31 =	sshll.u32 s1, $0x7  }
0x4fa: {  	s4 =	sshra.s32 s31, $0x2  }
0x4fb: {  	[tilespmem:s4+$0x60B8] =	vst v0  }
0x4fc: {  	v0 =	vld [tilespmem:s0+$0x60C8];
	_ =	sdelay $0x4  }
0x4fd: {  	s1 =	sadd.s32 $0x1, s1;
	[tilespmem:s4+$0x60C8] =	vst v0  }
.LBB2_47:
0x4fe: {  	s2 =	sadd.s32 $0x1, s2  }
0x4ff: {  	p1 =	sne.s32 s2, $0x20  }
.Ltmp33:
0x500: {  	_ = 	snop;
	(pc) =	sbr.rel @!p1 .LBB2_48-.Ltmp33, $1  }
0x501: {  	_ =	sdelay $0x3  }
.LBB2_40:
0x502: {  	v0 =	vld.msk [tilespmem:s2+$0x6098], $0x1;
	_ =	sdelay $0x4  }
0x503: {  	(v2sf) =	vpush v0, $0x0;
	_ =	sdelay $0xe  }
0x504: {  	s0 =	spop (v2sf)  }
0x505: {  	p1 =	seq.s32 s0, $0xFFFFFFFF  }
.Ltmp34:
0x506: {  	_ = 	snop;
	(pc) =	sbr.rel @p1 .LBB2_47-.Ltmp34, $1  }
0x507: {  	_ =	sdelay $0x3  }
0x508: {  	p1 =	slt.s32 s1, $0x1  }
.Ltmp35:
0x509: {  	_ = 	snop;
	(pc) =	sbr.rel @p1 .LBB2_46-.Ltmp35, $1  }
0x50a: {  	_ =	sdelay $0x3  }
0x50b: {  	s4 =	simm.s32 $0x6098;
	p1 =	por $0x0, $0x0  }
0x50c: {  	v1 =	vld.msk @!p1 [tilespmem:s4+$0x0], $0x1;
	_ =	sdelay $0x4  }
0x50d: {  	(v2sf) =	vpush @!p1 v1, $0x0;
	_ =	sdelay $0xd  }
0x50e: {  	p3 =	sne.s32 s1, $0x1  }
.Ltmp36:
0x50f: {  	s5 =	spop @!p1 (v2sf);
	(pc) =	sbr.rel @!p3 .LBB2_44-.Ltmp36, $4  }
0x510: {  	p2 =	seq.s32 @!p1 s0, s5  }
0x511: {  	s5 =	simm.s32 $0x0;
	p2 =	por !p2, p1  }
0x512: {  	s7 =	simm.s32 $0xFFFFFFFF;
	s5 =	simm.s32 @p2 $0xFFFFFFFF  }
0x513: {  	s6 =	simm.s32 $0x1;
	s5 =	smov.u32 @p1 s7  }
.LBB2_43:
0x514: {  	s7 =	smov.u32 s5;
	p1 =	sne.s32 s5, $0xFFFFFFFF  }
0x515: {  	s4 =	sadd.s32 $0x1, s4;
	s5 =	smov.u32 s6;
	s6 =	sadd.s32 $0x1, s6  }
0x516: {  	p2 =	sne.s32 s1, s6;
	v1 =	vld.msk @!p1 [tilespmem:s4+$0x0], $0x1;
	_ =	sdelay $0x4  }
0x517: {  	(v2sf) =	vpush @!p1 v1, $0x0;
	_ =	sdelay $0xe  }
.Ltmp37:
0x518: {  	s8 =	spop @!p1 (v2sf);
	(pc) =	sbr.rel @p2 .LBB2_43-.Ltmp37, $4  }
0x519: {  	p3 =	seq.s32 @!p1 s0, s8  }
0x51a: {  	p3 =	por !p3, p1  }
0x51b: {  	s5 =	simm.s32 @p3 $0xFFFFFFFF  }
0x51c: {  	s5 =	smov.u32 @p1 s7  }
.LBB2_44:
0x51d: {  	p1 =	seq.s32 s5, $0xFFFFFFFF  }
.Ltmp38:
0x51e: {  	_ = 	snop;
	(pc) =	sbr.rel @p1 .LBB2_46-.Ltmp38, $1  }
0x51f: {  	_ =	sdelay $0x3  }
0x520: {  	s0 =	sshll.u32 s2, $0x5  }
0x521: {  	s0 =	sand.u32 $0x3FFFFFE0, s0  }
0x522: {  	v0 =	vld [tilespmem:s0+$0x60B8];
	_ =	sdelay $0x2  }
0x523: {  	s4 =	sshll.u32 s5, $0x7  }
0x524: {  	s4 =	sshra.s32 s4, $0x2  }
0x525: {  	[tilespmem:s4+$0x60B8] =	vst.add.f32.msk $0xffff, v0  }
0x526: {  	v0 =	vld [tilespmem:s0+$0x60C8]  }
.Ltmp39:
0x527: {  	_ = 	snop;
	(pc) =	sbr.rel .LBB2_47-.Ltmp39, $2  }
0x528: {  	_ =	sdelay $0x2  }
0x529: {  	[tilespmem:s4+$0x60C8] =	vst.add.f32.msk $0xffff, v0  }
.LBB2_48:
0x52a: {  	p1 =	slt.s32 s1, $0x1  }
.Ltmp40:
0x52b: {  	_ = 	snop;
	(pc) =	sbr.rel @p1 .LBB2_52-.Ltmp40, $3  }
0x52c: {  	_ =	sdelay $0x1  }
0x52d: {  	s0 =	simm.s32 $0x8  }
0x52e: {  	[sflag:s0] =	ssyncpa.u1 $0x1;
	s0 =	simm.s32 $0x0  }
0x52f: {  	s2 =	simm.s32 $0x6098  }
0x530: {  	v0 =	vld.msk [tilespmem:s2+$0x0], $0x1;
	_ =	sdelay $0x4  }
0x531: {  	(v2sf) =	vpush v0, $0x0;
	_ =	sdelay $0xe  }
0x532: {  	s1 =	sadd.s32 $0xFFFFFFFF, s1;
	s4 =	spop (v2sf)  }
0x533: {  	p2 =	sne.s32 s1, $0x0;
	p1 =	sgt.u32 s4, $0xC34FC  }
.Ltmp41:
0x534: {  	s5 =	sand.u32 @!p1 $0xFFFF8, s4;
	(pc) =	sbr.rel @!p2 .LBB2_51-.Ltmp41, $4  }
0x535: {  	s2 =	simm.s32 $0x60B8;
	s4 =	sand.u32 @!p1 $0x7, s4;
	s5 =	sadd.s32 @!p1 s3, s5  }
0x536: {  	[hbm4b:s5+s4] =	stream.linear.scatter @!p1 [tilespmem:s2], [sflag:$0x7], $0x1B, $0x38;
	[tilespmem:$0x1EC48] =	vst v63  }
0x537: {  	s5 =	simm.s32 $0x0  }
0x538: {  	s4 =	simm.s32 $0x6099;
	s5 =	simm.s32 @!p1 $0x6C  }
.LBB2_50:
0x539: {  	v0 =	vld.msk [tilespmem:s4+$0x0], $0x1;
	s1 =	sadd.s32 $0xFFFFFFFF, s1;
	s0 =	sadd.s32 s0, s5  }
0x53a: {  	p1 =	sne.s32 s1, $0x0;
	_ =	sdelay $0x3  }
0x53b: {  	(v2sf) =	vpush v0, $0x0;
	_ =	sdelay $0xe  }
.Ltmp42:
0x53c: {  	s6 =	spop (v2sf);
	(pc) =	sbr.rel @p1 .LBB2_50-.Ltmp42, $4  }
0x53d: {  	s5 =	simm.s32 $0x0;
	p2 =	sgt.u32 s6, $0xC34FC  }
0x53e: {  	s2 =	sadd.s32 $0x20, s2;
	s5 =	simm.s32 @!p2 $0x6C;
	s7 =	sand.u32 @!p2 $0xFFFF8, s6  }
0x53f: {  	s4 =	sadd.s32 $0x1, s4;
	s6 =	sand.u32 @!p2 $0x7, s6;
	s7 =	sadd.s32 @!p2 s3, s7  }
0x540: {  	[hbm4b:s7+s6] =	stream.linear.scatter @!p2 [tilespmem:s2], [sflag:$0x7], $0x1B, $0x38;
	[tilespmem:$0x1EC48] =	vst v63  }
.LBB2_51:
0x541: {  	s0 =	sadd.s32 s0, s5  }
0x542: {  	s0 =	sshrl.u32 s0, $0x2  }
.LBB2_52:
0x543: {  	s1 =	simm.s32 $0x7  }
0x544: {  	_ =	swait.ge [sflag:s1], s0  }
0x545: {  	s31 =	ssub.s32 $0x0, s0;
	[sflag:s1] =	ssyncset.done $0x0  }
0x546: {  	[sflag:s1] =	ssyncadd.s32 s31  }
0x547: {  	[sflag:s1] =	ssyncpa.u1 $0x1  }
.LBB2_53:
0x548: {  	_ =	sfence;
	s0 =	simm.s32 $0x1  }
0x549: {  	[sflag:s0] =	ssyncpa.u1 $0x1  }
0x54a: {  	_ =	strace $0x90000059  }
0x54b: {  	[bflag:$0x2] =	sbarrier.arrive $0xFFFF  }
0x54c: {  	s0 =	rddreg [dreg:$0x3]  }
0x54d: {  	s0 =	sadd.s32 @!p0 $0x100000, s0  }
0x54e: {  	[sflag:s0] =	ssyncadd.tile.s32 @!p0 $0x1;
	_ =	shalt  }
.Lfunc_end2:
_tile_overlayer_lowered:
.L_overlay_start_2:
0x54f: {  	(tag) =	ssettag $0x2  }
0x550: {  	s0 =	rddreg [dreg:$0x0];
	s2 =	stileid.u32  }
0x551: {  	s1 =	rddreg [dreg:$0x1];
	p0 =	sne.s32 s2, $0x0  }
0x552: {  	s3 =	rddreg [dreg:$0x2];
	[bflag:$0x3] =	sbarrier.arrive $0xFFFF;
	s2 =	simm.s32 @!p0 $0x1C01  }
0x553: {  	[timem:s3], [sflag:s2] =	dma.local @!p0 [hbm:s0], s1  }
0x554: {  	s0 =	simm.s32 @!p0 $0x1  }
0x555: {  	_ =	swait.ge @!p0 [sflag:s0], s1  }
0x556: {  	s1 =	ssub.s32 @!p0 $0x0, s1;
	[sflag:s0] =	ssyncset.done @!p0 $0x0  }
0x557: {  	[sflag:s0] =	ssyncadd.s32 @!p0 s1  }
0x558: {  	[bflag:$0x3] =	sbarrier.arrive $0xFFFF  }
0x559: {  	_ =	shalt  }

// kernel: scatter_offload_async_start
scs
__scs_entry_jumppad:
0x0: {  	(pc) =	sbr.rel $0x88, $3  }
0x1: {  	(tag) =	ssettag $0x0;
	lr =	simm.s32 $0x1  }
0x2: {  	[smem:$0x3F96] =	sst lr;
	_ =	strace $0xD0000000  }
0x3: {  	_ = 	snop  }
0x4: {  	_ = 	snop  }
0x5: {  	_ = 	snop  }
0x6: {  	_ = 	snop  }
0x7: {  	_ = 	snop  }
__scs_overlays_trampoline_lowered:
0x8: {  	[smem:$0x3FA5] =	sst s0  }
0x9: {  	[smem:$0x3FA6] =	sst s1  }
0xa: {  	[smem:$0x3FA7] =	sst s2  }
0xb: {  	[smem:$0x3FA8] =	sst s3  }
0xc: {  	[smem:$0x3FA9] =	sst s4  }
0xd: {  	[smem:$0x3FAA] =	sst s5  }
0xe: {  	[smem:$0x3FAB] =	sst s6  }
0xf: {  	[smem:$0x3FAC] =	sst s7  }
0x10: {  	[smem:$0x3FAD] =	sst s8  }
0x11: {  	[smem:$0x3FAE] =	sst s9;
	s0 =	simm.s32 @!p0 $0x0  }
0x12: {  	s1 =	sld [smem:$0x3F94];
	s0 =	simm.s32 @p0 $0x1  }
0x13: {  	[smem:$0x3FAF] =	sst s0;
	s0 =	simm.s32 @!p1 $0x0  }
0x14: {  	s2 =	sld [smem:$0x3F93];
	s0 =	simm.s32 @p1 $0x1  }
0x15: {  	[smem:$0x3FB0] =	sst s0;
	s0 =	simm.s32 @!p2 $0x0  }
0x16: {  	s3 =	sld [smem:$0x3FDB];
	s0 =	simm.s32 @p2 $0x1  }
0x17: {  	s4 =	simm.s32 $0x1BF5;
	[smem:$0x3FB2] =	sst s0  }
0x18: {  	s0 =	sld [smem:$0x3F95];
	_ =	swait.ge [sflag:s4], $0x0  }
0x19: {  	s7 =	sld [smem:$0x3F96]  }
0x1a: {  	s8 =	sadd.s32 $0xFFFFE003, lr  }
0x1b: {  	s9 =	sadd.s32 $0xFFFFFEF7, lr;
	s5 =	simm.s32 $0xFFFFFFFF;
	p2 =	slt.u32 s8, $0xFFFFF086  }
0x1c: {  	p1 =	slt.u32 s9, $0xF7A;
	s5 =	simm.s32 @!p2 $0x0  }
0x1d: {  	s5 =	simm.s32 @p1 $0x1;
	p0 =	seq.s32 s7, s2  }
0x1e: {  	s7 =	smul.u32 @!p0 $0xF7A, s2;
	p2 =	seq.s32 @!p0 s5, $0x0  }
0x1f: {  	s9 =	smul.u32 $0xF7A, s1;
	s8 =	simm.s32 @!p0 $0x1BF5;
	p2 =	por !p2, p0  }
0x20: {  	[sflag:s8] =	ssyncset.s32 @!p0 $0xFFFFF086;
	s6 =	sadd.s32 @!p0 s3, s7;
	s7 =	simm.s32 @!p0 $0x108  }
0x21: {  	s3 =	sadd.s32 s3, s9;
	s6 =	sadd.s32 @!p0 $0x88, s6;
	s7 =	simm.s32 @p2 $0x1082  }
0x22: {  	[simem:s7], [sflag:s8] =	dma.local @!p0 [hbm:s6], $0xF7A  }
0x23: {  	s9 =	sor.u32 $0xD0000000, s2;
	s6 =	simm.s32 $0x108;
	_ =	swait.ge @!p0 [sflag:s8], $0x0  }
0x24: {  	s3 =	sadd.s32 $0x88, s3;
	s6 =	simm.s32 @!p1 $0x1082;
	[sflag:s4] =	ssyncset.s32 $0xFFFFF086  }
0x25: {  	[simem:s6], [sflag:s4] =	dma.local [hbm:s3], $0xF7A  }
0x26: {  	[smem:$0x3F96] =	sst s1;
	(tag) =	ssettag s2;
	_ =	strace s9  }
0x27: {  	s1 =	sld [smem:$0x3FA6]  }
0x28: {  	s2 =	sld [smem:$0x3FA7]  }
0x29: {  	s4 =	sld [smem:$0x3FA9]  }
0x2a: {  	p0 =	seq.s32 s5, $0x0;
	s5 =	sld [smem:$0x3FAA]  }
0x2b: {  	s6 =	sld [smem:$0x3FAB]  }
0x2c: {  	s7 =	sld [smem:$0x3FAC]  }
0x2d: {  	s3 =	simm.s32 $0x108;
	s8 =	sld [smem:$0x3FAD]  }
0x2e: {  	s3 =	simm.s32 @!p0 $0x1082;
	s9 =	sld [smem:$0x3FAE]  }
0x2f: {  	lr =	sadd.s32 s0, s3;
	s0 =	sld [smem:$0x3FA5]  }
0x30: {  	s3 =	sld [smem:$0x3FA8]  }
0x31: {  	[smem:$0x3FB1] =	sst s10  }
0x32: {  	s10 =	sld [smem:$0x3FAF];
	_ =	sdelay $0x3  }
0x33: {  	p0 =	seq.s32 s10, $0x1;
	s10 =	sld [smem:$0x3FB1];
	_ =	sdelay $0x3  }
0x34: {  	[smem:$0x3FB1] =	sst s10  }
0x35: {  	s10 =	sld [smem:$0x3FB0];
	_ =	sdelay $0x3  }
0x36: {  	p1 =	seq.s32 s10, $0x1;
	s10 =	sld [smem:$0x3FB1];
	_ =	sdelay $0x3  }
0x37: {  	[smem:$0x3FB1] =	sst s10  }
0x38: {  	s10 =	sld [smem:$0x3FB2]  }
0x39: {  	_ = 	snop;
	(pc) =	sbr.ind lr, $3  }
0x3a: {  	_ = 	snop  }
0x3b: {  	_ = 	snop  }
0x3c: {  	p2 =	seq.s32 s10, $0x1;
	s10 =	sld [smem:$0x3FB1]  }
0x3d: {  	_ =	shalt  }
0x3e: {  	_ =	shalt  }
0x3f: {  	_ =	shalt  }
0x40: {  	_ =	shalt  }
0x41: {  	_ =	shalt  }
0x42: {  	_ =	shalt  }
0x43: {  	_ =	shalt  }
0x44: {  	_ =	shalt  }
0x45: {  	_ =	shalt  }
0x46: {  	_ =	shalt  }
0x47: {  	_ =	shalt  }
0x48: {  	_ =	shalt  }
0x49: {  	_ =	shalt  }
0x4a: {  	_ =	shalt  }
0x4b: {  	_ =	shalt  }
0x4c: {  	_ =	shalt  }
0x4d: {  	_ =	shalt  }
0x4e: {  	_ =	shalt  }
0x4f: {  	_ =	shalt  }
0x50: {  	_ =	shalt  }
0x51: {  	_ =	shalt  }
0x52: {  	_ =	shalt  }
0x53: {  	_ =	shalt  }
0x54: {  	_ =	shalt  }
0x55: {  	_ =	shalt  }
0x56: {  	_ =	shalt  }
0x57: {  	_ =	shalt  }
0x58: {  	_ =	shalt  }
0x59: {  	_ =	shalt  }
0x5a: {  	_ =	shalt  }
0x5b: {  	_ =	shalt  }
0x5c: {  	_ =	shalt  }
0x5d: {  	_ =	shalt  }
0x5e: {  	_ =	shalt  }
0x5f: {  	_ =	shalt  }
0x60: {  	_ =	shalt  }
0x61: {  	_ =	shalt  }
0x62: {  	_ =	shalt  }
0x63: {  	_ =	shalt  }
0x64: {  	_ =	shalt  }
0x65: {  	_ =	shalt  }
0x66: {  	_ =	shalt  }
0x67: {  	_ =	shalt  }
0x68: {  	_ =	shalt  }
0x69: {  	_ =	shalt  }
0x6a: {  	_ =	shalt  }
0x6b: {  	_ =	shalt  }
0x6c: {  	_ =	shalt  }
0x6d: {  	_ =	shalt  }
0x6e: {  	_ =	shalt  }
0x6f: {  	_ =	shalt  }
0x70: {  	_ =	shalt  }
0x71: {  	_ =	shalt  }
0x72: {  	_ =	shalt  }
0x73: {  	_ =	shalt  }
0x74: {  	_ =	shalt  }
0x75: {  	_ =	shalt  }
0x76: {  	_ =	shalt  }
0x77: {  	_ =	shalt  }
0x78: {  	_ =	shalt  }
0x79: {  	_ =	shalt  }
0x7a: {  	_ =	shalt  }
0x7b: {  	_ =	shalt  }
0x7c: {  	_ =	shalt  }
0x7d: {  	_ =	shalt  }
0x7e: {  	_ =	shalt  }
0x7f: {  	_ =	shalt  }
0x80: {  	_ =	shalt  }
0x81: {  	_ =	shalt  }
0x82: {  	_ =	shalt  }
0x83: {  	_ =	shalt  }
0x84: {  	_ =	shalt  }
0x85: {  	_ =	shalt  }
0x86: {  	_ =	shalt  }
0x87: {  	_ =	shalt  }
.Lfunc_end0:
.L_simem_size_0:
called_computation_lowered:
.L_overlay_start_0:
0x88: {  	s2 =	sld [smem:$0x3FD9]  }
0x89: {  	s3 =	sld [smem:$0x3FFE];
	_ =	sdelay $0x1  }
0x8a: {  	s1 =	srdreg.scid  }
0x8b: {  	s0 =	sand.u32 $0x1, s1  }
0x8c: {  	s15 =	sshll.u32 s0, $0xA;
	s2 =	sadd.s32 s3, s2  }
0x8d: {  	s2 =	sadd.s32 s2, s15  }
0x8e: {  	[smem:$0x3FBD] =	sst s2  }
0x8f: {  	_ = 	snop  }
0x90: {  	(tm) =	ssettm $0x1  }
0x91: {  	s16 =	sld [smem:$0x3FFB];
	_ =	sdelay $0x3  }
0x92: {  	_ =	strace s16  }
0x93: {  	s2 =	sld [smem:$0x3FFC];
	_ =	sdelay $0x3  }
0x94: {  	_ =	strace s2  }
0x95: {  	s2 =	sld [smem:$0x3FFD];
	_ =	sdelay $0x3  }
0x96: {  	_ =	strace s2  }
0x97: {  	_ =	strace $0x8FFFFFFF  }
0x98: {  	s17 =	sld [smem:$0x3FDB];
	_ =	sdelay $0x1  }
0x99: {  	s18 =	simm.s32 $_scs_section_size  }
0x9a: {  	s4 =	simm.s32 $_size__tile_overlayer_lowered;
	s5 =	simm.s32 $_tile_overlayer_lowered  }
0x9b: {  	s21 =	simm.s32 $0x1BFF;
	s20 =	sshll.u32 s5, $0x1;
	s2 =	sadd.s32 s18, s17  }
0x9c: {  	s6 =	simm.s32 $0x0;
	s19 =	sshll.u32 s4, $0x1;
	s4 =	sadd.s32 s20, s2  }
0x9d: {  	[timem:s6], [sflag:s21] =	dma.local [hbm:s4], s19  }
0x9e: {  	_ =	swait.ge [sflag:s21], s19  }
0x9f: {  	s3 =	ssub.s32 $0x0, s19;
	[sflag:s21] =	ssyncset.done $0x0  }
0xa0: {  	[sflag:s21] =	ssyncadd.s32 s3;
	_ =	sdelay $0x1  }
0xa1: {  	s22 =	simm.s32 $0x1B8B  }
0xa2: {  	_ =	swait.ge [sflag:s22], $0x1  }
0xa3: {  	[sflag:s22] =	ssyncset.done $0x0  }
0xa4: {  	s23 =	sld [smem:$0x3FFE];
	[sflag:s22] =	ssyncadd.s32 $0xFFFFFFFF  }
0xa5: {  	s25 =	simm.s32 $0x1B8E;
	s24 =	sld [smem:$0x0]  }
0xa6: {  	s26 =	simm.s32 $execute0_lowered;
	[smem:$0x3FD2] =	sst s25  }
0xa7: {  	s5 =	sshll.u32 s26, $0x1;
	_ =	strace $0x8000004C;
	[dreg:$0x1] =	wrdreg $0xFFFFFFFF  }
0xa8: {  	s28 =	simm.s32 $_size_execute0_lowered;
	s2 =	sadd.s32 s2, s5;
	[dreg:$0x0] =	wrdreg $0x0  }
0xa9: {  	s5 =	sshll.u32 s28, $0x1;
	[dreg:$0x2] =	wrdreg s2  }
0xaa: {  	[dreg:$0x3] =	wrdreg s5  }
0xab: {  	[dreg:$0x4] =	wrdreg $0xC0  }
0xac: {  	_ =	task [dreg:s6], $0x5FFFF  }
0xad: {  	[dreg:$0x1] =	wrdreg $0xFFFFFFFF  }
0xae: {  	[dreg:$0x0] =	wrdreg $0x60  }
0xaf: {  	[dreg:$0x2] =	wrdreg s23  }
0xb0: {  	[dreg:$0x3] =	wrdreg s1  }
0xb1: {  	[dreg:$0x4] =	wrdreg s24  }
0xb2: {  	[dreg:$0x5] =	wrdreg $0x9  }
0xb3: {  	_ =	task.clear_ibuf [dreg:s6], $0x6FFFF;
	_ =	strace $0x9000004C  }
0xb4: {  	s29 =	simm.s32 $0x9;
	_ =	strace $0x8000004E  }
0xb5: {  	_ =	swait.ge [sflag:s29], $0x1  }
0xb6: {  	[sflag:s29] =	ssyncadd.s32 $0xFFFFFFFF  }
0xb7: {  	_ =	strace $0x9000004E  }
0xb8: {  	_ =	sfence  }
0xb9: {  	s30 =	sld [smem:$0x0];
	_ =	sdelay $0x2  }
0xba: {  	s31 =	sshll.u32 s1, $0xD;
	s1 =	sshrl.u32 s1, $0x2  }
0xbb: {  	s3 =	sand.u32 $0x4000, s31;
	s1 =	sadd.s32 s1, s30  }
0xbc: {  	s0 =	sor.u32 s3, s0;
	s1 =	sshll.u32 s1, $0x11  }
0xbd: {  	s0 =	sor.u32 s1, s0  }
0xbe: {  	s0 =	sadd.s32 $0x8F2B, s0  }
0xbf: {  	[sflag:s0] =	ssyncadd.remote.s32 $0x1  }
0xc0: {  	_ =	sfence.sel $0xFFFF  }
0xc1: {  	[dreg:$0x0] =	wrdreg $0xFFFFFFFF;
	(pc) =	sbr.abs _section_cstart, $3  }
0xc2: {  	[dreg:$0x1] =	wrdreg $0xFFFFFFFF  }
0xc3: {  	_ =	task.clear_ibuf [dreg:s6], $0x2FFFF;
	_ =	strace $0x9FFFFFFF  }
0xc4: {  	(tm) =	ssettm $0x7FFFFFFF  }
0xc5: {  	_ =	shalt  }
tec
execute0_lowered:
.L_overlay_start_1:
0x0: {  	(tag) =	ssettag $0x1  }
0x1: {  	s2 =	rddreg [dreg:$0x0]  }
0x2: {  	s4 =	rddreg [dreg:$0x1];
	_ =	strace $0x8000004D;
	s0 =	simm.s32 $0x1  }
0x3: {  	s3 =	simm.s32 $0x88;
	v0 =	vimm.s32 $0x0;
	[sflag:s0] =	ssyncpa.u1 $0x0  }
0x4: {  	[tilespmem:s3+$0x30] =	vst v0  }
0x5: {  	s1 =	sadd.s32 $0xAE000, s2;
	s0 =	sadd.s32 $0x2C00, s2;
	s6 =	sadd.s32 $0xCE3000, s2;
	[tilespmem:s3+$0x20] =	vst v0  }
0x6: {  	s2 =	sadd.s32 $0x1B400, s2;
	s7 =	sand.u32 $0x1, s4;
	s4 =	simm.s32 $0x40;
	[tilespmem:s3+$0x10] =	vst v0  }
.LBB2_1:
0x7: {  	s4 =	sadd.s32 $0x40, s4  }
0x8: {  	[tilespmem:s3+$0x0] =	vst v0;
	s3 =	sadd.s32 $0x40, s3;
	p0 =	slt.u32 s4, $0x5040  }
.Ltmp0:
0x9: {  	(pc) =	sbr.rel @p0 .LBB2_1-.Ltmp0, $4  }
0xa: {  	_ = 	snop  }
0xb: {  	[tilespmem:s3+$0x30] =	vst v0  }
0xc: {  	[tilespmem:s3+$0x20] =	vst v0  }
0xd: {  	[tilespmem:s3+$0x10] =	vst v0  }
0xe: {  	s8 =	stileid.u32  }
0xf: {  	s4 =	smul.u32 $0x4E, s8  }
0x10: {  	s5 =	smin.u32 s8, $0x2  }
0x11: {  	s4 =	sadd.s32 s5, s4  }
0x12: {  	p0 =	slt.u32 s8, $0x2;
	s12 =	smul.u32 $0x140, s4;
	s4 =	simm.s32 $0x62C0  }
0x13: {  	s4 =	simm.s32 @!p0 $0x6180  }
0x14: {  	s25 =	simm.s32 $0x2;
	s4 =	sadd.s32 s4, s12  }
0x15: {  	s28 =	simm.s32 $0x9;
	s9 =	simm.s32 $0xA;
	s14 =	smin.u32 s4, $0x61A80  }
0x16: {  	s30 =	simm.s32 $0xB;
	[dreg:$0x4] =	wrdreg s7;
	s4 =	ssub.s32 s14, s12  }
0x17: {  	s31 =	smul.u32 $0xC350, s7;
	s13 =	simm.s32 $0x1;
	p0 =	sgt.s32 s4, $0x0  }
0x18: {  	s19 =	simm.s32 $0x0;
	s20 =	simm.s32 $0xA808;
	s4 =	simm.s32 @!p0 $0x0  }
0x19: {  	s21 =	simm.s32 $0xFFFFFFFF;
	p1 =	por $0x0, $0x0;
	s26 =	smulhi.u32 $0x66666667, s4  }
0x1a: {  	[tilespmem:s3+$0x0] =	vst v0;
	s23 =	simm.s32 $0x0;
	[sflag:s25] =	ssyncpa.u1 $0x0;
	s18 =	sshll.u32 s8, $0x7  }
0x1b: {  	s0 =	sadd.s32 s31, s0;
	[dreg:$0xa] =	wrdreg s18;
	s3 =	sshrl.u32 s26, $0x7  }
0x1c: {  	v0 =	vimm.s32 $0xFFFFFFFF;
	s17 =	sadd.s32 s31, s2;
	[dreg:$0x9] =	wrdreg s0;
	s29 =	smul.u32 $0x140, s3  }
0x1d: {  	s25 =	simm.s32 $0x0;
	[tilespmem:$0xA108] =	vst v0;
	[sflag:s28] =	ssyncpa.u1 $0x0;
	[dreg:$0x8] =	wrdreg s17  }
.Ltmp1:
0x1e: {  	p0 =	sne.s32 s4, s29;
	s4 =	simm.s32 $0x1;
	(pc) =	sbr.rel .LBB2_3-.Ltmp1, $4  }
0x1f: {  	[sflag:s9] =	ssyncpa.u1 $0x0;
	[dreg:$0x5] =	wrdreg s12;
	s4 =	simm.s32 @!p0 $0x0  }
0x20: {  	[sflag:s30] =	ssyncpa.u1 $0x0;
	[dreg:$0x6] =	wrdreg s14;
	s15 =	sadd.s32 s4, s3  }
0x21: {  	s24 =	smov.u32 s12;
	s22 =	sadd.s32 $0x1, s15;
	[dreg:$0x7] =	wrdreg s15  }
0x22: {  	v0 =	vlaneseq.u32;
	s26 =	simm.s32 $0x0;
	p0 =	por $0x1, $0x1;
	[dreg:$0xb] =	wrdreg s22  }
.LBB2_22:
0x23: {  	s0 =	sshrl.u32 s3, $0x2  }
.LBB2_24:
0x24: {  	s3 =	simm.s32 $0xC  }
0x25: {  	_ =	swait.ge [sflag:s3], s0  }
0x26: {  	s31 =	ssub.s32 $0x0, s0;
	v1 =	vmov s4;
	vm0 =	veq.s32 v0, $0x0;
	[sflag:s3] =	ssyncset.done $0x0  }
0x27: {  	vm15 =	veq.s32 v0, $0x2;
	v1 =	vsel vm0, s2, v1;
	[sflag:s3] =	ssyncadd.s32 s31  }
0x28: {  	v1 =	vsel vm15, s26, v1;
	[sflag:s3] =	ssyncpa.u1 $0x1  }
0x29: {  	[tilespmem:$0xA108] =	vst v1  }
.LBB2_25:
0x2a: {  	s0 =	sadd.s32 $0x140, s24  }
0x2b: {  	s2 =	smov.u32 s12;
	p2 =	slt.s32 s0, s14  }
0x2c: {  	s2 =	smov.u32 @p2 s0;
	p2 =	sne.s32 s25, s22  }
.Ltmp2:
0x2d: {  	_ = 	snop;
	(pc) =	sbr.rel @!p2 .LBB2_26-.Ltmp2, $4  }
0x2e: {  	_ = 	snop  }
0x2f: {  	s26 =	smov.u32 s23;
	s31 =	sadd.s32 $0x1, s25;
	p0 =	por !p0, !p0  }
0x30: {  	s23 =	smov.u32 s24;
	s20 =	sadd.s32 $0x140, s20;
	s21 =	sadd.s32 $0x1, s21  }
0x31: {  	p1 =	por !p1, !p1;
	s25 =	smov.u32 s31;
	s24 =	smov.u32 s2  }
.LBB2_3:
0x32: {  	p2 =	sge.u32 s25, s15  }
0x33: {  	s0 =	smulhi.u32 @!p2 $0xAAAAAAAB, s25  }
0x34: {  	s2 =	smov.u32 s24;
	p3 =	sgt.s32 @!p2 s24, $0x61940  }
0x35: {  	s3 =	sshra.s32 @!p2 s24, $0x1F;
	p3 =	por !p3, p2;
	s0 =	sshrl.u32 @!p2 s0, $0x1  }
0x36: {  	s3 =	sand.u32 @!p2 s3, s24;
	s2 =	simm.s32 @p3 $0x61940;
	s0 =	smul.u32 @!p2 $0x3, s0  }
0x37: {  	s2 =	ssub.s32 @!p2 s2, s3  }
0x38: {  	s2 =	sadd.s32 @!p2 $0xFFF9E6C0, s2;
	s0 =	ssub.s32 @!p2 s25, s0  }
0x39: {  	s3 =	sshll.u32 @!p2 s2, $0x2;
	p3 =	sgt.s32 @!p2 s2, $0x13F;
	s0 =	smul.u32 @!p2 $0x500, s0  }
0x3a: {  	s4 =	sand.u32 @!p2 $0x7, s24;
	s2 =	ssub.s32 @!p2 $0x500, s3;
	p3 =	por !p3, p2  }
0x3b: {  	s3 =	sshrl.u32 @!p2 s24, $0x3;
	s2 =	sshrl.u32 @!p2 s2, $0x2;
	s0 =	sshrl.u32 @!p2 s0, $0x2  }
0x3c: {  	s3 =	sadd.s32 @!p2 s3, s17;
	s2 =	simm.s32 @!p3 $0x0;
	s0 =	sadd.s32 @!p2 $0xA948, s0  }
0x3d: {  	[tilespmem:s0], [sflag:$0xA] =	stream.linear.gather @!p2 [hbm4b:s3+s4], s2, $0x38;
	[tilespmem:$0x1EF88] =	vst v63  }
0x3e: {  	s0 =	sadd.s32 $0xFFFFFFFF, s25  }
0x3f: {  	p2 =	sge.u32 s0, s15  }
.Ltmp3:
0x40: {  	_ = 	snop;
	(pc) =	sbr.rel @p2 .LBB2_7-.Ltmp3, $1  }
0x41: {  	_ =	sdelay $0x3  }
0x42: {  	p2 =	sgt.s32 s23, $0x61940;
	s2 =	smov.u32 s23;
	s3 =	sshra.s32 s23, $0x1F  }
0x43: {  	s2 =	simm.s32 @!p2 $0x61940;
	s3 =	sand.u32 s3, s23  }
0x44: {  	s17 =	smulhi.u32 $0xAAAAAAAB, s21;
	s2 =	ssub.s32 s2, s3  }
0x45: {  	s0 =	sand.u32 $0x1, s0;
	s2 =	sadd.s32 $0xFFF9E6C0, s2  }
0x46: {  	s5 =	simm.s32 $0xA;
	s3 =	sshrl.u32 s17, $0x1;
	s4 =	sshll.u32 s2, $0x2  }
0x47: {  	s7 =	sshrl.u32 s23, $0x3;
	s3 =	smul.u32 $0xFFFFF100, s3;
	s4 =	ssub.s32 $0x500, s4  }
0x48: {  	s18 =	smul.u32 $0x500, s0;
	p2 =	sgt.s32 s2, $0x13F;
	s2 =	sshrl.u32 s4, $0x2  }
0x49: {  	s9 =	sand.u32 $0x7, s23;
	s3 =	sshra.s32 s3, $0x2;
	s2 =	simm.s32 @p2 $0x0  }
0x4a: {  	s0 =	sadd.s32 s3, s20;
	s4 =	sshrl.u32 s18, $0x2;
	_ =	swait.ge [sflag:s5], s2  }
0x4b: {  	s22 =	ssub.s32 $0x0, s2;
	[sflag:s5] =	ssyncset.done $0x0;
	s8 =	rddreg [dreg:$0x9]  }
0x4c: {  	s4 =	sadd.s32 $0xAD08, s4;
	[sflag:s5] =	ssyncadd.s32 s22;
	s3 =	sadd.s32 s7, s8  }
0x4d: {  	[tilespmem:s4], [sflag:$0xB] =	stream.linear.gather [hbm4b:s3+s9], s2, $0x38;
	[tilespmem:$0x1EF88] =	vst v63  }
0x4e: {  	v1 =	vld.msk [tilespmem:s0+$0x0], $0xffff;
	_ =	sdelay $0x4  }
0x4f: {  	v1 =	vshll.u32 v1, $0x4  }
0x50: {  	(v2sf) =	vpush v1, $0x0  }
0x51: {  	(v2sf) =	vpush v1, $0x1  }
0x52: {  	(v2sf) =	vpush v1, $0x2;
	_ =	sdelay $0x3  }
0x53: {  	(v2sf) =	vpush v1, $0x3;
	_ =	sdelay $0x1  }
0x54: {  	(v2sf) =	vpush v1, $0x4  }
0x55: {  	s2 =	simm.s32 $0x1;
	(v2sf) =	vpush v1, $0x5  }
0x56: {  	s2 =	simm.s32 @!p0 $0x0  }
0x57: {  	s2 =	smul.u32 $0x28000, s2;
	(v2sf) =	vpush v1, $0x6;
	_ =	sdelay $0x1  }
0x58: {  	s2 =	sshrl.u32 s2, $0x2  }
0x59: {  	s28 =	sadd.s32 $0xB708, s2  }
0x5a: {  	s12 =	sadd.s32 $0xFFFFF880, s28;
	s17 =	sadd.s32 $0xFFFFF900, s28;
	s10 =	spop (v2sf);
	(v2sf) =	vpush v1, $0x7  }
0x5b: {  	s18 =	sadd.s32 $0xFFFFF980, s28;
	s11 =	sand.u32 $0x1FFFFFF0, s10;
	s14 =	spop (v2sf)  }
0x5c: {  	(v2sf) =	vpush v1, $0x8;
	s2 =	sadd.s32 s6, s11;
	s15 =	sand.u32 $0x1FFFFFF0, s14;
	s16 =	spop (v2sf)  }
0x5d: {  	[tilespmem:s12], [sflag:$0x9] =	stream.linear.gather [hbm4b:s2+s19], $0x33, $0x38;
	[tilespmem:$0x1EF88] =	vst v63  }
0x5e: {  	s5 =	sadd.s32 $0xFFFFFA00, s28;
	s2 =	sadd.s32 s6, s15;
	s3 =	sand.u32 $0x1FFFFFF0, s16  }
0x5f: {  	(v2sf) =	vpush v1, $0x9;
	[tilespmem:s17], [sflag:$0x9] =	stream.linear.gather [hbm4b:s2+s19], $0x33, $0x38;
	[tilespmem:$0x1EF88] =	vst v63  }
0x60: {  	s7 =	sadd.s32 $0xFFFFFA80, s28;
	s22 =	spop (v2sf);
	s3 =	sadd.s32 s6, s3  }
0x61: {  	(v2sf) =	vpush v1, $0xA;
	[tilespmem:s18], [sflag:$0x9] =	stream.linear.gather [hbm4b:s3+s19], $0x33, $0x38;
	[tilespmem:$0x1EF88] =	vst v63  }
0x62: {  	s11 =	sadd.s32 $0xFFFFFB00, s28;
	s4 =	spop (v2sf);
	(v2sf) =	vpush v1, $0xB;
	s3 =	sand.u32 $0x1FFFFFF0, s22  }
0x63: {  	s8 =	spop (v2sf);
	s2 =	sadd.s32 s6, s3;
	s3 =	sand.u32 $0x1FFFFFF0, s4  }
0x64: {  	(v2sf) =	vpush v1, $0xC;
	[tilespmem:s5], [sflag:$0x9] =	stream.linear.gather [hbm4b:s2+s19], $0x33, $0x38;
	[tilespmem:$0x1EF88] =	vst v63  }
0x65: {  	s9 =	sand.u32 $0x1FFFFFF0, s8;
	s10 =	spop (v2sf);
	s3 =	sadd.s32 s6, s3  }
0x66: {  	(v2sf) =	vpush v1, $0xD;
	[tilespmem:s7], [sflag:$0x9] =	stream.linear.gather [hbm4b:s3+s19], $0x33, $0x38;
	[tilespmem:$0x1EF88] =	vst v63  }
0x67: {  	s12 =	sadd.s32 $0xFFFFFB80, s28;
	s2 =	sadd.s32 s6, s9;
	s3 =	sand.u32 $0x1FFFFFF0, s10  }
0x68: {  	[tilespmem:s11], [sflag:$0x9] =	stream.linear.gather [hbm4b:s2+s19], $0x33, $0x38;
	[tilespmem:$0x1EF88] =	vst v63  }
0x69: {  	s17 =	sadd.s32 $0xFFFFFC00, s28;
	s3 =	sadd.s32 s6, s3;
	s14 =	spop (v2sf)  }
0x6a: {  	[tilespmem:s12], [sflag:$0x9] =	stream.linear.gather [hbm4b:s3+s19], $0x33, $0x38;
	(v2sf) =	vpush v1, $0xE;
	[tilespmem:$0x1EF88] =	vst v63  }
0x6b: {  	s18 =	sadd.s32 $0xFFFFFC80, s28;
	s15 =	sand.u32 $0x1FFFFFF0, s14;
	s16 =	spop (v2sf)  }
0x6c: {  	s5 =	sadd.s32 $0xFFFFFD00, s28;
	(v2sf) =	vpush v1, $0xF;
	s2 =	sadd.s32 s6, s15;
	s3 =	sand.u32 $0x1FFFFFF0, s16  }
0x6d: {  	[tilespmem:s17], [sflag:$0x9] =	stream.linear.gather [hbm4b:s2+s19], $0x33, $0x38;
	[tilespmem:$0x1EF88] =	vst v63  }
0x6e: {  	s7 =	sadd.s32 $0xFFFFFD80, s28;
	s22 =	spop (v2sf);
	s3 =	sadd.s32 s6, s3  }
0x6f: {  	[tilespmem:s18], [sflag:$0x9] =	stream.linear.gather [hbm4b:s3+s19], $0x33, $0x38;
	[tilespmem:$0x1EF88] =	vst v63  }
0x70: {  	s11 =	sadd.s32 $0xFFFFFE00, s28;
	s4 =	spop (v2sf);
	s3 =	sand.u32 $0x1FFFFFF0, s22  }
0x71: {  	s8 =	spop (v2sf);
	s2 =	sadd.s32 s6, s3;
	s3 =	sand.u32 $0x1FFFFFF0, s4  }
0x72: {  	[tilespmem:s5], [sflag:$0x9] =	stream.linear.gather [hbm4b:s2+s19], $0x33, $0x38;
	[tilespmem:$0x1EF88] =	vst v63  }
0x73: {  	s9 =	sand.u32 $0x1FFFFFF0, s8;
	s10 =	spop (v2sf);
	s3 =	sadd.s32 s6, s3  }
0x74: {  	[tilespmem:s7], [sflag:$0x9] =	stream.linear.gather [hbm4b:s3+s19], $0x33, $0x38;
	[tilespmem:$0x1EF88] =	vst v63  }
0x75: {  	s14 =	spop (v2sf);
	s2 =	sadd.s32 s6, s9;
	s3 =	sand.u32 $0x1FFFFFF0, s10  }
0x76: {  	[tilespmem:s11], [sflag:$0x9] =	stream.linear.gather [hbm4b:s2+s19], $0x33, $0x38;
	[tilespmem:$0x1EF88] =	vst v63  }
0x77: {  	s12 =	sadd.s32 $0xFFFFFE80, s28;
	s15 =	sand.u32 $0x1FFFFFF0, s14;
	s3 =	sadd.s32 s6, s3  }
0x78: {  	[tilespmem:s12], [sflag:$0x9] =	stream.linear.gather [hbm4b:s3+s19], $0x33, $0x38;
	[tilespmem:$0x1EF88] =	vst v63  }
0x79: {  	s17 =	sadd.s32 $0xFFFFFF00, s28;
	s2 =	sadd.s32 s6, s15;
	s16 =	spop (v2sf)  }
0x7a: {  	[tilespmem:s17], [sflag:$0x9] =	stream.linear.gather [hbm4b:s2+s19], $0x33, $0x38;
	[tilespmem:$0x1EF88] =	vst v63  }
0x7b: {  	s29 =	simm.s32 $0x0;
	s3 =	sand.u32 $0x1FFFFFF0, s16;
	s18 =	spop (v2sf)  }
0x7c: {  	s22 =	sadd.s32 $0xFFFFFF80, s28;
	s3 =	sadd.s32 s6, s3;
	s2 =	sand.u32 $0x1FFFFFF0, s18  }
0x7d: {  	[tilespmem:s22], [sflag:$0x9] =	stream.linear.gather [hbm4b:s3+s19], $0x33, $0x38;
	[tilespmem:$0x1EF88] =	vst v63  }
0x7e: {  	s31 =	sadd.s32 $0x10, s0;
	s30 =	sadd.s32 $0x800, s28;
	s2 =	sadd.s32 s6, s2  }
.LBB2_5:
0x7f: {  	[tilespmem:s28], [sflag:$0x9] =	stream.linear.gather [hbm4b:s2+s19], $0x33, $0x38;
	[tilespmem:$0x1EF88] =	vst v63  }
0x80: {  	s29 =	sadd.s32 $0x10, s29;
	s28 =	smov.u32 s30  }
0x81: {  	p2 =	slt.u32 s29, $0x130;
	v1 =	vld.msk [tilespmem:s31+$0x0], $0xffff;
	_ =	sdelay $0x4  }
0x82: {  	v1 =	vshll.u32 v1, $0x4  }
0x83: {  	(v2sf) =	vpush v1, $0x0  }
0x84: {  	(v2sf) =	vpush v1, $0x1  }
0x85: {  	(v2sf) =	vpush v1, $0x2;
	_ =	sdelay $0x1  }
0x86: {  	(v2sf) =	vpush v1, $0x3;
	_ =	sdelay $0x1  }
0x87: {  	(v2sf) =	vpush v1, $0x4;
	_ =	sdelay $0x1  }
0x88: {  	(v2sf) =	vpush v1, $0x5;
	_ =	sdelay $0x1  }
0x89: {  	(v2sf) =	vpush v1, $0x6  }
0x8a: {  	s4 =	sadd.s32 $0xFFFFFE80, s30;
	s0 =	sadd.s32 $0xFFFFFF00, s30  }
0x8b: {  	s3 =	sadd.s32 $0xFFFFFD00, s30;
	s2 =	sadd.s32 $0xFFFFFD80, s30;
	s5 =	sadd.s32 $0xFFFFFE00, s30;
	(v2sf) =	vpush v1, $0x7  }
0x8c: {  	s10 =	sadd.s32 $0xFFFFFB80, s30;
	s9 =	sadd.s32 $0xFFFFFC00, s30;
	s16 =	sadd.s32 $0xFFFFFC80, s30  }
0x8d: {  	s11 =	sadd.s32 $0xFFFFFA00, s30;
	s12 =	sadd.s32 $0xFFFFFA80, s30;
	s15 =	sadd.s32 $0xFFFFFB00, s30;
	(v2sf) =	vpush v1, $0x8  }
0x8e: {  	s18 =	sadd.s32 $0xFFFFF900, s30;
	s7 =	sadd.s32 $0xFFFFF980, s30;
	s22 =	spop (v2sf)  }
0x8f: {  	s8 =	sadd.s32 $0xFFFFF880, s30;
	s22 =	sand.u32 $0x1FFFFFF0, s22;
	s14 =	spop (v2sf);
	(v2sf) =	vpush v1, $0x9  }
0x90: {  	s22 =	sadd.s32 s6, s22;
	s14 =	sand.u32 $0x1FFFFFF0, s14;
	s17 =	spop (v2sf)  }
0x91: {  	[tilespmem:s8], [sflag:$0x9] =	stream.linear.gather [hbm4b:s22+s19], $0x33, $0x38;
	(v2sf) =	vpush v1, $0xA;
	[tilespmem:$0x1EF88] =	vst v63  }
0x92: {  	s8 =	sadd.s32 s6, s14;
	s14 =	sand.u32 $0x1FFFFFF0, s17;
	s17 =	spop (v2sf)  }
0x93: {  	[tilespmem:s18], [sflag:$0x9] =	stream.linear.gather [hbm4b:s8+s19], $0x33, $0x38;
	(v2sf) =	vpush v1, $0xB;
	[tilespmem:$0x1EF88] =	vst v63  }
0x94: {  	s8 =	sadd.s32 s6, s14;
	s14 =	sand.u32 $0x1FFFFFF0, s17;
	s17 =	spop (v2sf)  }
0x95: {  	[tilespmem:s7], [sflag:$0x9] =	stream.linear.gather [hbm4b:s8+s19], $0x33, $0x38;
	(v2sf) =	vpush v1, $0xC;
	[tilespmem:$0x1EF88] =	vst v63  }
0x96: {  	s7 =	sadd.s32 s6, s14;
	s8 =	sand.u32 $0x1FFFFFF0, s17;
	s14 =	spop (v2sf)  }
0x97: {  	[tilespmem:s11], [sflag:$0x9] =	stream.linear.gather [hbm4b:s7+s19], $0x33, $0x38;
	(v2sf) =	vpush v1, $0xD;
	[tilespmem:$0x1EF88] =	vst v63  }
0x98: {  	s7 =	sadd.s32 s6, s8;
	s8 =	sand.u32 $0x1FFFFFF0, s14;
	s11 =	spop (v2sf)  }
0x99: {  	[tilespmem:s12], [sflag:$0x9] =	stream.linear.gather [hbm4b:s7+s19], $0x33, $0x38;
	(v2sf) =	vpush v1, $0xE;
	[tilespmem:$0x1EF88] =	vst v63  }
0x9a: {  	s7 =	sadd.s32 s6, s8;
	s8 =	sand.u32 $0x1FFFFFF0, s11;
	s11 =	spop (v2sf)  }
0x9b: {  	[tilespmem:s15], [sflag:$0x9] =	stream.linear.gather [hbm4b:s7+s19], $0x33, $0x38;
	(v2sf) =	vpush v1, $0xF;
	[tilespmem:$0x1EF88] =	vst v63  }
0x9c: {  	s7 =	sadd.s32 s6, s8;
	s8 =	sand.u32 $0x1FFFFFF0, s11;
	s11 =	spop (v2sf)  }
0x9d: {  	[tilespmem:s10], [sflag:$0x9] =	stream.linear.gather [hbm4b:s7+s19], $0x33, $0x38;
	[tilespmem:$0x1EF88] =	vst v63  }
0x9e: {  	s7 =	sadd.s32 s6, s8;
	s8 =	sand.u32 $0x1FFFFFF0, s11;
	s10 =	spop (v2sf)  }
0x9f: {  	[tilespmem:s9], [sflag:$0x9] =	stream.linear.gather [hbm4b:s7+s19], $0x33, $0x38;
	[tilespmem:$0x1EF88] =	vst v63  }
0xa0: {  	s7 =	sadd.s32 s6, s8;
	s8 =	sand.u32 $0x1FFFFFF0, s10;
	s9 =	spop (v2sf)  }
0xa1: {  	[tilespmem:s16], [sflag:$0x9] =	stream.linear.gather [hbm4b:s7+s19], $0x33, $0x38;
	[tilespmem:$0x1EF88] =	vst v63  }
0xa2: {  	s7 =	sadd.s32 s6, s8;
	s8 =	sand.u32 $0x1FFFFFF0, s9;
	s9 =	spop (v2sf)  }
0xa3: {  	[tilespmem:s3], [sflag:$0x9] =	stream.linear.gather [hbm4b:s7+s19], $0x33, $0x38;
	[tilespmem:$0x1EF88] =	vst v63  }
0xa4: {  	s3 =	sadd.s32 s6, s8;
	s7 =	sand.u32 $0x1FFFFFF0, s9;
	s8 =	spop (v2sf)  }
0xa5: {  	[tilespmem:s2], [sflag:$0x9] =	stream.linear.gather [hbm4b:s3+s19], $0x33, $0x38;
	[tilespmem:$0x1EF88] =	vst v63  }
0xa6: {  	s2 =	sadd.s32 s6, s7;
	s3 =	sand.u32 $0x1FFFFFF0, s8;
	s7 =	spop (v2sf)  }
0xa7: {  	[tilespmem:s5], [sflag:$0x9] =	stream.linear.gather [hbm4b:s2+s19], $0x33, $0x38;
	[tilespmem:$0x1EF88] =	vst v63  }
0xa8: {  	s2 =	sadd.s32 s6, s3;
	s3 =	sand.u32 $0x1FFFFFF0, s7;
	s5 =	spop (v2sf)  }
0xa9: {  	[tilespmem:s4], [sflag:$0x9] =	stream.linear.gather [hbm4b:s2+s19], $0x33, $0x38;
	[tilespmem:$0x1EF88] =	vst v63  }
0xaa: {  	s2 =	sadd.s32 s6, s3  }
.Ltmp4:
0xab: {  	s3 =	sand.u32 $0x1FFFFFF0, s5;
	s4 =	spop (v2sf);
	(pc) =	sbr.rel @p2 .LBB2_5-.Ltmp4, $4  }
0xac: {  	[tilespmem:s0], [sflag:$0x9] =	stream.linear.gather [hbm4b:s2+s19], $0x33, $0x38;
	[tilespmem:$0x1EF88] =	vst v63  }
0xad: {  	s0 =	sadd.s32 s6, s3;
	s2 =	sadd.s32 $0xFFFFFF80, s30;
	s3 =	sand.u32 $0x1FFFFFF0, s4  }
0xae: {  	[tilespmem:s2], [sflag:$0x9] =	stream.linear.gather [hbm4b:s0+s19], $0x33, $0x38;
	[tilespmem:$0x1EF88] =	vst v63  }
0xaf: {  	s31 =	sadd.s32 $0x10, s31;
	s30 =	sadd.s32 $0x800, s30;
	s2 =	sadd.s32 s6, s3  }
0xb0: {  	[tilespmem:s28], [sflag:$0x9] =	stream.linear.gather [hbm4b:s2+s19], $0x33, $0x38;
	[tilespmem:$0x1EF88] =	vst v63  }
0xb1: {  	s12 =	rddreg [dreg:$0x5]  }
0xb2: {  	s14 =	rddreg [dreg:$0x6]  }
0xb3: {  	s15 =	rddreg [dreg:$0x7]  }
0xb4: {  	s17 =	rddreg [dreg:$0x8]  }
0xb5: {  	s18 =	rddreg [dreg:$0xa]  }
0xb6: {  	s22 =	rddreg [dreg:$0xb]  }
.LBB2_7:
0xb7: {  	p2 =	slt.u32 s25, $0x2  }
.Ltmp5:
0xb8: {  	_ = 	snop;
	(pc) =	sbr.rel @p2 .LBB2_25-.Ltmp5, $1  }
0xb9: {  	_ =	sdelay $0x3  }
0xba: {  	p2 =	sgt.s32 s26, $0x61940;
	s0 =	smov.u32 s26;
	s2 =	sshra.s32 s26, $0x1F  }
0xbb: {  	s0 =	simm.s32 @!p2 $0x61940;
	s2 =	sand.u32 s2, s26  }
0xbc: {  	s0 =	ssub.s32 s0, s2  }
0xbd: {  	s0 =	sadd.s32 $0xFFF9E6C0, s0  }
0xbe: {  	s3 =	simm.s32 $0x9;
	s29 =	sshll.u32 s0, $0x2  }
0xbf: {  	_ =	swait.ge [sflag:s3], $0x3FC0;
	s2 =	ssub.s32 $0x500, s29  }
0xc0: {  	[sflag:s3] =	ssyncset.done $0x0;
	p2 =	sgt.s32 s0, $0x13F;
	s0 =	sshrl.u32 s2, $0x2  }
0xc1: {  	s30 =	simm.s32 $0xB;
	[sflag:s3] =	ssyncadd.s32 $0xFFFFC040;
	s0 =	simm.s32 @p2 $0x0  }
0xc2: {  	_ =	swait.ge [sflag:s30], s0  }
0xc3: {  	s0 =	ssub.s32 $0x0, s0;
	[sflag:s30] =	ssyncset.done $0x0  }
0xc4: {  	[sflag:s30] =	ssyncadd.s32 s0  }
0xc5: {  	v1 =	vld [tilespmem:$0xA108];
	_ =	sdelay $0x4  }
0xc6: {  	(v2sf) =	vpush v1, $0x0  }
0xc7: {  	(v2sf) =	vpush v1, $0x1  }
0xc8: {  	(v2sf) =	vpush v1, $0x2;
	_ =	sdelay $0x3  }
0xc9: {  	s0 =	sadd.s32 $0x140, s26  }
0xca: {  	s4 =	ssub.s32 $0xC3500, s26;
	p2 =	slt.s32 s14, s0  }
0xcb: {  	s0 =	smov.u32 @p2 s14;
	p2 =	sgt.s32 s4, $0x0  }
0xcc: {  	s0 =	ssub.s32 s0, s26;
	s4 =	simm.s32 @!p2 $0x0  }
0xcd: {  	p2 =	slt.s32 s4, s0  }
0xce: {  	s0 =	smov.u32 @p2 s4  }
0xcf: {  	s2 =	simm.s32 $0x1;
	p2 =	slt.s32 s0, $0x1  }
.Ltmp6:
0xd0: {  	s2 =	simm.s32 @!p1 $0x0;
	(pc) =	sbr.rel @p2 .LBB2_12-.Ltmp6, $4  }
0xd1: {  	s7 =	smul.u32 $0x500, s2  }
0xd2: {  	s3 =	spop (v2sf)  }
0xd3: {  	s31 =	sshrl.u32 s7, $0x2;
	s5 =	spop (v2sf)  }
0xd4: {  	s28 =	sadd.s32 $0xAD08, s31;
	s26 =	spop (v2sf)  }
0xd5: {  	s4 =	smin.u32 s0, $0x10  }
0xd6: {  	v1 =	vmov s4  }
0xd7: {  	p3 =	sgt.s32 s0, $0x10;
	vm1 =	vgt.u32 v1, v0  }
.Ltmp7:
0xd8: {  	_ = 	snop;
	(pc) =	sbr.rel @!p3 .LBB2_11-.Ltmp7, $2  }
0xd9: {  	_ =	sdelay $0x2  }
0xda: {  	s9 =	simm.s32 $0x10;
	s10 =	sadd.s32 $0xFFFFFFF0, s0;
	s4 =	smov.u32 s28;
	vm0 =	vmmov vm1  }
.LBB2_10:
0xdb: {  	s7 =	smin.u32 s10, $0x10;
	s9 =	sadd.s32 $0x10, s9;
	v1 =	vld.msk [tilespmem:s4+$0x0 ss:$0x1], vm1  }
0xdc: {  	v2 =	vmov s7;
	p3 =	slt.s32 s9, s0  }
0xdd: {  	vm1 =	vgt.u32 v2, v0  }
.Ltmp8:
0xde: {  	(pc) =	sbr.rel @p3 .LBB2_10-.Ltmp8, $3  }
0xdf: {  	_ =	sdelay $0x1  }
0xe0: {  	v1 =	vshll.u32 v1, $0x4  }
0xe1: {  	s10 =	sadd.s32 $0xFFFFFFF0, s10;
	[tilespmem:s4+$0x0] =	vst.msk vm0, v1;
	s4 =	sadd.s32 $0x10, s4;
	vm0 =	vmmov vm1  }
.LBB2_11:
0xe2: {  	_ =	sdelay $0x4  }
0xe3: {  	v1 =	vld.msk [tilespmem:s4+$0x0 ss:$0x1], vm1;
	_ =	sdelay $0x4  }
0xe4: {  	v1 =	vshll.u32 v1, $0x4  }
0xe5: {  	[tilespmem:s4+$0x0] =	vst.msk vm0, v1  }
.LBB2_12:
0xe6: {  	s4 =	sand.u32 $0x1, s25  }
0xe7: {  	s4 =	smul.u32 $0x140, s4  }
0xe8: {  	p3 =	sne.s32 s5, $0xFFFFFFFF  }
0xe9: {  	v1 =	vld.msk @!p3 [tilespmem:s4+$0xAD08], $0x1;
	_ =	sdelay $0x4  }
0xea: {  	(v2sf) =	vpush @!p3 v1, $0x0;
	_ =	sdelay $0xc  }
.Ltmp9:
0xeb: {  	_ = 	snop;
	(pc) =	sbr.rel @p2 .LBB2_23-.Ltmp9, $4  }
0xec: {  	_ = 	snop  }
0xed: {  	s29 =	spop @!p3 (v2sf)  }
0xee: {  	s31 =	simm.s32 $0xC;
	s26 =	simm.s32 @!p3 $0x0;
	s4 =	smov.u32 s29  }
0xef: {  	[sflag:s31] =	ssyncpa.u1 $0x0;
	s29 =	smov.u32 @p3 s3;
	s4 =	smov.u32 @p3 s5  }
0xf0: {  	v1 =	vld.msk [tilespmem:s28+$0x0], $0x1;
	_ =	sdelay $0x4  }
0xf1: {  	(v2sf) =	vpush v1, $0x0;
	_ =	sdelay $0xe  }
0xf2: {  	s2 =	smul.u32 $0x28000, s2;
	s5 =	spop (v2sf)  }
0xf3: {  	s31 =	ssub.s32 $0x0, s0;
	p2 =	seq.s32 s29, s5  }
0xf4: {  	s3 =	smov.u32 s29;
	s2 =	sshrl.u32 s2, $0x2;
	p3 =	sgt.s32 @!p2 s29, $0x0  }
0xf5: {  	s30 =	sadd.s32 $0xAFA8, s2;
	s2 =	sadd.s32 $0x1, s31;
	p3 =	por !p3, p2  }
0xf6: {  	s3 =	simm.s32 @p3 $0x0;
	p3 =	seq.s32 s2, $0x0  }
.Ltmp10:
0xf7: {  	_ = 	snop;
	(pc) =	sbr.rel @p3 .LBB2_15-.Ltmp10, $4  }
0xf8: {  	_ = 	snop  }
0xf9: {  	s0 =	simm.s32 $0x0;
	s9 =	simm.s32 @!p2 $0x1;
	s3 =	smin.u32 @!p2 s3, $0xC34F9  }
0xfa: {  	s10 =	simm.s32 @!p2 $0x50C8;
	s9 =	smov.u32 @p2 s0;
	s7 =	sand.u32 @!p2 $0xFFFF8, s3  }
0xfb: {  	s16 =	sand.u32 @!p2 $0x7, s3;
	s3 =	sadd.s32 $0x1, s28;
	s11 =	sadd.s32 @!p2 s1, s7  }
.LBB2_14:
0xfc: {  	s7 =	smov.u32 s9  }
0xfd: {  	[tilespmem:s10], [sflag:$0x2] =	stream.linear.gather @!p2 [hbm4b:s11+s16], $0x33, $0x38;
	[tilespmem:$0x1EF88] =	vst v63  }
0xfe: {  	s2 =	sadd.s32 $0x1, s2;
	s8 =	smov.u32 s5;
	v1 =	vld.msk [tilespmem:s3+$0x0], $0x1  }
0xff: {  	p3 =	seq.s32 s2, $0x0;
	_ =	sdelay $0x3  }
0x100: {  	(v2sf) =	vpush v1, $0x0;
	_ =	sdelay $0xe  }
0x101: {  	s5 =	spop (v2sf)  }
0x102: {  	p2 =	seq.s32 s8, s5  }
0x103: {  	p4 =	sgt.s32 @!p2 s8, $0x0;
	s10 =	sshll.u32 @!p2 s9, $0x8;
	s9 =	sadd.s32 @!p2 $0x1, s9  }
.Ltmp11:
0x104: {  	p4 =	por !p4, p2;
	s10 =	sshra.s32 @!p2 s10, $0x2;
	(pc) =	sbr.rel @!p3 .LBB2_14-.Ltmp11, $4  }
0x105: {  	s9 =	smov.u32 @p2 s7;
	s8 =	simm.s32 @p4 $0x0;
	s10 =	sadd.s32 @!p2 $0x50C8, s10  }
0x106: {  	s7 =	smin.u32 @!p2 s8, $0xC34F9  }
0x107: {  	s8 =	sand.u32 @!p2 $0xFFFF8, s7;
	s16 =	sand.u32 @!p2 $0x7, s7  }
0x108: {  	s3 =	sadd.s32 $0x1, s3;
	s11 =	sadd.s32 @!p2 s1, s8  }
.LBB2_15:
0x109: {  	s2 =	smul.u32 $0xCC, s9  }
0x10a: {  	[tilespmem:s10], [sflag:$0x2] =	stream.linear.gather @!p2 [hbm4b:s11+s16], $0x33, $0x38;
	[tilespmem:$0x1EF88] =	vst v63  }
.Ltmp12:
0x10b: {  	_ = 	snop;
	(pc) =	sbr.rel .LBB2_16-.Ltmp12, $4  }
0x10c: {  	s3 =	simm.s32 $0x2;
	s2 =	sshrl.u32 s2, $0x2  }
0x10d: {  	_ =	swait.ge [sflag:s3], s2  }
0x10e: {  	s2 =	ssub.s32 $0x0, s2;
	[sflag:s3] =	ssyncset.done $0x0  }
0x10f: {  	[sflag:s3] =	ssyncadd.s32 s2;
	s3 =	simm.s32 $0x0  }
.LBB2_17:
0x110: {  	v1 =	vld [tilespmem:s30+$0xFFFFFFE0];
	_ =	sdelay $0x4  }
0x111: {  	[tilespmem:s5+$0x88] =	vst.add.f32.msk $0xffff, v1  }
0x112: {  	v1 =	vld [tilespmem:s30+$0xFFFFFFF0];
	_ =	sdelay $0x4  }
0x113: {  	[tilespmem:s5+$0x98] =	vst.add.f32.msk $0xffff, v1  }
0x114: {  	v1 =	vld [tilespmem:s30+$0x0];
	_ =	sdelay $0x4  }
0x115: {  	[tilespmem:s5+$0xA8] =	vst.add.f32.msk $0xffff, v1  }
0x116: {  	v1 =	vld.msk [tilespmem:s30+$0x10], $0x7;
	_ =	sdelay $0x4  }
0x117: {  	[tilespmem:s5+$0xB8] =	vst.add.f32.msk $0x7, v1  }
.LBB2_21:
0x118: {  	s31 =	sadd.s32 $0x1, s31  }
0x119: {  	p2 =	seq.s32 s31, $0x0  }
.Ltmp13:
0x11a: {  	_ = 	snop;
	(pc) =	sbr.rel @p2 .LBB2_22-.Ltmp13, $2  }
0x11b: {  	_ =	sdelay $0x2  }
0x11c: {  	s30 =	sadd.s32 $0x80, s30;
	s28 =	sadd.s32 $0x1, s28;
	s29 =	smov.u32 s2  }
.LBB2_16:
0x11d: {  	v1 =	vld.msk [tilespmem:s28+$0x0], $0x1;
	_ =	sdelay $0x4  }
0x11e: {  	(v2sf) =	vpush v1, $0x0;
	_ =	sdelay $0xe  }
0x11f: {  	s2 =	spop (v2sf)  }
0x120: {  	p2 =	sne.s32 s29, s2  }
.Ltmp14:
0x121: {  	_ = 	snop;
	(pc) =	sbr.rel @!p2 .LBB2_17-.Ltmp14, $3  }
0x122: {  	_ =	sdelay $0x1  }
0x123: {  	s5 =	sshll.u32 s26, $0x8  }
0x124: {  	s5 =	sshra.s32 s5, $0x2  }
0x125: {  	p2 =	seq.s32 s29, s4  }
.Ltmp15:
0x126: {  	_ = 	snop;
	(pc) =	sbr.rel @!p2 .LBB2_19-.Ltmp15, $1  }
0x127: {  	_ =	sdelay $0x3  }
.Ltmp16:
0x128: {  	s5 =	sadd.s32 $0x88, s5;
	(pc) =	sbr.rel .LBB2_20-.Ltmp16, $4  }
0x129: {  	[spmem:s18] =	stream.linear.scatter [tilespmem:s5], [sflag:$0x1], $0x33, $0x38;
	[tilespmem:$0x1EF88] =	vst v63  }
0x12a: {  	_ =	swait.ge [sflag:s13], $0x33  }
0x12b: {  	[sflag:s13] =	ssyncset.done $0x0  }
0x12c: {  	[sflag:s13] =	ssyncadd.s32 $0xFFFFFFCD  }
.LBB2_19:
0x12d: {  	s7 =	sshll.u32 s0, $0x8  }
0x12e: {  	s7 =	sshra.s32 s7, $0x2  }
0x12f: {  	v1 =	vld [tilespmem:s7+$0x50C8];
	_ =	sdelay $0x4  }
0x130: {  	[tilespmem:s5+$0x88] =	vst.add.f32.msk $0xffff, v1  }
0x131: {  	v1 =	vld [tilespmem:s7+$0x50D8];
	_ =	sdelay $0x4  }
0x132: {  	[tilespmem:s5+$0x98] =	vst.add.f32.msk $0xffff, v1  }
0x133: {  	v1 =	vld [tilespmem:s7+$0x50E8];
	_ =	sdelay $0x4  }
0x134: {  	[tilespmem:s5+$0xA8] =	vst.add.f32.msk $0xffff, v1  }
0x135: {  	v1 =	vld.msk [tilespmem:s7+$0x50F8], $0x7;
	_ =	sdelay $0x2  }
0x136: {  	p2 =	sgt.u32 s29, $0xC34F9  }
0x137: {  	s7 =	sand.u32 @!p2 $0xFFFF8, s29  }
0x138: {  	s8 =	sadd.s32 $0x88, s5;
	[tilespmem:s5+$0xB8] =	vst.add.f32.msk $0x7, v1;
	s5 =	sadd.s32 @!p2 s1, s7;
	s7 =	sand.u32 @!p2 $0x7, s29  }
0x139: {  	[hbm4b:s5+s7] =	stream.linear.scatter @!p2 [tilespmem:s8], [sflag:$0xC], $0x33, $0x38;
	[tilespmem:$0x1EF88] =	vst v63  }
0x13a: {  	s5 =	simm.s32 $0x0  }
0x13b: {  	s5 =	simm.s32 @!p2 $0xCC  }
0x13c: {  	s3 =	sadd.s32 s5, s3  }
.LBB2_20:
0x13d: {  	s5 =	sadd.s32 $0x1, s26  }
0x13e: {  	s7 =	smulhi.u32 $0xCCCCCCCD, s5;
	_ =	sdelay $0x1  }
0x13f: {  	v1 =	vld [tilespmem:s30+$0xFFFFFFE0];
	s7 =	sshrl.u32 s7, $0x8  }
0x140: {  	s7 =	smul.u32 $0x140, s7;
	_ =	sdelay $0x1  }
0x141: {  	s26 =	ssub.s32 s5, s7  }
0x142: {  	s5 =	sshll.u32 s26, $0x6  }
0x143: {  	[tilespmem:s5+$0x88] =	vst v1  }
0x144: {  	v1 =	vld [tilespmem:s30+$0xFFFFFFF0];
	_ =	sdelay $0x4  }
0x145: {  	[tilespmem:s5+$0x98] =	vst v1  }
0x146: {  	v1 =	vld [tilespmem:s30+$0x0];
	_ =	sdelay $0x4  }
0x147: {  	[tilespmem:s5+$0xA8] =	vst v1  }
0x148: {  	v1 =	vld.msk [tilespmem:s30+$0x10], $0x7  }
.Ltmp17:
0x149: {  	_ = 	snop;
	(pc) =	sbr.rel .LBB2_21-.Ltmp17, $2  }
0x14a: {  	_ =	sdelay $0x2  }
0x14b: {  	s0 =	sadd.s32 $0x1, s0;
	[tilespmem:s5+$0xB8] =	vst.msk $0x7, v1  }
.LBB2_23:
.Ltmp18:
0x14c: {  	(pc) =	sbr.rel .LBB2_24-.Ltmp18, $4  }
0x14d: {  	_ = 	snop  }
0x14e: {  	s0 =	simm.s32 $0x2  }
0x14f: {  	_ =	swait.ge [sflag:s0], $0x0  }
0x150: {  	s2 =	smov.u32 s29;
	[sflag:s0] =	ssyncset.done $0x0;
	s0 =	simm.s32 $0x0  }
.LBB2_26:
0x151: {  	_ =	sfence.sel $0x180000  }
0x152: {  	s0 =	simm.s32 $0x9;
	[bflag:$0x0] =	sbarrier.arrive $0xFFFF  }
0x153: {  	s24 =	simm.s32 $0xA;
	[sflag:s0] =	ssyncpa.u1 $0x1  }
0x154: {  	s25 =	simm.s32 $0xB;
	[sflag:s24] =	ssyncpa.u1 $0x1  }
0x155: {  	s26 =	simm.s32 $0x2;
	[sflag:s25] =	ssyncpa.u1 $0x1  }
0x156: {  	[sflag:s26] =	ssyncpa.u1 $0x1  }
0x157: {  	v0 =	vld [tilespmem:$0xA108];
	_ =	sdelay $0x4  }
0x158: {  	(v2sf) =	vpush v0, $0x0  }
0x159: {  	(v2sf) =	vpush v0, $0x1;
	_ =	sdelay $0x1  }
0x15a: {  	(v2sf) =	vpush v0, $0x2;
	_ =	sdelay $0xb  }
0x15b: {  	s0 =	spop (v2sf)  }
0x15c: {  	s2 =	spop (v2sf)  }
0x15d: {  	s3 =	smov.u32 s0;
	p0 =	sne.s32 s0, s2  }
0x15e: {  	s4 =	spop (v2sf);
	s3 =	simm.s32 @!p0 $0xFFFFFFFF  }
0x15f: {  	v2 =	vimm.s32 $0x1;
	v3 =	vlaneseq.u32;
	p0 =	seq.s32 s4, $0xFFFFFFFF;
	v1 =	vmov s3  }
0x160: {  	s14 =	stileid.u32;
	v0 =	vperm.xlane v0, v2;
	p1 =	sne.s32 @!p0 s0, s2;
	v1 =	vperm.xlane v1, v3  }
0x161: {  	vm0 =	vcmask $0x3F04;
	s6 =	simm.s32 $0xA108;
	s0 =	simm.s32 @!p0 $0x1;
	p1 =	por !p1, p0  }
0x162: {  	s3 =	sshll.u32 s14, $0x1;
	s2 =	sshll.u32 @!p0 s4, $0x8;
	s0 =	simm.s32 @p1 $0x0;
	v0 =	vsel vm0, v1, v0  }
0x163: {  	s5 =	sor.u32 $0x800, s3;
	s2 =	sshra.s32 @!p0 s2, $0x2;
	s0 =	sor.u32 @!p0 s0, s3;
	[tilespmem:$0xA108] =	vst v0  }
0x164: {  	[spmem:s5] =	stream.linear.scatter [tilespmem:s6], [sflag:$0x1], $0x2, $0x38;
	[tilespmem:$0x1EF88] =	vst v63  }
0x165: {  	s2 =	sadd.s32 @!p0 $0x88, s2;
	s0 =	sshll.u32 @!p0 s0, $0x6  }
0x166: {  	[spmem:s0] =	stream.linear.scatter @!p0 [tilespmem:s2], [sflag:$0x1], $0x40, $0x38;
	[tilespmem:$0x1EF88] =	vst v63  }
0x167: {  	s0 =	simm.s32 @!p0 $0x42  }
0x168: {  	s28 =	simm.s32 $0x1;
	s0 =	simm.s32 @p0 $0x2  }
0x169: {  	_ =	swait.ge [sflag:s28], s0  }
0x16a: {  	s0 =	ssub.s32 $0x0, s0;
	[sflag:s28] =	ssyncset.done $0x0  }
0x16b: {  	p0 =	sne.s32 s14, $0x0;
	[sflag:s28] =	ssyncadd.s32 s0  }
.Ltmp19:
0x16c: {  	_ =	sfence.stream.spmem;
	(pc) =	sbr.rel @p0 .LBB2_43-.Ltmp19, $4  }
0x16d: {  	s29 =	simm.s32 $0x3;
	[bflag:$0x0] =	sbarrier.arrive $0xFFFF  }
0x16e: {  	s30 =	simm.s32 $0x4;
	[sflag:s29] =	ssyncpa.u1 $0x1  }
0x16f: {  	s31 =	simm.s32 $0x3C;
	[sflag:s30] =	ssyncpa.u1 $0x1  }
0x170: {  	s13 =	rddreg [dreg:$0x4];
	[sflag:s31] =	ssyncpa.u1 $0x1  }
0x171: {  	_ =	sfence.stream.spmem;
	s0 =	simm.s32 $0x5  }
0x172: {  	s2 =	simm.s32 $0x800;
	s3 =	simm.s32 $0xA118;
	[sflag:s0] =	ssyncpa.u1 $0x0  }
0x173: {  	[tilespmem:s3], [sflag:$0x5] =	stream.linear.gather [spmem:s2], $0x20, $0x38;
	[tilespmem:$0x1EF88] =	vst v63  }
0x174: {  	s26 =	simm.s32 $0x0;
	s28 =	simm.s32 $0xA138  }
0x175: {  	[tilespmem:s28], [sflag:$0x5] =	stream.linear.gather [spmem:s26], $0x800, $0x38;
	[tilespmem:$0x1EF88] =	vst v63  }
0x176: {  	_ =	swait.ge [sflag:s0], $0x820  }
0x177: {  	[sflag:s0] =	ssyncset.done $0x0  }
0x178: {  	s29 =	simm.s32 $0x0;
	[sflag:s0] =	ssyncadd.s32 $0xFFFFF7E0  }
0x179: {  	v0 =	vld.msk [tilespmem:s29+$0xA118], $0x1;
	_ =	sdelay $0x1  }
0x17a: {  	s30 =	simm.s32 $0x1  }
0x17b: {  	v1 =	vld.msk [tilespmem:s30+$0xA118], $0x1;
	_ =	sdelay $0x1  }
0x17c: {  	(v2sf) =	vpush v0, $0x0;
	_ =	sdelay $0x2  }
0x17d: {  	(v2sf) =	vpush v1, $0x0;
	_ =	sdelay $0x2  }
0x17e: {  	s31 =	simm.s32 $0x2  }
0x17f: {  	v0 =	vld.msk [tilespmem:s31+$0xA118], $0x1;
	_ =	sdelay $0x2  }
0x180: {  	s2 =	simm.s32 $0xFFFFFFFF;
	s3 =	simm.s32 $0xFFFFFFFF;
	s0 =	simm.s32 $0xC  }
.LBB2_28:
0x181: {  	s4 =	smov.u32 s3;
	s5 =	smov.u32 s2  }
0x182: {  	s2 =	sshra.s32 s0, $0x2;
	p1 =	sne.s32 s0, $0x7C;
	s0 =	sadd.s32 $0x4, s0;
	(v2sf) =	vpush v0, $0x0  }
0x183: {  	v0 =	vld.msk [tilespmem:s2+$0xA118], $0x1  }
.Ltmp20:
0x184: {  	(pc) =	sbr.rel @p1 .LBB2_28-.Ltmp20, $4  }
0x185: {  	s3 =	spop (v2sf)  }
0x186: {  	p2 =	sne.s32 s5, $0xFFFFFFFF;
	s2 =	smov.u32 s3  }
0x187: {  	p3 =	seq.s32 s3, $0xFFFFFFFF;
	s2 =	smov.u32 @p2 s5  }
0x188: {  	s3 =	smov.u32 @p3 s4;
	s2 =	smov.u32 @p3 s5  }
0x189: {  	(v2sf) =	vpush v0, $0x0;
	_ =	sdelay $0x8  }
0x18a: {  	s0 =	spop (v2sf)  }
0x18b: {  	p1 =	sne.s32 s2, $0xFFFFFFFF;
	s4 =	smov.u32 s0  }
0x18c: {  	s6 =	simm.s32 $0x0;
	p2 =	seq.s32 s0, $0xFFFFFFFF;
	s4 =	smov.u32 @p1 s2  }
0x18d: {  	s9 =	simm.s32 $0xA0C8;
	s4 =	smov.u32 @p2 s2;
	s2 =	spop (v2sf)  }
0x18e: {  	s0 =	smov.u32 @p2 s3;
	p1 =	sne.s32 s4, $0xFFFFFFFF;
	s5 =	smov.u32 s2  }
.Ltmp21:
0x18f: {  	p2 =	seq.s32 s2, $0xFFFFFFFF;
	s5 =	smov.u32 @p1 s4;
	(pc) =	sbr.rel .LBB2_30-.Ltmp21, $4  }
0x190: {  	s10 =	simm.s32 $0x0;
	s5 =	smov.u32 @p2 s4;
	s7 =	spop (v2sf)  }
0x191: {  	s2 =	smov.u32 @p2 s0;
	p1 =	sne.s32 s5, $0xFFFFFFFF;
	s8 =	smov.u32 s7  }
0x192: {  	s0 =	simm.s32 $0x6;
	p2 =	seq.s32 s7, $0xFFFFFFFF;
	s8 =	smov.u32 @p1 s5  }
0x193: {  	[sflag:s0] =	ssyncpa.u1 $0x0;
	s7 =	smov.u32 @p2 s2;
	s8 =	smov.u32 @p2 s5  }
.LBB2_36:
0x194: {  	p1 =	sgt.u32 s2, $0xC34F9  }
0x195: {  	p2 =	seq.s32 @!p1 s2, s8  }
0x196: {  	p1 =	por p1, p2  }
0x197: {  	p2 =	sne.s32 @!p1 s2, s7  }
0x198: {  	p1 =	por p1, !p2  }
0x199: {  	s2 =	sshll.u32 @p1 s10, $0x8  }
0x19a: {  	s3 =	sand.u32 @!p1 $0xFFFF8, s2  }
0x19b: {  	s2 =	sand.u32 @!p1 $0x7, s2;
	s3 =	sadd.s32 @!p1 s1, s3  }
0x19c: {  	[tilespmem:s9], [sflag:$0x6] =	stream.linear.gather @!p1 [hbm4b:s3+s2], $0x33, $0x38;
	[tilespmem:$0x1EF88] =	vst v63  }
0x19d: {  	_ =	swait.ge @!p1 [sflag:s0], $0x33  }
0x19e: {  	[sflag:s0] =	ssyncset.done @!p1 $0x0  }
0x19f: {  	[sflag:s0] =	ssyncadd.s32 @!p1 $0xFFFFFFCD  }
0x1a0: {  	v1 =	vld @!p1 [tilespmem:$0xA0C8];
	_ =	sdelay $0x2  }
0x1a1: {  	s2 =	sshll.u32 @!p1 s10, $0x8  }
0x1a2: {  	s3 =	sshrl.u32 @!p1 s2, $0x2  }
0x1a3: {  	[tilespmem:s3+$0xA138] =	vst.add.f32.msk @!p1 $0xffff, v1  }
0x1a4: {  	v1 =	vld @!p1 [tilespmem:$0xA0D8];
	_ =	sdelay $0x4  }
0x1a5: {  	[tilespmem:s3+$0xA148] =	vst.add.f32.msk @!p1 $0xffff, v1  }
0x1a6: {  	v1 =	vld @!p1 [tilespmem:$0xA0E8];
	_ =	sdelay $0x4  }
0x1a7: {  	[tilespmem:s3+$0xA158] =	vst.add.f32.msk @!p1 $0xffff, v1  }
0x1a8: {  	v1 =	vld @!p1 [tilespmem:$0xA0F8];
	_ =	sdelay $0x4  }
0x1a9: {  	[tilespmem:s3+$0xA168] =	vst.add.f32.msk @!p1 $0xffff, v1  }
0x1aa: {  	s2 =	sshrl.u32 s2, $0x2;
	[tilespmem:s6+$0xA118] =	vst.msk $0x1, v0  }
0x1ab: {  	v0 =	vld [tilespmem:s2+$0xA138];
	_ =	sdelay $0x2  }
0x1ac: {  	s31 =	sshll.u32 s6, $0x8  }
0x1ad: {  	s3 =	sshra.s32 s31, $0x2  }
0x1ae: {  	[tilespmem:s3+$0xA138] =	vst v0  }
0x1af: {  	v0 =	vld [tilespmem:s2+$0xA148];
	_ =	sdelay $0x4  }
0x1b0: {  	[tilespmem:s3+$0xA148] =	vst v0  }
0x1b1: {  	v0 =	vld [tilespmem:s2+$0xA158];
	_ =	sdelay $0x4  }
0x1b2: {  	[tilespmem:s3+$0xA158] =	vst v0  }
0x1b3: {  	v0 =	vld [tilespmem:s2+$0xA168];
	_ =	sdelay $0x4  }
0x1b4: {  	s6 =	sadd.s32 $0x1, s6;
	[tilespmem:s3+$0xA168] =	vst v0  }
.LBB2_37:
0x1b5: {  	s10 =	sadd.s32 $0x1, s10  }
0x1b6: {  	p1 =	sne.s32 s10, $0x20  }
.Ltmp22:
0x1b7: {  	_ = 	snop;
	(pc) =	sbr.rel @!p1 .LBB2_38-.Ltmp22, $1  }
0x1b8: {  	_ =	sdelay $0x3  }
.LBB2_30:
0x1b9: {  	v0 =	vld.msk [tilespmem:s10+$0xA118], $0x1;
	_ =	sdelay $0x4  }
0x1ba: {  	(v2sf) =	vpush v0, $0x0;
	_ =	sdelay $0xe  }
0x1bb: {  	s2 =	spop (v2sf)  }
0x1bc: {  	p1 =	seq.s32 s2, $0xFFFFFFFF  }
.Ltmp23:
0x1bd: {  	_ = 	snop;
	(pc) =	sbr.rel @p1 .LBB2_37-.Ltmp23, $1  }
0x1be: {  	_ =	sdelay $0x3  }
0x1bf: {  	p1 =	slt.s32 s6, $0x1  }
.Ltmp24:
0x1c0: {  	_ = 	snop;
	(pc) =	sbr.rel @p1 .LBB2_36-.Ltmp24, $1  }
0x1c1: {  	_ =	sdelay $0x3  }
0x1c2: {  	s3 =	simm.s32 $0xA118;
	p1 =	por $0x0, $0x0  }
0x1c3: {  	v1 =	vld.msk @!p1 [tilespmem:s3+$0x0], $0x1;
	_ =	sdelay $0x4  }
0x1c4: {  	(v2sf) =	vpush @!p1 v1, $0x0;
	_ =	sdelay $0xd  }
0x1c5: {  	p3 =	sne.s32 s6, $0x1  }
.Ltmp25:
0x1c6: {  	s4 =	spop @!p1 (v2sf);
	(pc) =	sbr.rel @!p3 .LBB2_34-.Ltmp25, $4  }
0x1c7: {  	p2 =	seq.s32 @!p1 s2, s4  }
0x1c8: {  	s4 =	simm.s32 $0x0;
	p2 =	por !p2, p1  }
0x1c9: {  	s11 =	simm.s32 $0xFFFFFFFF;
	s4 =	simm.s32 @p2 $0xFFFFFFFF  }
0x1ca: {  	s5 =	simm.s32 $0x1;
	s4 =	smov.u32 @p1 s11  }
.LBB2_33:
0x1cb: {  	s11 =	smov.u32 s4;
	p1 =	sne.s32 s4, $0xFFFFFFFF  }
0x1cc: {  	s3 =	sadd.s32 $0x1, s3;
	s4 =	smov.u32 s5;
	s5 =	sadd.s32 $0x1, s5  }
0x1cd: {  	p2 =	sne.s32 s6, s5;
	v1 =	vld.msk @!p1 [tilespmem:s3+$0x0], $0x1;
	_ =	sdelay $0x4  }
0x1ce: {  	(v2sf) =	vpush @!p1 v1, $0x0;
	_ =	sdelay $0xe  }
.Ltmp26:
0x1cf: {  	s12 =	spop @!p1 (v2sf);
	(pc) =	sbr.rel @p2 .LBB2_33-.Ltmp26, $4  }
0x1d0: {  	p3 =	seq.s32 @!p1 s2, s12  }
0x1d1: {  	p3 =	por !p3, p1  }
0x1d2: {  	s4 =	simm.s32 @p3 $0xFFFFFFFF  }
0x1d3: {  	s4 =	smov.u32 @p1 s11  }
.LBB2_34:
0x1d4: {  	p1 =	seq.s32 s4, $0xFFFFFFFF  }
.Ltmp27:
0x1d5: {  	_ = 	snop;
	(pc) =	sbr.rel @p1 .LBB2_36-.Ltmp27, $1  }
0x1d6: {  	_ =	sdelay $0x3  }
0x1d7: {  	s2 =	sshll.u32 s10, $0x6  }
0x1d8: {  	s2 =	sand.u32 $0x3FFFFFC0, s2  }
0x1d9: {  	v0 =	vld [tilespmem:s2+$0xA138];
	_ =	sdelay $0x2  }
0x1da: {  	s3 =	sshll.u32 s4, $0x8  }
0x1db: {  	s3 =	sshra.s32 s3, $0x2  }
0x1dc: {  	[tilespmem:s3+$0xA138] =	vst.add.f32.msk $0xffff, v0  }
0x1dd: {  	v0 =	vld [tilespmem:s2+$0xA148];
	_ =	sdelay $0x4  }
0x1de: {  	[tilespmem:s3+$0xA148] =	vst.add.f32.msk $0xffff, v0  }
0x1df: {  	v0 =	vld [tilespmem:s2+$0xA158];
	_ =	sdelay $0x4  }
0x1e0: {  	[tilespmem:s3+$0xA158] =	vst.add.f32.msk $0xffff, v0  }
0x1e1: {  	v0 =	vld [tilespmem:s2+$0xA168]  }
.Ltmp28:
0x1e2: {  	_ = 	snop;
	(pc) =	sbr.rel .LBB2_37-.Ltmp28, $2  }
0x1e3: {  	_ =	sdelay $0x2  }
0x1e4: {  	[tilespmem:s3+$0xA168] =	vst.add.f32.msk $0xffff, v0  }
.LBB2_38:
0x1e5: {  	s0 =	simm.s32 $0x6;
	p1 =	seq.s32 s6, $0x0  }
0x1e6: {  	[sflag:s0] =	ssyncpa.u1 $0x1;
	v0 =	vimm.s32 @p1 $0xFFFFFFFF  }
0x1e7: {  	s0 =	sadd.s32 $0xFFFFFFFF, s6;
	[tilespmem:$0xA938] =	vst @p1 v0  }
0x1e8: {  	v0 =	vld.msk @!p1 [tilespmem:s0+$0xA118], $0x1;
	_ =	sdelay $0x1  }
0x1e9: {  	v1 =	vld.msk @!p1 [tilespmem:$0xA118], $0x1;
	_ =	sdelay $0x2  }
0x1ea: {  	p2 =	seq.s32 @!p1 s0, $0x0;
	v0 =	vbroadcast @!p1 v0, $0x0  }
0x1eb: {  	vm0 =	vmmov @!p1 $0x1;
	p2 =	por !p2, p1  }
0x1ec: {  	v1 =	vnsel @!p1 vm0, $0xFFFFFFFF, v1;
	vm0 =	vcmask @!p1 $0x308;
	v0 =	vpsel !p2, $0xFFFFFFFF, v0  }
0x1ed: {  	p2 =	sne.s32 @!p1 s8, s7;
	v0 =	vsel @!p1 vm0, v1, v0  }
0x1ee: {  	s2 =	simm.s32 @!p1 $0xA138;
	s3 =	simm.s32 @!p1 $0x0;
	p3 =	por !p2, p1;
	[tilespmem:$0xA938] =	vst @!p1 v0  }
0x1ef: {  	[spmem:s3] =	stream.linear.scatter @!p1 [tilespmem:s2], [sflag:$0x1], $0x40, $0x38;
	[tilespmem:$0x1EF88] =	vst v63  }
0x1f0: {  	s2 =	sshll.u32 @!p3 s0, $0x8  }
0x1f1: {  	s2 =	sshra.s32 @!p3 s2, $0x2  }
0x1f2: {  	s3 =	simm.s32 @!p3 $0x40;
	s2 =	sadd.s32 @!p3 $0xA138, s2  }
0x1f3: {  	[spmem:s3] =	stream.linear.scatter @!p3 [tilespmem:s2], [sflag:$0x1], $0x40, $0x38;
	[tilespmem:$0x1EF88] =	vst v63  }
0x1f4: {  	s2 =	simm.s32 @!p3 $0x1  }
0x1f5: {  	_ =	swait.ge @!p3 [sflag:s2], $0x80  }
0x1f6: {  	p1 =	por p2, p1;
	[sflag:s2] =	ssyncset.done @!p3 $0x0  }
0x1f7: {  	[sflag:s2] =	ssyncadd.s32 @!p3 $0xFFFFFF80;
	s2 =	simm.s32 @!p1 $0x1  }
0x1f8: {  	_ =	swait.ge @!p1 [sflag:s2], $0x40  }
0x1f9: {  	s29 =	simm.s32 $0xA938;
	[sflag:s2] =	ssyncset.done @!p1 $0x0  }
0x1fa: {  	s30 =	simm.s32 $0x800;
	s31 =	simm.s32 $0x1;
	[sflag:s2] =	ssyncadd.s32 @!p1 $0xFFFFFFC0  }
0x1fb: {  	[spmem:s30] =	stream.linear.scatter [tilespmem:s29], [sflag:$0x1], $0x10, $0x38;
	[tilespmem:$0x1EF88] =	vst v63  }
0x1fc: {  	_ =	swait.ge [sflag:s31], $0x10  }
0x1fd: {  	[sflag:s31] =	ssyncset.done $0x0  }
0x1fe: {  	p1 =	seq.s32 s13, $0x0;
	s9 =	rddreg [dreg:$0x1];
	[sflag:s31] =	ssyncadd.s32 $0xFFFFFFF0  }
0x1ff: {  	s3 =	sshll.u32 @p1 s9, $0xE;
	s8 =	rddreg [dreg:$0x2]  }
0x200: {  	s2 =	sadd.s32 @p1 $0x15C3C, s3;
	s3 =	sshll.u32 @p1 s8, $0x11  }
0x201: {  	_ =	sfence.stream.spmem;
	s2 =	sor.u32 @p1 s3, s2  }
0x202: {  	[sflag:s2] =	ssyncadd.remote.s32 @p1 $0x1;
	s2 =	simm.s32 @p1 $0x4  }
0x203: {  	s4 =	simm.s32 @!p1 $0x3C;
	s3 =	sand.u32 $0xFFFFFFFE, s9;
	_ =	swait.ge @p1 [sflag:s2], $0x12  }
0x204: {  	s5 =	simm.s32 @!p1 $0x0;
	s3 =	sadd.s32 @!p1 $0x4, s3;
	[sflag:s2] =	ssyncset.done @p1 $0x0  }
0x205: {  	s7 =	simm.s32 @!p1 $0x80;
	[sflag:s2] =	ssyncadd.s32 @p1 $0xFFFFFFEE;
	s2 =	sshll.u32 @!p1 s3, $0x1A  }
0x206: {  	s3 =	sshll.u32 @!p1 s3, $0xD;
	s2 =	sor.u32 @!p1 s2, s8;
	_ =	swait.eq @!p1 [sflag:s4], $0x1  }
0x207: {  	s3 =	sor.u32 @!p1 $0x1C04, s3;
	s4 =	simm.s32 @!p1 $0x1C03;
	s2 =	sor.u32 @!p1 $0x80004000, s2  }
0x208: {  	[spmem:s7], [sflag:s3] =	dma.general @!p1 [spmem:s5], [sflag:s4], length:$0x10, [dreg:$0x0], stride_count:$0x0, ici_dest:s2, dma_misc:DstOpCode:WRITE  }
0x209: {  	p2 =	slt.s32 s0, $0x2;
	s5 =	simm.s32 @!p1 $0x100;
	s7 =	simm.s32 @!p1 $0x102  }
0x20a: {  	[spmem:s7], [sflag:s3] =	dma.general @!p1 [spmem:s5], [sflag:s4], length:$0x2, [dreg:$0x0], stride_count:$0x0, ici_dest:s2, dma_misc:DstOpCode:WRITE  }
.Ltmp29:
0x20b: {  	s2 =	simm.s32 @!p1 $0x3;
	(pc) =	sbr.rel @p2 .LBB2_42-.Ltmp29, $4  }
0x20c: {  	s3 =	sshll.u32 @!p1 s9, $0xE;
	_ =	swait.ge @!p1 [sflag:s2], $0x12  }
0x20d: {  	s4 =	sshll.u32 @!p1 s8, $0x11;
	s3 =	sadd.s32 @!p1 $0x11C3C, s3;
	[sflag:s2] =	ssyncset.done @!p1 $0x0  }
0x20e: {  	[sflag:s2] =	ssyncadd.s32 @!p1 $0xFFFFFFEE;
	s2 =	sor.u32 @!p1 s4, s3  }
0x20f: {  	s0 =	simm.s32 $0x0;
	[sflag:s2] =	ssyncadd.remote.s32 @!p1 $0xFFFFFFFF  }
0x210: {  	s0 =	simm.s32 $0xA119  }
0x211: {  	v0 =	vld.msk [tilespmem:s0+$0x0], $0x1;
	_ =	sdelay $0x4  }
0x212: {  	(v2sf) =	vpush v0, $0x0;
	_ =	sdelay $0xc  }
0x213: {  	s2 =	sadd.s32 $0xFFFFFFFE, s6  }
0x214: {  	s2 =	sadd.s32 $0xFFFFFFFF, s2  }
0x215: {  	p2 =	sne.s32 s2, $0x0;
	s3 =	spop (v2sf)  }
.Ltmp30:
0x216: {  	p1 =	sgt.u32 s3, $0xC34F9;
	(pc) =	sbr.rel @!p2 .LBB2_41-.Ltmp30, $4  }
0x217: {  	s5 =	simm.s32 $0x0;
	s4 =	sand.u32 @!p1 $0xFFFF8, s3  }
0x218: {  	s0 =	simm.s32 $0xA178;
	s3 =	sand.u32 @!p1 $0x7, s3;
	s4 =	sadd.s32 @!p1 s1, s4  }
0x219: {  	[hbm4b:s4+s3] =	stream.linear.scatter @!p1 [tilespmem:s0], [sflag:$0x5], $0x33, $0x38;
	[tilespmem:$0x1EF88] =	vst v63  }
0x21a: {  	s5 =	simm.s32 @!p1 $0xCC;
	s3 =	simm.s32 $0x0;
	s4 =	simm.s32 $0xA11A  }
.LBB2_40:
0x21b: {  	v0 =	vld.msk [tilespmem:s4+$0x0], $0x1;
	s2 =	sadd.s32 $0xFFFFFFFF, s2;
	s3 =	sadd.s32 s3, s5  }
0x21c: {  	p1 =	sne.s32 s2, $0x0;
	_ =	sdelay $0x3  }
0x21d: {  	(v2sf) =	vpush v0, $0x0;
	_ =	sdelay $0xe  }
.Ltmp31:
0x21e: {  	s6 =	spop (v2sf);
	(pc) =	sbr.rel @p1 .LBB2_40-.Ltmp31, $4  }
0x21f: {  	s5 =	simm.s32 $0x0;
	p2 =	sgt.u32 s6, $0xC34F9  }
0x220: {  	s0 =	sadd.s32 $0x40, s0;
	s5 =	simm.s32 @!p2 $0xCC;
	s7 =	sand.u32 @!p2 $0xFFFF8, s6  }
0x221: {  	s4 =	sadd.s32 $0x1, s4;
	s6 =	sand.u32 @!p2 $0x7, s6;
	s7 =	sadd.s32 @!p2 s1, s7  }
0x222: {  	[hbm4b:s7+s6] =	stream.linear.scatter @!p2 [tilespmem:s0], [sflag:$0x5], $0x33, $0x38;
	[tilespmem:$0x1EF88] =	vst v63  }
.LBB2_41:
0x223: {  	s0 =	sadd.s32 s3, s5  }
0x224: {  	s0 =	sshrl.u32 s0, $0x2  }
.LBB2_42:
0x225: {  	s2 =	simm.s32 $0x5  }
0x226: {  	_ =	swait.ge [sflag:s2], s0  }
0x227: {  	s31 =	ssub.s32 $0x0, s0;
	[sflag:s2] =	ssyncset.done $0x0  }
0x228: {  	[sflag:s2] =	ssyncadd.s32 s31  }
0x229: {  	[sflag:s2] =	ssyncpa.u1 $0x1  }
.LBB2_43:
0x22a: {  	s0 =	sor.u32 s13, s14  }
0x22b: {  	p1 =	sne.s32 s0, $0x0  }
.Ltmp32:
0x22c: {  	_ = 	snop;
	(pc) =	sbr.rel @p1 .LBB2_58-.Ltmp32, $3  }
0x22d: {  	_ =	sdelay $0x1  }
0x22e: {  	[bflag:$0x0] =	sbarrier.arrive $0xFFFF  }
0x22f: {  	_ =	sfence  }
0x230: {  	s2 =	simm.s32 $0x7  }
0x231: {  	s0 =	simm.s32 $0x800;
	s3 =	simm.s32 $0xA118;
	[sflag:s2] =	ssyncpa.u1 $0x0  }
0x232: {  	[tilespmem:s3], [sflag:$0x7] =	stream.linear.gather [spmem:s0], $0x20, $0x38;
	[tilespmem:$0x1EF88] =	vst v63  }
0x233: {  	s30 =	simm.s32 $0xA138;
	s0 =	simm.s32 $0x0  }
0x234: {  	[tilespmem:s30], [sflag:$0x7] =	stream.linear.gather [spmem:s0], $0x800, $0x38;
	[tilespmem:$0x1EF88] =	vst v63  }
.Ltmp33:
0x235: {  	_ = 	snop;
	(pc) =	sbr.rel .LBB2_45-.Ltmp33, $4  }
0x236: {  	_ =	swait.ge [sflag:s2], $0x820  }
0x237: {  	[sflag:s2] =	ssyncset.done $0x0  }
0x238: {  	s31 =	simm.s32 $0x8;
	[sflag:s2] =	ssyncadd.s32 $0xFFFFF7E0  }
0x239: {  	s2 =	simm.s32 $0x0;
	[sflag:s31] =	ssyncpa.u1 $0x0  }
.LBB2_51:
0x23a: {  	p1 =	slt.u32 s3, $0xC34FA  }
0x23b: {  	s4 =	sand.u32 @p1 $0xFFFF8, s3  }
0x23c: {  	s3 =	sand.u32 @p1 $0x7, s3;
	s5 =	simm.s32 @p1 $0xA0C8;
	s4 =	sadd.s32 @p1 s1, s4  }
0x23d: {  	[tilespmem:s5], [sflag:$0x8] =	stream.linear.gather @p1 [hbm4b:s4+s3], $0x33, $0x38;
	[tilespmem:$0x1EF88] =	vst v63  }
0x23e: {  	s3 =	simm.s32 @p1 $0x8  }
0x23f: {  	_ =	swait.ge @p1 [sflag:s3], $0x33  }
0x240: {  	[sflag:s3] =	ssyncset.done @p1 $0x0  }
0x241: {  	[sflag:s3] =	ssyncadd.s32 @p1 $0xFFFFFFCD  }
0x242: {  	v1 =	vld @p1 [tilespmem:$0xA0C8];
	_ =	sdelay $0x2  }
0x243: {  	s3 =	sshll.u32 @p1 s2, $0x8  }
0x244: {  	s4 =	sshrl.u32 @p1 s3, $0x2  }
0x245: {  	[tilespmem:s4+$0xA138] =	vst.add.f32.msk @p1 $0xffff, v1  }
0x246: {  	v1 =	vld @p1 [tilespmem:$0xA0D8];
	_ =	sdelay $0x4  }
0x247: {  	[tilespmem:s4+$0xA148] =	vst.add.f32.msk @p1 $0xffff, v1  }
0x248: {  	v1 =	vld @p1 [tilespmem:$0xA0E8];
	_ =	sdelay $0x4  }
0x249: {  	[tilespmem:s4+$0xA158] =	vst.add.f32.msk @p1 $0xffff, v1  }
0x24a: {  	v1 =	vld @p1 [tilespmem:$0xA0F8];
	_ =	sdelay $0x3  }
0x24b: {  	s5 =	sshll.u32 @!p1 s2, $0x8  }
0x24c: {  	s5 =	smov.u32 @p1 s3;
	[tilespmem:s4+$0xA168] =	vst.add.f32.msk @p1 $0xffff, v1  }
0x24d: {  	s3 =	sshrl.u32 s5, $0x2;
	[tilespmem:s0+$0xA118] =	vst.msk $0x1, v0  }
0x24e: {  	v0 =	vld [tilespmem:s3+$0xA138];
	_ =	sdelay $0x2  }
0x24f: {  	s31 =	sshll.u32 s0, $0x8  }
0x250: {  	s4 =	sshra.s32 s31, $0x2  }
0x251: {  	[tilespmem:s4+$0xA138] =	vst v0  }
0x252: {  	v0 =	vld [tilespmem:s3+$0xA148];
	_ =	sdelay $0x4  }
0x253: {  	[tilespmem:s4+$0xA148] =	vst v0  }
0x254: {  	v0 =	vld [tilespmem:s3+$0xA158];
	_ =	sdelay $0x4  }
0x255: {  	[tilespmem:s4+$0xA158] =	vst v0  }
0x256: {  	v0 =	vld [tilespmem:s3+$0xA168];
	_ =	sdelay $0x4  }
0x257: {  	s0 =	sadd.s32 $0x1, s0;
	[tilespmem:s4+$0xA168] =	vst v0  }
.LBB2_52:
0x258: {  	s2 =	sadd.s32 $0x1, s2  }
0x259: {  	p1 =	sne.s32 s2, $0x20  }
.Ltmp34:
0x25a: {  	_ = 	snop;
	(pc) =	sbr.rel @!p1 .LBB2_53-.Ltmp34, $1  }
0x25b: {  	_ =	sdelay $0x3  }
.LBB2_45:
0x25c: {  	v0 =	vld.msk [tilespmem:s2+$0xA118], $0x1;
	_ =	sdelay $0x4  }
0x25d: {  	(v2sf) =	vpush v0, $0x0;
	_ =	sdelay $0xe  }
0x25e: {  	s3 =	spop (v2sf)  }
0x25f: {  	p1 =	seq.s32 s3, $0xFFFFFFFF  }
.Ltmp35:
0x260: {  	_ = 	snop;
	(pc) =	sbr.rel @p1 .LBB2_52-.Ltmp35, $1  }
0x261: {  	_ =	sdelay $0x3  }
0x262: {  	p1 =	slt.s32 s0, $0x1  }
.Ltmp36:
0x263: {  	_ = 	snop;
	(pc) =	sbr.rel @p1 .LBB2_51-.Ltmp36, $1  }
0x264: {  	_ =	sdelay $0x3  }
0x265: {  	s4 =	simm.s32 $0xA118;
	p1 =	por $0x0, $0x0  }
0x266: {  	v1 =	vld.msk @!p1 [tilespmem:s4+$0x0], $0x1;
	_ =	sdelay $0x4  }
0x267: {  	(v2sf) =	vpush @!p1 v1, $0x0;
	_ =	sdelay $0xd  }
0x268: {  	p3 =	sne.s32 s0, $0x1  }
.Ltmp37:
0x269: {  	s5 =	spop @!p1 (v2sf);
	(pc) =	sbr.rel @!p3 .LBB2_49-.Ltmp37, $4  }
0x26a: {  	p2 =	seq.s32 @!p1 s3, s5  }
0x26b: {  	s5 =	simm.s32 $0x0;
	p2 =	por !p2, p1  }
0x26c: {  	s7 =	simm.s32 $0xFFFFFFFF;
	s5 =	simm.s32 @p2 $0xFFFFFFFF  }
0x26d: {  	s6 =	simm.s32 $0x1;
	s5 =	smov.u32 @p1 s7  }
.LBB2_48:
0x26e: {  	s7 =	smov.u32 s5;
	p1 =	sne.s32 s5, $0xFFFFFFFF  }
0x26f: {  	s4 =	sadd.s32 $0x1, s4;
	s5 =	smov.u32 s6;
	s6 =	sadd.s32 $0x1, s6  }
0x270: {  	p2 =	sne.s32 s0, s6;
	v1 =	vld.msk @!p1 [tilespmem:s4+$0x0], $0x1;
	_ =	sdelay $0x4  }
0x271: {  	(v2sf) =	vpush @!p1 v1, $0x0;
	_ =	sdelay $0xe  }
.Ltmp38:
0x272: {  	s8 =	spop @!p1 (v2sf);
	(pc) =	sbr.rel @p2 .LBB2_48-.Ltmp38, $4  }
0x273: {  	p3 =	seq.s32 @!p1 s3, s8  }
0x274: {  	p3 =	por !p3, p1  }
0x275: {  	s5 =	simm.s32 @p3 $0xFFFFFFFF  }
0x276: {  	s5 =	smov.u32 @p1 s7  }
.LBB2_49:
0x277: {  	p1 =	seq.s32 s5, $0xFFFFFFFF  }
.Ltmp39:
0x278: {  	_ = 	snop;
	(pc) =	sbr.rel @p1 .LBB2_51-.Ltmp39, $1  }
0x279: {  	_ =	sdelay $0x3  }
0x27a: {  	s3 =	sshll.u32 s2, $0x6  }
0x27b: {  	s3 =	sand.u32 $0x3FFFFFC0, s3  }
0x27c: {  	v0 =	vld [tilespmem:s3+$0xA138];
	_ =	sdelay $0x2  }
0x27d: {  	s4 =	sshll.u32 s5, $0x8  }
0x27e: {  	s4 =	sshra.s32 s4, $0x2  }
0x27f: {  	[tilespmem:s4+$0xA138] =	vst.add.f32.msk $0xffff, v0  }
0x280: {  	v0 =	vld [tilespmem:s3+$0xA148];
	_ =	sdelay $0x4  }
0x281: {  	[tilespmem:s4+$0xA148] =	vst.add.f32.msk $0xffff, v0  }
0x282: {  	v0 =	vld [tilespmem:s3+$0xA158];
	_ =	sdelay $0x4  }
0x283: {  	[tilespmem:s4+$0xA158] =	vst.add.f32.msk $0xffff, v0  }
0x284: {  	v0 =	vld [tilespmem:s3+$0xA168]  }
.Ltmp40:
0x285: {  	_ = 	snop;
	(pc) =	sbr.rel .LBB2_52-.Ltmp40, $2  }
0x286: {  	_ =	sdelay $0x2  }
0x287: {  	[tilespmem:s4+$0xA168] =	vst.add.f32.msk $0xffff, v0  }
.LBB2_53:
0x288: {  	p1 =	slt.s32 s0, $0x1  }
.Ltmp41:
0x289: {  	_ = 	snop;
	(pc) =	sbr.rel @p1 .LBB2_57-.Ltmp41, $3  }
0x28a: {  	_ =	sdelay $0x1  }
0x28b: {  	s2 =	simm.s32 $0x8  }
0x28c: {  	[sflag:s2] =	ssyncpa.u1 $0x1;
	s2 =	simm.s32 $0x0  }
0x28d: {  	s3 =	simm.s32 $0xA118  }
0x28e: {  	v0 =	vld.msk [tilespmem:s3+$0x0], $0x1;
	_ =	sdelay $0x4  }
0x28f: {  	(v2sf) =	vpush v0, $0x0;
	_ =	sdelay $0xe  }
0x290: {  	s0 =	sadd.s32 $0xFFFFFFFF, s0;
	s4 =	spop (v2sf)  }
0x291: {  	p2 =	sne.s32 s0, $0x0;
	p1 =	sgt.u32 s4, $0xC34F9  }
.Ltmp42:
0x292: {  	s5 =	sand.u32 @!p1 $0xFFFF8, s4;
	(pc) =	sbr.rel @!p2 .LBB2_56-.Ltmp42, $4  }
0x293: {  	s3 =	simm.s32 $0xA138;
	s4 =	sand.u32 @!p1 $0x7, s4;
	s5 =	sadd.s32 @!p1 s1, s5  }
0x294: {  	[hbm4b:s5+s4] =	stream.linear.scatter @!p1 [tilespmem:s3], [sflag:$0x7], $0x33, $0x38;
	[tilespmem:$0x1EF88] =	vst v63  }
0x295: {  	s5 =	simm.s32 $0x0  }
0x296: {  	s4 =	simm.s32 $0xA119;
	s5 =	simm.s32 @!p1 $0xCC  }
.LBB2_55:
0x297: {  	v0 =	vld.msk [tilespmem:s4+$0x0], $0x1;
	s0 =	sadd.s32 $0xFFFFFFFF, s0;
	s2 =	sadd.s32 s2, s5  }
0x298: {  	p1 =	sne.s32 s0, $0x0;
	_ =	sdelay $0x3  }
0x299: {  	(v2sf) =	vpush v0, $0x0;
	_ =	sdelay $0xe  }
.Ltmp43:
0x29a: {  	s6 =	spop (v2sf);
	(pc) =	sbr.rel @p1 .LBB2_55-.Ltmp43, $4  }
0x29b: {  	s5 =	simm.s32 $0x0;
	p2 =	sgt.u32 s6, $0xC34F9  }
0x29c: {  	s3 =	sadd.s32 $0x40, s3;
	s5 =	simm.s32 @!p2 $0xCC;
	s7 =	sand.u32 @!p2 $0xFFFF8, s6  }
0x29d: {  	s4 =	sadd.s32 $0x1, s4;
	s6 =	sand.u32 @!p2 $0x7, s6;
	s7 =	sadd.s32 @!p2 s1, s7  }
0x29e: {  	[hbm4b:s7+s6] =	stream.linear.scatter @!p2 [tilespmem:s3], [sflag:$0x7], $0x33, $0x38;
	[tilespmem:$0x1EF88] =	vst v63  }
.LBB2_56:
0x29f: {  	s0 =	sadd.s32 s2, s5  }
0x2a0: {  	s2 =	sshrl.u32 s0, $0x2  }
.LBB2_57:
0x2a1: {  	s0 =	simm.s32 $0x7  }
0x2a2: {  	_ =	swait.ge [sflag:s0], s2  }
0x2a3: {  	s1 =	ssub.s32 $0x0, s2;
	[sflag:s0] =	ssyncset.done $0x0  }
0x2a4: {  	[sflag:s0] =	ssyncadd.s32 s1  }
0x2a5: {  	[sflag:s0] =	ssyncpa.u1 $0x1  }
.LBB2_58:
0x2a6: {  	_ =	sfence;
	s0 =	simm.s32 $0x1  }
0x2a7: {  	[sflag:s0] =	ssyncpa.u1 $0x1  }
0x2a8: {  	_ =	strace $0x9000004D  }
0x2a9: {  	[bflag:$0x2] =	sbarrier.arrive $0xFFFF  }
0x2aa: {  	s0 =	rddreg [dreg:$0x3]  }
0x2ab: {  	s0 =	sadd.s32 @!p0 $0x100000, s0  }
0x2ac: {  	[sflag:s0] =	ssyncadd.tile.s32 @!p0 $0x1;
	_ =	shalt  }
.Lfunc_end2:
_tile_overlayer_lowered:
.L_overlay_start_2:
0x2ad: {  	(tag) =	ssettag $0x2  }
0x2ae: {  	s0 =	rddreg [dreg:$0x0];
	s2 =	stileid.u32  }
0x2af: {  	s1 =	rddreg [dreg:$0x1];
	p0 =	sne.s32 s2, $0x0  }
0x2b0: {  	s3 =	rddreg [dreg:$0x2];
	[bflag:$0x3] =	sbarrier.arrive $0xFFFF;
	s2 =	simm.s32 @!p0 $0x1C01  }
0x2b1: {  	[timem:s3], [sflag:s2] =	dma.local @!p0 [hbm:s0], s1  }
0x2b2: {  	s0 =	simm.s32 @!p0 $0x1  }
0x2b3: {  	_ =	swait.ge @!p0 [sflag:s0], s1  }
0x2b4: {  	s1 =	ssub.s32 @!p0 $0x0, s1;
	[sflag:s0] =	ssyncset.done @!p0 $0x0  }
0x2b5: {  	[sflag:s0] =	ssyncadd.s32 @!p0 s1  }
0x2b6: {  	[bflag:$0x3] =	sbarrier.arrive $0xFFFF  }
0x2b7: {  	_ =	shalt  }

// kernel: sparse-core-data-format-call.1.cloned.1.call-start
scs
called_computation.3_lowered:
.L_overlay_start_0:
0x0: {  	s1 =	sld [smem:$0x3FD9]  }
0x1: {  	s2 =	sld [smem:$0x3FFE];
	_ =	sdelay $0x1  }
0x2: {  	s3 =	srdreg.scid  }
0x3: {  	s0 =	sand.u32 $0x1, s3  }
0x4: {  	s17 =	sshll.u32 s0, $0xA;
	s1 =	sadd.s32 s2, s1  }
0x5: {  	s1 =	sadd.s32 s1, s17  }
0x6: {  	[smem:$0x3FBD] =	sst s1  }
0x7: {  	_ = 	snop  }
0x8: {  	(tm) =	ssettm $0x1  }
0x9: {  	s18 =	sld [smem:$0x3FFB];
	_ =	sdelay $0x3  }
0xa: {  	_ =	strace s18  }
0xb: {  	s1 =	sld [smem:$0x3FFC];
	_ =	sdelay $0x3  }
0xc: {  	_ =	strace s1  }
0xd: {  	s1 =	sld [smem:$0x3FFD];
	_ =	sdelay $0x3  }
0xe: {  	_ =	strace s1  }
0xf: {  	_ =	strace $0x8FFFFFFF  }
0x10: {  	s19 =	sld [smem:$0x3FDB];
	_ =	sdelay $0x1  }
0x11: {  	s20 =	simm.s32 $_scs_section_size  }
0x12: {  	s4 =	simm.s32 $_size__tile_overlayer_lowered;
	s5 =	simm.s32 $_tile_overlayer_lowered  }
0x13: {  	s23 =	simm.s32 $0x1BFF;
	s22 =	sshll.u32 s5, $0x1;
	s1 =	sadd.s32 s20, s19  }
0x14: {  	s6 =	simm.s32 $0x0;
	s21 =	sshll.u32 s4, $0x1;
	s4 =	sadd.s32 s22, s1  }
0x15: {  	[timem:s6], [sflag:s23] =	dma.local [hbm:s4], s21  }
0x16: {  	_ =	swait.ge [sflag:s23], s21  }
0x17: {  	s2 =	ssub.s32 $0x0, s21;
	[sflag:s23] =	ssyncset.done $0x0  }
0x18: {  	[sflag:s23] =	ssyncadd.s32 s2;
	_ =	sdelay $0x1  }
0x19: {  	s24 =	simm.s32 $0x1B8B  }
0x1a: {  	_ =	swait.ge [sflag:s24], $0x1  }
0x1b: {  	[sflag:s24] =	ssyncset.done $0x0  }
0x1c: {  	s26 =	simm.s32 $0x1B8E;
	s25 =	sld [smem:$0x3FFE];
	[sflag:s24] =	ssyncadd.s32 $0xFFFFFFFF  }
0x1d: {  	s27 =	simm.s32 $execute0_lowered;
	[smem:$0x3FD2] =	sst s26  }
0x1e: {  	s4 =	sshll.u32 s27, $0x1;
	_ =	strace $0x8000004F;
	[dreg:$0x1] =	wrdreg $0xFFFFFFFF  }
0x1f: {  	s28 =	simm.s32 $_size_execute0_lowered;
	s1 =	sadd.s32 s1, s4;
	[dreg:$0x0] =	wrdreg $0x0  }
0x20: {  	s4 =	sshll.u32 s28, $0x1;
	[dreg:$0x2] =	wrdreg s1  }
0x21: {  	[dreg:$0x3] =	wrdreg s4  }
0x22: {  	[dreg:$0x4] =	wrdreg $0xC0  }
0x23: {  	_ =	task [dreg:s6], $0x5FFFF  }
0x24: {  	[dreg:$0x1] =	wrdreg $0xFFFFFFFF  }
0x25: {  	[dreg:$0x0] =	wrdreg $0x60  }
0x26: {  	[dreg:$0x2] =	wrdreg s25  }
0x27: {  	[dreg:$0x3] =	wrdreg $0x9  }
0x28: {  	_ =	task.clear_ibuf [dreg:s6], $0x4FFFF;
	_ =	strace $0x9000004F  }
0x29: {  	s29 =	simm.s32 $0x9;
	_ =	strace $0x80000051  }
0x2a: {  	_ =	swait.ge [sflag:s29], $0x1  }
0x2b: {  	[sflag:s29] =	ssyncadd.s32 $0xFFFFFFFF  }
0x2c: {  	_ =	strace $0x90000051  }
0x2d: {  	_ =	sfence  }
0x2e: {  	s30 =	sld [smem:$0x0];
	_ =	sdelay $0x2  }
0x2f: {  	s31 =	sshll.u32 s3, $0xD;
	s3 =	sshrl.u32 s3, $0x2  }
0x30: {  	s2 =	sand.u32 $0x4000, s31;
	s1 =	sadd.s32 s3, s30  }
0x31: {  	s0 =	sor.u32 s2, s0;
	s1 =	sshll.u32 s1, $0x11  }
0x32: {  	s0 =	sor.u32 s1, s0  }
0x33: {  	s0 =	sadd.s32 $0x8F2B, s0  }
0x34: {  	[sflag:s0] =	ssyncadd.remote.s32 $0x1  }
0x35: {  	_ =	sfence.sel $0xFFFF  }
0x36: {  	[dreg:$0x0] =	wrdreg $0xFFFFFFFF;
	(pc) =	sbr.abs _section_cstart, $3  }
0x37: {  	[dreg:$0x1] =	wrdreg $0xFFFFFFFF  }
0x38: {  	_ =	task.clear_ibuf [dreg:s6], $0x2FFFF;
	_ =	strace $0x9FFFFFFF  }
0x39: {  	(tm) =	ssettm $0x7FFFFFFF  }
tec
execute0_lowered:
.L_overlay_start_1:
0x0: {  	(tag) =	ssettag $0x1  }
0x1: {  	s0 =	srdreg.scid  }
0x2: {  	s5 =	rddreg [dreg:$0x0];
	s1 =	sshll.u32 s0, $0x4  }
0x3: {  	s4 =	simm.s32 $0x1;
	s0 =	stileid.u32;
	s1 =	sand.u32 $0x10, s1  }
0x4: {  	s8 =	simm.s32 $0x2;
	s12 =	simm.s32 $0x0;
	s2 =	sor.u32 s0, s1  }
0x5: {  	s9 =	simm.s32 $0x0;
	s3 =	sadd.s32 $0xDA6600, s5;
	s2 =	sshll.u32 s2, $0x7  }
0x6: {  	s11 =	simm.s32 $0x0;
	s5 =	sadd.s32 $0x13C0E00, s5;
	s6 =	ssub.s32 $0x61A80, s2  }
.Ltmp0:
0x7: {  	s1 =	rddreg [dreg:$0x1];
	s7 =	sand.u32 $0xF80, s6;
	(pc) =	sbr.rel .LBB1_1-.Ltmp0, $4  }
0x8: {  	_ =	strace $0x80000050;
	p0 =	sne.s32 s7, $0x0;
	s7 =	simm.s32 $0x1  }
0x9: {  	[sflag:s4] =	ssyncpa.u1 $0x0;
	s6 =	sshrl.u32 s6, $0xC;
	s7 =	simm.s32 @!p0 $0x0  }
0xa: {  	[sflag:s8] =	ssyncpa.u1 $0x0;
	s8 =	simm.s32 $0x30D400;
	s6 =	sadd.s32 s7, s6  }
0xb: {  	s10 =	smov.u32 s2;
	p0 =	por $0x0, $0x0;
	s7 =	sadd.s32 $0x1, s6  }
.LBB1_4:
0xc: {  	s15 =	sshll.u32 s9, $0x3  }
0xd: {  	s15 =	sand.u32 $0xFFFFFC00, s15  }
0xe: {  	s16 =	sshrl.u32 s15, $0x7  }
0xf: {  	s16 =	smulhi.u32 $0x14F8B59, s16;
	_ =	sdelay $0x1  }
0x10: {  	s16 =	sshrl.u32 s16, $0x4  }
0x11: {  	s18 =	smul.u32 $0x2AAB, s16  }
0x12: {  	p1 =	sgt.s32 s9, $0x61A00;
	s19 =	smov.u32 s9;
	s20 =	sshra.s32 s9, $0x1F  }
0x13: {  	s19 =	simm.s32 @!p1 $0x61A00;
	s20 =	sand.u32 s20, s9;
	s18 =	sshrl.u32 s18, $0x12  }
0x14: {  	s17 =	sand.u32 $0x7F, s9;
	s28 =	ssub.s32 s19, s20;
	s18 =	smul.u32 $0x18, s18  }
0x15: {  	s15 =	sor.u32 s17, s15;
	s29 =	sadd.s32 $0xFFF9E600, s28;
	s27 =	smul.u32 $0x61A80, s16  }
0x16: {  	s17 =	ssub.s32 $0x61A80, s28;
	p1 =	sgt.s32 s29, $0x7F;
	s16 =	ssub.s32 s16, s18  }
0x17: {  	s17 =	smul.u32 $0x60, s17;
	s15 =	ssub.s32 s15, s27;
	s16 =	sand.u32 $0xFFFF, s16  }
0x18: {  	s30 =	sshrl.u32 s15, $0x3;
	s15 =	sand.u32 $0x7, s15;
	s16 =	smul.u32 $0xC350, s16  }
0x19: {  	s17 =	sshrl.u32 s17, $0x2;
	s15 =	sshll.u32 s15, $0x12;
	s18 =	sadd.s32 s5, s30  }
0x1a: {  	[tilespmem:s14+$0x0 ss:$0x81] =	vst.msk $0xffff, v0;
	s17 =	simm.s32 @p1 $0x0;
	s15 =	sor.u32 $0x400, s15;
	s31 =	sadd.s32 s16, s18  }
0x1b: {  	[hbm4b:s31+s15] =	stream.strided.scatter [tilespmem:s13], [sflag:$0x2], s17, s8, s15, $0x20;
	[tilespmem:$0x4040] =	vst v63  }
.LBB1_5:
0x1c: {  	p1 =	slt.u32 s11, $0x2  }
0x1d: {  	p2 =	sgt.s32 @!p1 s12, $0x61A00  }
0x1e: {  	s13 =	smov.u32 s12;
	s14 =	sshra.s32 @!p1 s12, $0x1F;
	p2 =	por !p2, p1  }
0x1f: {  	s12 =	sand.u32 @!p1 s14, s12;
	s13 =	simm.s32 @p2 $0x61A00  }
0x20: {  	s12 =	ssub.s32 @!p1 s13, s12  }
0x21: {  	s13 =	ssub.s32 @!p1 $0x61A80, s12  }
0x22: {  	s12 =	sadd.s32 @!p1 $0xFFF9E600, s12;
	s13 =	smul.u32 @!p1 $0x60, s13  }
0x23: {  	p2 =	sgt.s32 @!p1 s12, $0x7F  }
0x24: {  	s14 =	sadd.s32 $0x1000, s10;
	p2 =	por !p2, p1;
	s12 =	sshrl.u32 @!p1 s13, $0x2  }
0x25: {  	s12 =	simm.s32 @!p2 $0x0;
	p2 =	sgt.s32 s14, $0x61A7F  }
0x26: {  	s14 =	smov.u32 @p2 s2;
	p2 =	sne.s32 s11, s7  }
.Ltmp1:
0x27: {  	_ = 	snop;
	(pc) =	sbr.rel @!p2 .LBB1_6-.Ltmp1, $4  }
0x28: {  	s13 =	simm.s32 @!p1 $0x2  }
0x29: {  	p0 =	por !p0, !p0;
	_ =	swait.ge @!p1 [sflag:s13], s12;
	s15 =	ssub.s32 @!p1 $0x0, s12  }
0x2a: {  	s12 =	smov.u32 s9;
	s11 =	sadd.s32 $0x1, s11;
	[sflag:s13] =	ssyncset.done @!p1 $0x0  }
0x2b: {  	s9 =	smov.u32 s10;
	s10 =	smov.u32 s14;
	[sflag:s13] =	ssyncadd.s32 @!p1 s15  }
.LBB1_1:
0x2c: {  	p1 =	sge.u32 s11, s6  }
0x2d: {  	s13 =	sand.u32 @!p1 $0x1FFFFFF, s10  }
0x2e: {  	s14 =	smulhi.u32 @!p1 $0x14F8B59, s13;
	_ =	sdelay $0x1  }
0x2f: {  	s14 =	sshrl.u32 @!p1 s14, $0xB  }
0x30: {  	s14 =	smul.u32 @!p1 $0x61A80, s14;
	_ =	sdelay $0x1  }
0x31: {  	s31 =	sadd.s32 $0xFFFFFFFF, s11;
	s15 =	sxor.u32 @!p1 $0xFFFFFFFF, s11;
	s13 =	ssub.s32 @!p1 s13, s14  }
0x32: {  	s16 =	simm.s32 @!p1 $0x80;
	s15 =	sshll.u32 @!p1 s15, $0xC;
	s13 =	sshll.u32 @!p1 s13, $0x4  }
0x33: {  	s14 =	sand.u32 @!p1 $0x1000, s15;
	s15 =	simm.s32 @!p1 $0x20;
	s13 =	sadd.s32 @!p1 s3, s13  }
0x34: {  	[tilespmem:s14], [sflag:$0x1] =	stream.strided.gather @!p1 [hbm4b:s13+s15], $0x1000, s16, s15, $0x38;
	[tilespmem:$0x4040] =	vst v63  }
0x35: {  	p1 =	sge.u32 s31, s6  }
.Ltmp2:
0x36: {  	_ = 	snop;
	(pc) =	sbr.rel @p1 .LBB1_5-.Ltmp2, $1  }
0x37: {  	_ =	sdelay $0x3  }
0x38: {  	s13 =	simm.s32 $0x1  }
0x39: {  	_ =	swait.ge [sflag:s4], $0x1000;
	s13 =	simm.s32 @!p0 $0x0  }
0x3a: {  	[sflag:s4] =	ssyncset.done $0x0;
	s14 =	sshll.u32 s13, $0xC  }
0x3b: {  	[sflag:s4] =	ssyncadd.s32 $0xFFFFF000;
	s17 =	sor.u32 $0x10, s14  }
0x3c: {  	s13 =	smul.u32 $0x4080, s13;
	v1 =	vld [tilespmem:s17+$0x0]  }
0x3d: {  	s30 =	sand.u32 $0x1, s11;
	v0 =	vld [tilespmem:s17+$0xFFFFFFF0]  }
0x3e: {  	s14 =	smul.u32 $0x4080, s30;
	s13 =	sshrl.u32 s13, $0x2  }
0x3f: {  	s15 =	sor.u32 $0x2000, s13  }
0x40: {  	s31 =	sshrl.u32 s14, $0x2;
	s14 =	sadd.s32 $0x0, s15  }
0x41: {  	s16 =	simm.s32 $0x4;
	s17 =	sadd.s32 $0x20, s17;
	s13 =	sor.u32 $0x2000, s31;
	[tilespmem:s14+$0x810 ss:$0x81] =	vst.msk $0xffff, v1  }
.LBB1_3:
0x42: {  	v1 =	vld [tilespmem:s17+$0x0];
	p1 =	sne.s32 s16, $0x1FC;
	[tilespmem:s14+$0x0 ss:$0x81] =	vst.msk $0xffff, v0;
	s14 =	smov.u32 s16;
	s16 =	sadd.s32 $0x4, s16  }
.Ltmp3:
0x43: {  	v0 =	vld [tilespmem:s17+$0xFFFFFFF0];
	(pc) =	sbr.rel @p1 .LBB1_3-.Ltmp3, $4  }
0x44: {  	_ = 	snop  }
0x45: {  	s14 =	sshra.s32 s14, $0x2  }
0x46: {  	s14 =	sadd.s32 s14, s15  }
0x47: {  	s17 =	sadd.s32 $0x20, s17;
	[tilespmem:s14+$0x810 ss:$0x81] =	vst.msk $0xffff, v1  }
.Ltmp4:
0x48: {  	_ = 	snop;
	(pc) =	sbr.rel .LBB1_4-.Ltmp4, $1  }
0x49: {  	_ =	sdelay $0x3  }
.LBB1_6:
0x4a: {  	_ =	sfence.sel $0x180000  }
0x4b: {  	s2 =	simm.s32 $0x1;
	[bflag:$0x0] =	sbarrier.arrive $0xFFFF  }
0x4c: {  	s31 =	simm.s32 $0x2;
	[sflag:s2] =	ssyncpa.u1 $0x1  }
0x4d: {  	[sflag:s31] =	ssyncpa.u1 $0x1  }
0x4e: {  	p0 =	sne.s32 s0, $0x0;
	_ =	strace $0x90000050  }
0x4f: {  	s0 =	sadd.s32 @!p0 $0x100000, s1;
	[bflag:$0x2] =	sbarrier.arrive $0xFFFF  }
0x50: {  	[sflag:s0] =	ssyncadd.tile.s32 @!p0 $0x1;
	_ =	shalt  }
.Lfunc_end1:
_tile_overlayer_lowered:
.L_overlay_start_2:
0x51: {  	(tag) =	ssettag $0x2  }
0x52: {  	s0 =	rddreg [dreg:$0x0];
	s2 =	stileid.u32  }
0x53: {  	s1 =	rddreg [dreg:$0x1];
	p0 =	sne.s32 s2, $0x0  }
0x54: {  	s3 =	rddreg [dreg:$0x2];
	[bflag:$0x3] =	sbarrier.arrive $0xFFFF;
	s2 =	simm.s32 @!p0 $0x1C01  }
0x55: {  	[timem:s3], [sflag:s2] =	dma.local @!p0 [hbm:s0], s1  }
0x56: {  	s0 =	simm.s32 @!p0 $0x1  }
0x57: {  	_ =	swait.ge @!p0 [sflag:s0], s1  }
0x58: {  	s1 =	ssub.s32 @!p0 $0x0, s1;
	[sflag:s0] =	ssyncset.done @!p0 $0x0  }
0x59: {  	[sflag:s0] =	ssyncadd.s32 @!p0 s1  }
0x5a: {  	[bflag:$0x3] =	sbarrier.arrive $0xFFFF  }
0x5b: {  	_ =	shalt  }

// kernel: sparse-core-data-format-call.2.cloned.1.call-start
scs
called_computation.4_lowered:
.L_overlay_start_0:
0x0: {  	s1 =	sld [smem:$0x3FD9]  }
0x1: {  	s2 =	sld [smem:$0x3FFE];
	_ =	sdelay $0x1  }
0x2: {  	s3 =	srdreg.scid  }
0x3: {  	s0 =	sand.u32 $0x1, s3  }
0x4: {  	s17 =	sshll.u32 s0, $0xA;
	s1 =	sadd.s32 s2, s1  }
0x5: {  	s1 =	sadd.s32 s1, s17  }
0x6: {  	[smem:$0x3FBD] =	sst s1  }
0x7: {  	_ = 	snop  }
0x8: {  	(tm) =	ssettm $0x1  }
0x9: {  	s18 =	sld [smem:$0x3FFB];
	_ =	sdelay $0x3  }
0xa: {  	_ =	strace s18  }
0xb: {  	s1 =	sld [smem:$0x3FFC];
	_ =	sdelay $0x3  }
0xc: {  	_ =	strace s1  }
0xd: {  	s1 =	sld [smem:$0x3FFD];
	_ =	sdelay $0x3  }
0xe: {  	_ =	strace s1  }
0xf: {  	_ =	strace $0x8FFFFFFF  }
0x10: {  	s19 =	sld [smem:$0x3FDB];
	_ =	sdelay $0x1  }
0x11: {  	s20 =	simm.s32 $_scs_section_size  }
0x12: {  	s4 =	simm.s32 $_size__tile_overlayer_lowered;
	s5 =	simm.s32 $_tile_overlayer_lowered  }
0x13: {  	s23 =	simm.s32 $0x1BFF;
	s22 =	sshll.u32 s5, $0x1;
	s1 =	sadd.s32 s20, s19  }
0x14: {  	s6 =	simm.s32 $0x0;
	s21 =	sshll.u32 s4, $0x1;
	s4 =	sadd.s32 s22, s1  }
0x15: {  	[timem:s6], [sflag:s23] =	dma.local [hbm:s4], s21  }
0x16: {  	_ =	swait.ge [sflag:s23], s21  }
0x17: {  	s2 =	ssub.s32 $0x0, s21;
	[sflag:s23] =	ssyncset.done $0x0  }
0x18: {  	[sflag:s23] =	ssyncadd.s32 s2;
	_ =	sdelay $0x1  }
0x19: {  	s24 =	simm.s32 $0x1B8B  }
0x1a: {  	_ =	swait.ge [sflag:s24], $0x1  }
0x1b: {  	[sflag:s24] =	ssyncset.done $0x0  }
0x1c: {  	s26 =	simm.s32 $0x1B8E;
	s25 =	sld [smem:$0x3FFE];
	[sflag:s24] =	ssyncadd.s32 $0xFFFFFFFF  }
0x1d: {  	s27 =	simm.s32 $execute0_lowered;
	[smem:$0x3FD2] =	sst s26  }
0x1e: {  	s4 =	sshll.u32 s27, $0x1;
	_ =	strace $0x80000046;
	[dreg:$0x1] =	wrdreg $0xFFFFFFFF  }
0x1f: {  	s28 =	simm.s32 $_size_execute0_lowered;
	s1 =	sadd.s32 s1, s4;
	[dreg:$0x0] =	wrdreg $0x0  }
0x20: {  	s4 =	sshll.u32 s28, $0x1;
	[dreg:$0x2] =	wrdreg s1  }
0x21: {  	[dreg:$0x3] =	wrdreg s4  }
0x22: {  	[dreg:$0x4] =	wrdreg $0xC0  }
0x23: {  	_ =	task [dreg:s6], $0x5FFFF  }
0x24: {  	[dreg:$0x1] =	wrdreg $0xFFFFFFFF  }
0x25: {  	[dreg:$0x0] =	wrdreg $0x60  }
0x26: {  	[dreg:$0x2] =	wrdreg s25  }
0x27: {  	[dreg:$0x3] =	wrdreg $0x9  }
0x28: {  	_ =	task.clear_ibuf [dreg:s6], $0x4FFFF;
	_ =	strace $0x90000046  }
0x29: {  	s29 =	simm.s32 $0x9;
	_ =	strace $0x80000048  }
0x2a: {  	_ =	swait.ge [sflag:s29], $0x1  }
0x2b: {  	[sflag:s29] =	ssyncadd.s32 $0xFFFFFFFF  }
0x2c: {  	_ =	strace $0x90000048  }
0x2d: {  	_ =	sfence  }
0x2e: {  	s30 =	sld [smem:$0x0];
	_ =	sdelay $0x2  }
0x2f: {  	s31 =	sshll.u32 s3, $0xD;
	s3 =	sshrl.u32 s3, $0x2  }
0x30: {  	s2 =	sand.u32 $0x4000, s31;
	s1 =	sadd.s32 s3, s30  }
0x31: {  	s0 =	sor.u32 s2, s0;
	s1 =	sshll.u32 s1, $0x11  }
0x32: {  	s0 =	sor.u32 s1, s0  }
0x33: {  	s0 =	sadd.s32 $0x8F2B, s0  }
0x34: {  	[sflag:s0] =	ssyncadd.remote.s32 $0x1  }
0x35: {  	_ =	sfence.sel $0xFFFF  }
0x36: {  	[dreg:$0x0] =	wrdreg $0xFFFFFFFF;
	(pc) =	sbr.abs _section_cstart, $3  }
0x37: {  	[dreg:$0x1] =	wrdreg $0xFFFFFFFF  }
0x38: {  	_ =	task.clear_ibuf [dreg:s6], $0x2FFFF;
	_ =	strace $0x9FFFFFFF  }
0x39: {  	(tm) =	ssettm $0x7FFFFFFF  }
tec
execute0_lowered:
.L_overlay_start_1:
0x0: {  	(tag) =	ssettag $0x1  }
0x1: {  	s0 =	srdreg.scid  }
0x2: {  	s6 =	rddreg [dreg:$0x0];
	s7 =	simm.s32 $0x1;
	s1 =	sshll.u32 s0, $0x4  }
0x3: {  	s8 =	simm.s32 $0x2;
	s0 =	stileid.u32;
	s1 =	sand.u32 $0x10, s1  }
0x4: {  	s13 =	simm.s32 $0x0;
	s12 =	simm.s32 $0x0;
	s1 =	sor.u32 s0, s1  }
0x5: {  	s10 =	simm.s32 $0x0;
	s11 =	simm.s32 $0x0;
	s2 =	sshll.u32 s1, $0x8  }
0x6: {  	s3 =	sadd.s32 $0xAE000, s6;
	s6 =	sadd.s32 $0x132E200, s6;
	s5 =	ssub.s32 $0xC3500, s2  }
.Ltmp0:
0x7: {  	s1 =	rddreg [dreg:$0x1];
	s4 =	sand.u32 $0x1F00, s5;
	(pc) =	sbr.rel .LBB1_1-.Ltmp0, $4  }
0x8: {  	_ =	strace $0x80000047;
	s9 =	smov.u32 s2;
	p0 =	sne.s32 s4, $0x0  }
0x9: {  	s5 =	sshrl.u32 s5, $0xD;
	s4 =	simm.s32 $0x1;
	s7 =	simm.s32 @!p0 $0x0  }
0xa: {  	[sflag:s4] =	ssyncpa.u1 $0x0;
	p0 =	por $0x0, $0x0;
	s5 =	sadd.s32 s7, s5  }
0xb: {  	[sflag:s8] =	ssyncpa.u1 $0x0;
	s8 =	simm.s32 $0x80;
	s7 =	sadd.s32 $0x1, s5  }
.LBB1_4:
0xc: {  	_ =	sdelay $0x3  }
0xd: {  	s21 =	sor.u32 s24, s23;
	v47 =	vld.idx.msk [tilespmem:v0+s16+$0x470 ss:$0x1], $0xffff  }
0xe: {  	v57 =	vld.idx.msk [tilespmem:v0+s21+$0x410 ss:$0x1], $0xffff  }
0xf: {  	v58 =	vld.idx.msk [tilespmem:v0+s21+$0x420 ss:$0x1], $0xffff  }
0x10: {  	[tilespmem:s18+$0x1860 ss:$0x41] =	vst.msk $0xffff, v8;
	v59 =	vld.idx.msk [tilespmem:v0+s21+$0x430 ss:$0x1], $0xffff  }
0x11: {  	[tilespmem:s18+$0x1C70 ss:$0x41] =	vst.msk $0xffff, v7;
	v60 =	vld.idx.msk [tilespmem:v0+s21+$0x440 ss:$0x1], $0xffff  }
0x12: {  	[tilespmem:s18+$0x2490 ss:$0x41] =	vst.msk $0xffff, v1;
	s22 =	sand.u32 $0x3B00, s21;
	v61 =	vld.idx.msk [tilespmem:v0+s21+$0x450 ss:$0x1], $0xffff  }
0x13: {  	s20 =	sand.u32 $0x80, s20;
	[tilespmem:s18+$0x28A0 ss:$0x41] =	vst.msk $0xffff, v2;
	v62 =	vld.idx.msk [tilespmem:v0+s21+$0x460 ss:$0x1], $0xffff;
	s15 =	sadd.s32 s22, s15  }
0x14: {  	[tilespmem:s18+$0x2CB0 ss:$0x41] =	vst.msk $0xffff, v3;
	v63 =	vld.idx.msk [tilespmem:v0+s21+$0x470 ss:$0x1], $0xffff;
	s15 =	sadd.s32 s20, s15  }
0x15: {  	[tilespmem:s18+$0x30C0 ss:$0x41] =	vst.msk $0xffff, v4;
	v48 =	vld [tilespmem:s15+$0x400]  }
0x16: {  	[tilespmem:s18+$0x34D0 ss:$0x41] =	vst.msk $0xffff, v5;
	v49 =	vld [tilespmem:s15+$0x0]  }
0x17: {  	s25 =	sshra.s32 s19, $0x2;
	[tilespmem:s18+$0x38E0 ss:$0x41] =	vst.msk $0xffff, v6;
	v50 =	vld [tilespmem:s15+$0x10]  }
0x18: {  	s16 =	sadd.s32 s25, s17;
	v51 =	vld [tilespmem:s15+$0x20];
	[tilespmem:s18+$0x3CF0 ss:$0x41] =	vst.msk $0xffff, v47  }
0x19: {  	v52 =	vld [tilespmem:s15+$0x30];
	[tilespmem:s16+$0x2490 ss:$0x41] =	vst.msk $0xffff, v57  }
0x1a: {  	v53 =	vld [tilespmem:s15+$0x40];
	[tilespmem:s16+$0x28A0 ss:$0x41] =	vst.msk $0xffff, v58  }
0x1b: {  	v54 =	vld [tilespmem:s15+$0x50];
	[tilespmem:s16+$0x2CB0 ss:$0x41] =	vst.msk $0xffff, v59  }
0x1c: {  	s13 =	sshll.u32 s13, $0x7;
	s26 =	sshll.u32 s12, $0x3;
	v55 =	vld [tilespmem:s15+$0x60];
	[tilespmem:s16+$0x30C0 ss:$0x41] =	vst.msk $0xffff, v60  }
0x1d: {  	s27 =	sand.u32 $0xFFFFFC00, s13;
	v56 =	vld [tilespmem:s15+$0x70];
	s15 =	sand.u32 $0xFFFFFC00, s26;
	[tilespmem:s16+$0x34D0 ss:$0x41] =	vst.msk $0xffff, v61  }
0x1e: {  	s13 =	sand.u32 $0x380, s13;
	s15 =	sadd.s32 s15, s27;
	[tilespmem:s16+$0x38E0 ss:$0x41] =	vst.msk $0xffff, v62  }
0x1f: {  	s13 =	sor.u32 s13, s15;
	[tilespmem:s16+$0x3CF0 ss:$0x41] =	vst.msk $0xffff, v63  }
0x20: {  	s13 =	sshrl.u32 s13, $0x7;
	[tilespmem:s16+$0x2080 ss:$0x41] =	vst.msk $0xffff, v48  }
0x21: {  	s28 =	smulhi.u32 $0x14F8B59, s13;
	[tilespmem:s16+$0x0 ss:$0x41] =	vst.msk $0xffff, v49  }
0x22: {  	[tilespmem:s16+$0x410 ss:$0x41] =	vst.msk $0xffff, v50  }
0x23: {  	[tilespmem:s16+$0x820 ss:$0x41] =	vst.msk $0xffff, v51;
	s15 =	sshrl.u32 s28, $0xC  }
0x24: {  	[tilespmem:s16+$0xC30 ss:$0x41] =	vst.msk $0xffff, v52;
	s15 =	smul.u32 $0xC3500, s15  }
0x25: {  	s29 =	sshrl.u32 s12, $0x3;
	[tilespmem:s16+$0x1040 ss:$0x41] =	vst.msk $0xffff, v53  }
0x26: {  	s31 =	sand.u32 $0x7, s12;
	s30 =	sand.u32 $0xF, s29;
	[tilespmem:s16+$0x1450 ss:$0x41] =	vst.msk $0xffff, v54;
	s13 =	ssub.s32 s13, s15  }
0x27: {  	s12 =	sshll.u32 s31, $0x12;
	[tilespmem:s16+$0x1860 ss:$0x41] =	vst.msk $0xffff, v55;
	s15 =	sadd.s32 s6, s30;
	s13 =	sshll.u32 s13, $0x4  }
0x28: {  	s12 =	sor.u32 $0x40, s12;
	[tilespmem:s16+$0x1C70 ss:$0x41] =	vst.msk $0xffff, v56;
	s13 =	sadd.s32 s13, s15  }
0x29: {  	[hbm4b:s13+s12] =	stream.strided.scatter [tilespmem:s14], [sflag:$0x2], $0x4000, s8, s12, $0x18;
	[tilespmem:$0x10200] =	vst v63  }
.LBB1_5:
0x2a: {  	s14 =	sadd.s32 $0x2000, s9  }
0x2b: {  	s12 =	sadd.s32 $0x40, s10;
	s16 =	smov.u32 s10;
	p2 =	sgt.s32 s14, $0xC34FF  }
0x2c: {  	s16 =	smov.u32 @p2 s12  }
0x2d: {  	s14 =	smov.u32 @p2 s2;
	p2 =	sgt.s32 s16, $0x2F  }
0x2e: {  	s16 =	simm.s32 @p2 $0x0;
	p2 =	sne.s32 s11, s7  }
.Ltmp1:
0x2f: {  	p1 =	slt.u32 s11, $0x2;
	(pc) =	sbr.rel @!p2 .LBB1_6-.Ltmp1, $4  }
0x30: {  	s15 =	simm.s32 @!p1 $0x2  }
0x31: {  	s13 =	smov.u32 s9;
	p0 =	por !p0, !p0;
	_ =	swait.ge @!p1 [sflag:s15], $0x4000  }
0x32: {  	s12 =	smov.u32 s10;
	[sflag:s15] =	ssyncset.done @!p1 $0x0;
	s9 =	smov.u32 s14  }
0x33: {  	s11 =	sadd.s32 $0x1, s11;
	[sflag:s15] =	ssyncadd.s32 @!p1 $0xFFFFC000;
	s10 =	smov.u32 s16  }
.LBB1_1:
0x34: {  	p1 =	sge.u32 s11, s5  }
0x35: {  	s14 =	sshrl.u32 @!p1 s10, $0x3  }
0x36: {  	s20 =	smov.u32 s9;
	s15 =	sshll.u32 @!p1 s9, $0x3;
	s14 =	smul.u32 @!p1 $0x61A800, s14  }
0x37: {  	s31 =	sadd.s32 $0xFFFFFFFF, s11;
	s16 =	sshll.u32 @!p1 s10, $0x7;
	s15 =	sand.u32 @!p1 $0xFFFFFC00, s15  }
0x38: {  	s17 =	sand.u32 @!p1 $0x7F, s9;
	s14 =	sadd.s32 @!p1 s14, s15;
	s15 =	sand.u32 @!p1 $0x380, s16  }
0x39: {  	p2 =	sgt.s32 @!p1 s10, $0xFFFFFFF0;
	s19 =	sshra.s32 @!p1 s10, $0x1F;
	s14 =	sor.u32 @!p1 s15, s14  }
0x3a: {  	s21 =	sshra.s32 @!p1 s9, $0x1F;
	p2 =	por !p2, p1;
	s15 =	sshrl.u32 @!p1 s14, $0x8  }
0x3b: {  	s14 =	sor.u32 @!p1 s17, s14;
	s17 =	smov.u32 s10;
	s15 =	smulhi.u32 @!p1 $0x14F8B59, s15  }
0x3c: {  	s19 =	sand.u32 @!p1 s19, s10;
	s17 =	simm.s32 @p2 $0xFFFFFFF0;
	p2 =	sgt.s32 @!p1 s9, $0xC3400  }
0x3d: {  	s21 =	sand.u32 @!p1 s21, s9;
	p2 =	por !p2, p1;
	s15 =	sshrl.u32 @!p1 s15, $0x4  }
0x3e: {  	s16 =	sxor.u32 @!p1 $0xFFFFFFFF, s11;
	s20 =	simm.s32 @p2 $0xC3400;
	s18 =	smul.u32 @!p1 $0xAAB, s15  }
0x3f: {  	s16 =	sshll.u32 @!p1 s16, $0xE;
	s17 =	ssub.s32 @!p1 s17, s19;
	s19 =	ssub.s32 @!p1 s20, s21  }
0x40: {  	s20 =	sadd.s32 @!p1 $0x10, s17;
	s17 =	ssub.s32 @!p1 $0x30, s17;
	s18 =	sshrl.u32 @!p1 s18, $0x11  }
0x41: {  	s21 =	sadd.s32 @!p1 $0xFFF3CC00, s19;
	p2 =	sgt.s32 @!p1 s20, $0x3F;
	s18 =	smul.u32 @!p1 $0x30, s18  }
0x42: {  	s19 =	ssub.s32 @!p1 $0xC3500, s19;
	p3 =	sgt.s32 @!p1 s21, $0xFF;
	p2 =	por !p2, p1  }
0x43: {  	p3 =	por !p3, p1;
	s18 =	ssub.s32 @!p1 s15, s18;
	s15 =	smul.u32 @!p1 $0xC3500, s15  }
0x44: {  	s16 =	sand.u32 @!p1 $0x4000, s16;
	s17 =	simm.s32 @!p2 $0x0;
	s19 =	simm.s32 @!p3 $0x0  }
0x45: {  	s17 =	smul.u32 @!p1 s17, s19;
	s14 =	ssub.s32 @!p1 s14, s15;
	s15 =	sand.u32 @!p1 $0xFFFF, s18  }
0x46: {  	s15 =	smul.u32 @!p1 $0x186A0, s15;
	s18 =	sshrl.u32 @!p1 s14, $0x3;
	s14 =	sand.u32 @!p1 $0x7, s14  }
0x47: {  	s17 =	sand.u32 @!p1 $0x3FFFFFFF, s17;
	s18 =	sadd.s32 @!p1 s3, s18;
	s14 =	sshll.u32 @!p1 s14, $0x12  }
0x48: {  	s15 =	sadd.s32 @!p1 s15, s18;
	s14 =	sor.u32 @!p1 $0x800, s14;
	s18 =	simm.s32 @!p1 $0x61A800  }
0x49: {  	[tilespmem:s16], [sflag:$0x1] =	stream.strided.gather @!p1 [hbm4b:s15+s14], s17, s18, s14, $0x38;
	[tilespmem:$0x10200] =	vst v63  }
0x4a: {  	p1 =	sge.u32 s31, s5  }
.Ltmp2:
0x4b: {  	_ = 	snop;
	(pc) =	sbr.rel @p1 .LBB1_5-.Ltmp2, $1  }
0x4c: {  	_ =	sdelay $0x3  }
0x4d: {  	p1 =	sgt.s32 s12, $0xFFFFFFF0  }
0x4e: {  	s14 =	smov.u32 s12;
	s15 =	sshra.s32 s12, $0x1F;
	s16 =	smov.u32 s13  }
0x4f: {  	s17 =	sshra.s32 s13, $0x1F;
	s14 =	simm.s32 @!p1 $0xFFFFFFF0;
	p1 =	sgt.s32 s13, $0xC3400  }
0x50: {  	s15 =	sand.u32 s15, s12;
	s26 =	sand.u32 s17, s13;
	s16 =	simm.s32 @!p1 $0xC3400  }
0x51: {  	s14 =	ssub.s32 s14, s15;
	s15 =	ssub.s32 s16, s26  }
0x52: {  	s27 =	sadd.s32 $0x10, s14;
	s14 =	ssub.s32 $0x30, s14;
	s16 =	sadd.s32 $0xFFF3CC00, s15  }
0x53: {  	p1 =	sgt.s32 s27, $0x3F;
	s15 =	ssub.s32 $0xC3500, s15;
	p2 =	sgt.s32 s16, $0xFF  }
0x54: {  	s19 =	sand.u32 $0x1, s11;
	s14 =	simm.s32 @p1 $0x0;
	s15 =	simm.s32 @p2 $0x0  }
0x55: {  	s14 =	smul.u32 s14, s15;
	s15 =	sshll.u32 s19, $0xE  }
0x56: {  	v0 =	vmov s15  }
0x57: {  	s29 =	simm.s32 $0x0;
	s14 =	sand.u32 $0x3FFFFFFF, s14  }
0x58: {  	s30 =	sand.u32 $0x3800, s29;
	_ =	swait.ge [sflag:s4], s14  }
0x59: {  	s18 =	sand.u32 $0x380, s29;
	s28 =	ssub.s32 $0x0, s14;
	[sflag:s4] =	ssyncset.done $0x0  }
0x5a: {  	s16 =	sor.u32 s18, s30;
	[sflag:s4] =	ssyncadd.s32 s28  }
0x5b: {  	s17 =	sand.u32 $0x3B00, s16;
	v1 =	vld.idx.msk [tilespmem:v0+s16+$0x410 ss:$0x1], $0xffff  }
0x5c: {  	s18 =	simm.s32 $0x1;
	s17 =	sadd.s32 s17, s15;
	s14 =	sand.u32 $0x80, s29;
	v2 =	vld.idx.msk [tilespmem:v0+s16+$0x420 ss:$0x1], $0xffff  }
0x5d: {  	s18 =	simm.s32 @!p0 $0x0;
	s14 =	sadd.s32 s14, s17;
	v3 =	vld.idx.msk [tilespmem:v0+s16+$0x430 ss:$0x1], $0xffff  }
0x5e: {  	s31 =	smul.u32 $0x10400, s18;
	v4 =	vld [tilespmem:s14+$0x400]  }
0x5f: {  	v5 =	vld [tilespmem:s14+$0x0]  }
0x60: {  	s17 =	sshrl.u32 s31, $0x2;
	v6 =	vld [tilespmem:s14+$0x10]  }
0x61: {  	s17 =	sor.u32 $0x8000, s17;
	v7 =	vld [tilespmem:s14+$0x20]  }
0x62: {  	s18 =	sadd.s32 $0x0, s17;
	v9 =	vld [tilespmem:s14+$0x30]  }
0x63: {  	v10 =	vld [tilespmem:s14+$0x40];
	[tilespmem:s18+$0x2080 ss:$0x41] =	vst.msk $0xffff, v4  }
0x64: {  	v11 =	vld [tilespmem:s14+$0x50];
	[tilespmem:s18+$0x0 ss:$0x41] =	vst.msk $0xffff, v5  }
0x65: {  	v8 =	vld [tilespmem:s14+$0x60];
	[tilespmem:s18+$0x410 ss:$0x41] =	vst.msk $0xffff, v6  }
0x66: {  	s19 =	smul.u32 $0x10400, s19;
	[tilespmem:s18+$0x820 ss:$0x41] =	vst.msk $0xffff, v7;
	v7 =	vld [tilespmem:s14+$0x70]  }
0x67: {  	s20 =	simm.s32 $0x80;
	s21 =	simm.s32 $0x100;
	[tilespmem:s18+$0xC30 ss:$0x41] =	vst.msk $0xffff, v9;
	v4 =	vld.idx.msk [tilespmem:v0+s16+$0x440 ss:$0x1], $0xffff  }
0x68: {  	s22 =	simm.s32 $0x8;
	s23 =	sand.u32 $0x3800, s21;
	s19 =	sshrl.u32 s19, $0x2;
	[tilespmem:s18+$0x1040 ss:$0x41] =	vst.msk $0xffff, v10;
	v5 =	vld.idx.msk [tilespmem:v0+s16+$0x450 ss:$0x1], $0xffff  }
0x69: {  	s24 =	sand.u32 $0x380, s20;
	s14 =	sor.u32 $0x8000, s19;
	s19 =	simm.s32 $0x4;
	[tilespmem:s18+$0x1450 ss:$0x41] =	vst.msk $0xffff, v11;
	v6 =	vld.idx.msk [tilespmem:v0+s16+$0x460 ss:$0x1], $0xffff  }
.LBB1_3:
0x6a: {  	p1 =	sne.s32 s22, $0xFC;
	[tilespmem:s18+$0x1860 ss:$0x41] =	vst.msk $0xffff, v8;
	v8 =	vld.idx.msk [tilespmem:v0+s16+$0x470 ss:$0x1], $0xffff;
	s16 =	sor.u32 s24, s23  }
0x6b: {  	s23 =	sand.u32 $0x3B00, s16;
	v9 =	vld.idx.msk [tilespmem:v0+s16+$0x410 ss:$0x1], $0xffff;
	[tilespmem:s18+$0x1C70 ss:$0x41] =	vst.msk $0xffff, v7  }
0x6c: {  	s24 =	sand.u32 $0x80, s20;
	s23 =	sadd.s32 s23, s15;
	v7 =	vld.idx.msk [tilespmem:v0+s16+$0x420 ss:$0x1], $0xffff;
	[tilespmem:s18+$0x2490 ss:$0x41] =	vst.msk $0xffff, v1  }
0x6d: {  	s23 =	sadd.s32 s24, s23;
	v10 =	vld.idx.msk [tilespmem:v0+s16+$0x430 ss:$0x1], $0xffff;
	[tilespmem:s18+$0x28A0 ss:$0x41] =	vst.msk $0xffff, v2  }
0x6e: {  	v11 =	vld [tilespmem:s23+$0x400];
	[tilespmem:s18+$0x2CB0 ss:$0x41] =	vst.msk $0xffff, v3  }
0x6f: {  	v12 =	vld [tilespmem:s23+$0x0];
	[tilespmem:s18+$0x30C0 ss:$0x41] =	vst.msk $0xffff, v4  }
0x70: {  	v4 =	vld [tilespmem:s23+$0x10];
	[tilespmem:s18+$0x34D0 ss:$0x41] =	vst.msk $0xffff, v5  }
0x71: {  	s24 =	sshra.s32 s19, $0x2;
	s19 =	smov.u32 s22;
	v1 =	vmov v9;
	v5 =	vld [tilespmem:s23+$0x20];
	[tilespmem:s18+$0x38E0 ss:$0x41] =	vst.msk $0xffff, v6  }
0x72: {  	v2 =	vmov v7;
	v6 =	vld [tilespmem:s23+$0x30];
	[tilespmem:s18+$0x3CF0 ss:$0x41] =	vst.msk $0xffff, v8;
	s18 =	sadd.s32 s24, s17  }
0x73: {  	v3 =	vmov v10;
	v9 =	vld [tilespmem:s23+$0x40];
	[tilespmem:s18+$0x2080 ss:$0x41] =	vst.msk $0xffff, v11  }
0x74: {  	[tilespmem:s18+$0x0 ss:$0x41] =	vst.msk $0xffff, v12;
	v10 =	vld [tilespmem:s23+$0x50]  }
.Ltmp3:
0x75: {  	[tilespmem:s18+$0x410 ss:$0x41] =	vst.msk $0xffff, v4;
	v8 =	vld [tilespmem:s23+$0x60];
	(pc) =	sbr.rel @p1 .LBB1_3-.Ltmp3, $4  }
0x76: {  	[tilespmem:s18+$0x820 ss:$0x41] =	vst.msk $0xffff, v5;
	v7 =	vld [tilespmem:s23+$0x70]  }
0x77: {  	[tilespmem:s18+$0xC30 ss:$0x41] =	vst.msk $0xffff, v6;
	v4 =	vld.idx.msk [tilespmem:v0+s16+$0x440 ss:$0x1], $0xffff  }
0x78: {  	s20 =	sadd.s32 $0x80, s20;
	s21 =	sadd.s32 $0x100, s21;
	[tilespmem:s18+$0x1040 ss:$0x41] =	vst.msk $0xffff, v9;
	v5 =	vld.idx.msk [tilespmem:v0+s16+$0x450 ss:$0x1], $0xffff  }
0x79: {  	s22 =	sadd.s32 $0x4, s22;
	s24 =	sand.u32 $0x380, s20;
	s23 =	sand.u32 $0x3800, s21;
	[tilespmem:s18+$0x1450 ss:$0x41] =	vst.msk $0xffff, v10;
	v6 =	vld.idx.msk [tilespmem:v0+s16+$0x460 ss:$0x1], $0xffff  }
.Ltmp4:
0x7a: {  	_ = 	snop;
	(pc) =	sbr.rel .LBB1_4-.Ltmp4, $1  }
0x7b: {  	_ =	sdelay $0x3  }
.LBB1_6:
0x7c: {  	_ =	sfence.sel $0x180000  }
0x7d: {  	s2 =	simm.s32 $0x1;
	[bflag:$0x0] =	sbarrier.arrive $0xFFFF  }
0x7e: {  	s31 =	simm.s32 $0x2;
	[sflag:s2] =	ssyncpa.u1 $0x1  }
0x7f: {  	[sflag:s31] =	ssyncpa.u1 $0x1  }
0x80: {  	p0 =	sne.s32 s0, $0x0;
	_ =	strace $0x90000047  }
0x81: {  	s0 =	sadd.s32 @!p0 $0x100000, s1;
	[bflag:$0x2] =	sbarrier.arrive $0xFFFF  }
0x82: {  	[sflag:s0] =	ssyncadd.tile.s32 @!p0 $0x1;
	_ =	shalt  }
.Lfunc_end1:
_tile_overlayer_lowered:
.L_overlay_start_2:
0x83: {  	(tag) =	ssettag $0x2  }
0x84: {  	s0 =	rddreg [dreg:$0x0];
	s2 =	stileid.u32  }
0x85: {  	s1 =	rddreg [dreg:$0x1];
	p0 =	sne.s32 s2, $0x0  }
0x86: {  	s3 =	rddreg [dreg:$0x2];
	[bflag:$0x3] =	sbarrier.arrive $0xFFFF;
	s2 =	simm.s32 @!p0 $0x1C01  }
0x87: {  	[timem:s3], [sflag:s2] =	dma.local @!p0 [hbm:s0], s1  }
0x88: {  	s0 =	simm.s32 @!p0 $0x1  }
0x89: {  	_ =	swait.ge @!p0 [sflag:s0], s1  }
0x8a: {  	s1 =	ssub.s32 @!p0 $0x0, s1;
	[sflag:s0] =	ssyncset.done @!p0 $0x0  }
0x8b: {  	[sflag:s0] =	ssyncadd.s32 @!p0 s1  }
0x8c: {  	[bflag:$0x3] =	sbarrier.arrive $0xFFFF  }
0x8d: {  	_ =	shalt  }

// kernel: sparse-core-data-format-call.cloned.1.call-start
scs
called_computation.2_lowered:
.L_overlay_start_0:
0x0: {  	s1 =	sld [smem:$0x3FD9]  }
0x1: {  	s2 =	sld [smem:$0x3FFE];
	_ =	sdelay $0x1  }
0x2: {  	s3 =	srdreg.scid  }
0x3: {  	s0 =	sand.u32 $0x1, s3  }
0x4: {  	s17 =	sshll.u32 s0, $0xA;
	s1 =	sadd.s32 s2, s1  }
0x5: {  	s1 =	sadd.s32 s1, s17  }
0x6: {  	[smem:$0x3FBD] =	sst s1  }
0x7: {  	_ = 	snop  }
0x8: {  	(tm) =	ssettm $0x1  }
0x9: {  	s18 =	sld [smem:$0x3FFB];
	_ =	sdelay $0x3  }
0xa: {  	_ =	strace s18  }
0xb: {  	s1 =	sld [smem:$0x3FFC];
	_ =	sdelay $0x3  }
0xc: {  	_ =	strace s1  }
0xd: {  	s1 =	sld [smem:$0x3FFD];
	_ =	sdelay $0x3  }
0xe: {  	_ =	strace s1  }
0xf: {  	_ =	strace $0x8FFFFFFF  }
0x10: {  	s19 =	sld [smem:$0x3FDB];
	_ =	sdelay $0x1  }
0x11: {  	s20 =	simm.s32 $_scs_section_size  }
0x12: {  	s4 =	simm.s32 $_size__tile_overlayer_lowered;
	s5 =	simm.s32 $_tile_overlayer_lowered  }
0x13: {  	s23 =	simm.s32 $0x1BFF;
	s22 =	sshll.u32 s5, $0x1;
	s1 =	sadd.s32 s20, s19  }
0x14: {  	s6 =	simm.s32 $0x0;
	s21 =	sshll.u32 s4, $0x1;
	s4 =	sadd.s32 s22, s1  }
0x15: {  	[timem:s6], [sflag:s23] =	dma.local [hbm:s4], s21  }
0x16: {  	_ =	swait.ge [sflag:s23], s21  }
0x17: {  	s2 =	ssub.s32 $0x0, s21;
	[sflag:s23] =	ssyncset.done $0x0  }
0x18: {  	[sflag:s23] =	ssyncadd.s32 s2;
	_ =	sdelay $0x1  }
0x19: {  	s24 =	simm.s32 $0x1B8B  }
0x1a: {  	_ =	swait.ge [sflag:s24], $0x1  }
0x1b: {  	[sflag:s24] =	ssyncset.done $0x0  }
0x1c: {  	s26 =	simm.s32 $0x1B8E;
	s25 =	sld [smem:$0x3FFE];
	[sflag:s24] =	ssyncadd.s32 $0xFFFFFFFF  }
0x1d: {  	s27 =	simm.s32 $execute0_lowered;
	[smem:$0x3FD2] =	sst s26  }
0x1e: {  	s4 =	sshll.u32 s27, $0x1;
	_ =	strace $0x80000055;
	[dreg:$0x1] =	wrdreg $0xFFFFFFFF  }
0x1f: {  	s28 =	simm.s32 $_size_execute0_lowered;
	s1 =	sadd.s32 s1, s4;
	[dreg:$0x0] =	wrdreg $0x0  }
0x20: {  	s4 =	sshll.u32 s28, $0x1;
	[dreg:$0x2] =	wrdreg s1  }
0x21: {  	[dreg:$0x3] =	wrdreg s4  }
0x22: {  	[dreg:$0x4] =	wrdreg $0xC0  }
0x23: {  	_ =	task [dreg:s6], $0x5FFFF  }
0x24: {  	[dreg:$0x1] =	wrdreg $0xFFFFFFFF  }
0x25: {  	[dreg:$0x0] =	wrdreg $0x60  }
0x26: {  	[dreg:$0x2] =	wrdreg s25  }
0x27: {  	[dreg:$0x3] =	wrdreg $0x9  }
0x28: {  	_ =	task.clear_ibuf [dreg:s6], $0x4FFFF;
	_ =	strace $0x90000055  }
0x29: {  	s29 =	simm.s32 $0x9;
	_ =	strace $0x80000057  }
0x2a: {  	_ =	swait.ge [sflag:s29], $0x1  }
0x2b: {  	[sflag:s29] =	ssyncadd.s32 $0xFFFFFFFF  }
0x2c: {  	_ =	strace $0x90000057  }
0x2d: {  	_ =	sfence  }
0x2e: {  	s30 =	sld [smem:$0x0];
	_ =	sdelay $0x2  }
0x2f: {  	s31 =	sshll.u32 s3, $0xD;
	s3 =	sshrl.u32 s3, $0x2  }
0x30: {  	s2 =	sand.u32 $0x4000, s31;
	s1 =	sadd.s32 s3, s30  }
0x31: {  	s0 =	sor.u32 s2, s0;
	s1 =	sshll.u32 s1, $0x11  }
0x32: {  	s0 =	sor.u32 s1, s0  }
0x33: {  	s0 =	sadd.s32 $0x8F2B, s0  }
0x34: {  	[sflag:s0] =	ssyncadd.remote.s32 $0x1  }
0x35: {  	_ =	sfence.sel $0xFFFF  }
0x36: {  	[dreg:$0x0] =	wrdreg $0xFFFFFFFF;
	(pc) =	sbr.abs _section_cstart, $3  }
0x37: {  	[dreg:$0x1] =	wrdreg $0xFFFFFFFF  }
0x38: {  	_ =	task.clear_ibuf [dreg:s6], $0x2FFFF;
	_ =	strace $0x9FFFFFFF  }
0x39: {  	(tm) =	ssettm $0x7FFFFFFF  }
tec
execute0_lowered:
.L_overlay_start_1:
0x0: {  	(tag) =	ssettag $0x1  }
0x1: {  	s0 =	srdreg.scid  }
0x2: {  	s6 =	rddreg [dreg:$0x0];
	s7 =	simm.s32 $0x1;
	s1 =	sshll.u32 s0, $0x4  }
0x3: {  	s8 =	simm.s32 $0x2;
	s0 =	stileid.u32;
	s1 =	sand.u32 $0x10, s1  }
0x4: {  	s13 =	simm.s32 $0x0;
	s12 =	simm.s32 $0x0;
	s1 =	sor.u32 s0, s1  }
0x5: {  	s10 =	simm.s32 $0x0;
	s11 =	simm.s32 $0x0;
	s2 =	sshll.u32 s1, $0x8  }
0x6: {  	s3 =	sadd.s32 $0x33C00, s6;
	s6 =	sadd.s32 $0x341000, s6;
	s5 =	ssub.s32 $0xC3500, s2  }
.Ltmp0:
0x7: {  	s1 =	rddreg [dreg:$0x1];
	s4 =	sand.u32 $0x1F00, s5;
	(pc) =	sbr.rel .LBB1_1-.Ltmp0, $4  }
0x8: {  	_ =	strace $0x80000056;
	s9 =	smov.u32 s2;
	p0 =	sne.s32 s4, $0x0  }
0x9: {  	s5 =	sshrl.u32 s5, $0xD;
	s4 =	simm.s32 $0x1;
	s7 =	simm.s32 @!p0 $0x0  }
0xa: {  	[sflag:s4] =	ssyncpa.u1 $0x0;
	p0 =	por $0x0, $0x0;
	s5 =	sadd.s32 s7, s5  }
0xb: {  	[sflag:s8] =	ssyncpa.u1 $0x0;
	s8 =	simm.s32 $0x80;
	s7 =	sadd.s32 $0x1, s5  }
.LBB1_4:
0xc: {  	_ =	sdelay $0x3  }
0xd: {  	s21 =	sor.u32 s24, s23;
	v47 =	vld.idx.msk [tilespmem:v0+s16+$0x470 ss:$0x1], $0xffff  }
0xe: {  	v57 =	vld.idx.msk [tilespmem:v0+s21+$0x410 ss:$0x1], $0xffff  }
0xf: {  	v58 =	vld.idx.msk [tilespmem:v0+s21+$0x420 ss:$0x1], $0xffff  }
0x10: {  	[tilespmem:s18+$0xC60 ss:$0x21] =	vst.msk $0xffff, v8;
	v59 =	vld.idx.msk [tilespmem:v0+s21+$0x430 ss:$0x1], $0xffff  }
0x11: {  	[tilespmem:s18+$0xE70 ss:$0x21] =	vst.msk $0xffff, v7;
	v60 =	vld.idx.msk [tilespmem:v0+s21+$0x440 ss:$0x1], $0xffff  }
0x12: {  	[tilespmem:s18+$0x1290 ss:$0x21] =	vst.msk $0xffff, v1;
	s22 =	sand.u32 $0x1B00, s21;
	v61 =	vld.idx.msk [tilespmem:v0+s21+$0x450 ss:$0x1], $0xffff  }
0x13: {  	s20 =	sand.u32 $0x80, s20;
	[tilespmem:s18+$0x14A0 ss:$0x21] =	vst.msk $0xffff, v2;
	v62 =	vld.idx.msk [tilespmem:v0+s21+$0x460 ss:$0x1], $0xffff;
	s15 =	sadd.s32 s22, s15  }
0x14: {  	[tilespmem:s18+$0x16B0 ss:$0x21] =	vst.msk $0xffff, v3;
	v63 =	vld.idx.msk [tilespmem:v0+s21+$0x470 ss:$0x1], $0xffff;
	s15 =	sadd.s32 s20, s15  }
0x15: {  	[tilespmem:s18+$0x18C0 ss:$0x21] =	vst.msk $0xffff, v4;
	v48 =	vld [tilespmem:s15+$0x400]  }
0x16: {  	[tilespmem:s18+$0x1AD0 ss:$0x21] =	vst.msk $0xffff, v5;
	v49 =	vld [tilespmem:s15+$0x0]  }
0x17: {  	s25 =	sshra.s32 s19, $0x2;
	[tilespmem:s18+$0x1CE0 ss:$0x21] =	vst.msk $0xffff, v6;
	v50 =	vld [tilespmem:s15+$0x10]  }
0x18: {  	s16 =	sadd.s32 s25, s17;
	v51 =	vld [tilespmem:s15+$0x20];
	[tilespmem:s18+$0x1EF0 ss:$0x21] =	vst.msk $0xffff, v47  }
0x19: {  	v52 =	vld [tilespmem:s15+$0x30];
	[tilespmem:s16+$0x1290 ss:$0x21] =	vst.msk $0xffff, v57  }
0x1a: {  	v53 =	vld [tilespmem:s15+$0x40];
	[tilespmem:s16+$0x14A0 ss:$0x21] =	vst.msk $0xffff, v58  }
0x1b: {  	v54 =	vld [tilespmem:s15+$0x50];
	[tilespmem:s16+$0x16B0 ss:$0x21] =	vst.msk $0xffff, v59  }
0x1c: {  	s13 =	sshll.u32 s13, $0x7;
	s26 =	sshll.u32 s12, $0x3;
	v55 =	vld [tilespmem:s15+$0x60];
	[tilespmem:s16+$0x18C0 ss:$0x21] =	vst.msk $0xffff, v60  }
0x1d: {  	s27 =	sand.u32 $0xFFFFFC00, s13;
	v56 =	vld [tilespmem:s15+$0x70];
	s15 =	sand.u32 $0xFFFFFC00, s26;
	[tilespmem:s16+$0x1AD0 ss:$0x21] =	vst.msk $0xffff, v61  }
0x1e: {  	s13 =	sand.u32 $0x380, s13;
	s15 =	sadd.s32 s15, s27;
	[tilespmem:s16+$0x1CE0 ss:$0x21] =	vst.msk $0xffff, v62  }
0x1f: {  	s13 =	sor.u32 s13, s15;
	[tilespmem:s16+$0x1EF0 ss:$0x21] =	vst.msk $0xffff, v63  }
0x20: {  	s13 =	sshrl.u32 s13, $0x7;
	[tilespmem:s16+$0x1080 ss:$0x21] =	vst.msk $0xffff, v48  }
0x21: {  	s28 =	smulhi.u32 $0x14F8B59, s13;
	[tilespmem:s16+$0x0 ss:$0x21] =	vst.msk $0xffff, v49  }
0x22: {  	[tilespmem:s16+$0x210 ss:$0x21] =	vst.msk $0xffff, v50  }
0x23: {  	[tilespmem:s16+$0x420 ss:$0x21] =	vst.msk $0xffff, v51;
	s15 =	sshrl.u32 s28, $0xC  }
0x24: {  	[tilespmem:s16+$0x630 ss:$0x21] =	vst.msk $0xffff, v52;
	s15 =	smul.u32 $0xC3500, s15  }
0x25: {  	s29 =	sshrl.u32 s12, $0x3;
	[tilespmem:s16+$0x840 ss:$0x21] =	vst.msk $0xffff, v53  }
0x26: {  	s31 =	sand.u32 $0x7, s12;
	s30 =	sand.u32 $0xF, s29;
	[tilespmem:s16+$0xA50 ss:$0x21] =	vst.msk $0xffff, v54;
	s13 =	ssub.s32 s13, s15  }
0x27: {  	s12 =	sshll.u32 s31, $0x12;
	[tilespmem:s16+$0xC60 ss:$0x21] =	vst.msk $0xffff, v55;
	s15 =	sadd.s32 s6, s30;
	s13 =	sshll.u32 s13, $0x4  }
0x28: {  	s12 =	sor.u32 $0x20, s12;
	[tilespmem:s16+$0xE70 ss:$0x21] =	vst.msk $0xffff, v56;
	s13 =	sadd.s32 s13, s15  }
0x29: {  	[hbm4b:s13+s12] =	stream.strided.scatter [tilespmem:s14], [sflag:$0x2], $0x2000, s8, s12, $0x10;
	[tilespmem:$0x8200] =	vst v63  }
.LBB1_5:
0x2a: {  	s14 =	sadd.s32 $0x2000, s9  }
0x2b: {  	s12 =	sadd.s32 $0x20, s10;
	s16 =	smov.u32 s10;
	p2 =	sgt.s32 s14, $0xC34FF  }
0x2c: {  	s16 =	smov.u32 @p2 s12  }
0x2d: {  	s14 =	smov.u32 @p2 s2;
	p2 =	sgt.s32 s16, $0x1A  }
0x2e: {  	s16 =	simm.s32 @p2 $0x0;
	p2 =	sne.s32 s11, s7  }
.Ltmp1:
0x2f: {  	p1 =	slt.u32 s11, $0x2;
	(pc) =	sbr.rel @!p2 .LBB1_6-.Ltmp1, $4  }
0x30: {  	s15 =	simm.s32 @!p1 $0x2  }
0x31: {  	s13 =	smov.u32 s9;
	p0 =	por !p0, !p0;
	_ =	swait.ge @!p1 [sflag:s15], $0x2000  }
0x32: {  	s12 =	smov.u32 s10;
	[sflag:s15] =	ssyncset.done @!p1 $0x0;
	s9 =	smov.u32 s14  }
0x33: {  	s11 =	sadd.s32 $0x1, s11;
	[sflag:s15] =	ssyncadd.s32 @!p1 $0xFFFFE000;
	s10 =	smov.u32 s16  }
.LBB1_1:
0x34: {  	p1 =	sge.u32 s11, s5  }
0x35: {  	s14 =	sshrl.u32 @!p1 s10, $0x3  }
0x36: {  	s15 =	sshll.u32 @!p1 s9, $0x3;
	s14 =	smul.u32 @!p1 $0x61A800, s14  }
0x37: {  	s16 =	sshll.u32 @!p1 s10, $0x7;
	s15 =	sand.u32 @!p1 $0xFFFFFC00, s15  }
0x38: {  	s14 =	sadd.s32 @!p1 s14, s15;
	s15 =	sand.u32 @!p1 $0x380, s16  }
0x39: {  	s14 =	sor.u32 @!p1 s15, s14  }
0x3a: {  	s15 =	sshrl.u32 @!p1 s14, $0x8  }
0x3b: {  	s15 =	smulhi.u32 @!p1 $0x14F8B59, s15;
	_ =	sdelay $0x1  }
0x3c: {  	s15 =	sshrl.u32 @!p1 s15, $0x4  }
0x3d: {  	s16 =	sand.u32 @!p1 $0x7F, s9;
	s17 =	smul.u32 @!p1 $0xC3500, s15  }
0x3e: {  	s31 =	sadd.s32 $0xFFFFFFFF, s11;
	s14 =	sor.u32 @!p1 s16, s14;
	s16 =	sxor.u32 @!p1 $0xFFFFFFFF, s11  }
0x3f: {  	s16 =	sshll.u32 @!p1 s16, $0xD;
	s15 =	sand.u32 @!p1 $0x1F, s15;
	s14 =	ssub.s32 @!p1 s14, s17  }
0x40: {  	s15 =	smul.u32 @!p1 $0x186A0, s15;
	s17 =	sshrl.u32 @!p1 s14, $0x3;
	s14 =	sand.u32 @!p1 $0x7, s14  }
0x41: {  	s16 =	sand.u32 @!p1 $0x2000, s16;
	s17 =	sadd.s32 @!p1 s3, s17;
	s14 =	sshll.u32 @!p1 s14, $0x12  }
0x42: {  	s15 =	sadd.s32 @!p1 s15, s17;
	s14 =	sor.u32 @!p1 $0x800, s14;
	s17 =	simm.s32 @!p1 $0x61A800  }
0x43: {  	[tilespmem:s16], [sflag:$0x1] =	stream.strided.gather @!p1 [hbm4b:s15+s14], $0x2000, s17, s14, $0x38;
	[tilespmem:$0x8200] =	vst v63  }
0x44: {  	p1 =	sge.u32 s31, s5  }
.Ltmp2:
0x45: {  	_ = 	snop;
	(pc) =	sbr.rel @p1 .LBB1_5-.Ltmp2, $1  }
0x46: {  	_ =	sdelay $0x3  }
0x47: {  	s17 =	simm.s32 $0x0  }
0x48: {  	s16 =	sand.u32 $0x1800, s17;
	s18 =	sand.u32 $0x380, s17  }
0x49: {  	s14 =	sand.u32 $0x1, s11;
	s16 =	sor.u32 s18, s16  }
0x4a: {  	_ =	swait.ge [sflag:s4], $0x2000;
	s15 =	sshll.u32 s14, $0xD;
	s18 =	sand.u32 $0x1B00, s16  }
0x4b: {  	[sflag:s4] =	ssyncset.done $0x0;
	s17 =	sand.u32 $0x80, s17;
	s18 =	sadd.s32 s18, s15  }
0x4c: {  	[sflag:s4] =	ssyncadd.s32 $0xFFFFE000;
	s20 =	sadd.s32 s17, s18  }
0x4d: {  	v4 =	vld [tilespmem:s20+$0x400]  }
0x4e: {  	s19 =	simm.s32 $0x1;
	v5 =	vld [tilespmem:s20+$0x0]  }
0x4f: {  	s19 =	simm.s32 @!p0 $0x0;
	v6 =	vld [tilespmem:s20+$0x10]  }
0x50: {  	v0 =	vmov s15;
	s31 =	smul.u32 $0x8400, s19;
	v7 =	vld [tilespmem:s20+$0x20]  }
0x51: {  	v9 =	vld [tilespmem:s20+$0x30]  }
0x52: {  	s17 =	sshrl.u32 s31, $0x2;
	v10 =	vld [tilespmem:s20+$0x40]  }
0x53: {  	s17 =	sor.u32 $0x4000, s17;
	v11 =	vld [tilespmem:s20+$0x50]  }
0x54: {  	v8 =	vld [tilespmem:s20+$0x60];
	s18 =	sadd.s32 $0x0, s17  }
0x55: {  	v1 =	vld.idx.msk [tilespmem:v0+s16+$0x410 ss:$0x1], $0xffff;
	[tilespmem:s18+$0x1080 ss:$0x21] =	vst.msk $0xffff, v4  }
0x56: {  	v2 =	vld.idx.msk [tilespmem:v0+s16+$0x420 ss:$0x1], $0xffff;
	[tilespmem:s18+$0x0 ss:$0x21] =	vst.msk $0xffff, v5  }
0x57: {  	v3 =	vld.idx.msk [tilespmem:v0+s16+$0x430 ss:$0x1], $0xffff;
	[tilespmem:s18+$0x210 ss:$0x21] =	vst.msk $0xffff, v6  }
0x58: {  	s14 =	smul.u32 $0x8400, s14;
	[tilespmem:s18+$0x420 ss:$0x21] =	vst.msk $0xffff, v7;
	v7 =	vld [tilespmem:s20+$0x70]  }
0x59: {  	s21 =	simm.s32 $0x100;
	s22 =	simm.s32 $0x8;
	[tilespmem:s18+$0x630 ss:$0x21] =	vst.msk $0xffff, v9;
	v4 =	vld.idx.msk [tilespmem:v0+s16+$0x440 ss:$0x1], $0xffff  }
0x5a: {  	s23 =	sand.u32 $0x1800, s21;
	s14 =	sshrl.u32 s14, $0x2;
	[tilespmem:s18+$0x840 ss:$0x21] =	vst.msk $0xffff, v10;
	v5 =	vld.idx.msk [tilespmem:v0+s16+$0x450 ss:$0x1], $0xffff;
	s20 =	simm.s32 $0x80  }
0x5b: {  	s19 =	simm.s32 $0x4;
	s14 =	sor.u32 $0x4000, s14;
	[tilespmem:s18+$0xA50 ss:$0x21] =	vst.msk $0xffff, v11;
	v6 =	vld.idx.msk [tilespmem:v0+s16+$0x460 ss:$0x1], $0xffff;
	s24 =	sand.u32 $0x380, s20  }
.LBB1_3:
0x5c: {  	p1 =	sne.s32 s22, $0x7C;
	[tilespmem:s18+$0xC60 ss:$0x21] =	vst.msk $0xffff, v8;
	v8 =	vld.idx.msk [tilespmem:v0+s16+$0x470 ss:$0x1], $0xffff;
	s16 =	sor.u32 s24, s23  }
0x5d: {  	s23 =	sand.u32 $0x1B00, s16;
	v9 =	vld.idx.msk [tilespmem:v0+s16+$0x410 ss:$0x1], $0xffff;
	[tilespmem:s18+$0xE70 ss:$0x21] =	vst.msk $0xffff, v7  }
0x5e: {  	s24 =	sand.u32 $0x80, s20;
	s23 =	sadd.s32 s23, s15;
	v7 =	vld.idx.msk [tilespmem:v0+s16+$0x420 ss:$0x1], $0xffff;
	[tilespmem:s18+$0x1290 ss:$0x21] =	vst.msk $0xffff, v1  }
0x5f: {  	s23 =	sadd.s32 s24, s23;
	v10 =	vld.idx.msk [tilespmem:v0+s16+$0x430 ss:$0x1], $0xffff;
	[tilespmem:s18+$0x14A0 ss:$0x21] =	vst.msk $0xffff, v2  }
0x60: {  	v11 =	vld [tilespmem:s23+$0x400];
	[tilespmem:s18+$0x16B0 ss:$0x21] =	vst.msk $0xffff, v3  }
0x61: {  	v12 =	vld [tilespmem:s23+$0x0];
	[tilespmem:s18+$0x18C0 ss:$0x21] =	vst.msk $0xffff, v4  }
0x62: {  	v4 =	vld [tilespmem:s23+$0x10];
	[tilespmem:s18+$0x1AD0 ss:$0x21] =	vst.msk $0xffff, v5  }
0x63: {  	s24 =	sshra.s32 s19, $0x2;
	s19 =	smov.u32 s22;
	v1 =	vmov v9;
	v5 =	vld [tilespmem:s23+$0x20];
	[tilespmem:s18+$0x1CE0 ss:$0x21] =	vst.msk $0xffff, v6  }
0x64: {  	v2 =	vmov v7;
	v6 =	vld [tilespmem:s23+$0x30];
	[tilespmem:s18+$0x1EF0 ss:$0x21] =	vst.msk $0xffff, v8;
	s18 =	sadd.s32 s24, s17  }
0x65: {  	v3 =	vmov v10;
	v9 =	vld [tilespmem:s23+$0x40];
	[tilespmem:s18+$0x1080 ss:$0x21] =	vst.msk $0xffff, v11  }
0x66: {  	[tilespmem:s18+$0x0 ss:$0x21] =	vst.msk $0xffff, v12;
	v10 =	vld [tilespmem:s23+$0x50]  }
.Ltmp3:
0x67: {  	[tilespmem:s18+$0x210 ss:$0x21] =	vst.msk $0xffff, v4;
	v8 =	vld [tilespmem:s23+$0x60];
	(pc) =	sbr.rel @p1 .LBB1_3-.Ltmp3, $4  }
0x68: {  	[tilespmem:s18+$0x420 ss:$0x21] =	vst.msk $0xffff, v5;
	v7 =	vld [tilespmem:s23+$0x70]  }
0x69: {  	[tilespmem:s18+$0x630 ss:$0x21] =	vst.msk $0xffff, v6;
	v4 =	vld.idx.msk [tilespmem:v0+s16+$0x440 ss:$0x1], $0xffff  }
0x6a: {  	s20 =	sadd.s32 $0x80, s20;
	s21 =	sadd.s32 $0x100, s21;
	[tilespmem:s18+$0x840 ss:$0x21] =	vst.msk $0xffff, v9;
	v5 =	vld.idx.msk [tilespmem:v0+s16+$0x450 ss:$0x1], $0xffff  }
0x6b: {  	s22 =	sadd.s32 $0x4, s22;
	s24 =	sand.u32 $0x380, s20;
	s23 =	sand.u32 $0x1800, s21;
	[tilespmem:s18+$0xA50 ss:$0x21] =	vst.msk $0xffff, v10;
	v6 =	vld.idx.msk [tilespmem:v0+s16+$0x460 ss:$0x1], $0xffff  }
.Ltmp4:
0x6c: {  	_ = 	snop;
	(pc) =	sbr.rel .LBB1_4-.Ltmp4, $1  }
0x6d: {  	_ =	sdelay $0x3  }
.LBB1_6:
0x6e: {  	_ =	sfence.sel $0x180000  }
0x6f: {  	s2 =	simm.s32 $0x1;
	[bflag:$0x0] =	sbarrier.arrive $0xFFFF  }
0x70: {  	s31 =	simm.s32 $0x2;
	[sflag:s2] =	ssyncpa.u1 $0x1  }
0x71: {  	[sflag:s31] =	ssyncpa.u1 $0x1  }
0x72: {  	p0 =	sne.s32 s0, $0x0;
	_ =	strace $0x90000056  }
0x73: {  	s0 =	sadd.s32 @!p0 $0x100000, s1;
	[bflag:$0x2] =	sbarrier.arrive $0xFFFF  }
0x74: {  	[sflag:s0] =	ssyncadd.tile.s32 @!p0 $0x1;
	_ =	shalt  }
.Lfunc_end1:
_tile_overlayer_lowered:
.L_overlay_start_2:
0x75: {  	(tag) =	ssettag $0x2  }
0x76: {  	s0 =	rddreg [dreg:$0x0];
	s2 =	stileid.u32  }
0x77: {  	s1 =	rddreg [dreg:$0x1];
	p0 =	sne.s32 s2, $0x0  }
0x78: {  	s3 =	rddreg [dreg:$0x2];
	[bflag:$0x3] =	sbarrier.arrive $0xFFFF;
	s2 =	simm.s32 @!p0 $0x1C01  }
0x79: {  	[timem:s3], [sflag:s2] =	dma.local @!p0 [hbm:s0], s1  }
0x7a: {  	s0 =	simm.s32 @!p0 $0x1  }
0x7b: {  	_ =	swait.ge @!p0 [sflag:s0], s1  }
0x7c: {  	s1 =	ssub.s32 @!p0 $0x0, s1;
	[sflag:s0] =	ssyncset.done @!p0 $0x0  }
0x7d: {  	[sflag:s0] =	ssyncadd.s32 @!p0 s1  }
0x7e: {  	[bflag:$0x3] =	sbarrier.arrive $0xFFFF  }
0x7f: {  	_ =	shalt  }

</sc_bundles>
